<compile_context>
chip_gen: v7x
topology: tpu7x:2x2x1
jax: 0.10.2.dev20260603
libtpu: 0.0.44.dev20260713+nightly
codegen_flags: <defaults>
</compile_context>

<pallas_src>
import jax
import jax.numpy as jnp
from jax import lax
from jax.experimental import pallas as pl
from jax.experimental.pallas import tpu as pltpu
from jax.experimental.pallas import tpu_sc as plsc

B = 16384
DIM = 512
NBINS = 64
BOUND = 10.0
NLAYERS = 2
EPS = 1e-6

NC = 2
NS = 16
NW = NC * NS
CB = 4
RB = NW // CB
DPB = DIM // CB
LANES = 16
SUBS = DPB // LANES
ROWS_W = B // RB
NBCH = 64
NCH = ROWS_W // NBCH

NFIELD = 6
FSTR = DPB * NBINS
LSTR = NFIELD * FSTR
TABW = NLAYERS * LSTR

BBZ = 512


def _softplus(x):
    return jnp.maximum(x, 0.0) + jnp.log(1.0 + jnp.exp(-jnp.abs(x)))


def _prep_kernel(raw_wT, raw_hT, raw_sT, log_scale, TAB, SCALE):
    ir = lax.broadcasted_iota(jnp.int32, (NBINS, NBINS), 0)
    ic = lax.broadcasted_iota(jnp.int32, (NBINS, NBINS), 1)
    L_tri = (ic <= ir).astype(jnp.float32)

    def tables(raw):
        m = jnp.max(raw, axis=0, keepdims=True)
        e = jnp.exp(raw - m)
        w = e / jnp.sum(e, axis=0, keepdims=True) * (2.0 * BOUND)
        cw = lax.dot_general(L_tri, w, (((1,), (0,)), ((), ())),
                             preferred_element_type=jnp.float32)
        return w, cw

    neg = jnp.full((1, DIM), -BOUND, jnp.float32)
    for l in range(NLAYERS):
        w, cw = tables(raw_wT[l])
        h, ch = tables(raw_hT[l])
        s = _softplus(raw_sT[l]) + 1e-4
        fields = (
            jnp.concatenate([neg, cw[: NBINS - 1] - BOUND], axis=0),
            1.0 / w,
            jnp.concatenate([neg, ch[: NBINS - 1] - BOUND], axis=0),
            h,
            s[:NBINS],
            s[:NBINS] + s[1:] - 2.0 * (h / w),
        )
        for f, arr in enumerate(fields):
            for cb in range(CB):
                TAB[cb, l, f] = arr[:, cb * DPB:(cb + 1) * DPB]
    SCALE[...] = _softplus(log_scale[...]) + 1e-4


def _logit_kernel(u, z):
    u_safe = jnp.clip(u[...], EPS, 1.0 - EPS)
    z[...] = jnp.log(u_safe / (1.0 - u_safe))


def _rqs_group(zs, tab_v, dl):
    for l in range(NLAYERS):
        zcs = [jnp.minimum(jnp.maximum(z, -BOUND), BOUND) for z in zs]
        curs = [dl + (l * LSTR + sub * LANES) for sub in range(SUBS)]
        for step in (32, 16, 8, 4, 2, 1):
            cands = [c + step * DPB for c in curs]
            vals = [plsc.load_gather(tab_v, [cd]) for cd in cands]
            curs = [jnp.where(zc >= v, cd, c)
                    for zc, v, cd, c in zip(zcs, vals, cands, curs)]
        out = []
        for zc, cur, z in zip(zcs, curs, zs):
            xkb = plsc.load_gather(tab_v, [cur])
            invw = plsc.load_gather(tab_v, [cur + FSTR])
            yb = plsc.load_gather(tab_v, [cur + 2 * FSTR])
            h = plsc.load_gather(tab_v, [cur + 3 * FSTR])
            d0 = plsc.load_gather(tab_v, [cur + 4 * FSTR])
            e = plsc.load_gather(tab_v, [cur + 5 * FSTR])
            s = h * invw
            xi = jnp.minimum(jnp.maximum((zc - xkb) * invw, 0.0), 1.0)
            omxi = 1.0 - xi
            num = (h * xi) * (s * xi + d0 * omxi)
            den = s + e * (xi * omxi)
            y = yb + num / den
            inside = jnp.abs(z) < BOUND
            out.append(jnp.where(inside, y, z))
        zs = out
    return zs


def _sc_body(z_hbm, tau_hbm, tab_hbm, scale_hbm, bias_hbm, out_hbm,
             tab_v, zbuf, taubuf, sbbuf, sem0, sem1):
    w = lax.axis_index("s") * NC + lax.axis_index("c")
    cb = lax.rem(w, CB)
    rb = lax.div(w, CB)
    dcol = pl.multiple_of(cb * DPB, DPB)
    pltpu.sync_copy(tab_hbm.at[pl.ds(pl.multiple_of(cb * TABW, 8), TABW)], tab_v)
    pltpu.sync_copy(scale_hbm.at[pl.ds(dcol, DPB)], sbbuf.at[0])
    pltpu.sync_copy(bias_hbm.at[pl.ds(dcol, DPB)], sbbuf.at[1])
    dl = lax.iota(jnp.int32, LANES)
    rbase = rb * ROWS_W
    sems = (sem0, sem1)
    scalevs = [sbbuf[0, pl.ds(sub * LANES, LANES)] for sub in range(SUBS)]
    biasvs = [sbbuf[1, pl.ds(sub * LANES, LANES)] for sub in range(SUBS)]

    def in_copies(c, b):
        r0 = pl.multiple_of(rbase + c * NBCH, 8)
        return (
            pltpu.make_async_copy(
                z_hbm.at[pl.ds(r0, NBCH), pl.ds(dcol, DPB)], zbuf.at[b], sems[b]),
            pltpu.make_async_copy(tau_hbm.at[pl.ds(r0, NBCH)], taubuf.at[b],
                                  sems[b]),
        )

    for cp in in_copies(0, 0):
        cp.start()

    def outer(c2, carry):
        for b in range(2):
            c = c2 * 2 + b
            r0 = pl.multiple_of(rbase + c * NBCH, 8)

            @pl.when(c + 1 < NCH)
            def _prefetch(c=c, b=b):
                for cp in in_copies(c + 1, 1 - b):
                    cp.start()

            for cp in in_copies(c, b):
                cp.wait()

            def row(q, carry, b=b):
                zs = [zbuf[b, q, pl.ds(sub * LANES, LANES)]
                      for sub in range(SUBS)]
                zs = _rqs_group(zs, tab_v, dl)
                tauv = plsc.load_gather(taubuf.at[b],
                                        [jnp.full((LANES,), q, jnp.int32)])
                for sub in range(SUBS):
                    zbuf[b, q, pl.ds(sub * LANES, LANES)] = (
                        tauv * (zs[sub] * scalevs[sub] + biasvs[sub]))
                return carry

            lax.fori_loop(0, NBCH, row, 0)
            pltpu.sync_copy(zbuf.at[b],
                            out_hbm.at[pl.ds(r0, NBCH), pl.ds(dcol, DPB)])
        return carry

    lax.fori_loop(0, NCH // 2, outer, 0)


@jax.jit
def kernel(u, tau, log_scale, bias, raw_w, raw_h, raw_s):
    TAB, SCALE = pl.pallas_call(
        _prep_kernel,
        out_shape=(jax.ShapeDtypeStruct((CB, NLAYERS, NFIELD, NBINS, DPB),
                                        jnp.float32),
                   jax.ShapeDtypeStruct((1, DIM), jnp.float32)),
    )(jnp.transpose(raw_w, (0, 2, 1)), jnp.transpose(raw_h, (0, 2, 1)),
      jnp.transpose(raw_s, (0, 2, 1)), log_scale.reshape(1, DIM))

    z = pl.pallas_call(
        _logit_kernel,
        grid=(B // BBZ,),
        in_specs=[pl.BlockSpec((BBZ, DIM), lambda i: (i, 0))],
        out_specs=pl.BlockSpec((BBZ, DIM), lambda i: (i, 0)),
        out_shape=jax.ShapeDtypeStruct((B, DIM), jnp.float32),
    )(u)

    mesh = plsc.VectorSubcoreMesh(core_axis_name="c", subcore_axis_name="s",
                                  num_cores=NC, num_subcores=NS)
    out = pl.kernel(
        _sc_body,
        out_type=jax.ShapeDtypeStruct((B, DIM), jnp.float32),
        mesh=mesh,
        compiler_params=pltpu.CompilerParams(needs_layout_passes=False),
        scratch_types=[
            pltpu.VMEM((TABW,), jnp.float32),
            pltpu.VMEM((2, NBCH, DPB), jnp.float32),
            pltpu.VMEM((2, NBCH), jnp.float32),
            pltpu.VMEM((2, DPB), jnp.float32),
            pltpu.SemaphoreType.DMA,
            pltpu.SemaphoreType.DMA,
        ],
    )(z, tau.reshape(B), TAB.reshape(CB * TABW), SCALE.reshape(DIM), bias)
    return out

# --- scband reference (transcript-rebuilt; emitter-appended) ---
"""Pipeline reference for scband-rqsquantile-48043504173067 (READ-ONLY COPY).

The authoritative reference and input builder live on the scoring server;
editing this copy changes nothing except your own understanding.
"""

import jax, jax.numpy as jnp
import numpy as np

B = 16384
DIM = 512
NBINS = 64
BOUND = 10.0
NLAYERS = 2
EPS = 1e-6


def setup_inputs(seed: int = 0) -> dict:
    key = jax.random.key(seed)
    ks = jax.random.split(key, 7)
    u = jax.random.uniform(ks[0], (B, DIM), dtype=jnp.float32, minval=1e-5, maxval=1.0 - 1e-5)
    tau = jax.random.uniform(ks[1], (B, 1), dtype=jnp.float32)
    log_scale = jax.random.normal(ks[2], (DIM,), dtype=jnp.float32) * 0.1
    bias = jax.random.normal(ks[3], (DIM,), dtype=jnp.float32) * 0.1
    raw_w = jax.random.normal(ks[4], (NLAYERS, DIM, NBINS), dtype=jnp.float32) * 0.1
    raw_h = jax.random.normal(ks[5], (NLAYERS, DIM, NBINS), dtype=jnp.float32) * 0.1
    raw_s = jax.random.normal(ks[6], (NLAYERS, DIM, NBINS + 1), dtype=jnp.float32) * 0.1
    return {"u": u, "tau": tau, "log_scale": log_scale, "bias": bias,
            "raw_w": raw_w, "raw_h": raw_h, "raw_s": raw_s}


def _params_to_spline(raw_w_l, raw_h_l, raw_s_l):
    widths = jax.nn.softmax(raw_w_l, axis=-1) * (2.0 * BOUND)
    xk = jnp.concatenate([jnp.full((DIM, 1), -BOUND, dtype=widths.dtype),
                          -BOUND + jnp.cumsum(widths, axis=-1)], axis=-1)
    heights = jax.nn.softmax(raw_h_l, axis=-1) * (2.0 * BOUND)
    yk = jnp.concatenate([jnp.full((DIM, 1), -BOUND, dtype=heights.dtype),
                          -BOUND + jnp.cumsum(heights, axis=-1)], axis=-1)
    slopes = jax.nn.softplus(raw_s_l) + 1e-4
    return xk, yk, widths, heights, slopes


def _rqs_layer(z, raw_w_l, raw_h_l, raw_s_l):
    xk, yk, widths, heights, slopes = _params_to_spline(raw_w_l, raw_h_l, raw_s_l)
    inside = (z > -BOUND) & (z < BOUND)
    zc = jnp.clip(z, -BOUND, BOUND)
    # histogram binning: per-dim searchsorted against the knot grid
    idx = jax.vmap(lambda col, knots: jnp.searchsorted(knots, col, side='right'),
                   in_axes=(1, 0), out_axes=1)(zc, xk)
    idx = jnp.clip(idx - 1, 0, NBINS - 1)
    dims = jnp.arange(DIM)[None, :]
    xk_b = xk[dims, idx]
    wb = widths[dims, idx]
    yb = yk[dims, idx]
    hb = heights[dims, idx]
    d0 = slopes[dims, idx]
    d1 = slopes[dims, idx + 1]
    s = hb / wb
    xi = jnp.clip((zc - xk_b) / wb, 0.0, 1.0)
    omxi = 1.0 - xi
    num = hb * (s * xi * xi + d0 * xi * omxi)
    den = s + (d0 + d1 - 2.0 * s) * xi * omxi
    y = yb + num / den
    return jnp.where(inside, y, z)


def reference(u, tau, log_scale, bias, raw_w, raw_h, raw_s):
    u_safe = jnp.clip(u, EPS, 1.0 - EPS)
    z = jnp.log(u_safe) - jnp.log1p(-u_safe)  # logit input transform
    for l in range(NLAYERS):
        z = _rqs_layer(z, raw_w[l], raw_h[l], raw_s[l])
    scale = jax.nn.softplus(log_scale) + 1e-4
    q = z * scale[None, :] + bias[None, :]
    eps_out = tau * q  # tau (B,1) broadcasts to (B,D)
    return eps_out

if __name__ == "__main__":
    import jax
    _d = setup_inputs()
    print(jax.jit(kernel)(*tuple(_d.values())))

</pallas_src>

<mosaic_0001>
#map = affine_map<(d0, d1) -> (0, 0)>
#map1 = affine_map<(d0, d1) -> (0)>
module attributes {stable_mosaic.version = 14 : i64} {
  func.func @_sc_body(%arg0: i32, %arg1: i32, %arg2: memref<16384x512xf32, #tpu.memory_space<hbm>>, %arg3: memref<16384xf32, #tpu.memory_space<hbm>>, %arg4: memref<393216xf32, #tpu.memory_space<hbm>>, %arg5: memref<512xf32, #tpu.memory_space<hbm>>, %arg6: memref<512xf32, #tpu.memory_space<hbm>>, %arg7: memref<16384x512xf32, #tpu.memory_space<hbm>>, %arg8: memref<98304xf32, #tpu.memory_space<vmem>>, %arg9: memref<2x64x128xf32, #tpu.memory_space<vmem>>, %arg10: memref<2x64xf32, #tpu.memory_space<vmem>>, %arg11: memref<2x128xf32, #tpu.memory_space<vmem>>, %arg12: memref<!tpu.dma_semaphore, #tpu.memory_space<semaphore_mem>>, %arg13: memref<!tpu.dma_semaphore, #tpu.memory_space<semaphore_mem>>) attributes {dimension_semantics = [#tpu.dimension_semantics<core_parallel>, #tpu.dimension_semantics<subcore_parallel>], iteration_bounds = array<i64: 2, 16>, scalar_prefetch = 0 : i64, scratch_operands = 6 : i64, tpu.core_type = #tpu.core_type<sc_vector_subcore>, window_params = [{transform_indices = #map}, {transform_indices = #map1}, {transform_indices = #map1}, {transform_indices = #map1}, {transform_indices = #map1}, {transform_indices = #map}]} {
    %mul3A = arith.constant 2 : i32
    %mul3A_0 = arith.muli %arg1, %mul3A : i32
    %add3A = arith.addi %mul3A_0, %arg0 : i32
    %rem3A = arith.constant 4 : i32
    %rem3A_1 = arith.remsi %add3A, %rem3A : i32
    %div3A = arith.constant 4 : i32
    %div3A_2 = arith.divsi %add3A, %div3A : i32
    %mul3A_3 = arith.constant 128 : i32
    %mul3A_4 = arith.muli %rem3A_1, %mul3A_3 : i32
    %multiple_of3A = tpu.assume_multiple %mul3A_4, 128 : i32
    %mul3A_5 = arith.constant 98304 : i32
    %mul3A_6 = arith.muli %rem3A_1, %mul3A_5 : i32
    %multiple_of3A_7 = tpu.assume_multiple %mul3A_6, 8 : i32
    "tpu.region"() ({
      %run_scoped3A_101 = tpu.sem_alloc : memref<!tpu.dma_semaphore, #tpu.memory_space<semaphore_mem>>
      %dma_start3A_102 = tpu.memref_slice %arg4[%multiple_of3A_7] : memref<393216xf32, #tpu.memory_space<hbm>> -> memref<98304xf32, #tpu.memory_space<hbm>>
      %dma_start3A_103 = tpu.memref_slice %arg4[%multiple_of3A_7] : memref<393216xf32, #tpu.memory_space<hbm>> -> memref<98304xf32, #tpu.memory_space<hbm>>
      tpu.enqueue_dma source(%dma_start3A_103 : memref<98304xf32, #tpu.memory_space<hbm>>) target(%arg8 : memref<98304xf32, #tpu.memory_space<vmem>>) target_semaphore(%run_scoped3A_101 : memref<!tpu.dma_semaphore, #tpu.memory_space<semaphore_mem>>)
      %dma_wait3A = tpu.memref_slice %arg4[%multiple_of3A_7] : memref<393216xf32, #tpu.memory_space<hbm>> -> memref<98304xf32, #tpu.memory_space<hbm>>
      %dma_wait3A_104 = tpu.memref_slice %arg4[%multiple_of3A_7] : memref<393216xf32, #tpu.memory_space<hbm>> -> memref<98304xf32, #tpu.memory_space<hbm>>
      tpu.wait_dma2 semaphore(%run_scoped3A_101 : memref<!tpu.dma_semaphore, #tpu.memory_space<semaphore_mem>>) src(%dma_wait3A_104 : memref<98304xf32, #tpu.memory_space<hbm>>) dst(%arg8 : memref<98304xf32, #tpu.memory_space<vmem>>)
      tpu.yield
    }) : () -> ()
    %run_scoped3A = arith.constant 0 : i32
    "tpu.region"() ({
      %run_scoped3A_101 = tpu.sem_alloc : memref<!tpu.dma_semaphore, #tpu.memory_space<semaphore_mem>>
      %dma_start3A_102 = arith.constant 0 : i32
      %dma_start3A_103 = tpu.memref_slice %arg11[%run_scoped3A, %dma_start3A_102] : memref<2x128xf32, #tpu.memory_space<vmem>> -> memref<1x128xf32, #tpu.memory_space<vmem>>
      %dma_start3A_104 = tpu.memref_squeeze %dma_start3A_103 : memref<1x128xf32, #tpu.memory_space<vmem>> -> memref<128xf32, #tpu.memory_space<vmem>>
      %dma_start3A_105 = tpu.memref_slice %arg5[%multiple_of3A] : memref<512xf32, #tpu.memory_space<hbm>> -> memref<128xf32, #tpu.memory_space<hbm>>
      %dma_start3A_106 = arith.constant 0 : i32
      %dma_start3A_107 = tpu.memref_slice %arg11[%run_scoped3A, %dma_start3A_106] : memref<2x128xf32, #tpu.memory_space<vmem>> -> memref<1x128xf32, #tpu.memory_space<vmem>>
      %dma_start3A_108 = tpu.memref_squeeze %dma_start3A_107 : memref<1x128xf32, #tpu.memory_space<vmem>> -> memref<128xf32, #tpu.memory_space<vmem>>
      %dma_start3A_109 = tpu.memref_slice %arg5[%multiple_of3A] : memref<512xf32, #tpu.memory_space<hbm>> -> memref<128xf32, #tpu.memory_space<hbm>>
      tpu.enqueue_dma source(%dma_start3A_109 : memref<128xf32, #tpu.memory_space<hbm>>) target(%dma_start3A_108 : memref<128xf32, #tpu.memory_space<vmem>>) target_semaphore(%run_scoped3A_101 : memref<!tpu.dma_semaphore, #tpu.memory_space<semaphore_mem>>)
      %dma_wait3A = arith.constant 0 : i32
      %dma_wait3A_110 = tpu.memref_slice %arg11[%run_scoped3A, %dma_wait3A] : memref<2x128xf32, #tpu.memory_space<vmem>> -> memref<1x128xf32, #tpu.memory_space<vmem>>
      %dma_wait3A_111 = tpu.memref_squeeze %dma_wait3A_110 : memref<1x128xf32, #tpu.memory_space<vmem>> -> memref<128xf32, #tpu.memory_space<vmem>>
      %dma_wait3A_112 = tpu.memref_slice %arg5[%multiple_of3A] : memref<512xf32, #tpu.memory_space<hbm>> -> memref<128xf32, #tpu.memory_space<hbm>>
      %dma_wait3A_113 = arith.constant 0 : i32
      %dma_wait3A_114 = tpu.memref_slice %arg11[%run_scoped3A, %dma_wait3A_113] : memref<2x128xf32, #tpu.memory_space<vmem>> -> memref<1x128xf32, #tpu.memory_space<vmem>>
      %dma_wait3A_115 = tpu.memref_squeeze %dma_wait3A_114 : memref<1x128xf32, #tpu.memory_space<vmem>> -> memref<128xf32, #tpu.memory_space<vmem>>
      %dma_wait3A_116 = tpu.memref_slice %arg5[%multiple_of3A] : memref<512xf32, #tpu.memory_space<hbm>> -> memref<128xf32, #tpu.memory_space<hbm>>
      tpu.wait_dma2 semaphore(%run_scoped3A_101 : memref<!tpu.dma_semaphore, #tpu.memory_space<semaphore_mem>>) src(%dma_wait3A_116 : memref<128xf32, #tpu.memory_space<hbm>>) dst(%dma_wait3A_115 : memref<128xf32, #tpu.memory_space<vmem>>)
      tpu.yield
    }) : () -> ()
    %run_scoped3A_8 = arith.constant 1 : i32
    "tpu.region"() ({
      %run_scoped3A_101 = tpu.sem_alloc : memref<!tpu.dma_semaphore, #tpu.memory_space<semaphore_mem>>
      %dma_start3A_102 = arith.constant 0 : i32
      %dma_start3A_103 = tpu.memref_slice %arg11[%run_scoped3A_8, %dma_start3A_102] : memref<2x128xf32, #tpu.memory_space<vmem>> -> memref<1x128xf32, #tpu.memory_space<vmem>>
      %dma_start3A_104 = tpu.memref_squeeze %dma_start3A_103 : memref<1x128xf32, #tpu.memory_space<vmem>> -> memref<128xf32, #tpu.memory_space<vmem>>
      %dma_start3A_105 = tpu.memref_slice %arg6[%multiple_of3A] : memref<512xf32, #tpu.memory_space<hbm>> -> memref<128xf32, #tpu.memory_space<hbm>>
      %dma_start3A_106 = arith.constant 0 : i32
      %dma_start3A_107 = tpu.memref_slice %arg11[%run_scoped3A_8, %dma_start3A_106] : memref<2x128xf32, #tpu.memory_space<vmem>> -> memref<1x128xf32, #tpu.memory_space<vmem>>
      %dma_start3A_108 = tpu.memref_squeeze %dma_start3A_107 : memref<1x128xf32, #tpu.memory_space<vmem>> -> memref<128xf32, #tpu.memory_space<vmem>>
      %dma_start3A_109 = tpu.memref_slice %arg6[%multiple_of3A] : memref<512xf32, #tpu.memory_space<hbm>> -> memref<128xf32, #tpu.memory_space<hbm>>
      tpu.enqueue_dma source(%dma_start3A_109 : memref<128xf32, #tpu.memory_space<hbm>>) target(%dma_start3A_108 : memref<128xf32, #tpu.memory_space<vmem>>) target_semaphore(%run_scoped3A_101 : memref<!tpu.dma_semaphore, #tpu.memory_space<semaphore_mem>>)
      %dma_wait3A = arith.constant 0 : i32
      %dma_wait3A_110 = tpu.memref_slice %arg11[%run_scoped3A_8, %dma_wait3A] : memref<2x128xf32, #tpu.memory_space<vmem>> -> memref<1x128xf32, #tpu.memory_space<vmem>>
      %dma_wait3A_111 = tpu.memref_squeeze %dma_wait3A_110 : memref<1x128xf32, #tpu.memory_space<vmem>> -> memref<128xf32, #tpu.memory_space<vmem>>
      %dma_wait3A_112 = tpu.memref_slice %arg6[%multiple_of3A] : memref<512xf32, #tpu.memory_space<hbm>> -> memref<128xf32, #tpu.memory_space<hbm>>
      %dma_wait3A_113 = arith.constant 0 : i32
      %dma_wait3A_114 = tpu.memref_slice %arg11[%run_scoped3A_8, %dma_wait3A_113] : memref<2x128xf32, #tpu.memory_space<vmem>> -> memref<1x128xf32, #tpu.memory_space<vmem>>
      %dma_wait3A_115 = tpu.memref_squeeze %dma_wait3A_114 : memref<1x128xf32, #tpu.memory_space<vmem>> -> memref<128xf32, #tpu.memory_space<vmem>>
      %dma_wait3A_116 = tpu.memref_slice %arg6[%multiple_of3A] : memref<512xf32, #tpu.memory_space<hbm>> -> memref<128xf32, #tpu.memory_space<hbm>>
      tpu.wait_dma2 semaphore(%run_scoped3A_101 : memref<!tpu.dma_semaphore, #tpu.memory_space<semaphore_mem>>) src(%dma_wait3A_116 : memref<128xf32, #tpu.memory_space<hbm>>) dst(%dma_wait3A_115 : memref<128xf32, #tpu.memory_space<vmem>>)
      tpu.yield
    }) : () -> ()
    %iota3A = tpu.iota {dimensions = array<i32: 0>} : vector<16xi32>
    %mul3A_9 = arith.constant 2048 : i32
    %mul3A_10 = arith.muli %div3A_2, %mul3A_9 : i32
    %get3A = arith.constant 0 : i32
    %get3A_11 = arith.index_cast %get3A : i32 to index
    %get3A_12 = arith.constant 0 : index
    %get3A_13 = tpu.vector_load %arg11[%get3A_11, %get3A_12] {strides = array<i32>} : memref<2x128xf32, #tpu.memory_space<vmem>>, vector<16xf32>,
    %get3A_14 = arith.constant 0 : i32
    %get3A_15 = arith.index_cast %get3A_14 : i32 to index
    %get3A_16 = arith.constant 16 : index
    %get3A_17 = tpu.vector_load %arg11[%get3A_15, %get3A_16] {strides = array<i32>} : memref<2x128xf32, #tpu.memory_space<vmem>>, vector<16xf32>,
    %get3A_18 = arith.constant 0 : i32
    %get3A_19 = arith.index_cast %get3A_18 : i32 to index
    %get3A_20 = arith.constant 32 : index
    %get3A_21 = tpu.vector_load %arg11[%get3A_19, %get3A_20] {strides = array<i32>} : memref<2x128xf32, #tpu.memory_space<vmem>>, vector<16xf32>,
    %get3A_22 = arith.constant 0 : i32
    %get3A_23 = arith.index_cast %get3A_22 : i32 to index
    %get3A_24 = arith.constant 48 : index
    %get3A_25 = tpu.vector_load %arg11[%get3A_23, %get3A_24] {strides = array<i32>} : memref<2x128xf32, #tpu.memory_space<vmem>>, vector<16xf32>,
    %get3A_26 = arith.constant 0 : i32
    %get3A_27 = arith.index_cast %get3A_26 : i32 to index
    %get3A_28 = arith.constant 64 : index
    %get3A_29 = tpu.vector_load %arg11[%get3A_27, %get3A_28] {strides = array<i32>} : memref<2x128xf32, #tpu.memory_space<vmem>>, vector<16xf32>,
    %get3A_30 = arith.constant 0 : i32
    %get3A_31 = arith.index_cast %get3A_30 : i32 to index
    %get3A_32 = arith.constant 80 : index
    %get3A_33 = tpu.vector_load %arg11[%get3A_31, %get3A_32] {strides = array<i32>} : memref<2x128xf32, #tpu.memory_space<vmem>>, vector<16xf32>,
    %get3A_34 = arith.constant 0 : i32
    %get3A_35 = arith.index_cast %get3A_34 : i32 to index
    %get3A_36 = arith.constant 96 : index
    %get3A_37 = tpu.vector_load %arg11[%get3A_35, %get3A_36] {strides = array<i32>} : memref<2x128xf32, #tpu.memory_space<vmem>>, vector<16xf32>,
    %get3A_38 = arith.constant 0 : i32
    %get3A_39 = arith.index_cast %get3A_38 : i32 to index
    %get3A_40 = arith.constant 112 : index
    %get3A_41 = tpu.vector_load %arg11[%get3A_39, %get3A_40] {strides = array<i32>} : memref<2x128xf32, #tpu.memory_space<vmem>>, vector<16xf32>,
    %get3A_42 = arith.constant 1 : i32
    %get3A_43 = arith.index_cast %get3A_42 : i32 to index
    %get3A_44 = arith.constant 0 : index
    %get3A_45 = tpu.vector_load %arg11[%get3A_43, %get3A_44] {strides = array<i32>} : memref<2x128xf32, #tpu.memory_space<vmem>>, vector<16xf32>,
    %get3A_46 = arith.constant 1 : i32
    %get3A_47 = arith.index_cast %get3A_46 : i32 to index
    %get3A_48 = arith.constant 16 : index
    %get3A_49 = tpu.vector_load %arg11[%get3A_47, %get3A_48] {strides = array<i32>} : memref<2x128xf32, #tpu.memory_space<vmem>>, vector<16xf32>,
    %get3A_50 = arith.constant 1 : i32
    %get3A_51 = arith.index_cast %get3A_50 : i32 to index
    %get3A_52 = arith.constant 32 : index
    %get3A_53 = tpu.vector_load %arg11[%get3A_51, %get3A_52] {strides = array<i32>} : memref<2x128xf32, #tpu.memory_space<vmem>>, vector<16xf32>,
    %get3A_54 = arith.constant 1 : i32
    %get3A_55 = arith.index_cast %get3A_54 : i32 to index
    %get3A_56 = arith.constant 48 : index
    %get3A_57 = tpu.vector_load %arg11[%get3A_55, %get3A_56] {strides = array<i32>} : memref<2x128xf32, #tpu.memory_space<vmem>>, vector<16xf32>,
    %get3A_58 = arith.constant 1 : i32
    %get3A_59 = arith.index_cast %get3A_58 : i32 to index
    %get3A_60 = arith.constant 64 : index
    %get3A_61 = tpu.vector_load %arg11[%get3A_59, %get3A_60] {strides = array<i32>} : memref<2x128xf32, #tpu.memory_space<vmem>>, vector<16xf32>,
    %get3A_62 = arith.constant 1 : i32
    %get3A_63 = arith.index_cast %get3A_62 : i32 to index
    %get3A_64 = arith.constant 80 : index
    %get3A_65 = tpu.vector_load %arg11[%get3A_63, %get3A_64] {strides = array<i32>} : memref<2x128xf32, #tpu.memory_space<vmem>>, vector<16xf32>,
    %get3A_66 = arith.constant 1 : i32
    %get3A_67 = arith.index_cast %get3A_66 : i32 to index
    %get3A_68 = arith.constant 96 : index
    %get3A_69 = tpu.vector_load %arg11[%get3A_67, %get3A_68] {strides = array<i32>} : memref<2x128xf32, #tpu.memory_space<vmem>>, vector<16xf32>,
    %get3A_70 = arith.constant 1 : i32
    %get3A_71 = arith.index_cast %get3A_70 : i32 to index
    %get3A_72 = arith.constant 112 : index
    %get3A_73 = tpu.vector_load %arg11[%get3A_71, %get3A_72] {strides = array<i32>} : memref<2x128xf32, #tpu.memory_space<vmem>>, vector<16xf32>,
    %add3A_74 = arith.constant 0 : i32
    %add3A_75 = arith.addi %mul3A_10, %add3A_74 : i32
    %multiple_of3A_76 = tpu.assume_multiple %add3A_75, 8 : i32
    %dma_start3A = arith.constant 0 : i32
    %dma_start3A_77 = arith.constant 0 : i32
    %dma_start3A_78 = arith.constant 0 : i32
    %dma_start3A_79 = tpu.memref_slice %arg9[%dma_start3A, %dma_start3A_77, %dma_start3A_78] : memref<2x64x128xf32, #tpu.memory_space<vmem>> -> memref<1x64x128xf32, #tpu.memory_space<vmem>>
    %dma_start3A_80 = tpu.memref_squeeze %dma_start3A_79 : memref<1x64x128xf32, #tpu.memory_space<vmem>> -> memref<64x128xf32, #tpu.memory_space<vmem>>
    %dma_start3A_81 = tpu.memref_slice %arg2[%multiple_of3A_76, %multiple_of3A] : memref<16384x512xf32, #tpu.memory_space<hbm>> -> memref<64x128xf32, #tpu.memory_space<hbm>>
    %dma_start3A_82 = arith.constant 0 : i32
    %dma_start3A_83 = arith.constant 0 : i32
    %dma_start3A_84 = tpu.memref_slice %arg9[%dma_start3A, %dma_start3A_82, %dma_start3A_83] : memref<2x64x128xf32, #tpu.memory_space<vmem>> -> memref<1x64x128xf32, #tpu.memory_space<vmem>>
    %dma_start3A_85 = tpu.memref_squeeze %dma_start3A_84 : memref<1x64x128xf32, #tpu.memory_space<vmem>> -> memref<64x128xf32, #tpu.memory_space<vmem>>
    %dma_start3A_86 = tpu.memref_slice %arg2[%multiple_of3A_76, %multiple_of3A] : memref<16384x512xf32, #tpu.memory_space<hbm>> -> memref<64x128xf32, #tpu.memory_space<hbm>>
    tpu.enqueue_dma source(%dma_start3A_86 : memref<64x128xf32, #tpu.memory_space<hbm>>) target(%dma_start3A_85 : memref<64x128xf32, #tpu.memory_space<vmem>>) target_semaphore(%arg12 : memref<!tpu.dma_semaphore, #tpu.memory_space<semaphore_mem>>)
    %dma_start3A_87 = arith.constant 0 : i32
    %dma_start3A_88 = arith.constant 0 : i32
    %dma_start3A_89 = tpu.memref_slice %arg10[%dma_start3A_87, %dma_start3A_88] : memref<2x64xf32, #tpu.memory_space<vmem>> -> memref<1x64xf32, #tpu.memory_space<vmem>>
    %dma_start3A_90 = tpu.memref_squeeze %dma_start3A_89 : memref<1x64xf32, #tpu.memory_space<vmem>> -> memref<64xf32, #tpu.memory_space<vmem>>
    %dma_start3A_91 = tpu.memref_slice %arg3[%multiple_of3A_76] : memref<16384xf32, #tpu.memory_space<hbm>> -> memref<64xf32, #tpu.memory_space<hbm>>
    %dma_start3A_92 = arith.constant 0 : i32
    %dma_start3A_93 = tpu.memref_slice %arg10[%dma_start3A_87, %dma_start3A_92] : memref<2x64xf32, #tpu.memory_space<vmem>> -> memref<1x64xf32, #tpu.memory_space<vmem>>
    %dma_start3A_94 = tpu.memref_squeeze %dma_start3A_93 : memref<1x64xf32, #tpu.memory_space<vmem>> -> memref<64xf32, #tpu.memory_space<vmem>>
    %dma_start3A_95 = tpu.memref_slice %arg3[%multiple_of3A_76] : memref<16384xf32, #tpu.memory_space<hbm>> -> memref<64xf32, #tpu.memory_space<hbm>>
    tpu.enqueue_dma source(%dma_start3A_95 : memref<64xf32, #tpu.memory_space<hbm>>) target(%dma_start3A_94 : memref<64xf32, #tpu.memory_space<vmem>>) target_semaphore(%arg12 : memref<!tpu.dma_semaphore, #tpu.memory_space<semaphore_mem>>)
    %scan3A = arith.constant 0 : i32
    %scan3A_96 = arith.constant 0 : i32
    %scan3A_97 = arith.constant 16 : i32
    %scan3A_98 = arith.addi %scan3A_96, %scan3A_97 : i32
    %scan3A_99 = arith.constant 1 : i32
    scf.for %scan3A_101 = %scan3A_96 to %scan3A_98 step %scan3A_99  : i32 {
      %mul3A_102 = arith.constant 2 : i32
      %mul3A_103 = arith.muli %scan3A_101, %mul3A_102 : i32
      %add3A_104 = arith.constant 0 : i32
      %add3A_105 = arith.addi %mul3A_103, %add3A_104 : i32
      %mul3A_106 = arith.constant 64 : i32
      %mul3A_107 = arith.muli %add3A_105, %mul3A_106 : i32
      %add3A_108 = arith.addi %mul3A_10, %mul3A_107 : i32
      %multiple_of3A_109 = tpu.assume_multiple %add3A_108, 8 : i32
      %add3A_110 = arith.constant 1 : i32
      %add3A_111 = arith.addi %add3A_105, %add3A_110 : i32
      %lt3A = arith.constant 32 : i32
      %lt3A_112 = arith.cmpi slt, %add3A_111, %lt3A : i32
      %convert_element_type3A = arith.extui %lt3A_112 : i1 to i32
      %cond3A = arith.constant 0 : i32
      %cond3A_113 = arith.cmpi ne, %convert_element_type3A, %cond3A : i32
      scf.if %cond3A_113 {
        %add3A_190 = arith.constant 1 : i32
        %add3A_191 = arith.addi %add3A_105, %add3A_190 : i32
        %mul3A_192 = arith.constant 64 : i32
        %mul3A_193 = arith.muli %add3A_191, %mul3A_192 : i32
        %add3A_194 = arith.addi %mul3A_10, %mul3A_193 : i32
        %multiple_of3A_195 = tpu.assume_multiple %add3A_194, 8 : i32
        %dma_start3A_196 = arith.constant 1 : i32
        %dma_start3A_197 = arith.constant 0 : i32
        %dma_start3A_198 = arith.constant 0 : i32
        %dma_start3A_199 = tpu.memref_slice %arg9[%dma_start3A_196, %dma_start3A_197, %dma_start3A_198] : memref<2x64x128xf32, #tpu.memory_space<vmem>> -> memref<1x64x128xf32, #tpu.memory_space<vmem>>
        %dma_start3A_200 = tpu.memref_squeeze %dma_start3A_199 : memref<1x64x128xf32, #tpu.memory_space<vmem>> -> memref<64x128xf32, #tpu.memory_space<vmem>>
        %dma_start3A_201 = tpu.memref_slice %arg2[%multiple_of3A_195, %multiple_of3A] : memref<16384x512xf32, #tpu.memory_space<hbm>> -> memref<64x128xf32, #tpu.memory_space<hbm>>
        %dma_start3A_202 = arith.constant 0 : i32
        %dma_start3A_203 = arith.constant 0 : i32
        %dma_start3A_204 = tpu.memref_slice %arg9[%dma_start3A_196, %dma_start3A_202, %dma_start3A_203] : memref<2x64x128xf32, #tpu.memory_space<vmem>> -> memref<1x64x128xf32, #tpu.memory_space<vmem>>
        %dma_start3A_205 = tpu.memref_squeeze %dma_start3A_204 : memref<1x64x128xf32, #tpu.memory_space<vmem>> -> memref<64x128xf32, #tpu.memory_space<vmem>>
        %dma_start3A_206 = tpu.memref_slice %arg2[%multiple_of3A_195, %multiple_of3A] : memref<16384x512xf32, #tpu.memory_space<hbm>> -> memref<64x128xf32, #tpu.memory_space<hbm>>
        tpu.enqueue_dma source(%dma_start3A_206 : memref<64x128xf32, #tpu.memory_space<hbm>>) target(%dma_start3A_205 : memref<64x128xf32, #tpu.memory_space<vmem>>) target_semaphore(%arg13 : memref<!tpu.dma_semaphore, #tpu.memory_space<semaphore_mem>>)
        %dma_start3A_207 = arith.constant 1 : i32
        %dma_start3A_208 = arith.constant 0 : i32
        %dma_start3A_209 = tpu.memref_slice %arg10[%dma_start3A_207, %dma_start3A_208] : memref<2x64xf32, #tpu.memory_space<vmem>> -> memref<1x64xf32, #tpu.memory_space<vmem>>
        %dma_start3A_210 = tpu.memref_squeeze %dma_start3A_209 : memref<1x64xf32, #tpu.memory_space<vmem>> -> memref<64xf32, #tpu.memory_space<vmem>>
        %dma_start3A_211 = tpu.memref_slice %arg3[%multiple_of3A_195] : memref<16384xf32, #tpu.memory_space<hbm>> -> memref<64xf32, #tpu.memory_space<hbm>>
        %dma_start3A_212 = arith.constant 0 : i32
        %dma_start3A_213 = tpu.memref_slice %arg10[%dma_start3A_207, %dma_start3A_212] : memref<2x64xf32, #tpu.memory_space<vmem>> -> memref<1x64xf32, #tpu.memory_space<vmem>>
        %dma_start3A_214 = tpu.memref_squeeze %dma_start3A_213 : memref<1x64xf32, #tpu.memory_space<vmem>> -> memref<64xf32, #tpu.memory_space<vmem>>
        %dma_start3A_215 = tpu.memref_slice %arg3[%multiple_of3A_195] : memref<16384xf32, #tpu.memory_space<hbm>> -> memref<64xf32, #tpu.memory_space<hbm>>
        tpu.enqueue_dma source(%dma_start3A_215 : memref<64xf32, #tpu.memory_space<hbm>>) target(%dma_start3A_214 : memref<64xf32, #tpu.memory_space<vmem>>) target_semaphore(%arg13 : memref<!tpu.dma_semaphore, #tpu.memory_space<semaphore_mem>>)
      } else {
      }
      %mul3A_114 = arith.constant 64 : i32
      %mul3A_115 = arith.muli %add3A_105, %mul3A_114 : i32
      %add3A_116 = arith.addi %mul3A_10, %mul3A_115 : i32
      %multiple_of3A_117 = tpu.assume_multiple %add3A_116, 8 : i32
      %dma_wait3A = arith.constant 0 : i32
      %dma_wait3A_118 = arith.constant 0 : i32
      %dma_wait3A_119 = arith.constant 0 : i32
      %dma_wait3A_120 = tpu.memref_slice %arg9[%dma_wait3A, %dma_wait3A_118, %dma_wait3A_119] : memref<2x64x128xf32, #tpu.memory_space<vmem>> -> memref<1x64x128xf32, #tpu.memory_space<vmem>>
      %dma_wait3A_121 = tpu.memref_squeeze %dma_wait3A_120 : memref<1x64x128xf32, #tpu.memory_space<vmem>> -> memref<64x128xf32, #tpu.memory_space<vmem>>
      %dma_wait3A_122 = tpu.memref_slice %arg2[%multiple_of3A_117, %multiple_of3A] : memref<16384x512xf32, #tpu.memory_space<hbm>> -> memref<64x128xf32, #tpu.memory_space<hbm>>
      %dma_wait3A_123 = arith.constant 0 : i32
      %dma_wait3A_124 = arith.constant 0 : i32
      %dma_wait3A_125 = tpu.memref_slice %arg9[%dma_wait3A, %dma_wait3A_123, %dma_wait3A_124] : memref<2x64x128xf32, #tpu.memory_space<vmem>> -> memref<1x64x128xf32, #tpu.memory_space<vmem>>
      %dma_wait3A_126 = tpu.memref_squeeze %dma_wait3A_125 : memref<1x64x128xf32, #tpu.memory_space<vmem>> -> memref<64x128xf32, #tpu.memory_space<vmem>>
      %dma_wait3A_127 = tpu.memref_slice %arg2[%multiple_of3A_117, %multiple_of3A] : memref<16384x512xf32, #tpu.memory_space<hbm>> -> memref<64x128xf32, #tpu.memory_space<hbm>>
      tpu.wait_dma2 semaphore(%arg12 : memref<!tpu.dma_semaphore, #tpu.memory_space<semaphore_mem>>) src(%dma_wait3A_127 : memref<64x128xf32, #tpu.memory_space<hbm>>) dst(%dma_wait3A_126 : memref<64x128xf32, #tpu.memory_space<vmem>>)
      %dma_wait3A_128 = arith.constant 0 : i32
      %dma_wait3A_129 = arith.constant 0 : i32
      %dma_wait3A_130 = tpu.memref_slice %arg10[%dma_wait3A_128, %dma_wait3A_129] : memref<2x64xf32, #tpu.memory_space<vmem>> -> memref<1x64xf32, #tpu.memory_space<vmem>>
      %dma_wait3A_131 = tpu.memref_squeeze %dma_wait3A_130 : memref<1x64xf32, #tpu.memory_space<vmem>> -> memref<64xf32, #tpu.memory_space<vmem>>
      %dma_wait3A_132 = tpu.memref_slice %arg3[%multiple_of3A_117] : memref<16384xf32, #tpu.memory_space<hbm>> -> memref<64xf32, #tpu.memory_space<hbm>>
      %dma_wait3A_133 = arith.constant 0 : i32
      %dma_wait3A_134 = tpu.memref_slice %arg10[%dma_wait3A_128, %dma_wait3A_133] : memref<2x64xf32, #tpu.memory_space<vmem>> -> memref<1x64xf32, #tpu.memory_space<vmem>>
      %dma_wait3A_135 = tpu.memref_squeeze %dma_wait3A_134 : memref<1x64xf32, #tpu.memory_space<vmem>> -> memref<64xf32, #tpu.memory_space<vmem>>
      %dma_wait3A_136 = tpu.memref_slice %arg3[%multiple_of3A_117] : memref<16384xf32, #tpu.memory_space<hbm>> -> memref<64xf32, #tpu.memory_space<hbm>>
      tpu.wait_dma2 semaphore(%arg12 : memref<!tpu.dma_semaphore, #tpu.memory_space<semaphore_mem>>) src(%dma_wait3A_136 : memref<64xf32, #tpu.memory_space<hbm>>) dst(%dma_wait3A_135 : memref<64xf32, #tpu.memory_space<vmem>>)
      %scan3A_137 = arith.constant 0 : i32
      %scan3A_138 = arith.constant 0 : i32
      %scan3A_139 = arith.constant 64 : i32
      %scan3A_140 = arith.addi %scan3A_138, %scan3A_139 : i32
      %scan3A_141 = arith.constant 1 : i32
      scf.for %scan3A_190 = %scan3A_138 to %scan3A_140 step %scan3A_141  : i32 {
        %get3A_191 = arith.constant 0 : i32
        %get3A_192 = arith.index_cast %get3A_191 : i32 to index
        %get3A_193 = arith.index_cast %scan3A_190 : i32 to index
        %get3A_194 = arith.constant 0 : index
        %get3A_195 = tpu.vector_load %arg9[%get3A_192, %get3A_193, %get3A_194] {strides = array<i32>} : memref<2x64x128xf32, #tpu.memory_space<vmem>>, vector<16xf32>,
        %get3A_196 = arith.constant 0 : i32
        %get3A_197 = arith.index_cast %get3A_196 : i32 to index
        %get3A_198 = arith.index_cast %scan3A_190 : i32 to index
        %get3A_199 = arith.constant 16 : index
        %get3A_200 = tpu.vector_load %arg9[%get3A_197, %get3A_198, %get3A_199] {strides = array<i32>} : memref<2x64x128xf32, #tpu.memory_space<vmem>>, vector<16xf32>,
        %get3A_201 = arith.constant 0 : i32
        %get3A_202 = arith.index_cast %get3A_201 : i32 to index
        %get3A_203 = arith.index_cast %scan3A_190 : i32 to index
        %get3A_204 = arith.constant 32 : index
        %get3A_205 = tpu.vector_load %arg9[%get3A_202, %get3A_203, %get3A_204] {strides = array<i32>} : memref<2x64x128xf32, #tpu.memory_space<vmem>>, vector<16xf32>,
        %get3A_206 = arith.constant 0 : i32
        %get3A_207 = arith.index_cast %get3A_206 : i32 to index
        %get3A_208 = arith.index_cast %scan3A_190 : i32 to index
        %get3A_209 = arith.constant 48 : index
        %get3A_210 = tpu.vector_load %arg9[%get3A_207, %get3A_208, %get3A_209] {strides = array<i32>} : memref<2x64x128xf32, #tpu.memory_space<vmem>>, vector<16xf32>,
        %get3A_211 = arith.constant 0 : i32
        %get3A_212 = arith.index_cast %get3A_211 : i32 to index
        %get3A_213 = arith.index_cast %scan3A_190 : i32 to index
        %get3A_214 = arith.constant 64 : index
        %get3A_215 = tpu.vector_load %arg9[%get3A_212, %get3A_213, %get3A_214] {strides = array<i32>} : memref<2x64x128xf32, #tpu.memory_space<vmem>>, vector<16xf32>,
        %get3A_216 = arith.constant 0 : i32
        %get3A_217 = arith.index_cast %get3A_216 : i32 to index
        %get3A_218 = arith.index_cast %scan3A_190 : i32 to index
        %get3A_219 = arith.constant 80 : index
        %get3A_220 = tpu.vector_load %arg9[%get3A_217, %get3A_218, %get3A_219] {strides = array<i32>} : memref<2x64x128xf32, #tpu.memory_space<vmem>>, vector<16xf32>,
        %get3A_221 = arith.constant 0 : i32
        %get3A_222 = arith.index_cast %get3A_221 : i32 to index
        %get3A_223 = arith.index_cast %scan3A_190 : i32 to index
        %get3A_224 = arith.constant 96 : index
        %get3A_225 = tpu.vector_load %arg9[%get3A_222, %get3A_223, %get3A_224] {strides = array<i32>} : memref<2x64x128xf32, #tpu.memory_space<vmem>>, vector<16xf32>,
        %get3A_226 = arith.constant 0 : i32
        %get3A_227 = arith.index_cast %get3A_226 : i32 to index
        %get3A_228 = arith.index_cast %scan3A_190 : i32 to index
        %get3A_229 = arith.constant 112 : index
        %get3A_230 = tpu.vector_load %arg9[%get3A_227, %get3A_228, %get3A_229] {strides = array<i32>} : memref<2x64x128xf32, #tpu.memory_space<vmem>>, vector<16xf32>,
        %max3A = arith.constant -1.000000e+01 : f32
        %max3A_231 = vector.broadcast %max3A : f32 to vector<16xf32>
        %max3A_232 = arith.maximumf %get3A_195, %max3A_231 : vector<16xf32>
        %min3A = arith.constant 1.000000e+01 : f32
        %min3A_233 = vector.broadcast %min3A : f32 to vector<16xf32>
        %min3A_234 = arith.minimumf %max3A_232, %min3A_233 : vector<16xf32>
        %max3A_235 = arith.constant -1.000000e+01 : f32
        %max3A_236 = vector.broadcast %max3A_235 : f32 to vector<16xf32>
        %max3A_237 = arith.maximumf %get3A_200, %max3A_236 : vector<16xf32>
        %min3A_238 = arith.constant 1.000000e+01 : f32
        %min3A_239 = vector.broadcast %min3A_238 : f32 to vector<16xf32>
        %min3A_240 = arith.minimumf %max3A_237, %min3A_239 : vector<16xf32>
        %max3A_241 = arith.constant -1.000000e+01 : f32
        %max3A_242 = vector.broadcast %max3A_241 : f32 to vector<16xf32>
        %max3A_243 = arith.maximumf %get3A_205, %max3A_242 : vector<16xf32>
        %min3A_244 = arith.constant 1.000000e+01 : f32
        %min3A_245 = vector.broadcast %min3A_244 : f32 to vector<16xf32>
        %min3A_246 = arith.minimumf %max3A_243, %min3A_245 : vector<16xf32>
        %max3A_247 = arith.constant -1.000000e+01 : f32
        %max3A_248 = vector.broadcast %max3A_247 : f32 to vector<16xf32>
        %max3A_249 = arith.maximumf %get3A_210, %max3A_248 : vector<16xf32>
        %min3A_250 = arith.constant 1.000000e+01 : f32
        %min3A_251 = vector.broadcast %min3A_250 : f32 to vector<16xf32>
        %min3A_252 = arith.minimumf %max3A_249, %min3A_251 : vector<16xf32>
        %max3A_253 = arith.constant -1.000000e+01 : f32
        %max3A_254 = vector.broadcast %max3A_253 : f32 to vector<16xf32>
        %max3A_255 = arith.maximumf %get3A_215, %max3A_254 : vector<16xf32>
        %min3A_256 = arith.constant 1.000000e+01 : f32
        %min3A_257 = vector.broadcast %min3A_256 : f32 to vector<16xf32>
        %min3A_258 = arith.minimumf %max3A_255, %min3A_257 : vector<16xf32>
        %max3A_259 = arith.constant -1.000000e+01 : f32
        %max3A_260 = vector.broadcast %max3A_259 : f32 to vector<16xf32>
        %max3A_261 = arith.maximumf %get3A_220, %max3A_260 : vector<16xf32>
        %min3A_262 = arith.constant 1.000000e+01 : f32
        %min3A_263 = vector.broadcast %min3A_262 : f32 to vector<16xf32>
        %min3A_264 = arith.minimumf %max3A_261, %min3A_263 : vector<16xf32>
        %max3A_265 = arith.constant -1.000000e+01 : f32
        %max3A_266 = vector.broadcast %max3A_265 : f32 to vector<16xf32>
        %max3A_267 = arith.maximumf %get3A_225, %max3A_266 : vector<16xf32>
        %min3A_268 = arith.constant 1.000000e+01 : f32
        %min3A_269 = vector.broadcast %min3A_268 : f32 to vector<16xf32>
        %min3A_270 = arith.minimumf %max3A_267, %min3A_269 : vector<16xf32>
        %max3A_271 = arith.constant -1.000000e+01 : f32
        %max3A_272 = vector.broadcast %max3A_271 : f32 to vector<16xf32>
        %max3A_273 = arith.maximumf %get3A_230, %max3A_272 : vector<16xf32>
        %min3A_274 = arith.constant 1.000000e+01 : f32
        %min3A_275 = vector.broadcast %min3A_274 : f32 to vector<16xf32>
        %min3A_276 = arith.minimumf %max3A_273, %min3A_275 : vector<16xf32>
        %add3A_277 = arith.constant 0 : i32
        %add3A_278 = vector.broadcast %add3A_277 : i32 to vector<16xi32>
        %add3A_279 = arith.addi %iota3A, %add3A_278 : vector<16xi32>
        %add3A_280 = arith.constant 16 : i32
        %add3A_281 = vector.broadcast %add3A_280 : i32 to vector<16xi32>
        %add3A_282 = arith.addi %iota3A, %add3A_281 : vector<16xi32>
        %add3A_283 = arith.constant 32 : i32
        %add3A_284 = vector.broadcast %add3A_283 : i32 to vector<16xi32>
        %add3A_285 = arith.addi %iota3A, %add3A_284 : vector<16xi32>
        %add3A_286 = arith.constant 48 : i32
        %add3A_287 = vector.broadcast %add3A_286 : i32 to vector<16xi32>
        %add3A_288 = arith.addi %iota3A, %add3A_287 : vector<16xi32>
        %add3A_289 = arith.constant 64 : i32
        %add3A_290 = vector.broadcast %add3A_289 : i32 to vector<16xi32>
        %add3A_291 = arith.addi %iota3A, %add3A_290 : vector<16xi32>
        %add3A_292 = arith.constant 80 : i32
        %add3A_293 = vector.broadcast %add3A_292 : i32 to vector<16xi32>
        %add3A_294 = arith.addi %iota3A, %add3A_293 : vector<16xi32>
        %add3A_295 = arith.constant 96 : i32
        %add3A_296 = vector.broadcast %add3A_295 : i32 to vector<16xi32>
        %add3A_297 = arith.addi %iota3A, %add3A_296 : vector<16xi32>
        %add3A_298 = arith.constant 112 : i32
        %add3A_299 = vector.broadcast %add3A_298 : i32 to vector<16xi32>
        %add3A_300 = arith.addi %iota3A, %add3A_299 : vector<16xi32>
        %add3A_301 = arith.constant 4096 : i32
        %add3A_302 = vector.broadcast %add3A_301 : i32 to vector<16xi32>
        %add3A_303 = arith.addi %add3A_279, %add3A_302 : vector<16xi32>
        %add3A_304 = arith.constant 4096 : i32
        %add3A_305 = vector.broadcast %add3A_304 : i32 to vector<16xi32>
        %add3A_306 = arith.addi %add3A_282, %add3A_305 : vector<16xi32>
        %add3A_307 = arith.constant 4096 : i32
        %add3A_308 = vector.broadcast %add3A_307 : i32 to vector<16xi32>
        %add3A_309 = arith.addi %add3A_285, %add3A_308 : vector<16xi32>
        %add3A_310 = arith.constant 4096 : i32
        %add3A_311 = vector.broadcast %add3A_310 : i32 to vector<16xi32>
        %add3A_312 = arith.addi %add3A_288, %add3A_311 : vector<16xi32>
        %add3A_313 = arith.constant 4096 : i32
        %add3A_314 = vector.broadcast %add3A_313 : i32 to vector<16xi32>
        %add3A_315 = arith.addi %add3A_291, %add3A_314 : vector<16xi32>
        %add3A_316 = arith.constant 4096 : i32
        %add3A_317 = vector.broadcast %add3A_316 : i32 to vector<16xi32>
        %add3A_318 = arith.addi %add3A_294, %add3A_317 : vector<16xi32>
        %add3A_319 = arith.constant 4096 : i32
        %add3A_320 = vector.broadcast %add3A_319 : i32 to vector<16xi32>
        %add3A_321 = arith.addi %add3A_297, %add3A_320 : vector<16xi32>
        %add3A_322 = arith.constant 4096 : i32
        %add3A_323 = vector.broadcast %add3A_322 : i32 to vector<16xi32>
        %add3A_324 = arith.addi %add3A_300, %add3A_323 : vector<16xi32>
        %gather3A = tpu.vector_load_idx %arg8[%add3A_303] : memref<98304xf32, #tpu.memory_space<vmem>>[vector<16xi32>], vector<16xf32>,
        %gather3A_325 = tpu.vector_load_idx %arg8[%add3A_306] : memref<98304xf32, #tpu.memory_space<vmem>>[vector<16xi32>], vector<16xf32>,
        %gather3A_326 = tpu.vector_load_idx %arg8[%add3A_309] : memref<98304xf32, #tpu.memory_space<vmem>>[vector<16xi32>], vector<16xf32>,
        %gather3A_327 = tpu.vector_load_idx %arg8[%add3A_312] : memref<98304xf32, #tpu.memory_space<vmem>>[vector<16xi32>], vector<16xf32>,
        %gather3A_328 = tpu.vector_load_idx %arg8[%add3A_315] : memref<98304xf32, #tpu.memory_space<vmem>>[vector<16xi32>], vector<16xf32>,
        %gather3A_329 = tpu.vector_load_idx %arg8[%add3A_318] : memref<98304xf32, #tpu.memory_space<vmem>>[vector<16xi32>], vector<16xf32>,
        %gather3A_330 = tpu.vector_load_idx %arg8[%add3A_321] : memref<98304xf32, #tpu.memory_space<vmem>>[vector<16xi32>], vector<16xf32>,
        %gather3A_331 = tpu.vector_load_idx %arg8[%add3A_324] : memref<98304xf32, #tpu.memory_space<vmem>>[vector<16xi32>], vector<16xf32>,
        %ge3A = arith.cmpf oge, %min3A_234, %gather3A : vector<16xf32>
        %select_n3A = arith.select %ge3A, %add3A_303, %add3A_279 : vector<16xi1>, vector<16xi32>
        %ge3A_332 = arith.cmpf oge, %min3A_240, %gather3A_325 : vector<16xf32>
        %select_n3A_333 = arith.select %ge3A_332, %add3A_306, %add3A_282 : vector<16xi1>, vector<16xi32>
        %ge3A_334 = arith.cmpf oge, %min3A_246, %gather3A_326 : vector<16xf32>
        %select_n3A_335 = arith.select %ge3A_334, %add3A_309, %add3A_285 : vector<16xi1>, vector<16xi32>
        %ge3A_336 = arith.cmpf oge, %min3A_252, %gather3A_327 : vector<16xf32>
        %select_n3A_337 = arith.select %ge3A_336, %add3A_312, %add3A_288 : vector<16xi1>, vector<16xi32>
        %ge3A_338 = arith.cmpf oge, %min3A_258, %gather3A_328 : vector<16xf32>
        %select_n3A_339 = arith.select %ge3A_338, %add3A_315, %add3A_291 : vector<16xi1>, vector<16xi32>
        %ge3A_340 = arith.cmpf oge, %min3A_264, %gather3A_329 : vector<16xf32>
        %select_n3A_341 = arith.select %ge3A_340, %add3A_318, %add3A_294 : vector<16xi1>, vector<16xi32>
        %ge3A_342 = arith.cmpf oge, %min3A_270, %gather3A_330 : vector<16xf32>
        %select_n3A_343 = arith.select %ge3A_342, %add3A_321, %add3A_297 : vector<16xi1>, vector<16xi32>
        %ge3A_344 = arith.cmpf oge, %min3A_276, %gather3A_331 : vector<16xf32>
        %select_n3A_345 = arith.select %ge3A_344, %add3A_324, %add3A_300 : vector<16xi1>, vector<16xi32>
        %add3A_346 = arith.constant 2048 : i32
        %add3A_347 = vector.broadcast %add3A_346 : i32 to vector<16xi32>
        %add3A_348 = arith.addi %select_n3A, %add3A_347 : vector<16xi32>
        %add3A_349 = arith.constant 2048 : i32
        %add3A_350 = vector.broadcast %add3A_349 : i32 to vector<16xi32>
        %add3A_351 = arith.addi %select_n3A_333, %add3A_350 : vector<16xi32>
        %add3A_352 = arith.constant 2048 : i32
        %add3A_353 = vector.broadcast %add3A_352 : i32 to vector<16xi32>
        %add3A_354 = arith.addi %select_n3A_335, %add3A_353 : vector<16xi32>
        %add3A_355 = arith.constant 2048 : i32
        %add3A_356 = vector.broadcast %add3A_355 : i32 to vector<16xi32>
        %add3A_357 = arith.addi %select_n3A_337, %add3A_356 : vector<16xi32>
        %add3A_358 = arith.constant 2048 : i32
        %add3A_359 = vector.broadcast %add3A_358 : i32 to vector<16xi32>
        %add3A_360 = arith.addi %select_n3A_339, %add3A_359 : vector<16xi32>
        %add3A_361 = arith.constant 2048 : i32
        %add3A_362 = vector.broadcast %add3A_361 : i32 to vector<16xi32>
        %add3A_363 = arith.addi %select_n3A_341, %add3A_362 : vector<16xi32>
        %add3A_364 = arith.constant 2048 : i32
        %add3A_365 = vector.broadcast %add3A_364 : i32 to vector<16xi32>
        %add3A_366 = arith.addi %select_n3A_343, %add3A_365 : vector<16xi32>
        %add3A_367 = arith.constant 2048 : i32
        %add3A_368 = vector.broadcast %add3A_367 : i32 to vector<16xi32>
        %add3A_369 = arith.addi %select_n3A_345, %add3A_368 : vector<16xi32>
        %gather3A_370 = tpu.vector_load_idx %arg8[%add3A_348] : memref<98304xf32, #tpu.memory_space<vmem>>[vector<16xi32>], vector<16xf32>,
        %gather3A_371 = tpu.vector_load_idx %arg8[%add3A_351] : memref<98304xf32, #tpu.memory_space<vmem>>[vector<16xi32>], vector<16xf32>,
        %gather3A_372 = tpu.vector_load_idx %arg8[%add3A_354] : memref<98304xf32, #tpu.memory_space<vmem>>[vector<16xi32>], vector<16xf32>,
        %gather3A_373 = tpu.vector_load_idx %arg8[%add3A_357] : memref<98304xf32, #tpu.memory_space<vmem>>[vector<16xi32>], vector<16xf32>,
        %gather3A_374 = tpu.vector_load_idx %arg8[%add3A_360] : memref<98304xf32, #tpu.memory_space<vmem>>[vector<16xi32>], vector<16xf32>,
        %gather3A_375 = tpu.vector_load_idx %arg8[%add3A_363] : memref<98304xf32, #tpu.memory_space<vmem>>[vector<16xi32>], vector<16xf32>,
        %gather3A_376 = tpu.vector_load_idx %arg8[%add3A_366] : memref<98304xf32, #tpu.memory_space<vmem>>[vector<16xi32>], vector<16xf32>,
        %gather3A_377 = tpu.vector_load_idx %arg8[%add3A_369] : memref<98304xf32, #tpu.memory_space<vmem>>[vector<16xi32>], vector<16xf32>,
        %ge3A_378 = arith.cmpf oge, %min3A_234, %gather3A_370 : vector<16xf32>
        %select_n3A_379 = arith.select %ge3A_378, %add3A_348, %select_n3A : vector<16xi1>, vector<16xi32>
        %ge3A_380 = arith.cmpf oge, %min3A_240, %gather3A_371 : vector<16xf32>
        %select_n3A_381 = arith.select %ge3A_380, %add3A_351, %select_n3A_333 : vector<16xi1>, vector<16xi32>
        %ge3A_382 = arith.cmpf oge, %min3A_246, %gather3A_372 : vector<16xf32>
        %select_n3A_383 = arith.select %ge3A_382, %add3A_354, %select_n3A_335 : vector<16xi1>, vector<16xi32>
        %ge3A_384 = arith.cmpf oge, %min3A_252, %gather3A_373 : vector<16xf32>
        %select_n3A_385 = arith.select %ge3A_384, %add3A_357, %select_n3A_337 : vector<16xi1>, vector<16xi32>
        %ge3A_386 = arith.cmpf oge, %min3A_258, %gather3A_374 : vector<16xf32>
        %select_n3A_387 = arith.select %ge3A_386, %add3A_360, %select_n3A_339 : vector<16xi1>, vector<16xi32>
        %ge3A_388 = arith.cmpf oge, %min3A_264, %gather3A_375 : vector<16xf32>
        %select_n3A_389 = arith.select %ge3A_388, %add3A_363, %select_n3A_341 : vector<16xi1>, vector<16xi32>
        %ge3A_390 = arith.cmpf oge, %min3A_270, %gather3A_376 : vector<16xf32>
        %select_n3A_391 = arith.select %ge3A_390, %add3A_366, %select_n3A_343 : vector<16xi1>, vector<16xi32>
        %ge3A_392 = arith.cmpf oge, %min3A_276, %gather3A_377 : vector<16xf32>
        %select_n3A_393 = arith.select %ge3A_392, %add3A_369, %select_n3A_345 : vector<16xi1>, vector<16xi32>
        %add3A_394 = arith.constant 1024 : i32
        %add3A_395 = vector.broadcast %add3A_394 : i32 to vector<16xi32>
        %add3A_396 = arith.addi %select_n3A_379, %add3A_395 : vector<16xi32>
        %add3A_397 = arith.constant 1024 : i32
        %add3A_398 = vector.broadcast %add3A_397 : i32 to vector<16xi32>
        %add3A_399 = arith.addi %select_n3A_381, %add3A_398 : vector<16xi32>
        %add3A_400 = arith.constant 1024 : i32
        %add3A_401 = vector.broadcast %add3A_400 : i32 to vector<16xi32>
        %add3A_402 = arith.addi %select_n3A_383, %add3A_401 : vector<16xi32>
        %add3A_403 = arith.constant 1024 : i32
        %add3A_404 = vector.broadcast %add3A_403 : i32 to vector<16xi32>
        %add3A_405 = arith.addi %select_n3A_385, %add3A_404 : vector<16xi32>
        %add3A_406 = arith.constant 1024 : i32
        %add3A_407 = vector.broadcast %add3A_406 : i32 to vector<16xi32>
        %add3A_408 = arith.addi %select_n3A_387, %add3A_407 : vector<16xi32>
        %add3A_409 = arith.constant 1024 : i32
        %add3A_410 = vector.broadcast %add3A_409 : i32 to vector<16xi32>
        %add3A_411 = arith.addi %select_n3A_389, %add3A_410 : vector<16xi32>
        %add3A_412 = arith.constant 1024 : i32
        %add3A_413 = vector.broadcast %add3A_412 : i32 to vector<16xi32>
        %add3A_414 = arith.addi %select_n3A_391, %add3A_413 : vector<16xi32>
        %add3A_415 = arith.constant 1024 : i32
        %add3A_416 = vector.broadcast %add3A_415 : i32 to vector<16xi32>
        %add3A_417 = arith.addi %select_n3A_393, %add3A_416 : vector<16xi32>
        %gather3A_418 = tpu.vector_load_idx %arg8[%add3A_396] : memref<98304xf32, #tpu.memory_space<vmem>>[vector<16xi32>], vector<16xf32>,
        %gather3A_419 = tpu.vector_load_idx %arg8[%add3A_399] : memref<98304xf32, #tpu.memory_space<vmem>>[vector<16xi32>], vector<16xf32>,
        %gather3A_420 = tpu.vector_load_idx %arg8[%add3A_402] : memref<98304xf32, #tpu.memory_space<vmem>>[vector<16xi32>], vector<16xf32>,
        %gather3A_421 = tpu.vector_load_idx %arg8[%add3A_405] : memref<98304xf32, #tpu.memory_space<vmem>>[vector<16xi32>], vector<16xf32>,
        %gather3A_422 = tpu.vector_load_idx %arg8[%add3A_408] : memref<98304xf32, #tpu.memory_space<vmem>>[vector<16xi32>], vector<16xf32>,
        %gather3A_423 = tpu.vector_load_idx %arg8[%add3A_411] : memref<98304xf32, #tpu.memory_space<vmem>>[vector<16xi32>], vector<16xf32>,
        %gather3A_424 = tpu.vector_load_idx %arg8[%add3A_414] : memref<98304xf32, #tpu.memory_space<vmem>>[vector<16xi32>], vector<16xf32>,
        %gather3A_425 = tpu.vector_load_idx %arg8[%add3A_417] : memref<98304xf32, #tpu.memory_space<vmem>>[vector<16xi32>], vector<16xf32>,
        %ge3A_426 = arith.cmpf oge, %min3A_234, %gather3A_418 : vector<16xf32>
        %select_n3A_427 = arith.select %ge3A_426, %add3A_396, %select_n3A_379 : vector<16xi1>, vector<16xi32>
        %ge3A_428 = arith.cmpf oge, %min3A_240, %gather3A_419 : vector<16xf32>
        %select_n3A_429 = arith.select %ge3A_428, %add3A_399, %select_n3A_381 : vector<16xi1>, vector<16xi32>
        %ge3A_430 = arith.cmpf oge, %min3A_246, %gather3A_420 : vector<16xf32>
        %select_n3A_431 = arith.select %ge3A_430, %add3A_402, %select_n3A_383 : vector<16xi1>, vector<16xi32>
        %ge3A_432 = arith.cmpf oge, %min3A_252, %gather3A_421 : vector<16xf32>
        %select_n3A_433 = arith.select %ge3A_432, %add3A_405, %select_n3A_385 : vector<16xi1>, vector<16xi32>
        %ge3A_434 = arith.cmpf oge, %min3A_258, %gather3A_422 : vector<16xf32>
        %select_n3A_435 = arith.select %ge3A_434, %add3A_408, %select_n3A_387 : vector<16xi1>, vector<16xi32>
        %ge3A_436 = arith.cmpf oge, %min3A_264, %gather3A_423 : vector<16xf32>
        %select_n3A_437 = arith.select %ge3A_436, %add3A_411, %select_n3A_389 : vector<16xi1>, vector<16xi32>
        %ge3A_438 = arith.cmpf oge, %min3A_270, %gather3A_424 : vector<16xf32>
        %select_n3A_439 = arith.select %ge3A_438, %add3A_414, %select_n3A_391 : vector<16xi1>, vector<16xi32>
        %ge3A_440 = arith.cmpf oge, %min3A_276, %gather3A_425 : vector<16xf32>
        %select_n3A_441 = arith.select %ge3A_440, %add3A_417, %select_n3A_393 : vector<16xi1>, vector<16xi32>
        %add3A_442 = arith.constant 512 : i32
        %add3A_443 = vector.broadcast %add3A_442 : i32 to vector<16xi32>
        %add3A_444 = arith.addi %select_n3A_427, %add3A_443 : vector<16xi32>
        %add3A_445 = arith.constant 512 : i32
        %add3A_446 = vector.broadcast %add3A_445 : i32 to vector<16xi32>
        %add3A_447 = arith.addi %select_n3A_429, %add3A_446 : vector<16xi32>
        %add3A_448 = arith.constant 512 : i32
        %add3A_449 = vector.broadcast %add3A_448 : i32 to vector<16xi32>
        %add3A_450 = arith.addi %select_n3A_431, %add3A_449 : vector<16xi32>
        %add3A_451 = arith.constant 512 : i32
        %add3A_452 = vector.broadcast %add3A_451 : i32 to vector<16xi32>
        %add3A_453 = arith.addi %select_n3A_433, %add3A_452 : vector<16xi32>
        %add3A_454 = arith.constant 512 : i32
        %add3A_455 = vector.broadcast %add3A_454 : i32 to vector<16xi32>
        %add3A_456 = arith.addi %select_n3A_435, %add3A_455 : vector<16xi32>
        %add3A_457 = arith.constant 512 : i32
        %add3A_458 = vector.broadcast %add3A_457 : i32 to vector<16xi32>
        %add3A_459 = arith.addi %select_n3A_437, %add3A_458 : vector<16xi32>
        %add3A_460 = arith.constant 512 : i32
        %add3A_461 = vector.broadcast %add3A_460 : i32 to vector<16xi32>
        %add3A_462 = arith.addi %select_n3A_439, %add3A_461 : vector<16xi32>
        %add3A_463 = arith.constant 512 : i32
        %add3A_464 = vector.broadcast %add3A_463 : i32 to vector<16xi32>
        %add3A_465 = arith.addi %select_n3A_441, %add3A_464 : vector<16xi32>
        %gather3A_466 = tpu.vector_load_idx %arg8[%add3A_444] : memref<98304xf32, #tpu.memory_space<vmem>>[vector<16xi32>], vector<16xf32>,
        %gather3A_467 = tpu.vector_load_idx %arg8[%add3A_447] : memref<98304xf32, #tpu.memory_space<vmem>>[vector<16xi32>], vector<16xf32>,
        %gather3A_468 = tpu.vector_load_idx %arg8[%add3A_450] : memref<98304xf32, #tpu.memory_space<vmem>>[vector<16xi32>], vector<16xf32>,
        %gather3A_469 = tpu.vector_load_idx %arg8[%add3A_453] : memref<98304xf32, #tpu.memory_space<vmem>>[vector<16xi32>], vector<16xf32>,
        %gather3A_470 = tpu.vector_load_idx %arg8[%add3A_456] : memref<98304xf32, #tpu.memory_space<vmem>>[vector<16xi32>], vector<16xf32>,
        %gather3A_471 = tpu.vector_load_idx %arg8[%add3A_459] : memref<98304xf32, #tpu.memory_space<vmem>>[vector<16xi32>], vector<16xf32>,
        %gather3A_472 = tpu.vector_load_idx %arg8[%add3A_462] : memref<98304xf32, #tpu.memory_space<vmem>>[vector<16xi32>], vector<16xf32>,
        %gather3A_473 = tpu.vector_load_idx %arg8[%add3A_465] : memref<98304xf32, #tpu.memory_space<vmem>>[vector<16xi32>], vector<16xf32>,
        %ge3A_474 = arith.cmpf oge, %min3A_234, %gather3A_466 : vector<16xf32>
        %select_n3A_475 = arith.select %ge3A_474, %add3A_444, %select_n3A_427 : vector<16xi1>, vector<16xi32>
        %ge3A_476 = arith.cmpf oge, %min3A_240, %gather3A_467 : vector<16xf32>
        %select_n3A_477 = arith.select %ge3A_476, %add3A_447, %select_n3A_429 : vector<16xi1>, vector<16xi32>
        %ge3A_478 = arith.cmpf oge, %min3A_246, %gather3A_468 : vector<16xf32>
        %select_n3A_479 = arith.select %ge3A_478, %add3A_450, %select_n3A_431 : vector<16xi1>, vector<16xi32>
        %ge3A_480 = arith.cmpf oge, %min3A_252, %gather3A_469 : vector<16xf32>
        %select_n3A_481 = arith.select %ge3A_480, %add3A_453, %select_n3A_433 : vector<16xi1>, vector<16xi32>
        %ge3A_482 = arith.cmpf oge, %min3A_258, %gather3A_470 : vector<16xf32>
        %select_n3A_483 = arith.select %ge3A_482, %add3A_456, %select_n3A_435 : vector<16xi1>, vector<16xi32>
        %ge3A_484 = arith.cmpf oge, %min3A_264, %gather3A_471 : vector<16xf32>
        %select_n3A_485 = arith.select %ge3A_484, %add3A_459, %select_n3A_437 : vector<16xi1>, vector<16xi32>
        %ge3A_486 = arith.cmpf oge, %min3A_270, %gather3A_472 : vector<16xf32>
        %select_n3A_487 = arith.select %ge3A_486, %add3A_462, %select_n3A_439 : vector<16xi1>, vector<16xi32>
        %ge3A_488 = arith.cmpf oge, %min3A_276, %gather3A_473 : vector<16xf32>
        %select_n3A_489 = arith.select %ge3A_488, %add3A_465, %select_n3A_441 : vector<16xi1>, vector<16xi32>
        %add3A_490 = arith.constant 256 : i32
        %add3A_491 = vector.broadcast %add3A_490 : i32 to vector<16xi32>
        %add3A_492 = arith.addi %select_n3A_475, %add3A_491 : vector<16xi32>
        %add3A_493 = arith.constant 256 : i32
        %add3A_494 = vector.broadcast %add3A_493 : i32 to vector<16xi32>
        %add3A_495 = arith.addi %select_n3A_477, %add3A_494 : vector<16xi32>
        %add3A_496 = arith.constant 256 : i32
        %add3A_497 = vector.broadcast %add3A_496 : i32 to vector<16xi32>
        %add3A_498 = arith.addi %select_n3A_479, %add3A_497 : vector<16xi32>
        %add3A_499 = arith.constant 256 : i32
        %add3A_500 = vector.broadcast %add3A_499 : i32 to vector<16xi32>
        %add3A_501 = arith.addi %select_n3A_481, %add3A_500 : vector<16xi32>
        %add3A_502 = arith.constant 256 : i32
        %add3A_503 = vector.broadcast %add3A_502 : i32 to vector<16xi32>
        %add3A_504 = arith.addi %select_n3A_483, %add3A_503 : vector<16xi32>
        %add3A_505 = arith.constant 256 : i32
        %add3A_506 = vector.broadcast %add3A_505 : i32 to vector<16xi32>
        %add3A_507 = arith.addi %select_n3A_485, %add3A_506 : vector<16xi32>
        %add3A_508 = arith.constant 256 : i32
        %add3A_509 = vector.broadcast %add3A_508 : i32 to vector<16xi32>
        %add3A_510 = arith.addi %select_n3A_487, %add3A_509 : vector<16xi32>
        %add3A_511 = arith.constant 256 : i32
        %add3A_512 = vector.broadcast %add3A_511 : i32 to vector<16xi32>
        %add3A_513 = arith.addi %select_n3A_489, %add3A_512 : vector<16xi32>
        %gather3A_514 = tpu.vector_load_idx %arg8[%add3A_492] : memref<98304xf32, #tpu.memory_space<vmem>>[vector<16xi32>], vector<16xf32>,
        %gather3A_515 = tpu.vector_load_idx %arg8[%add3A_495] : memref<98304xf32, #tpu.memory_space<vmem>>[vector<16xi32>], vector<16xf32>,
        %gather3A_516 = tpu.vector_load_idx %arg8[%add3A_498] : memref<98304xf32, #tpu.memory_space<vmem>>[vector<16xi32>], vector<16xf32>,
        %gather3A_517 = tpu.vector_load_idx %arg8[%add3A_501] : memref<98304xf32, #tpu.memory_space<vmem>>[vector<16xi32>], vector<16xf32>,
        %gather3A_518 = tpu.vector_load_idx %arg8[%add3A_504] : memref<98304xf32, #tpu.memory_space<vmem>>[vector<16xi32>], vector<16xf32>,
        %gather3A_519 = tpu.vector_load_idx %arg8[%add3A_507] : memref<98304xf32, #tpu.memory_space<vmem>>[vector<16xi32>], vector<16xf32>,
        %gather3A_520 = tpu.vector_load_idx %arg8[%add3A_510] : memref<98304xf32, #tpu.memory_space<vmem>>[vector<16xi32>], vector<16xf32>,
        %gather3A_521 = tpu.vector_load_idx %arg8[%add3A_513] : memref<98304xf32, #tpu.memory_space<vmem>>[vector<16xi32>], vector<16xf32>,
        %ge3A_522 = arith.cmpf oge, %min3A_234, %gather3A_514 : vector<16xf32>
        %select_n3A_523 = arith.select %ge3A_522, %add3A_492, %select_n3A_475 : vector<16xi1>, vector<16xi32>
        %ge3A_524 = arith.cmpf oge, %min3A_240, %gather3A_515 : vector<16xf32>
        %select_n3A_525 = arith.select %ge3A_524, %add3A_495, %select_n3A_477 : vector<16xi1>, vector<16xi32>
        %ge3A_526 = arith.cmpf oge, %min3A_246, %gather3A_516 : vector<16xf32>
        %select_n3A_527 = arith.select %ge3A_526, %add3A_498, %select_n3A_479 : vector<16xi1>, vector<16xi32>
        %ge3A_528 = arith.cmpf oge, %min3A_252, %gather3A_517 : vector<16xf32>
        %select_n3A_529 = arith.select %ge3A_528, %add3A_501, %select_n3A_481 : vector<16xi1>, vector<16xi32>
        %ge3A_530 = arith.cmpf oge, %min3A_258, %gather3A_518 : vector<16xf32>
        %select_n3A_531 = arith.select %ge3A_530, %add3A_504, %select_n3A_483 : vector<16xi1>, vector<16xi32>
        %ge3A_532 = arith.cmpf oge, %min3A_264, %gather3A_519 : vector<16xf32>
        %select_n3A_533 = arith.select %ge3A_532, %add3A_507, %select_n3A_485 : vector<16xi1>, vector<16xi32>
        %ge3A_534 = arith.cmpf oge, %min3A_270, %gather3A_520 : vector<16xf32>
        %select_n3A_535 = arith.select %ge3A_534, %add3A_510, %select_n3A_487 : vector<16xi1>, vector<16xi32>
        %ge3A_536 = arith.cmpf oge, %min3A_276, %gather3A_521 : vector<16xf32>
        %select_n3A_537 = arith.select %ge3A_536, %add3A_513, %select_n3A_489 : vector<16xi1>, vector<16xi32>
        %add3A_538 = arith.constant 128 : i32
        %add3A_539 = vector.broadcast %add3A_538 : i32 to vector<16xi32>
        %add3A_540 = arith.addi %select_n3A_523, %add3A_539 : vector<16xi32>
        %add3A_541 = arith.constant 128 : i32
        %add3A_542 = vector.broadcast %add3A_541 : i32 to vector<16xi32>
        %add3A_543 = arith.addi %select_n3A_525, %add3A_542 : vector<16xi32>
        %add3A_544 = arith.constant 128 : i32
        %add3A_545 = vector.broadcast %add3A_544 : i32 to vector<16xi32>
        %add3A_546 = arith.addi %select_n3A_527, %add3A_545 : vector<16xi32>
        %add3A_547 = arith.constant 128 : i32
        %add3A_548 = vector.broadcast %add3A_547 : i32 to vector<16xi32>
        %add3A_549 = arith.addi %select_n3A_529, %add3A_548 : vector<16xi32>
        %add3A_550 = arith.constant 128 : i32
        %add3A_551 = vector.broadcast %add3A_550 : i32 to vector<16xi32>
        %add3A_552 = arith.addi %select_n3A_531, %add3A_551 : vector<16xi32>
        %add3A_553 = arith.constant 128 : i32
        %add3A_554 = vector.broadcast %add3A_553 : i32 to vector<16xi32>
        %add3A_555 = arith.addi %select_n3A_533, %add3A_554 : vector<16xi32>
        %add3A_556 = arith.constant 128 : i32
        %add3A_557 = vector.broadcast %add3A_556 : i32 to vector<16xi32>
        %add3A_558 = arith.addi %select_n3A_535, %add3A_557 : vector<16xi32>
        %add3A_559 = arith.constant 128 : i32
        %add3A_560 = vector.broadcast %add3A_559 : i32 to vector<16xi32>
        %add3A_561 = arith.addi %select_n3A_537, %add3A_560 : vector<16xi32>
        %gather3A_562 = tpu.vector_load_idx %arg8[%add3A_540] : memref<98304xf32, #tpu.memory_space<vmem>>[vector<16xi32>], vector<16xf32>,
        %gather3A_563 = tpu.vector_load_idx %arg8[%add3A_543] : memref<98304xf32, #tpu.memory_space<vmem>>[vector<16xi32>], vector<16xf32>,
        %gather3A_564 = tpu.vector_load_idx %arg8[%add3A_546] : memref<98304xf32, #tpu.memory_space<vmem>>[vector<16xi32>], vector<16xf32>,
        %gather3A_565 = tpu.vector_load_idx %arg8[%add3A_549] : memref<98304xf32, #tpu.memory_space<vmem>>[vector<16xi32>], vector<16xf32>,
        %gather3A_566 = tpu.vector_load_idx %arg8[%add3A_552] : memref<98304xf32, #tpu.memory_space<vmem>>[vector<16xi32>], vector<16xf32>,
        %gather3A_567 = tpu.vector_load_idx %arg8[%add3A_555] : memref<98304xf32, #tpu.memory_space<vmem>>[vector<16xi32>], vector<16xf32>,
        %gather3A_568 = tpu.vector_load_idx %arg8[%add3A_558] : memref<98304xf32, #tpu.memory_space<vmem>>[vector<16xi32>], vector<16xf32>,
        %gather3A_569 = tpu.vector_load_idx %arg8[%add3A_561] : memref<98304xf32, #tpu.memory_space<vmem>>[vector<16xi32>], vector<16xf32>,
        %ge3A_570 = arith.cmpf oge, %min3A_234, %gather3A_562 : vector<16xf32>
        %select_n3A_571 = arith.select %ge3A_570, %add3A_540, %select_n3A_523 : vector<16xi1>, vector<16xi32>
        %ge3A_572 = arith.cmpf oge, %min3A_240, %gather3A_563 : vector<16xf32>
        %select_n3A_573 = arith.select %ge3A_572, %add3A_543, %select_n3A_525 : vector<16xi1>, vector<16xi32>
        %ge3A_574 = arith.cmpf oge, %min3A_246, %gather3A_564 : vector<16xf32>
        %select_n3A_575 = arith.select %ge3A_574, %add3A_546, %select_n3A_527 : vector<16xi1>, vector<16xi32>
        %ge3A_576 = arith.cmpf oge, %min3A_252, %gather3A_565 : vector<16xf32>
        %select_n3A_577 = arith.select %ge3A_576, %add3A_549, %select_n3A_529 : vector<16xi1>, vector<16xi32>
        %ge3A_578 = arith.cmpf oge, %min3A_258, %gather3A_566 : vector<16xf32>
        %select_n3A_579 = arith.select %ge3A_578, %add3A_552, %select_n3A_531 : vector<16xi1>, vector<16xi32>
        %ge3A_580 = arith.cmpf oge, %min3A_264, %gather3A_567 : vector<16xf32>
        %select_n3A_581 = arith.select %ge3A_580, %add3A_555, %select_n3A_533 : vector<16xi1>, vector<16xi32>
        %ge3A_582 = arith.cmpf oge, %min3A_270, %gather3A_568 : vector<16xf32>
        %select_n3A_583 = arith.select %ge3A_582, %add3A_558, %select_n3A_535 : vector<16xi1>, vector<16xi32>
        %ge3A_584 = arith.cmpf oge, %min3A_276, %gather3A_569 : vector<16xf32>
        %select_n3A_585 = arith.select %ge3A_584, %add3A_561, %select_n3A_537 : vector<16xi1>, vector<16xi32>
        %gather3A_586 = tpu.vector_load_idx %arg8[%select_n3A_571] : memref<98304xf32, #tpu.memory_space<vmem>>[vector<16xi32>], vector<16xf32>,
        %add3A_587 = arith.constant 8192 : i32
        %add3A_588 = vector.broadcast %add3A_587 : i32 to vector<16xi32>
        %add3A_589 = arith.addi %select_n3A_571, %add3A_588 : vector<16xi32>
        %gather3A_590 = tpu.vector_load_idx %arg8[%add3A_589] : memref<98304xf32, #tpu.memory_space<vmem>>[vector<16xi32>], vector<16xf32>,
        %add3A_591 = arith.constant 16384 : i32
        %add3A_592 = vector.broadcast %add3A_591 : i32 to vector<16xi32>
        %add3A_593 = arith.addi %select_n3A_571, %add3A_592 : vector<16xi32>
        %gather3A_594 = tpu.vector_load_idx %arg8[%add3A_593] : memref<98304xf32, #tpu.memory_space<vmem>>[vector<16xi32>], vector<16xf32>,
        %add3A_595 = arith.constant 24576 : i32
        %add3A_596 = vector.broadcast %add3A_595 : i32 to vector<16xi32>
        %add3A_597 = arith.addi %select_n3A_571, %add3A_596 : vector<16xi32>
        %gather3A_598 = tpu.vector_load_idx %arg8[%add3A_597] : memref<98304xf32, #tpu.memory_space<vmem>>[vector<16xi32>], vector<16xf32>,
        %add3A_599 = arith.constant 32768 : i32
        %add3A_600 = vector.broadcast %add3A_599 : i32 to vector<16xi32>
        %add3A_601 = arith.addi %select_n3A_571, %add3A_600 : vector<16xi32>
        %gather3A_602 = tpu.vector_load_idx %arg8[%add3A_601] : memref<98304xf32, #tpu.memory_space<vmem>>[vector<16xi32>], vector<16xf32>,
        %add3A_603 = arith.constant 40960 : i32
        %add3A_604 = vector.broadcast %add3A_603 : i32 to vector<16xi32>
        %add3A_605 = arith.addi %select_n3A_571, %add3A_604 : vector<16xi32>
        %gather3A_606 = tpu.vector_load_idx %arg8[%add3A_605] : memref<98304xf32, #tpu.memory_space<vmem>>[vector<16xi32>], vector<16xf32>,
        %mul3A_607 = arith.mulf %gather3A_598, %gather3A_590 : vector<16xf32>
        %sub3A = arith.subf %min3A_234, %gather3A_586 : vector<16xf32>
        %mul3A_608 = arith.mulf %sub3A, %gather3A_590 : vector<16xf32>
        %max3A_609 = arith.constant 0.000000e+00 : f32
        %max3A_610 = vector.broadcast %max3A_609 : f32 to vector<16xf32>
        %max3A_611 = arith.maximumf %mul3A_608, %max3A_610 : vector<16xf32>
        %min3A_612 = arith.constant 1.000000e+00 : f32
        %min3A_613 = vector.broadcast %min3A_612 : f32 to vector<16xf32>
        %min3A_614 = arith.minimumf %max3A_611, %min3A_613 : vector<16xf32>
        %sub3A_615 = arith.constant 1.000000e+00 : f32
        %sub3A_616 = vector.broadcast %sub3A_615 : f32 to vector<16xf32>
        %sub3A_617 = arith.subf %sub3A_616, %min3A_614 : vector<16xf32>
        %mul3A_618 = arith.mulf %gather3A_598, %min3A_614 : vector<16xf32>
        %mul3A_619 = arith.mulf %mul3A_607, %min3A_614 : vector<16xf32>
        %mul3A_620 = arith.mulf %gather3A_602, %sub3A_617 : vector<16xf32>
        %add3A_621 = arith.addf %mul3A_619, %mul3A_620 : vector<16xf32>
        %mul3A_622 = arith.mulf %mul3A_618, %add3A_621 : vector<16xf32>
        %mul3A_623 = arith.mulf %min3A_614, %sub3A_617 : vector<16xf32>
        %mul3A_624 = arith.mulf %gather3A_606, %mul3A_623 : vector<16xf32>
        %add3A_625 = arith.addf %mul3A_607, %mul3A_624 : vector<16xf32>
        %div3A_626 = arith.divf %mul3A_622, %add3A_625 : vector<16xf32>
        %add3A_627 = arith.addf %gather3A_594, %div3A_626 : vector<16xf32>
        %abs3A = math.absf %get3A_195 : vector<16xf32>
        %lt3A_628 = arith.constant 1.000000e+01 : f32
        %lt3A_629 = vector.broadcast %lt3A_628 : f32 to vector<16xf32>
        %lt3A_630 = arith.cmpf olt, %abs3A, %lt3A_629 : vector<16xf32>
        %select_n3A_631 = arith.select %lt3A_630, %add3A_627, %get3A_195 : vector<16xi1>, vector<16xf32>
        %gather3A_632 = tpu.vector_load_idx %arg8[%select_n3A_573] : memref<98304xf32, #tpu.memory_space<vmem>>[vector<16xi32>], vector<16xf32>,
        %add3A_633 = arith.constant 8192 : i32
        %add3A_634 = vector.broadcast %add3A_633 : i32 to vector<16xi32>
        %add3A_635 = arith.addi %select_n3A_573, %add3A_634 : vector<16xi32>
        %gather3A_636 = tpu.vector_load_idx %arg8[%add3A_635] : memref<98304xf32, #tpu.memory_space<vmem>>[vector<16xi32>], vector<16xf32>,
        %add3A_637 = arith.constant 16384 : i32
        %add3A_638 = vector.broadcast %add3A_637 : i32 to vector<16xi32>
        %add3A_639 = arith.addi %select_n3A_573, %add3A_638 : vector<16xi32>
        %gather3A_640 = tpu.vector_load_idx %arg8[%add3A_639] : memref<98304xf32, #tpu.memory_space<vmem>>[vector<16xi32>], vector<16xf32>,
        %add3A_641 = arith.constant 24576 : i32
        %add3A_642 = vector.broadcast %add3A_641 : i32 to vector<16xi32>
        %add3A_643 = arith.addi %select_n3A_573, %add3A_642 : vector<16xi32>
        %gather3A_644 = tpu.vector_load_idx %arg8[%add3A_643] : memref<98304xf32, #tpu.memory_space<vmem>>[vector<16xi32>], vector<16xf32>,
        %add3A_645 = arith.constant 32768 : i32
        %add3A_646 = vector.broadcast %add3A_645 : i32 to vector<16xi32>
        %add3A_647 = arith.addi %select_n3A_573, %add3A_646 : vector<16xi32>
        %gather3A_648 = tpu.vector_load_idx %arg8[%add3A_647] : memref<98304xf32, #tpu.memory_space<vmem>>[vector<16xi32>], vector<16xf32>,
        %add3A_649 = arith.constant 40960 : i32
        %add3A_650 = vector.broadcast %add3A_649 : i32 to vector<16xi32>
        %add3A_651 = arith.addi %select_n3A_573, %add3A_650 : vector<16xi32>
        %gather3A_652 = tpu.vector_load_idx %arg8[%add3A_651] : memref<98304xf32, #tpu.memory_space<vmem>>[vector<16xi32>], vector<16xf32>,
        %mul3A_653 = arith.mulf %gather3A_644, %gather3A_636 : vector<16xf32>
        %sub3A_654 = arith.subf %min3A_240, %gather3A_632 : vector<16xf32>
        %mul3A_655 = arith.mulf %sub3A_654, %gather3A_636 : vector<16xf32>
        %max3A_656 = arith.constant 0.000000e+00 : f32
        %max3A_657 = vector.broadcast %max3A_656 : f32 to vector<16xf32>
        %max3A_658 = arith.maximumf %mul3A_655, %max3A_657 : vector<16xf32>
        %min3A_659 = arith.constant 1.000000e+00 : f32
        %min3A_660 = vector.broadcast %min3A_659 : f32 to vector<16xf32>
        %min3A_661 = arith.minimumf %max3A_658, %min3A_660 : vector<16xf32>
        %sub3A_662 = arith.constant 1.000000e+00 : f32
        %sub3A_663 = vector.broadcast %sub3A_662 : f32 to vector<16xf32>
        %sub3A_664 = arith.subf %sub3A_663, %min3A_661 : vector<16xf32>
        %mul3A_665 = arith.mulf %gather3A_644, %min3A_661 : vector<16xf32>
        %mul3A_666 = arith.mulf %mul3A_653, %min3A_661 : vector<16xf32>
        %mul3A_667 = arith.mulf %gather3A_648, %sub3A_664 : vector<16xf32>
        %add3A_668 = arith.addf %mul3A_666, %mul3A_667 : vector<16xf32>
        %mul3A_669 = arith.mulf %mul3A_665, %add3A_668 : vector<16xf32>
        %mul3A_670 = arith.mulf %min3A_661, %sub3A_664 : vector<16xf32>
        %mul3A_671 = arith.mulf %gather3A_652, %mul3A_670 : vector<16xf32>
        %add3A_672 = arith.addf %mul3A_653, %mul3A_671 : vector<16xf32>
        %div3A_673 = arith.divf %mul3A_669, %add3A_672 : vector<16xf32>
        %add3A_674 = arith.addf %gather3A_640, %div3A_673 : vector<16xf32>
        %abs3A_675 = math.absf %get3A_200 : vector<16xf32>
        %lt3A_676 = arith.constant 1.000000e+01 : f32
        %lt3A_677 = vector.broadcast %lt3A_676 : f32 to vector<16xf32>
        %lt3A_678 = arith.cmpf olt, %abs3A_675, %lt3A_677 : vector<16xf32>
        %select_n3A_679 = arith.select %lt3A_678, %add3A_674, %get3A_200 : vector<16xi1>, vector<16xf32>
        %gather3A_680 = tpu.vector_load_idx %arg8[%select_n3A_575] : memref<98304xf32, #tpu.memory_space<vmem>>[vector<16xi32>], vector<16xf32>,
        %add3A_681 = arith.constant 8192 : i32
        %add3A_682 = vector.broadcast %add3A_681 : i32 to vector<16xi32>
        %add3A_683 = arith.addi %select_n3A_575, %add3A_682 : vector<16xi32>
        %gather3A_684 = tpu.vector_load_idx %arg8[%add3A_683] : memref<98304xf32, #tpu.memory_space<vmem>>[vector<16xi32>], vector<16xf32>,
        %add3A_685 = arith.constant 16384 : i32
        %add3A_686 = vector.broadcast %add3A_685 : i32 to vector<16xi32>
        %add3A_687 = arith.addi %select_n3A_575, %add3A_686 : vector<16xi32>
        %gather3A_688 = tpu.vector_load_idx %arg8[%add3A_687] : memref<98304xf32, #tpu.memory_space<vmem>>[vector<16xi32>], vector<16xf32>,
        %add3A_689 = arith.constant 24576 : i32
        %add3A_690 = vector.broadcast %add3A_689 : i32 to vector<16xi32>
        %add3A_691 = arith.addi %select_n3A_575, %add3A_690 : vector<16xi32>
        %gather3A_692 = tpu.vector_load_idx %arg8[%add3A_691] : memref<98304xf32, #tpu.memory_space<vmem>>[vector<16xi32>], vector<16xf32>,
        %add3A_693 = arith.constant 32768 : i32
        %add3A_694 = vector.broadcast %add3A_693 : i32 to vector<16xi32>
        %add3A_695 = arith.addi %select_n3A_575, %add3A_694 : vector<16xi32>
        %gather3A_696 = tpu.vector_load_idx %arg8[%add3A_695] : memref<98304xf32, #tpu.memory_space<vmem>>[vector<16xi32>], vector<16xf32>,
        %add3A_697 = arith.constant 40960 : i32
        %add3A_698 = vector.broadcast %add3A_697 : i32 to vector<16xi32>
        %add3A_699 = arith.addi %select_n3A_575, %add3A_698 : vector<16xi32>
        %gather3A_700 = tpu.vector_load_idx %arg8[%add3A_699] : memref<98304xf32, #tpu.memory_space<vmem>>[vector<16xi32>], vector<16xf32>,
        %mul3A_701 = arith.mulf %gather3A_692, %gather3A_684 : vector<16xf32>
        %sub3A_702 = arith.subf %min3A_246, %gather3A_680 : vector<16xf32>
        %mul3A_703 = arith.mulf %sub3A_702, %gather3A_684 : vector<16xf32>
        %max3A_704 = arith.constant 0.000000e+00 : f32
        %max3A_705 = vector.broadcast %max3A_704 : f32 to vector<16xf32>
        %max3A_706 = arith.maximumf %mul3A_703, %max3A_705 : vector<16xf32>
        %min3A_707 = arith.constant 1.000000e+00 : f32
        %min3A_708 = vector.broadcast %min3A_707 : f32 to vector<16xf32>
        %min3A_709 = arith.minimumf %max3A_706, %min3A_708 : vector<16xf32>
        %sub3A_710 = arith.constant 1.000000e+00 : f32
        %sub3A_711 = vector.broadcast %sub3A_710 : f32 to vector<16xf32>
        %sub3A_712 = arith.subf %sub3A_711, %min3A_709 : vector<16xf32>
        %mul3A_713 = arith.mulf %gather3A_692, %min3A_709 : vector<16xf32>
        %mul3A_714 = arith.mulf %mul3A_701, %min3A_709 : vector<16xf32>
        %mul3A_715 = arith.mulf %gather3A_696, %sub3A_712 : vector<16xf32>
        %add3A_716 = arith.addf %mul3A_714, %mul3A_715 : vector<16xf32>
        %mul3A_717 = arith.mulf %mul3A_713, %add3A_716 : vector<16xf32>
        %mul3A_718 = arith.mulf %min3A_709, %sub3A_712 : vector<16xf32>
        %mul3A_719 = arith.mulf %gather3A_700, %mul3A_718 : vector<16xf32>
        %add3A_720 = arith.addf %mul3A_701, %mul3A_719 : vector<16xf32>
        %div3A_721 = arith.divf %mul3A_717, %add3A_720 : vector<16xf32>
        %add3A_722 = arith.addf %gather3A_688, %div3A_721 : vector<16xf32>
        %abs3A_723 = math.absf %get3A_205 : vector<16xf32>
        %lt3A_724 = arith.constant 1.000000e+01 : f32
        %lt3A_725 = vector.broadcast %lt3A_724 : f32 to vector<16xf32>
        %lt3A_726 = arith.cmpf olt, %abs3A_723, %lt3A_725 : vector<16xf32>
        %select_n3A_727 = arith.select %lt3A_726, %add3A_722, %get3A_205 : vector<16xi1>, vector<16xf32>
        %gather3A_728 = tpu.vector_load_idx %arg8[%select_n3A_577] : memref<98304xf32, #tpu.memory_space<vmem>>[vector<16xi32>], vector<16xf32>,
        %add3A_729 = arith.constant 8192 : i32
        %add3A_730 = vector.broadcast %add3A_729 : i32 to vector<16xi32>
        %add3A_731 = arith.addi %select_n3A_577, %add3A_730 : vector<16xi32>
        %gather3A_732 = tpu.vector_load_idx %arg8[%add3A_731] : memref<98304xf32, #tpu.memory_space<vmem>>[vector<16xi32>], vector<16xf32>,
        %add3A_733 = arith.constant 16384 : i32
        %add3A_734 = vector.broadcast %add3A_733 : i32 to vector<16xi32>
        %add3A_735 = arith.addi %select_n3A_577, %add3A_734 : vector<16xi32>
        %gather3A_736 = tpu.vector_load_idx %arg8[%add3A_735] : memref<98304xf32, #tpu.memory_space<vmem>>[vector<16xi32>], vector<16xf32>,
        %add3A_737 = arith.constant 24576 : i32
        %add3A_738 = vector.broadcast %add3A_737 : i32 to vector<16xi32>
        %add3A_739 = arith.addi %select_n3A_577, %add3A_738 : vector<16xi32>
        %gather3A_740 = tpu.vector_load_idx %arg8[%add3A_739] : memref<98304xf32, #tpu.memory_space<vmem>>[vector<16xi32>], vector<16xf32>,
        %add3A_741 = arith.constant 32768 : i32
        %add3A_742 = vector.broadcast %add3A_741 : i32 to vector<16xi32>
        %add3A_743 = arith.addi %select_n3A_577, %add3A_742 : vector<16xi32>
        %gather3A_744 = tpu.vector_load_idx %arg8[%add3A_743] : memref<98304xf32, #tpu.memory_space<vmem>>[vector<16xi32>], vector<16xf32>,
        %add3A_745 = arith.constant 40960 : i32
        %add3A_746 = vector.broadcast %add3A_745 : i32 to vector<16xi32>
        %add3A_747 = arith.addi %select_n3A_577, %add3A_746 : vector<16xi32>
        %gather3A_748 = tpu.vector_load_idx %arg8[%add3A_747] : memref<98304xf32, #tpu.memory_space<vmem>>[vector<16xi32>], vector<16xf32>,
        %mul3A_749 = arith.mulf %gather3A_740, %gather3A_732 : vector<16xf32>
        %sub3A_750 = arith.subf %min3A_252, %gather3A_728 : vector<16xf32>
        %mul3A_751 = arith.mulf %sub3A_750, %gather3A_732 : vector<16xf32>
        %max3A_752 = arith.constant 0.000000e+00 : f32
        %max3A_753 = vector.broadcast %max3A_752 : f32 to vector<16xf32>
        %max3A_754 = arith.maximumf %mul3A_751, %max3A_753 : vector<16xf32>
        %min3A_755 = arith.constant 1.000000e+00 : f32
        %min3A_756 = vector.broadcast %min3A_755 : f32 to vector<16xf32>
        %min3A_757 = arith.minimumf %max3A_754, %min3A_756 : vector<16xf32>
        %sub3A_758 = arith.constant 1.000000e+00 : f32
        %sub3A_759 = vector.broadcast %sub3A_758 : f32 to vector<16xf32>
        %sub3A_760 = arith.subf %sub3A_759, %min3A_757 : vector<16xf32>
        %mul3A_761 = arith.mulf %gather3A_740, %min3A_757 : vector<16xf32>
        %mul3A_762 = arith.mulf %mul3A_749, %min3A_757 : vector<16xf32>
        %mul3A_763 = arith.mulf %gather3A_744, %sub3A_760 : vector<16xf32>
        %add3A_764 = arith.addf %mul3A_762, %mul3A_763 : vector<16xf32>
        %mul3A_765 = arith.mulf %mul3A_761, %add3A_764 : vector<16xf32>
        %mul3A_766 = arith.mulf %min3A_757, %sub3A_760 : vector<16xf32>
        %mul3A_767 = arith.mulf %gather3A_748, %mul3A_766 : vector<16xf32>
        %add3A_768 = arith.addf %mul3A_749, %mul3A_767 : vector<16xf32>
        %div3A_769 = arith.divf %mul3A_765, %add3A_768 : vector<16xf32>
        %add3A_770 = arith.addf %gather3A_736, %div3A_769 : vector<16xf32>
        %abs3A_771 = math.absf %get3A_210 : vector<16xf32>
        %lt3A_772 = arith.constant 1.000000e+01 : f32
        %lt3A_773 = vector.broadcast %lt3A_772 : f32 to vector<16xf32>
        %lt3A_774 = arith.cmpf olt, %abs3A_771, %lt3A_773 : vector<16xf32>
        %select_n3A_775 = arith.select %lt3A_774, %add3A_770, %get3A_210 : vector<16xi1>, vector<16xf32>
        %gather3A_776 = tpu.vector_load_idx %arg8[%select_n3A_579] : memref<98304xf32, #tpu.memory_space<vmem>>[vector<16xi32>], vector<16xf32>,
        %add3A_777 = arith.constant 8192 : i32
        %add3A_778 = vector.broadcast %add3A_777 : i32 to vector<16xi32>
        %add3A_779 = arith.addi %select_n3A_579, %add3A_778 : vector<16xi32>
        %gather3A_780 = tpu.vector_load_idx %arg8[%add3A_779] : memref<98304xf32, #tpu.memory_space<vmem>>[vector<16xi32>], vector<16xf32>,
        %add3A_781 = arith.constant 16384 : i32
        %add3A_782 = vector.broadcast %add3A_781 : i32 to vector<16xi32>
        %add3A_783 = arith.addi %select_n3A_579, %add3A_782 : vector<16xi32>
        %gather3A_784 = tpu.vector_load_idx %arg8[%add3A_783] : memref<98304xf32, #tpu.memory_space<vmem>>[vector<16xi32>], vector<16xf32>,
        %add3A_785 = arith.constant 24576 : i32
        %add3A_786 = vector.broadcast %add3A_785 : i32 to vector<16xi32>
        %add3A_787 = arith.addi %select_n3A_579, %add3A_786 : vector<16xi32>
        %gather3A_788 = tpu.vector_load_idx %arg8[%add3A_787] : memref<98304xf32, #tpu.memory_space<vmem>>[vector<16xi32>], vector<16xf32>,
        %add3A_789 = arith.constant 32768 : i32
        %add3A_790 = vector.broadcast %add3A_789 : i32 to vector<16xi32>
        %add3A_791 = arith.addi %select_n3A_579, %add3A_790 : vector<16xi32>
        %gather3A_792 = tpu.vector_load_idx %arg8[%add3A_791] : memref<98304xf32, #tpu.memory_space<vmem>>[vector<16xi32>], vector<16xf32>,
        %add3A_793 = arith.constant 40960 : i32
        %add3A_794 = vector.broadcast %add3A_793 : i32 to vector<16xi32>
        %add3A_795 = arith.addi %select_n3A_579, %add3A_794 : vector<16xi32>
        %gather3A_796 = tpu.vector_load_idx %arg8[%add3A_795] : memref<98304xf32, #tpu.memory_space<vmem>>[vector<16xi32>], vector<16xf32>,
        %mul3A_797 = arith.mulf %gather3A_788, %gather3A_780 : vector<16xf32>
        %sub3A_798 = arith.subf %min3A_258, %gather3A_776 : vector<16xf32>
        %mul3A_799 = arith.mulf %sub3A_798, %gather3A_780 : vector<16xf32>
        %max3A_800 = arith.constant 0.000000e+00 : f32
        %max3A_801 = vector.broadcast %max3A_800 : f32 to vector<16xf32>
        %max3A_802 = arith.maximumf %mul3A_799, %max3A_801 : vector<16xf32>
        %min3A_803 = arith.constant 1.000000e+00 : f32
        %min3A_804 = vector.broadcast %min3A_803 : f32 to vector<16xf32>
        %min3A_805 = arith.minimumf %max3A_802, %min3A_804 : vector<16xf32>
        %sub3A_806 = arith.constant 1.000000e+00 : f32
        %sub3A_807 = vector.broadcast %sub3A_806 : f32 to vector<16xf32>
        %sub3A_808 = arith.subf %sub3A_807, %min3A_805 : vector<16xf32>
        %mul3A_809 = arith.mulf %gather3A_788, %min3A_805 : vector<16xf32>
        %mul3A_810 = arith.mulf %mul3A_797, %min3A_805 : vector<16xf32>
        %mul3A_811 = arith.mulf %gather3A_792, %sub3A_808 : vector<16xf32>
        %add3A_812 = arith.addf %mul3A_810, %mul3A_811 : vector<16xf32>
        %mul3A_813 = arith.mulf %mul3A_809, %add3A_812 : vector<16xf32>
        %mul3A_814 = arith.mulf %min3A_805, %sub3A_808 : vector<16xf32>
        %mul3A_815 = arith.mulf %gather3A_796, %mul3A_814 : vector<16xf32>
        %add3A_816 = arith.addf %mul3A_797, %mul3A_815 : vector<16xf32>
        %div3A_817 = arith.divf %mul3A_813, %add3A_816 : vector<16xf32>
        %add3A_818 = arith.addf %gather3A_784, %div3A_817 : vector<16xf32>
        %abs3A_819 = math.absf %get3A_215 : vector<16xf32>
        %lt3A_820 = arith.constant 1.000000e+01 : f32
        %lt3A_821 = vector.broadcast %lt3A_820 : f32 to vector<16xf32>
        %lt3A_822 = arith.cmpf olt, %abs3A_819, %lt3A_821 : vector<16xf32>
        %select_n3A_823 = arith.select %lt3A_822, %add3A_818, %get3A_215 : vector<16xi1>, vector<16xf32>
        %gather3A_824 = tpu.vector_load_idx %arg8[%select_n3A_581] : memref<98304xf32, #tpu.memory_space<vmem>>[vector<16xi32>], vector<16xf32>,
        %add3A_825 = arith.constant 8192 : i32
        %add3A_826 = vector.broadcast %add3A_825 : i32 to vector<16xi32>
        %add3A_827 = arith.addi %select_n3A_581, %add3A_826 : vector<16xi32>
        %gather3A_828 = tpu.vector_load_idx %arg8[%add3A_827] : memref<98304xf32, #tpu.memory_space<vmem>>[vector<16xi32>], vector<16xf32>,
        %add3A_829 = arith.constant 16384 : i32
        %add3A_830 = vector.broadcast %add3A_829 : i32 to vector<16xi32>
        %add3A_831 = arith.addi %select_n3A_581, %add3A_830 : vector<16xi32>
        %gather3A_832 = tpu.vector_load_idx %arg8[%add3A_831] : memref<98304xf32, #tpu.memory_space<vmem>>[vector<16xi32>], vector<16xf32>,
        %add3A_833 = arith.constant 24576 : i32
        %add3A_834 = vector.broadcast %add3A_833 : i32 to vector<16xi32>
        %add3A_835 = arith.addi %select_n3A_581, %add3A_834 : vector<16xi32>
        %gather3A_836 = tpu.vector_load_idx %arg8[%add3A_835] : memref<98304xf32, #tpu.memory_space<vmem>>[vector<16xi32>], vector<16xf32>,
        %add3A_837 = arith.constant 32768 : i32
        %add3A_838 = vector.broadcast %add3A_837 : i32 to vector<16xi32>
        %add3A_839 = arith.addi %select_n3A_581, %add3A_838 : vector<16xi32>
        %gather3A_840 = tpu.vector_load_idx %arg8[%add3A_839] : memref<98304xf32, #tpu.memory_space<vmem>>[vector<16xi32>], vector<16xf32>,
        %add3A_841 = arith.constant 40960 : i32
        %add3A_842 = vector.broadcast %add3A_841 : i32 to vector<16xi32>
        %add3A_843 = arith.addi %select_n3A_581, %add3A_842 : vector<16xi32>
        %gather3A_844 = tpu.vector_load_idx %arg8[%add3A_843] : memref<98304xf32, #tpu.memory_space<vmem>>[vector<16xi32>], vector<16xf32>,
        %mul3A_845 = arith.mulf %gather3A_836, %gather3A_828 : vector<16xf32>
        %sub3A_846 = arith.subf %min3A_264, %gather3A_824 : vector<16xf32>
        %mul3A_847 = arith.mulf %sub3A_846, %gather3A_828 : vector<16xf32>
        %max3A_848 = arith.constant 0.000000e+00 : f32
        %max3A_849 = vector.broadcast %max3A_848 : f32 to vector<16xf32>
        %max3A_850 = arith.maximumf %mul3A_847, %max3A_849 : vector<16xf32>
        %min3A_851 = arith.constant 1.000000e+00 : f32
        %min3A_852 = vector.broadcast %min3A_851 : f32 to vector<16xf32>
        %min3A_853 = arith.minimumf %max3A_850, %min3A_852 : vector<16xf32>
        %sub3A_854 = arith.constant 1.000000e+00 : f32
        %sub3A_855 = vector.broadcast %sub3A_854 : f32 to vector<16xf32>
        %sub3A_856 = arith.subf %sub3A_855, %min3A_853 : vector<16xf32>
        %mul3A_857 = arith.mulf %gather3A_836, %min3A_853 : vector<16xf32>
        %mul3A_858 = arith.mulf %mul3A_845, %min3A_853 : vector<16xf32>
        %mul3A_859 = arith.mulf %gather3A_840, %sub3A_856 : vector<16xf32>
        %add3A_860 = arith.addf %mul3A_858, %mul3A_859 : vector<16xf32>
        %mul3A_861 = arith.mulf %mul3A_857, %add3A_860 : vector<16xf32>
        %mul3A_862 = arith.mulf %min3A_853, %sub3A_856 : vector<16xf32>
        %mul3A_863 = arith.mulf %gather3A_844, %mul3A_862 : vector<16xf32>
        %add3A_864 = arith.addf %mul3A_845, %mul3A_863 : vector<16xf32>
        %div3A_865 = arith.divf %mul3A_861, %add3A_864 : vector<16xf32>
        %add3A_866 = arith.addf %gather3A_832, %div3A_865 : vector<16xf32>
        %abs3A_867 = math.absf %get3A_220 : vector<16xf32>
        %lt3A_868 = arith.constant 1.000000e+01 : f32
        %lt3A_869 = vector.broadcast %lt3A_868 : f32 to vector<16xf32>
        %lt3A_870 = arith.cmpf olt, %abs3A_867, %lt3A_869 : vector<16xf32>
        %select_n3A_871 = arith.select %lt3A_870, %add3A_866, %get3A_220 : vector<16xi1>, vector<16xf32>
        %gather3A_872 = tpu.vector_load_idx %arg8[%select_n3A_583] : memref<98304xf32, #tpu.memory_space<vmem>>[vector<16xi32>], vector<16xf32>,
        %add3A_873 = arith.constant 8192 : i32
        %add3A_874 = vector.broadcast %add3A_873 : i32 to vector<16xi32>
        %add3A_875 = arith.addi %select_n3A_583, %add3A_874 : vector<16xi32>
        %gather3A_876 = tpu.vector_load_idx %arg8[%add3A_875] : memref<98304xf32, #tpu.memory_space<vmem>>[vector<16xi32>], vector<16xf32>,
        %add3A_877 = arith.constant 16384 : i32
        %add3A_878 = vector.broadcast %add3A_877 : i32 to vector<16xi32>
        %add3A_879 = arith.addi %select_n3A_583, %add3A_878 : vector<16xi32>
        %gather3A_880 = tpu.vector_load_idx %arg8[%add3A_879] : memref<98304xf32, #tpu.memory_space<vmem>>[vector<16xi32>], vector<16xf32>,
        %add3A_881 = arith.constant 24576 : i32
        %add3A_882 = vector.broadcast %add3A_881 : i32 to vector<16xi32>
        %add3A_883 = arith.addi %select_n3A_583, %add3A_882 : vector<16xi32>
        %gather3A_884 = tpu.vector_load_idx %arg8[%add3A_883] : memref<98304xf32, #tpu.memory_space<vmem>>[vector<16xi32>], vector<16xf32>,
        %add3A_885 = arith.constant 32768 : i32
        %add3A_886 = vector.broadcast %add3A_885 : i32 to vector<16xi32>
        %add3A_887 = arith.addi %select_n3A_583, %add3A_886 : vector<16xi32>
        %gather3A_888 = tpu.vector_load_idx %arg8[%add3A_887] : memref<98304xf32, #tpu.memory_space<vmem>>[vector<16xi32>], vector<16xf32>,
        %add3A_889 = arith.constant 40960 : i32
        %add3A_890 = vector.broadcast %add3A_889 : i32 to vector<16xi32>
        %add3A_891 = arith.addi %select_n3A_583, %add3A_890 : vector<16xi32>
        %gather3A_892 = tpu.vector_load_idx %arg8[%add3A_891] : memref<98304xf32, #tpu.memory_space<vmem>>[vector<16xi32>], vector<16xf32>,
        %mul3A_893 = arith.mulf %gather3A_884, %gather3A_876 : vector<16xf32>
        %sub3A_894 = arith.subf %min3A_270, %gather3A_872 : vector<16xf32>
        %mul3A_895 = arith.mulf %sub3A_894, %gather3A_876 : vector<16xf32>
        %max3A_896 = arith.constant 0.000000e+00 : f32
        %max3A_897 = vector.broadcast %max3A_896 : f32 to vector<16xf32>
        %max3A_898 = arith.maximumf %mul3A_895, %max3A_897 : vector<16xf32>
        %min3A_899 = arith.constant 1.000000e+00 : f32
        %min3A_900 = vector.broadcast %min3A_899 : f32 to vector<16xf32>
        %min3A_901 = arith.minimumf %max3A_898, %min3A_900 : vector<16xf32>
        %sub3A_902 = arith.constant 1.000000e+00 : f32
        %sub3A_903 = vector.broadcast %sub3A_902 : f32 to vector<16xf32>
        %sub3A_904 = arith.subf %sub3A_903, %min3A_901 : vector<16xf32>
        %mul3A_905 = arith.mulf %gather3A_884, %min3A_901 : vector<16xf32>
        %mul3A_906 = arith.mulf %mul3A_893, %min3A_901 : vector<16xf32>
        %mul3A_907 = arith.mulf %gather3A_888, %sub3A_904 : vector<16xf32>
        %add3A_908 = arith.addf %mul3A_906, %mul3A_907 : vector<16xf32>
        %mul3A_909 = arith.mulf %mul3A_905, %add3A_908 : vector<16xf32>
        %mul3A_910 = arith.mulf %min3A_901, %sub3A_904 : vector<16xf32>
        %mul3A_911 = arith.mulf %gather3A_892, %mul3A_910 : vector<16xf32>
        %add3A_912 = arith.addf %mul3A_893, %mul3A_911 : vector<16xf32>
        %div3A_913 = arith.divf %mul3A_909, %add3A_912 : vector<16xf32>
        %add3A_914 = arith.addf %gather3A_880, %div3A_913 : vector<16xf32>
        %abs3A_915 = math.absf %get3A_225 : vector<16xf32>
        %lt3A_916 = arith.constant 1.000000e+01 : f32
        %lt3A_917 = vector.broadcast %lt3A_916 : f32 to vector<16xf32>
        %lt3A_918 = arith.cmpf olt, %abs3A_915, %lt3A_917 : vector<16xf32>
        %select_n3A_919 = arith.select %lt3A_918, %add3A_914, %get3A_225 : vector<16xi1>, vector<16xf32>
        %gather3A_920 = tpu.vector_load_idx %arg8[%select_n3A_585] : memref<98304xf32, #tpu.memory_space<vmem>>[vector<16xi32>], vector<16xf32>,
        %add3A_921 = arith.constant 8192 : i32
        %add3A_922 = vector.broadcast %add3A_921 : i32 to vector<16xi32>
        %add3A_923 = arith.addi %select_n3A_585, %add3A_922 : vector<16xi32>
        %gather3A_924 = tpu.vector_load_idx %arg8[%add3A_923] : memref<98304xf32, #tpu.memory_space<vmem>>[vector<16xi32>], vector<16xf32>,
        %add3A_925 = arith.constant 16384 : i32
        %add3A_926 = vector.broadcast %add3A_925 : i32 to vector<16xi32>
        %add3A_927 = arith.addi %select_n3A_585, %add3A_926 : vector<16xi32>
        %gather3A_928 = tpu.vector_load_idx %arg8[%add3A_927] : memref<98304xf32, #tpu.memory_space<vmem>>[vector<16xi32>], vector<16xf32>,
        %add3A_929 = arith.constant 24576 : i32
        %add3A_930 = vector.broadcast %add3A_929 : i32 to vector<16xi32>
        %add3A_931 = arith.addi %select_n3A_585, %add3A_930 : vector<16xi32>
        %gather3A_932 = tpu.vector_load_idx %arg8[%add3A_931] : memref<98304xf32, #tpu.memory_space<vmem>>[vector<16xi32>], vector<16xf32>,
        %add3A_933 = arith.constant 32768 : i32
        %add3A_934 = vector.broadcast %add3A_933 : i32 to vector<16xi32>
        %add3A_935 = arith.addi %select_n3A_585, %add3A_934 : vector<16xi32>
        %gather3A_936 = tpu.vector_load_idx %arg8[%add3A_935] : memref<98304xf32, #tpu.memory_space<vmem>>[vector<16xi32>], vector<16xf32>,
        %add3A_937 = arith.constant 40960 : i32
        %add3A_938 = vector.broadcast %add3A_937 : i32 to vector<16xi32>
        %add3A_939 = arith.addi %select_n3A_585, %add3A_938 : vector<16xi32>
        %gather3A_940 = tpu.vector_load_idx %arg8[%add3A_939] : memref<98304xf32, #tpu.memory_space<vmem>>[vector<16xi32>], vector<16xf32>,
        %mul3A_941 = arith.mulf %gather3A_932, %gather3A_924 : vector<16xf32>
        %sub3A_942 = arith.subf %min3A_276, %gather3A_920 : vector<16xf32>
        %mul3A_943 = arith.mulf %sub3A_942, %gather3A_924 : vector<16xf32>
        %max3A_944 = arith.constant 0.000000e+00 : f32
        %max3A_945 = vector.broadcast %max3A_944 : f32 to vector<16xf32>
        %max3A_946 = arith.maximumf %mul3A_943, %max3A_945 : vector<16xf32>
        %min3A_947 = arith.constant 1.000000e+00 : f32
        %min3A_948 = vector.broadcast %min3A_947 : f32 to vector<16xf32>
        %min3A_949 = arith.minimumf %max3A_946, %min3A_948 : vector<16xf32>
        %sub3A_950 = arith.constant 1.000000e+00 : f32
        %sub3A_951 = vector.broadcast %sub3A_950 : f32 to vector<16xf32>
        %sub3A_952 = arith.subf %sub3A_951, %min3A_949 : vector<16xf32>
        %mul3A_953 = arith.mulf %gather3A_932, %min3A_949 : vector<16xf32>
        %mul3A_954 = arith.mulf %mul3A_941, %min3A_949 : vector<16xf32>
        %mul3A_955 = arith.mulf %gather3A_936, %sub3A_952 : vector<16xf32>
        %add3A_956 = arith.addf %mul3A_954, %mul3A_955 : vector<16xf32>
        %mul3A_957 = arith.mulf %mul3A_953, %add3A_956 : vector<16xf32>
        %mul3A_958 = arith.mulf %min3A_949, %sub3A_952 : vector<16xf32>
        %mul3A_959 = arith.mulf %gather3A_940, %mul3A_958 : vector<16xf32>
        %add3A_960 = arith.addf %mul3A_941, %mul3A_959 : vector<16xf32>
        %div3A_961 = arith.divf %mul3A_957, %add3A_960 : vector<16xf32>
        %add3A_962 = arith.addf %gather3A_928, %div3A_961 : vector<16xf32>
        %abs3A_963 = math.absf %get3A_230 : vector<16xf32>
        %lt3A_964 = arith.constant 1.000000e+01 : f32
        %lt3A_965 = vector.broadcast %lt3A_964 : f32 to vector<16xf32>
        %lt3A_966 = arith.cmpf olt, %abs3A_963, %lt3A_965 : vector<16xf32>
        %select_n3A_967 = arith.select %lt3A_966, %add3A_962, %get3A_230 : vector<16xi1>, vector<16xf32>
        %max3A_968 = arith.constant -1.000000e+01 : f32
        %max3A_969 = vector.broadcast %max3A_968 : f32 to vector<16xf32>
        %max3A_970 = arith.maximumf %select_n3A_631, %max3A_969 : vector<16xf32>
        %min3A_971 = arith.constant 1.000000e+01 : f32
        %min3A_972 = vector.broadcast %min3A_971 : f32 to vector<16xf32>
        %min3A_973 = arith.minimumf %max3A_970, %min3A_972 : vector<16xf32>
        %max3A_974 = arith.constant -1.000000e+01 : f32
        %max3A_975 = vector.broadcast %max3A_974 : f32 to vector<16xf32>
        %max3A_976 = arith.maximumf %select_n3A_679, %max3A_975 : vector<16xf32>
        %min3A_977 = arith.constant 1.000000e+01 : f32
        %min3A_978 = vector.broadcast %min3A_977 : f32 to vector<16xf32>
        %min3A_979 = arith.minimumf %max3A_976, %min3A_978 : vector<16xf32>
        %max3A_980 = arith.constant -1.000000e+01 : f32
        %max3A_981 = vector.broadcast %max3A_980 : f32 to vector<16xf32>
        %max3A_982 = arith.maximumf %select_n3A_727, %max3A_981 : vector<16xf32>
        %min3A_983 = arith.constant 1.000000e+01 : f32
        %min3A_984 = vector.broadcast %min3A_983 : f32 to vector<16xf32>
        %min3A_985 = arith.minimumf %max3A_982, %min3A_984 : vector<16xf32>
        %max3A_986 = arith.constant -1.000000e+01 : f32
        %max3A_987 = vector.broadcast %max3A_986 : f32 to vector<16xf32>
        %max3A_988 = arith.maximumf %select_n3A_775, %max3A_987 : vector<16xf32>
        %min3A_989 = arith.constant 1.000000e+01 : f32
        %min3A_990 = vector.broadcast %min3A_989 : f32 to vector<16xf32>
        %min3A_991 = arith.minimumf %max3A_988, %min3A_990 : vector<16xf32>
        %max3A_992 = arith.constant -1.000000e+01 : f32
        %max3A_993 = vector.broadcast %max3A_992 : f32 to vector<16xf32>
        %max3A_994 = arith.maximumf %select_n3A_823, %max3A_993 : vector<16xf32>
        %min3A_995 = arith.constant 1.000000e+01 : f32
        %min3A_996 = vector.broadcast %min3A_995 : f32 to vector<16xf32>
        %min3A_997 = arith.minimumf %max3A_994, %min3A_996 : vector<16xf32>
        %max3A_998 = arith.constant -1.000000e+01 : f32
        %max3A_999 = vector.broadcast %max3A_998 : f32 to vector<16xf32>
        %max3A_1000 = arith.maximumf %select_n3A_871, %max3A_999 : vector<16xf32>
        %min3A_1001 = arith.constant 1.000000e+01 : f32
        %min3A_1002 = vector.broadcast %min3A_1001 : f32 to vector<16xf32>
        %min3A_1003 = arith.minimumf %max3A_1000, %min3A_1002 : vector<16xf32>
        %max3A_1004 = arith.constant -1.000000e+01 : f32
        %max3A_1005 = vector.broadcast %max3A_1004 : f32 to vector<16xf32>
        %max3A_1006 = arith.maximumf %select_n3A_919, %max3A_1005 : vector<16xf32>
        %min3A_1007 = arith.constant 1.000000e+01 : f32
        %min3A_1008 = vector.broadcast %min3A_1007 : f32 to vector<16xf32>
        %min3A_1009 = arith.minimumf %max3A_1006, %min3A_1008 : vector<16xf32>
        %max3A_1010 = arith.constant -1.000000e+01 : f32
        %max3A_1011 = vector.broadcast %max3A_1010 : f32 to vector<16xf32>
        %max3A_1012 = arith.maximumf %select_n3A_967, %max3A_1011 : vector<16xf32>
        %min3A_1013 = arith.constant 1.000000e+01 : f32
        %min3A_1014 = vector.broadcast %min3A_1013 : f32 to vector<16xf32>
        %min3A_1015 = arith.minimumf %max3A_1012, %min3A_1014 : vector<16xf32>
        %add3A_1016 = arith.constant 49152 : i32
        %add3A_1017 = vector.broadcast %add3A_1016 : i32 to vector<16xi32>
        %add3A_1018 = arith.addi %iota3A, %add3A_1017 : vector<16xi32>
        %add3A_1019 = arith.constant 49168 : i32
        %add3A_1020 = vector.broadcast %add3A_1019 : i32 to vector<16xi32>
        %add3A_1021 = arith.addi %iota3A, %add3A_1020 : vector<16xi32>
        %add3A_1022 = arith.constant 49184 : i32
        %add3A_1023 = vector.broadcast %add3A_1022 : i32 to vector<16xi32>
        %add3A_1024 = arith.addi %iota3A, %add3A_1023 : vector<16xi32>
        %add3A_1025 = arith.constant 49200 : i32
        %add3A_1026 = vector.broadcast %add3A_1025 : i32 to vector<16xi32>
        %add3A_1027 = arith.addi %iota3A, %add3A_1026 : vector<16xi32>
        %add3A_1028 = arith.constant 49216 : i32
        %add3A_1029 = vector.broadcast %add3A_1028 : i32 to vector<16xi32>
        %add3A_1030 = arith.addi %iota3A, %add3A_1029 : vector<16xi32>
        %add3A_1031 = arith.constant 49232 : i32
        %add3A_1032 = vector.broadcast %add3A_1031 : i32 to vector<16xi32>
        %add3A_1033 = arith.addi %iota3A, %add3A_1032 : vector<16xi32>
        %add3A_1034 = arith.constant 49248 : i32
        %add3A_1035 = vector.broadcast %add3A_1034 : i32 to vector<16xi32>
        %add3A_1036 = arith.addi %iota3A, %add3A_1035 : vector<16xi32>
        %add3A_1037 = arith.constant 49264 : i32
        %add3A_1038 = vector.broadcast %add3A_1037 : i32 to vector<16xi32>
        %add3A_1039 = arith.addi %iota3A, %add3A_1038 : vector<16xi32>
        %add3A_1040 = arith.constant 4096 : i32
        %add3A_1041 = vector.broadcast %add3A_1040 : i32 to vector<16xi32>
        %add3A_1042 = arith.addi %add3A_1018, %add3A_1041 : vector<16xi32>
        %add3A_1043 = arith.constant 4096 : i32
        %add3A_1044 = vector.broadcast %add3A_1043 : i32 to vector<16xi32>
        %add3A_1045 = arith.addi %add3A_1021, %add3A_1044 : vector<16xi32>
        %add3A_1046 = arith.constant 4096 : i32
        %add3A_1047 = vector.broadcast %add3A_1046 : i32 to vector<16xi32>
        %add3A_1048 = arith.addi %add3A_1024, %add3A_1047 : vector<16xi32>
        %add3A_1049 = arith.constant 4096 : i32
        %add3A_1050 = vector.broadcast %add3A_1049 : i32 to vector<16xi32>
        %add3A_1051 = arith.addi %add3A_1027, %add3A_1050 : vector<16xi32>
        %add3A_1052 = arith.constant 4096 : i32
        %add3A_1053 = vector.broadcast %add3A_1052 : i32 to vector<16xi32>
        %add3A_1054 = arith.addi %add3A_1030, %add3A_1053 : vector<16xi32>
        %add3A_1055 = arith.constant 4096 : i32
        %add3A_1056 = vector.broadcast %add3A_1055 : i32 to vector<16xi32>
        %add3A_1057 = arith.addi %add3A_1033, %add3A_1056 : vector<16xi32>
        %add3A_1058 = arith.constant 4096 : i32
        %add3A_1059 = vector.broadcast %add3A_1058 : i32 to vector<16xi32>
        %add3A_1060 = arith.addi %add3A_1036, %add3A_1059 : vector<16xi32>
        %add3A_1061 = arith.constant 4096 : i32
        %add3A_1062 = vector.broadcast %add3A_1061 : i32 to vector<16xi32>
        %add3A_1063 = arith.addi %add3A_1039, %add3A_1062 : vector<16xi32>
        %gather3A_1064 = tpu.vector_load_idx %arg8[%add3A_1042] : memref<98304xf32, #tpu.memory_space<vmem>>[vector<16xi32>], vector<16xf32>,
        %gather3A_1065 = tpu.vector_load_idx %arg8[%add3A_1045] : memref<98304xf32, #tpu.memory_space<vmem>>[vector<16xi32>], vector<16xf32>,
        %gather3A_1066 = tpu.vector_load_idx %arg8[%add3A_1048] : memref<98304xf32, #tpu.memory_space<vmem>>[vector<16xi32>], vector<16xf32>,
        %gather3A_1067 = tpu.vector_load_idx %arg8[%add3A_1051] : memref<98304xf32, #tpu.memory_space<vmem>>[vector<16xi32>], vector<16xf32>,
        %gather3A_1068 = tpu.vector_load_idx %arg8[%add3A_1054] : memref<98304xf32, #tpu.memory_space<vmem>>[vector<16xi32>], vector<16xf32>,
        %gather3A_1069 = tpu.vector_load_idx %arg8[%add3A_1057] : memref<98304xf32, #tpu.memory_space<vmem>>[vector<16xi32>], vector<16xf32>,
        %gather3A_1070 = tpu.vector_load_idx %arg8[%add3A_1060] : memref<98304xf32, #tpu.memory_space<vmem>>[vector<16xi32>], vector<16xf32>,
        %gather3A_1071 = tpu.vector_load_idx %arg8[%add3A_1063] : memref<98304xf32, #tpu.memory_space<vmem>>[vector<16xi32>], vector<16xf32>,
        %ge3A_1072 = arith.cmpf oge, %min3A_973, %gather3A_1064 : vector<16xf32>
        %select_n3A_1073 = arith.select %ge3A_1072, %add3A_1042, %add3A_1018 : vector<16xi1>, vector<16xi32>
        %ge3A_1074 = arith.cmpf oge, %min3A_979, %gather3A_1065 : vector<16xf32>
        %select_n3A_1075 = arith.select %ge3A_1074, %add3A_1045, %add3A_1021 : vector<16xi1>, vector<16xi32>
        %ge3A_1076 = arith.cmpf oge, %min3A_985, %gather3A_1066 : vector<16xf32>
        %select_n3A_1077 = arith.select %ge3A_1076, %add3A_1048, %add3A_1024 : vector<16xi1>, vector<16xi32>
        %ge3A_1078 = arith.cmpf oge, %min3A_991, %gather3A_1067 : vector<16xf32>
        %select_n3A_1079 = arith.select %ge3A_1078, %add3A_1051, %add3A_1027 : vector<16xi1>, vector<16xi32>
        %ge3A_1080 = arith.cmpf oge, %min3A_997, %gather3A_1068 : vector<16xf32>
        %select_n3A_1081 = arith.select %ge3A_1080, %add3A_1054, %add3A_1030 : vector<16xi1>, vector<16xi32>
        %ge3A_1082 = arith.cmpf oge, %min3A_1003, %gather3A_1069 : vector<16xf32>
        %select_n3A_1083 = arith.select %ge3A_1082, %add3A_1057, %add3A_1033 : vector<16xi1>, vector<16xi32>
        %ge3A_1084 = arith.cmpf oge, %min3A_1009, %gather3A_1070 : vector<16xf32>
        %select_n3A_1085 = arith.select %ge3A_1084, %add3A_1060, %add3A_1036 : vector<16xi1>, vector<16xi32>
        %ge3A_1086 = arith.cmpf oge, %min3A_1015, %gather3A_1071 : vector<16xf32>
        %select_n3A_1087 = arith.select %ge3A_1086, %add3A_1063, %add3A_1039 : vector<16xi1>, vector<16xi32>
        %add3A_1088 = arith.constant 2048 : i32
        %add3A_1089 = vector.broadcast %add3A_1088 : i32 to vector<16xi32>
        %add3A_1090 = arith.addi %select_n3A_1073, %add3A_1089 : vector<16xi32>
        %add3A_1091 = arith.constant 2048 : i32
        %add3A_1092 = vector.broadcast %add3A_1091 : i32 to vector<16xi32>
        %add3A_1093 = arith.addi %select_n3A_1075, %add3A_1092 : vector<16xi32>
        %add3A_1094 = arith.constant 2048 : i32
        %add3A_1095 = vector.broadcast %add3A_1094 : i32 to vector<16xi32>
        %add3A_1096 = arith.addi %select_n3A_1077, %add3A_1095 : vector<16xi32>
        %add3A_1097 = arith.constant 2048 : i32
        %add3A_1098 = vector.broadcast %add3A_1097 : i32 to vector<16xi32>
        %add3A_1099 = arith.addi %select_n3A_1079, %add3A_1098 : vector<16xi32>
        %add3A_1100 = arith.constant 2048 : i32
        %add3A_1101 = vector.broadcast %add3A_1100 : i32 to vector<16xi32>
        %add3A_1102 = arith.addi %select_n3A_1081, %add3A_1101 : vector<16xi32>
        %add3A_1103 = arith.constant 2048 : i32
        %add3A_1104 = vector.broadcast %add3A_1103 : i32 to vector<16xi32>
        %add3A_1105 = arith.addi %select_n3A_1083, %add3A_1104 : vector<16xi32>
        %add3A_1106 = arith.constant 2048 : i32
        %add3A_1107 = vector.broadcast %add3A_1106 : i32 to vector<16xi32>
        %add3A_1108 = arith.addi %select_n3A_1085, %add3A_1107 : vector<16xi32>
        %add3A_1109 = arith.constant 2048 : i32
        %add3A_1110 = vector.broadcast %add3A_1109 : i32 to vector<16xi32>
        %add3A_1111 = arith.addi %select_n3A_1087, %add3A_1110 : vector<16xi32>
        %gather3A_1112 = tpu.vector_load_idx %arg8[%add3A_1090] : memref<98304xf32, #tpu.memory_space<vmem>>[vector<16xi32>], vector<16xf32>,
        %gather3A_1113 = tpu.vector_load_idx %arg8[%add3A_1093] : memref<98304xf32, #tpu.memory_space<vmem>>[vector<16xi32>], vector<16xf32>,
        %gather3A_1114 = tpu.vector_load_idx %arg8[%add3A_1096] : memref<98304xf32, #tpu.memory_space<vmem>>[vector<16xi32>], vector<16xf32>,
        %gather3A_1115 = tpu.vector_load_idx %arg8[%add3A_1099] : memref<98304xf32, #tpu.memory_space<vmem>>[vector<16xi32>], vector<16xf32>,
        %gather3A_1116 = tpu.vector_load_idx %arg8[%add3A_1102] : memref<98304xf32, #tpu.memory_space<vmem>>[vector<16xi32>], vector<16xf32>,
        %gather3A_1117 = tpu.vector_load_idx %arg8[%add3A_1105] : memref<98304xf32, #tpu.memory_space<vmem>>[vector<16xi32>], vector<16xf32>,
        %gather3A_1118 = tpu.vector_load_idx %arg8[%add3A_1108] : memref<98304xf32, #tpu.memory_space<vmem>>[vector<16xi32>], vector<16xf32>,
        %gather3A_1119 = tpu.vector_load_idx %arg8[%add3A_1111] : memref<98304xf32, #tpu.memory_space<vmem>>[vector<16xi32>], vector<16xf32>,
        %ge3A_1120 = arith.cmpf oge, %min3A_973, %gather3A_1112 : vector<16xf32>
        %select_n3A_1121 = arith.select %ge3A_1120, %add3A_1090, %select_n3A_1073 : vector<16xi1>, vector<16xi32>
        %ge3A_1122 = arith.cmpf oge, %min3A_979, %gather3A_1113 : vector<16xf32>
        %select_n3A_1123 = arith.select %ge3A_1122, %add3A_1093, %select_n3A_1075 : vector<16xi1>, vector<16xi32>
        %ge3A_1124 = arith.cmpf oge, %min3A_985, %gather3A_1114 : vector<16xf32>
        %select_n3A_1125 = arith.select %ge3A_1124, %add3A_1096, %select_n3A_1077 : vector<16xi1>, vector<16xi32>
        %ge3A_1126 = arith.cmpf oge, %min3A_991, %gather3A_1115 : vector<16xf32>
        %select_n3A_1127 = arith.select %ge3A_1126, %add3A_1099, %select_n3A_1079 : vector<16xi1>, vector<16xi32>
        %ge3A_1128 = arith.cmpf oge, %min3A_997, %gather3A_1116 : vector<16xf32>
        %select_n3A_1129 = arith.select %ge3A_1128, %add3A_1102, %select_n3A_1081 : vector<16xi1>, vector<16xi32>
        %ge3A_1130 = arith.cmpf oge, %min3A_1003, %gather3A_1117 : vector<16xf32>
        %select_n3A_1131 = arith.select %ge3A_1130, %add3A_1105, %select_n3A_1083 : vector<16xi1>, vector<16xi32>
        %ge3A_1132 = arith.cmpf oge, %min3A_1009, %gather3A_1118 : vector<16xf32>
        %select_n3A_1133 = arith.select %ge3A_1132, %add3A_1108, %select_n3A_1085 : vector<16xi1>, vector<16xi32>
        %ge3A_1134 = arith.cmpf oge, %min3A_1015, %gather3A_1119 : vector<16xf32>
        %select_n3A_1135 = arith.select %ge3A_1134, %add3A_1111, %select_n3A_1087 : vector<16xi1>, vector<16xi32>
        %add3A_1136 = arith.constant 1024 : i32
        %add3A_1137 = vector.broadcast %add3A_1136 : i32 to vector<16xi32>
        %add3A_1138 = arith.addi %select_n3A_1121, %add3A_1137 : vector<16xi32>
        %add3A_1139 = arith.constant 1024 : i32
        %add3A_1140 = vector.broadcast %add3A_1139 : i32 to vector<16xi32>
        %add3A_1141 = arith.addi %select_n3A_1123, %add3A_1140 : vector<16xi32>
        %add3A_1142 = arith.constant 1024 : i32
        %add3A_1143 = vector.broadcast %add3A_1142 : i32 to vector<16xi32>
        %add3A_1144 = arith.addi %select_n3A_1125, %add3A_1143 : vector<16xi32>
        %add3A_1145 = arith.constant 1024 : i32
        %add3A_1146 = vector.broadcast %add3A_1145 : i32 to vector<16xi32>
        %add3A_1147 = arith.addi %select_n3A_1127, %add3A_1146 : vector<16xi32>
        %add3A_1148 = arith.constant 1024 : i32
        %add3A_1149 = vector.broadcast %add3A_1148 : i32 to vector<16xi32>
        %add3A_1150 = arith.addi %select_n3A_1129, %add3A_1149 : vector<16xi32>
        %add3A_1151 = arith.constant 1024 : i32
        %add3A_1152 = vector.broadcast %add3A_1151 : i32 to vector<16xi32>
        %add3A_1153 = arith.addi %select_n3A_1131, %add3A_1152 : vector<16xi32>
        %add3A_1154 = arith.constant 1024 : i32
        %add3A_1155 = vector.broadcast %add3A_1154 : i32 to vector<16xi32>
        %add3A_1156 = arith.addi %select_n3A_1133, %add3A_1155 : vector<16xi32>
        %add3A_1157 = arith.constant 1024 : i32
        %add3A_1158 = vector.broadcast %add3A_1157 : i32 to vector<16xi32>
        %add3A_1159 = arith.addi %select_n3A_1135, %add3A_1158 : vector<16xi32>
        %gather3A_1160 = tpu.vector_load_idx %arg8[%add3A_1138] : memref<98304xf32, #tpu.memory_space<vmem>>[vector<16xi32>], vector<16xf32>,
        %gather3A_1161 = tpu.vector_load_idx %arg8[%add3A_1141] : memref<98304xf32, #tpu.memory_space<vmem>>[vector<16xi32>], vector<16xf32>,
        %gather3A_1162 = tpu.vector_load_idx %arg8[%add3A_1144] : memref<98304xf32, #tpu.memory_space<vmem>>[vector<16xi32>], vector<16xf32>,
        %gather3A_1163 = tpu.vector_load_idx %arg8[%add3A_1147] : memref<98304xf32, #tpu.memory_space<vmem>>[vector<16xi32>], vector<16xf32>,
        %gather3A_1164 = tpu.vector_load_idx %arg8[%add3A_1150] : memref<98304xf32, #tpu.memory_space<vmem>>[vector<16xi32>], vector<16xf32>,
        %gather3A_1165 = tpu.vector_load_idx %arg8[%add3A_1153] : memref<98304xf32, #tpu.memory_space<vmem>>[vector<16xi32>], vector<16xf32>,
        %gather3A_1166 = tpu.vector_load_idx %arg8[%add3A_1156] : memref<98304xf32, #tpu.memory_space<vmem>>[vector<16xi32>], vector<16xf32>,
        %gather3A_1167 = tpu.vector_load_idx %arg8[%add3A_1159] : memref<98304xf32, #tpu.memory_space<vmem>>[vector<16xi32>], vector<16xf32>,
        %ge3A_1168 = arith.cmpf oge, %min3A_973, %gather3A_1160 : vector<16xf32>
        %select_n3A_1169 = arith.select %ge3A_1168, %add3A_1138, %select_n3A_1121 : vector<16xi1>, vector<16xi32>
        %ge3A_1170 = arith.cmpf oge, %min3A_979, %gather3A_1161 : vector<16xf32>
        %select_n3A_1171 = arith.select %ge3A_1170, %add3A_1141, %select_n3A_1123 : vector<16xi1>, vector<16xi32>
        %ge3A_1172 = arith.cmpf oge, %min3A_985, %gather3A_1162 : vector<16xf32>
        %select_n3A_1173 = arith.select %ge3A_1172, %add3A_1144, %select_n3A_1125 : vector<16xi1>, vector<16xi32>
        %ge3A_1174 = arith.cmpf oge, %min3A_991, %gather3A_1163 : vector<16xf32>
        %select_n3A_1175 = arith.select %ge3A_1174, %add3A_1147, %select_n3A_1127 : vector<16xi1>, vector<16xi32>
        %ge3A_1176 = arith.cmpf oge, %min3A_997, %gather3A_1164 : vector<16xf32>
        %select_n3A_1177 = arith.select %ge3A_1176, %add3A_1150, %select_n3A_1129 : vector<16xi1>, vector<16xi32>
        %ge3A_1178 = arith.cmpf oge, %min3A_1003, %gather3A_1165 : vector<16xf32>
        %select_n3A_1179 = arith.select %ge3A_1178, %add3A_1153, %select_n3A_1131 : vector<16xi1>, vector<16xi32>
        %ge3A_1180 = arith.cmpf oge, %min3A_1009, %gather3A_1166 : vector<16xf32>
        %select_n3A_1181 = arith.select %ge3A_1180, %add3A_1156, %select_n3A_1133 : vector<16xi1>, vector<16xi32>
        %ge3A_1182 = arith.cmpf oge, %min3A_1015, %gather3A_1167 : vector<16xf32>
        %select_n3A_1183 = arith.select %ge3A_1182, %add3A_1159, %select_n3A_1135 : vector<16xi1>, vector<16xi32>
        %add3A_1184 = arith.constant 512 : i32
        %add3A_1185 = vector.broadcast %add3A_1184 : i32 to vector<16xi32>
        %add3A_1186 = arith.addi %select_n3A_1169, %add3A_1185 : vector<16xi32>
        %add3A_1187 = arith.constant 512 : i32
        %add3A_1188 = vector.broadcast %add3A_1187 : i32 to vector<16xi32>
        %add3A_1189 = arith.addi %select_n3A_1171, %add3A_1188 : vector<16xi32>
        %add3A_1190 = arith.constant 512 : i32
        %add3A_1191 = vector.broadcast %add3A_1190 : i32 to vector<16xi32>
        %add3A_1192 = arith.addi %select_n3A_1173, %add3A_1191 : vector<16xi32>
        %add3A_1193 = arith.constant 512 : i32
        %add3A_1194 = vector.broadcast %add3A_1193 : i32 to vector<16xi32>
        %add3A_1195 = arith.addi %select_n3A_1175, %add3A_1194 : vector<16xi32>
        %add3A_1196 = arith.constant 512 : i32
        %add3A_1197 = vector.broadcast %add3A_1196 : i32 to vector<16xi32>
        %add3A_1198 = arith.addi %select_n3A_1177, %add3A_1197 : vector<16xi32>
        %add3A_1199 = arith.constant 512 : i32
        %add3A_1200 = vector.broadcast %add3A_1199 : i32 to vector<16xi32>
        %add3A_1201 = arith.addi %select_n3A_1179, %add3A_1200 : vector<16xi32>
        %add3A_1202 = arith.constant 512 : i32
        %add3A_1203 = vector.broadcast %add3A_1202 : i32 to vector<16xi32>
        %add3A_1204 = arith.addi %select_n3A_1181, %add3A_1203 : vector<16xi32>
        %add3A_1205 = arith.constant 512 : i32
        %add3A_1206 = vector.broadcast %add3A_1205 : i32 to vector<16xi32>
        %add3A_1207 = arith.addi %select_n3A_1183, %add3A_1206 : vector<16xi32>
        %gather3A_1208 = tpu.vector_load_idx %arg8[%add3A_1186] : memref<98304xf32, #tpu.memory_space<vmem>>[vector<16xi32>], vector<16xf32>,
        %gather3A_1209 = tpu.vector_load_idx %arg8[%add3A_1189] : memref<98304xf32, #tpu.memory_space<vmem>>[vector<16xi32>], vector<16xf32>,
        %gather3A_1210 = tpu.vector_load_idx %arg8[%add3A_1192] : memref<98304xf32, #tpu.memory_space<vmem>>[vector<16xi32>], vector<16xf32>,
        %gather3A_1211 = tpu.vector_load_idx %arg8[%add3A_1195] : memref<98304xf32, #tpu.memory_space<vmem>>[vector<16xi32>], vector<16xf32>,
        %gather3A_1212 = tpu.vector_load_idx %arg8[%add3A_1198] : memref<98304xf32, #tpu.memory_space<vmem>>[vector<16xi32>], vector<16xf32>,
        %gather3A_1213 = tpu.vector_load_idx %arg8[%add3A_1201] : memref<98304xf32, #tpu.memory_space<vmem>>[vector<16xi32>], vector<16xf32>,
        %gather3A_1214 = tpu.vector_load_idx %arg8[%add3A_1204] : memref<98304xf32, #tpu.memory_space<vmem>>[vector<16xi32>], vector<16xf32>,
        %gather3A_1215 = tpu.vector_load_idx %arg8[%add3A_1207] : memref<98304xf32, #tpu.memory_space<vmem>>[vector<16xi32>], vector<16xf32>,
        %ge3A_1216 = arith.cmpf oge, %min3A_973, %gather3A_1208 : vector<16xf32>
        %select_n3A_1217 = arith.select %ge3A_1216, %add3A_1186, %select_n3A_1169 : vector<16xi1>, vector<16xi32>
        %ge3A_1218 = arith.cmpf oge, %min3A_979, %gather3A_1209 : vector<16xf32>
        %select_n3A_1219 = arith.select %ge3A_1218, %add3A_1189, %select_n3A_1171 : vector<16xi1>, vector<16xi32>
        %ge3A_1220 = arith.cmpf oge, %min3A_985, %gather3A_1210 : vector<16xf32>
        %select_n3A_1221 = arith.select %ge3A_1220, %add3A_1192, %select_n3A_1173 : vector<16xi1>, vector<16xi32>
        %ge3A_1222 = arith.cmpf oge, %min3A_991, %gather3A_1211 : vector<16xf32>
        %select_n3A_1223 = arith.select %ge3A_1222, %add3A_1195, %select_n3A_1175 : vector<16xi1>, vector<16xi32>
        %ge3A_1224 = arith.cmpf oge, %min3A_997, %gather3A_1212 : vector<16xf32>
        %select_n3A_1225 = arith.select %ge3A_1224, %add3A_1198, %select_n3A_1177 : vector<16xi1>, vector<16xi32>
        %ge3A_1226 = arith.cmpf oge, %min3A_1003, %gather3A_1213 : vector<16xf32>
        %select_n3A_1227 = arith.select %ge3A_1226, %add3A_1201, %select_n3A_1179 : vector<16xi1>, vector<16xi32>
        %ge3A_1228 = arith.cmpf oge, %min3A_1009, %gather3A_1214 : vector<16xf32>
        %select_n3A_1229 = arith.select %ge3A_1228, %add3A_1204, %select_n3A_1181 : vector<16xi1>, vector<16xi32>
        %ge3A_1230 = arith.cmpf oge, %min3A_1015, %gather3A_1215 : vector<16xf32>
        %select_n3A_1231 = arith.select %ge3A_1230, %add3A_1207, %select_n3A_1183 : vector<16xi1>, vector<16xi32>
        %add3A_1232 = arith.constant 256 : i32
        %add3A_1233 = vector.broadcast %add3A_1232 : i32 to vector<16xi32>
        %add3A_1234 = arith.addi %select_n3A_1217, %add3A_1233 : vector<16xi32>
        %add3A_1235 = arith.constant 256 : i32
        %add3A_1236 = vector.broadcast %add3A_1235 : i32 to vector<16xi32>
        %add3A_1237 = arith.addi %select_n3A_1219, %add3A_1236 : vector<16xi32>
        %add3A_1238 = arith.constant 256 : i32
        %add3A_1239 = vector.broadcast %add3A_1238 : i32 to vector<16xi32>
        %add3A_1240 = arith.addi %select_n3A_1221, %add3A_1239 : vector<16xi32>
        %add3A_1241 = arith.constant 256 : i32
        %add3A_1242 = vector.broadcast %add3A_1241 : i32 to vector<16xi32>
        %add3A_1243 = arith.addi %select_n3A_1223, %add3A_1242 : vector<16xi32>
        %add3A_1244 = arith.constant 256 : i32
        %add3A_1245 = vector.broadcast %add3A_1244 : i32 to vector<16xi32>
        %add3A_1246 = arith.addi %select_n3A_1225, %add3A_1245 : vector<16xi32>
        %add3A_1247 = arith.constant 256 : i32
        %add3A_1248 = vector.broadcast %add3A_1247 : i32 to vector<16xi32>
        %add3A_1249 = arith.addi %select_n3A_1227, %add3A_1248 : vector<16xi32>
        %add3A_1250 = arith.constant 256 : i32
        %add3A_1251 = vector.broadcast %add3A_1250 : i32 to vector<16xi32>
        %add3A_1252 = arith.addi %select_n3A_1229, %add3A_1251 : vector<16xi32>
        %add3A_1253 = arith.constant 256 : i32
        %add3A_1254 = vector.broadcast %add3A_1253 : i32 to vector<16xi32>
        %add3A_1255 = arith.addi %select_n3A_1231, %add3A_1254 : vector<16xi32>
        %gather3A_1256 = tpu.vector_load_idx %arg8[%add3A_1234] : memref<98304xf32, #tpu.memory_space<vmem>>[vector<16xi32>], vector<16xf32>,
        %gather3A_1257 = tpu.vector_load_idx %arg8[%add3A_1237] : memref<98304xf32, #tpu.memory_space<vmem>>[vector<16xi32>], vector<16xf32>,
        %gather3A_1258 = tpu.vector_load_idx %arg8[%add3A_1240] : memref<98304xf32, #tpu.memory_space<vmem>>[vector<16xi32>], vector<16xf32>,
        %gather3A_1259 = tpu.vector_load_idx %arg8[%add3A_1243] : memref<98304xf32, #tpu.memory_space<vmem>>[vector<16xi32>], vector<16xf32>,
        %gather3A_1260 = tpu.vector_load_idx %arg8[%add3A_1246] : memref<98304xf32, #tpu.memory_space<vmem>>[vector<16xi32>], vector<16xf32>,
        %gather3A_1261 = tpu.vector_load_idx %arg8[%add3A_1249] : memref<98304xf32, #tpu.memory_space<vmem>>[vector<16xi32>], vector<16xf32>,
        %gather3A_1262 = tpu.vector_load_idx %arg8[%add3A_1252] : memref<98304xf32, #tpu.memory_space<vmem>>[vector<16xi32>], vector<16xf32>,
        %gather3A_1263 = tpu.vector_load_idx %arg8[%add3A_1255] : memref<98304xf32, #tpu.memory_space<vmem>>[vector<16xi32>], vector<16xf32>,
        %ge3A_1264 = arith.cmpf oge, %min3A_973, %gather3A_1256 : vector<16xf32>
        %select_n3A_1265 = arith.select %ge3A_1264, %add3A_1234, %select_n3A_1217 : vector<16xi1>, vector<16xi32>
        %ge3A_1266 = arith.cmpf oge, %min3A_979, %gather3A_1257 : vector<16xf32>
        %select_n3A_1267 = arith.select %ge3A_1266, %add3A_1237, %select_n3A_1219 : vector<16xi1>, vector<16xi32>
        %ge3A_1268 = arith.cmpf oge, %min3A_985, %gather3A_1258 : vector<16xf32>
        %select_n3A_1269 = arith.select %ge3A_1268, %add3A_1240, %select_n3A_1221 : vector<16xi1>, vector<16xi32>
        %ge3A_1270 = arith.cmpf oge, %min3A_991, %gather3A_1259 : vector<16xf32>
        %select_n3A_1271 = arith.select %ge3A_1270, %add3A_1243, %select_n3A_1223 : vector<16xi1>, vector<16xi32>
        %ge3A_1272 = arith.cmpf oge, %min3A_997, %gather3A_1260 : vector<16xf32>
        %select_n3A_1273 = arith.select %ge3A_1272, %add3A_1246, %select_n3A_1225 : vector<16xi1>, vector<16xi32>
        %ge3A_1274 = arith.cmpf oge, %min3A_1003, %gather3A_1261 : vector<16xf32>
        %select_n3A_1275 = arith.select %ge3A_1274, %add3A_1249, %select_n3A_1227 : vector<16xi1>, vector<16xi32>
        %ge3A_1276 = arith.cmpf oge, %min3A_1009, %gather3A_1262 : vector<16xf32>
        %select_n3A_1277 = arith.select %ge3A_1276, %add3A_1252, %select_n3A_1229 : vector<16xi1>, vector<16xi32>
        %ge3A_1278 = arith.cmpf oge, %min3A_1015, %gather3A_1263 : vector<16xf32>
        %select_n3A_1279 = arith.select %ge3A_1278, %add3A_1255, %select_n3A_1231 : vector<16xi1>, vector<16xi32>
        %add3A_1280 = arith.constant 128 : i32
        %add3A_1281 = vector.broadcast %add3A_1280 : i32 to vector<16xi32>
        %add3A_1282 = arith.addi %select_n3A_1265, %add3A_1281 : vector<16xi32>
        %add3A_1283 = arith.constant 128 : i32
        %add3A_1284 = vector.broadcast %add3A_1283 : i32 to vector<16xi32>
        %add3A_1285 = arith.addi %select_n3A_1267, %add3A_1284 : vector<16xi32>
        %add3A_1286 = arith.constant 128 : i32
        %add3A_1287 = vector.broadcast %add3A_1286 : i32 to vector<16xi32>
        %add3A_1288 = arith.addi %select_n3A_1269, %add3A_1287 : vector<16xi32>
        %add3A_1289 = arith.constant 128 : i32
        %add3A_1290 = vector.broadcast %add3A_1289 : i32 to vector<16xi32>
        %add3A_1291 = arith.addi %select_n3A_1271, %add3A_1290 : vector<16xi32>
        %add3A_1292 = arith.constant 128 : i32
        %add3A_1293 = vector.broadcast %add3A_1292 : i32 to vector<16xi32>
        %add3A_1294 = arith.addi %select_n3A_1273, %add3A_1293 : vector<16xi32>
        %add3A_1295 = arith.constant 128 : i32
        %add3A_1296 = vector.broadcast %add3A_1295 : i32 to vector<16xi32>
        %add3A_1297 = arith.addi %select_n3A_1275, %add3A_1296 : vector<16xi32>
        %add3A_1298 = arith.constant 128 : i32
        %add3A_1299 = vector.broadcast %add3A_1298 : i32 to vector<16xi32>
        %add3A_1300 = arith.addi %select_n3A_1277, %add3A_1299 : vector<16xi32>
        %add3A_1301 = arith.constant 128 : i32
        %add3A_1302 = vector.broadcast %add3A_1301 : i32 to vector<16xi32>
        %add3A_1303 = arith.addi %select_n3A_1279, %add3A_1302 : vector<16xi32>
        %gather3A_1304 = tpu.vector_load_idx %arg8[%add3A_1282] : memref<98304xf32, #tpu.memory_space<vmem>>[vector<16xi32>], vector<16xf32>,
        %gather3A_1305 = tpu.vector_load_idx %arg8[%add3A_1285] : memref<98304xf32, #tpu.memory_space<vmem>>[vector<16xi32>], vector<16xf32>,
        %gather3A_1306 = tpu.vector_load_idx %arg8[%add3A_1288] : memref<98304xf32, #tpu.memory_space<vmem>>[vector<16xi32>], vector<16xf32>,
        %gather3A_1307 = tpu.vector_load_idx %arg8[%add3A_1291] : memref<98304xf32, #tpu.memory_space<vmem>>[vector<16xi32>], vector<16xf32>,
        %gather3A_1308 = tpu.vector_load_idx %arg8[%add3A_1294] : memref<98304xf32, #tpu.memory_space<vmem>>[vector<16xi32>], vector<16xf32>,
        %gather3A_1309 = tpu.vector_load_idx %arg8[%add3A_1297] : memref<98304xf32, #tpu.memory_space<vmem>>[vector<16xi32>], vector<16xf32>,
        %gather3A_1310 = tpu.vector_load_idx %arg8[%add3A_1300] : memref<98304xf32, #tpu.memory_space<vmem>>[vector<16xi32>], vector<16xf32>,
        %gather3A_1311 = tpu.vector_load_idx %arg8[%add3A_1303] : memref<98304xf32, #tpu.memory_space<vmem>>[vector<16xi32>], vector<16xf32>,
        %ge3A_1312 = arith.cmpf oge, %min3A_973, %gather3A_1304 : vector<16xf32>
        %select_n3A_1313 = arith.select %ge3A_1312, %add3A_1282, %select_n3A_1265 : vector<16xi1>, vector<16xi32>
        %ge3A_1314 = arith.cmpf oge, %min3A_979, %gather3A_1305 : vector<16xf32>
        %select_n3A_1315 = arith.select %ge3A_1314, %add3A_1285, %select_n3A_1267 : vector<16xi1>, vector<16xi32>
        %ge3A_1316 = arith.cmpf oge, %min3A_985, %gather3A_1306 : vector<16xf32>
        %select_n3A_1317 = arith.select %ge3A_1316, %add3A_1288, %select_n3A_1269 : vector<16xi1>, vector<16xi32>
        %ge3A_1318 = arith.cmpf oge, %min3A_991, %gather3A_1307 : vector<16xf32>
        %select_n3A_1319 = arith.select %ge3A_1318, %add3A_1291, %select_n3A_1271 : vector<16xi1>, vector<16xi32>
        %ge3A_1320 = arith.cmpf oge, %min3A_997, %gather3A_1308 : vector<16xf32>
        %select_n3A_1321 = arith.select %ge3A_1320, %add3A_1294, %select_n3A_1273 : vector<16xi1>, vector<16xi32>
        %ge3A_1322 = arith.cmpf oge, %min3A_1003, %gather3A_1309 : vector<16xf32>
        %select_n3A_1323 = arith.select %ge3A_1322, %add3A_1297, %select_n3A_1275 : vector<16xi1>, vector<16xi32>
        %ge3A_1324 = arith.cmpf oge, %min3A_1009, %gather3A_1310 : vector<16xf32>
        %select_n3A_1325 = arith.select %ge3A_1324, %add3A_1300, %select_n3A_1277 : vector<16xi1>, vector<16xi32>
        %ge3A_1326 = arith.cmpf oge, %min3A_1015, %gather3A_1311 : vector<16xf32>
        %select_n3A_1327 = arith.select %ge3A_1326, %add3A_1303, %select_n3A_1279 : vector<16xi1>, vector<16xi32>
        %gather3A_1328 = tpu.vector_load_idx %arg8[%select_n3A_1313] : memref<98304xf32, #tpu.memory_space<vmem>>[vector<16xi32>], vector<16xf32>,
        %add3A_1329 = arith.constant 8192 : i32
        %add3A_1330 = vector.broadcast %add3A_1329 : i32 to vector<16xi32>
        %add3A_1331 = arith.addi %select_n3A_1313, %add3A_1330 : vector<16xi32>
        %gather3A_1332 = tpu.vector_load_idx %arg8[%add3A_1331] : memref<98304xf32, #tpu.memory_space<vmem>>[vector<16xi32>], vector<16xf32>,
        %add3A_1333 = arith.constant 16384 : i32
        %add3A_1334 = vector.broadcast %add3A_1333 : i32 to vector<16xi32>
        %add3A_1335 = arith.addi %select_n3A_1313, %add3A_1334 : vector<16xi32>
        %gather3A_1336 = tpu.vector_load_idx %arg8[%add3A_1335] : memref<98304xf32, #tpu.memory_space<vmem>>[vector<16xi32>], vector<16xf32>,
        %add3A_1337 = arith.constant 24576 : i32
        %add3A_1338 = vector.broadcast %add3A_1337 : i32 to vector<16xi32>
        %add3A_1339 = arith.addi %select_n3A_1313, %add3A_1338 : vector<16xi32>
        %gather3A_1340 = tpu.vector_load_idx %arg8[%add3A_1339] : memref<98304xf32, #tpu.memory_space<vmem>>[vector<16xi32>], vector<16xf32>,
        %add3A_1341 = arith.constant 32768 : i32
        %add3A_1342 = vector.broadcast %add3A_1341 : i32 to vector<16xi32>
        %add3A_1343 = arith.addi %select_n3A_1313, %add3A_1342 : vector<16xi32>
        %gather3A_1344 = tpu.vector_load_idx %arg8[%add3A_1343] : memref<98304xf32, #tpu.memory_space<vmem>>[vector<16xi32>], vector<16xf32>,
        %add3A_1345 = arith.constant 40960 : i32
        %add3A_1346 = vector.broadcast %add3A_1345 : i32 to vector<16xi32>
        %add3A_1347 = arith.addi %select_n3A_1313, %add3A_1346 : vector<16xi32>
        %gather3A_1348 = tpu.vector_load_idx %arg8[%add3A_1347] : memref<98304xf32, #tpu.memory_space<vmem>>[vector<16xi32>], vector<16xf32>,
        %mul3A_1349 = arith.mulf %gather3A_1340, %gather3A_1332 : vector<16xf32>
        %sub3A_1350 = arith.subf %min3A_973, %gather3A_1328 : vector<16xf32>
        %mul3A_1351 = arith.mulf %sub3A_1350, %gather3A_1332 : vector<16xf32>
        %max3A_1352 = arith.constant 0.000000e+00 : f32
        %max3A_1353 = vector.broadcast %max3A_1352 : f32 to vector<16xf32>
        %max3A_1354 = arith.maximumf %mul3A_1351, %max3A_1353 : vector<16xf32>
        %min3A_1355 = arith.constant 1.000000e+00 : f32
        %min3A_1356 = vector.broadcast %min3A_1355 : f32 to vector<16xf32>
        %min3A_1357 = arith.minimumf %max3A_1354, %min3A_1356 : vector<16xf32>
        %sub3A_1358 = arith.constant 1.000000e+00 : f32
        %sub3A_1359 = vector.broadcast %sub3A_1358 : f32 to vector<16xf32>
        %sub3A_1360 = arith.subf %sub3A_1359, %min3A_1357 : vector<16xf32>
        %mul3A_1361 = arith.mulf %gather3A_1340, %min3A_1357 : vector<16xf32>
        %mul3A_1362 = arith.mulf %mul3A_1349, %min3A_1357 : vector<16xf32>
        %mul3A_1363 = arith.mulf %gather3A_1344, %sub3A_1360 : vector<16xf32>
        %add3A_1364 = arith.addf %mul3A_1362, %mul3A_1363 : vector<16xf32>
        %mul3A_1365 = arith.mulf %mul3A_1361, %add3A_1364 : vector<16xf32>
        %mul3A_1366 = arith.mulf %min3A_1357, %sub3A_1360 : vector<16xf32>
        %mul3A_1367 = arith.mulf %gather3A_1348, %mul3A_1366 : vector<16xf32>
        %add3A_1368 = arith.addf %mul3A_1349, %mul3A_1367 : vector<16xf32>
        %div3A_1369 = arith.divf %mul3A_1365, %add3A_1368 : vector<16xf32>
        %add3A_1370 = arith.addf %gather3A_1336, %div3A_1369 : vector<16xf32>
        %abs3A_1371 = math.absf %select_n3A_631 : vector<16xf32>
        %lt3A_1372 = arith.constant 1.000000e+01 : f32
        %lt3A_1373 = vector.broadcast %lt3A_1372 : f32 to vector<16xf32>
        %lt3A_1374 = arith.cmpf olt, %abs3A_1371, %lt3A_1373 : vector<16xf32>
        %select_n3A_1375 = arith.select %lt3A_1374, %add3A_1370, %select_n3A_631 : vector<16xi1>, vector<16xf32>
        %gather3A_1376 = tpu.vector_load_idx %arg8[%select_n3A_1315] : memref<98304xf32, #tpu.memory_space<vmem>>[vector<16xi32>], vector<16xf32>,
        %add3A_1377 = arith.constant 8192 : i32
        %add3A_1378 = vector.broadcast %add3A_1377 : i32 to vector<16xi32>
        %add3A_1379 = arith.addi %select_n3A_1315, %add3A_1378 : vector<16xi32>
        %gather3A_1380 = tpu.vector_load_idx %arg8[%add3A_1379] : memref<98304xf32, #tpu.memory_space<vmem>>[vector<16xi32>], vector<16xf32>,
        %add3A_1381 = arith.constant 16384 : i32
        %add3A_1382 = vector.broadcast %add3A_1381 : i32 to vector<16xi32>
        %add3A_1383 = arith.addi %select_n3A_1315, %add3A_1382 : vector<16xi32>
        %gather3A_1384 = tpu.vector_load_idx %arg8[%add3A_1383] : memref<98304xf32, #tpu.memory_space<vmem>>[vector<16xi32>], vector<16xf32>,
        %add3A_1385 = arith.constant 24576 : i32
        %add3A_1386 = vector.broadcast %add3A_1385 : i32 to vector<16xi32>
        %add3A_1387 = arith.addi %select_n3A_1315, %add3A_1386 : vector<16xi32>
        %gather3A_1388 = tpu.vector_load_idx %arg8[%add3A_1387] : memref<98304xf32, #tpu.memory_space<vmem>>[vector<16xi32>], vector<16xf32>,
        %add3A_1389 = arith.constant 32768 : i32
        %add3A_1390 = vector.broadcast %add3A_1389 : i32 to vector<16xi32>
        %add3A_1391 = arith.addi %select_n3A_1315, %add3A_1390 : vector<16xi32>
        %gather3A_1392 = tpu.vector_load_idx %arg8[%add3A_1391] : memref<98304xf32, #tpu.memory_space<vmem>>[vector<16xi32>], vector<16xf32>,
        %add3A_1393 = arith.constant 40960 : i32
        %add3A_1394 = vector.broadcast %add3A_1393 : i32 to vector<16xi32>
        %add3A_1395 = arith.addi %select_n3A_1315, %add3A_1394 : vector<16xi32>
        %gather3A_1396 = tpu.vector_load_idx %arg8[%add3A_1395] : memref<98304xf32, #tpu.memory_space<vmem>>[vector<16xi32>], vector<16xf32>,
        %mul3A_1397 = arith.mulf %gather3A_1388, %gather3A_1380 : vector<16xf32>
        %sub3A_1398 = arith.subf %min3A_979, %gather3A_1376 : vector<16xf32>
        %mul3A_1399 = arith.mulf %sub3A_1398, %gather3A_1380 : vector<16xf32>
        %max3A_1400 = arith.constant 0.000000e+00 : f32
        %max3A_1401 = vector.broadcast %max3A_1400 : f32 to vector<16xf32>
        %max3A_1402 = arith.maximumf %mul3A_1399, %max3A_1401 : vector<16xf32>
        %min3A_1403 = arith.constant 1.000000e+00 : f32
        %min3A_1404 = vector.broadcast %min3A_1403 : f32 to vector<16xf32>
        %min3A_1405 = arith.minimumf %max3A_1402, %min3A_1404 : vector<16xf32>
        %sub3A_1406 = arith.constant 1.000000e+00 : f32
        %sub3A_1407 = vector.broadcast %sub3A_1406 : f32 to vector<16xf32>
        %sub3A_1408 = arith.subf %sub3A_1407, %min3A_1405 : vector<16xf32>
        %mul3A_1409 = arith.mulf %gather3A_1388, %min3A_1405 : vector<16xf32>
        %mul3A_1410 = arith.mulf %mul3A_1397, %min3A_1405 : vector<16xf32>
        %mul3A_1411 = arith.mulf %gather3A_1392, %sub3A_1408 : vector<16xf32>
        %add3A_1412 = arith.addf %mul3A_1410, %mul3A_1411 : vector<16xf32>
        %mul3A_1413 = arith.mulf %mul3A_1409, %add3A_1412 : vector<16xf32>
        %mul3A_1414 = arith.mulf %min3A_1405, %sub3A_1408 : vector<16xf32>
        %mul3A_1415 = arith.mulf %gather3A_1396, %mul3A_1414 : vector<16xf32>
        %add3A_1416 = arith.addf %mul3A_1397, %mul3A_1415 : vector<16xf32>
        %div3A_1417 = arith.divf %mul3A_1413, %add3A_1416 : vector<16xf32>
        %add3A_1418 = arith.addf %gather3A_1384, %div3A_1417 : vector<16xf32>
        %abs3A_1419 = math.absf %select_n3A_679 : vector<16xf32>
        %lt3A_1420 = arith.constant 1.000000e+01 : f32
        %lt3A_1421 = vector.broadcast %lt3A_1420 : f32 to vector<16xf32>
        %lt3A_1422 = arith.cmpf olt, %abs3A_1419, %lt3A_1421 : vector<16xf32>
        %select_n3A_1423 = arith.select %lt3A_1422, %add3A_1418, %select_n3A_679 : vector<16xi1>, vector<16xf32>
        %gather3A_1424 = tpu.vector_load_idx %arg8[%select_n3A_1317] : memref<98304xf32, #tpu.memory_space<vmem>>[vector<16xi32>], vector<16xf32>,
        %add3A_1425 = arith.constant 8192 : i32
        %add3A_1426 = vector.broadcast %add3A_1425 : i32 to vector<16xi32>
        %add3A_1427 = arith.addi %select_n3A_1317, %add3A_1426 : vector<16xi32>
        %gather3A_1428 = tpu.vector_load_idx %arg8[%add3A_1427] : memref<98304xf32, #tpu.memory_space<vmem>>[vector<16xi32>], vector<16xf32>,
        %add3A_1429 = arith.constant 16384 : i32
        %add3A_1430 = vector.broadcast %add3A_1429 : i32 to vector<16xi32>
        %add3A_1431 = arith.addi %select_n3A_1317, %add3A_1430 : vector<16xi32>
        %gather3A_1432 = tpu.vector_load_idx %arg8[%add3A_1431] : memref<98304xf32, #tpu.memory_space<vmem>>[vector<16xi32>], vector<16xf32>,
        %add3A_1433 = arith.constant 24576 : i32
        %add3A_1434 = vector.broadcast %add3A_1433 : i32 to vector<16xi32>
        %add3A_1435 = arith.addi %select_n3A_1317, %add3A_1434 : vector<16xi32>
        %gather3A_1436 = tpu.vector_load_idx %arg8[%add3A_1435] : memref<98304xf32, #tpu.memory_space<vmem>>[vector<16xi32>], vector<16xf32>,
        %add3A_1437 = arith.constant 32768 : i32
        %add3A_1438 = vector.broadcast %add3A_1437 : i32 to vector<16xi32>
        %add3A_1439 = arith.addi %select_n3A_1317, %add3A_1438 : vector<16xi32>
        %gather3A_1440 = tpu.vector_load_idx %arg8[%add3A_1439] : memref<98304xf32, #tpu.memory_space<vmem>>[vector<16xi32>], vector<16xf32>,
        %add3A_1441 = arith.constant 40960 : i32
        %add3A_1442 = vector.broadcast %add3A_1441 : i32 to vector<16xi32>
        %add3A_1443 = arith.addi %select_n3A_1317, %add3A_1442 : vector<16xi32>
        %gather3A_1444 = tpu.vector_load_idx %arg8[%add3A_1443] : memref<98304xf32, #tpu.memory_space<vmem>>[vector<16xi32>], vector<16xf32>,
        %mul3A_1445 = arith.mulf %gather3A_1436, %gather3A_1428 : vector<16xf32>
        %sub3A_1446 = arith.subf %min3A_985, %gather3A_1424 : vector<16xf32>
        %mul3A_1447 = arith.mulf %sub3A_1446, %gather3A_1428 : vector<16xf32>
        %max3A_1448 = arith.constant 0.000000e+00 : f32
        %max3A_1449 = vector.broadcast %max3A_1448 : f32 to vector<16xf32>
        %max3A_1450 = arith.maximumf %mul3A_1447, %max3A_1449 : vector<16xf32>
        %min3A_1451 = arith.constant 1.000000e+00 : f32
        %min3A_1452 = vector.broadcast %min3A_1451 : f32 to vector<16xf32>
        %min3A_1453 = arith.minimumf %max3A_1450, %min3A_1452 : vector<16xf32>
        %sub3A_1454 = arith.constant 1.000000e+00 : f32
        %sub3A_1455 = vector.broadcast %sub3A_1454 : f32 to vector<16xf32>
        %sub3A_1456 = arith.subf %sub3A_1455, %min3A_1453 : vector<16xf32>
        %mul3A_1457 = arith.mulf %gather3A_1436, %min3A_1453 : vector<16xf32>
        %mul3A_1458 = arith.mulf %mul3A_1445, %min3A_1453 : vector<16xf32>
        %mul3A_1459 = arith.mulf %gather3A_1440, %sub3A_1456 : vector<16xf32>
        %add3A_1460 = arith.addf %mul3A_1458, %mul3A_1459 : vector<16xf32>
        %mul3A_1461 = arith.mulf %mul3A_1457, %add3A_1460 : vector<16xf32>
        %mul3A_1462 = arith.mulf %min3A_1453, %sub3A_1456 : vector<16xf32>
        %mul3A_1463 = arith.mulf %gather3A_1444, %mul3A_1462 : vector<16xf32>
        %add3A_1464 = arith.addf %mul3A_1445, %mul3A_1463 : vector<16xf32>
        %div3A_1465 = arith.divf %mul3A_1461, %add3A_1464 : vector<16xf32>
        %add3A_1466 = arith.addf %gather3A_1432, %div3A_1465 : vector<16xf32>
        %abs3A_1467 = math.absf %select_n3A_727 : vector<16xf32>
        %lt3A_1468 = arith.constant 1.000000e+01 : f32
        %lt3A_1469 = vector.broadcast %lt3A_1468 : f32 to vector<16xf32>
        %lt3A_1470 = arith.cmpf olt, %abs3A_1467, %lt3A_1469 : vector<16xf32>
        %select_n3A_1471 = arith.select %lt3A_1470, %add3A_1466, %select_n3A_727 : vector<16xi1>, vector<16xf32>
        %gather3A_1472 = tpu.vector_load_idx %arg8[%select_n3A_1319] : memref<98304xf32, #tpu.memory_space<vmem>>[vector<16xi32>], vector<16xf32>,
        %add3A_1473 = arith.constant 8192 : i32
        %add3A_1474 = vector.broadcast %add3A_1473 : i32 to vector<16xi32>
        %add3A_1475 = arith.addi %select_n3A_1319, %add3A_1474 : vector<16xi32>
        %gather3A_1476 = tpu.vector_load_idx %arg8[%add3A_1475] : memref<98304xf32, #tpu.memory_space<vmem>>[vector<16xi32>], vector<16xf32>,
        %add3A_1477 = arith.constant 16384 : i32
        %add3A_1478 = vector.broadcast %add3A_1477 : i32 to vector<16xi32>
        %add3A_1479 = arith.addi %select_n3A_1319, %add3A_1478 : vector<16xi32>
        %gather3A_1480 = tpu.vector_load_idx %arg8[%add3A_1479] : memref<98304xf32, #tpu.memory_space<vmem>>[vector<16xi32>], vector<16xf32>,
        %add3A_1481 = arith.constant 24576 : i32
        %add3A_1482 = vector.broadcast %add3A_1481 : i32 to vector<16xi32>
        %add3A_1483 = arith.addi %select_n3A_1319, %add3A_1482 : vector<16xi32>
        %gather3A_1484 = tpu.vector_load_idx %arg8[%add3A_1483] : memref<98304xf32, #tpu.memory_space<vmem>>[vector<16xi32>], vector<16xf32>,
        %add3A_1485 = arith.constant 32768 : i32
        %add3A_1486 = vector.broadcast %add3A_1485 : i32 to vector<16xi32>
        %add3A_1487 = arith.addi %select_n3A_1319, %add3A_1486 : vector<16xi32>
        %gather3A_1488 = tpu.vector_load_idx %arg8[%add3A_1487] : memref<98304xf32, #tpu.memory_space<vmem>>[vector<16xi32>], vector<16xf32>,
        %add3A_1489 = arith.constant 40960 : i32
        %add3A_1490 = vector.broadcast %add3A_1489 : i32 to vector<16xi32>
        %add3A_1491 = arith.addi %select_n3A_1319, %add3A_1490 : vector<16xi32>
        %gather3A_1492 = tpu.vector_load_idx %arg8[%add3A_1491] : memref<98304xf32, #tpu.memory_space<vmem>>[vector<16xi32>], vector<16xf32>,
        %mul3A_1493 = arith.mulf %gather3A_1484, %gather3A_1476 : vector<16xf32>
        %sub3A_1494 = arith.subf %min3A_991, %gather3A_1472 : vector<16xf32>
        %mul3A_1495 = arith.mulf %sub3A_1494, %gather3A_1476 : vector<16xf32>
        %max3A_1496 = arith.constant 0.000000e+00 : f32
        %max3A_1497 = vector.broadcast %max3A_1496 : f32 to vector<16xf32>
        %max3A_1498 = arith.maximumf %mul3A_1495, %max3A_1497 : vector<16xf32>
        %min3A_1499 = arith.constant 1.000000e+00 : f32
        %min3A_1500 = vector.broadcast %min3A_1499 : f32 to vector<16xf32>
        %min3A_1501 = arith.minimumf %max3A_1498, %min3A_1500 : vector<16xf32>
        %sub3A_1502 = arith.constant 1.000000e+00 : f32
        %sub3A_1503 = vector.broadcast %sub3A_1502 : f32 to vector<16xf32>
        %sub3A_1504 = arith.subf %sub3A_1503, %min3A_1501 : vector<16xf32>
        %mul3A_1505 = arith.mulf %gather3A_1484, %min3A_1501 : vector<16xf32>
        %mul3A_1506 = arith.mulf %mul3A_1493, %min3A_1501 : vector<16xf32>
        %mul3A_1507 = arith.mulf %gather3A_1488, %sub3A_1504 : vector<16xf32>
        %add3A_1508 = arith.addf %mul3A_1506, %mul3A_1507 : vector<16xf32>
        %mul3A_1509 = arith.mulf %mul3A_1505, %add3A_1508 : vector<16xf32>
        %mul3A_1510 = arith.mulf %min3A_1501, %sub3A_1504 : vector<16xf32>
        %mul3A_1511 = arith.mulf %gather3A_1492, %mul3A_1510 : vector<16xf32>
        %add3A_1512 = arith.addf %mul3A_1493, %mul3A_1511 : vector<16xf32>
        %div3A_1513 = arith.divf %mul3A_1509, %add3A_1512 : vector<16xf32>
        %add3A_1514 = arith.addf %gather3A_1480, %div3A_1513 : vector<16xf32>
        %abs3A_1515 = math.absf %select_n3A_775 : vector<16xf32>
        %lt3A_1516 = arith.constant 1.000000e+01 : f32
        %lt3A_1517 = vector.broadcast %lt3A_1516 : f32 to vector<16xf32>
        %lt3A_1518 = arith.cmpf olt, %abs3A_1515, %lt3A_1517 : vector<16xf32>
        %select_n3A_1519 = arith.select %lt3A_1518, %add3A_1514, %select_n3A_775 : vector<16xi1>, vector<16xf32>
        %gather3A_1520 = tpu.vector_load_idx %arg8[%select_n3A_1321] : memref<98304xf32, #tpu.memory_space<vmem>>[vector<16xi32>], vector<16xf32>,
        %add3A_1521 = arith.constant 8192 : i32
        %add3A_1522 = vector.broadcast %add3A_1521 : i32 to vector<16xi32>
        %add3A_1523 = arith.addi %select_n3A_1321, %add3A_1522 : vector<16xi32>
        %gather3A_1524 = tpu.vector_load_idx %arg8[%add3A_1523] : memref<98304xf32, #tpu.memory_space<vmem>>[vector<16xi32>], vector<16xf32>,
        %add3A_1525 = arith.constant 16384 : i32
        %add3A_1526 = vector.broadcast %add3A_1525 : i32 to vector<16xi32>
        %add3A_1527 = arith.addi %select_n3A_1321, %add3A_1526 : vector<16xi32>
        %gather3A_1528 = tpu.vector_load_idx %arg8[%add3A_1527] : memref<98304xf32, #tpu.memory_space<vmem>>[vector<16xi32>], vector<16xf32>,
        %add3A_1529 = arith.constant 24576 : i32
        %add3A_1530 = vector.broadcast %add3A_1529 : i32 to vector<16xi32>
        %add3A_1531 = arith.addi %select_n3A_1321, %add3A_1530 : vector<16xi32>
        %gather3A_1532 = tpu.vector_load_idx %arg8[%add3A_1531] : memref<98304xf32, #tpu.memory_space<vmem>>[vector<16xi32>], vector<16xf32>,
        %add3A_1533 = arith.constant 32768 : i32
        %add3A_1534 = vector.broadcast %add3A_1533 : i32 to vector<16xi32>
        %add3A_1535 = arith.addi %select_n3A_1321, %add3A_1534 : vector<16xi32>
        %gather3A_1536 = tpu.vector_load_idx %arg8[%add3A_1535] : memref<98304xf32, #tpu.memory_space<vmem>>[vector<16xi32>], vector<16xf32>,
        %add3A_1537 = arith.constant 40960 : i32
        %add3A_1538 = vector.broadcast %add3A_1537 : i32 to vector<16xi32>
        %add3A_1539 = arith.addi %select_n3A_1321, %add3A_1538 : vector<16xi32>
        %gather3A_1540 = tpu.vector_load_idx %arg8[%add3A_1539] : memref<98304xf32, #tpu.memory_space<vmem>>[vector<16xi32>], vector<16xf32>,
        %mul3A_1541 = arith.mulf %gather3A_1532, %gather3A_1524 : vector<16xf32>
        %sub3A_1542 = arith.subf %min3A_997, %gather3A_1520 : vector<16xf32>
        %mul3A_1543 = arith.mulf %sub3A_1542, %gather3A_1524 : vector<16xf32>
        %max3A_1544 = arith.constant 0.000000e+00 : f32
        %max3A_1545 = vector.broadcast %max3A_1544 : f32 to vector<16xf32>
        %max3A_1546 = arith.maximumf %mul3A_1543, %max3A_1545 : vector<16xf32>
        %min3A_1547 = arith.constant 1.000000e+00 : f32
        %min3A_1548 = vector.broadcast %min3A_1547 : f32 to vector<16xf32>
        %min3A_1549 = arith.minimumf %max3A_1546, %min3A_1548 : vector<16xf32>
        %sub3A_1550 = arith.constant 1.000000e+00 : f32
        %sub3A_1551 = vector.broadcast %sub3A_1550 : f32 to vector<16xf32>
        %sub3A_1552 = arith.subf %sub3A_1551, %min3A_1549 : vector<16xf32>
        %mul3A_1553 = arith.mulf %gather3A_1532, %min3A_1549 : vector<16xf32>
        %mul3A_1554 = arith.mulf %mul3A_1541, %min3A_1549 : vector<16xf32>
        %mul3A_1555 = arith.mulf %gather3A_1536, %sub3A_1552 : vector<16xf32>
        %add3A_1556 = arith.addf %mul3A_1554, %mul3A_1555 : vector<16xf32>
        %mul3A_1557 = arith.mulf %mul3A_1553, %add3A_1556 : vector<16xf32>
        %mul3A_1558 = arith.mulf %min3A_1549, %sub3A_1552 : vector<16xf32>
        %mul3A_1559 = arith.mulf %gather3A_1540, %mul3A_1558 : vector<16xf32>
        %add3A_1560 = arith.addf %mul3A_1541, %mul3A_1559 : vector<16xf32>
        %div3A_1561 = arith.divf %mul3A_1557, %add3A_1560 : vector<16xf32>
        %add3A_1562 = arith.addf %gather3A_1528, %div3A_1561 : vector<16xf32>
        %abs3A_1563 = math.absf %select_n3A_823 : vector<16xf32>
        %lt3A_1564 = arith.constant 1.000000e+01 : f32
        %lt3A_1565 = vector.broadcast %lt3A_1564 : f32 to vector<16xf32>
        %lt3A_1566 = arith.cmpf olt, %abs3A_1563, %lt3A_1565 : vector<16xf32>
        %select_n3A_1567 = arith.select %lt3A_1566, %add3A_1562, %select_n3A_823 : vector<16xi1>, vector<16xf32>
        %gather3A_1568 = tpu.vector_load_idx %arg8[%select_n3A_1323] : memref<98304xf32, #tpu.memory_space<vmem>>[vector<16xi32>], vector<16xf32>,
        %add3A_1569 = arith.constant 8192 : i32
        %add3A_1570 = vector.broadcast %add3A_1569 : i32 to vector<16xi32>
        %add3A_1571 = arith.addi %select_n3A_1323, %add3A_1570 : vector<16xi32>
        %gather3A_1572 = tpu.vector_load_idx %arg8[%add3A_1571] : memref<98304xf32, #tpu.memory_space<vmem>>[vector<16xi32>], vector<16xf32>,
        %add3A_1573 = arith.constant 16384 : i32
        %add3A_1574 = vector.broadcast %add3A_1573 : i32 to vector<16xi32>
        %add3A_1575 = arith.addi %select_n3A_1323, %add3A_1574 : vector<16xi32>
        %gather3A_1576 = tpu.vector_load_idx %arg8[%add3A_1575] : memref<98304xf32, #tpu.memory_space<vmem>>[vector<16xi32>], vector<16xf32>,
        %add3A_1577 = arith.constant 24576 : i32
        %add3A_1578 = vector.broadcast %add3A_1577 : i32 to vector<16xi32>
        %add3A_1579 = arith.addi %select_n3A_1323, %add3A_1578 : vector<16xi32>
        %gather3A_1580 = tpu.vector_load_idx %arg8[%add3A_1579] : memref<98304xf32, #tpu.memory_space<vmem>>[vector<16xi32>], vector<16xf32>,
        %add3A_1581 = arith.constant 32768 : i32
        %add3A_1582 = vector.broadcast %add3A_1581 : i32 to vector<16xi32>
        %add3A_1583 = arith.addi %select_n3A_1323, %add3A_1582 : vector<16xi32>
        %gather3A_1584 = tpu.vector_load_idx %arg8[%add3A_1583] : memref<98304xf32, #tpu.memory_space<vmem>>[vector<16xi32>], vector<16xf32>,
        %add3A_1585 = arith.constant 40960 : i32
        %add3A_1586 = vector.broadcast %add3A_1585 : i32 to vector<16xi32>
        %add3A_1587 = arith.addi %select_n3A_1323, %add3A_1586 : vector<16xi32>
        %gather3A_1588 = tpu.vector_load_idx %arg8[%add3A_1587] : memref<98304xf32, #tpu.memory_space<vmem>>[vector<16xi32>], vector<16xf32>,
        %mul3A_1589 = arith.mulf %gather3A_1580, %gather3A_1572 : vector<16xf32>
        %sub3A_1590 = arith.subf %min3A_1003, %gather3A_1568 : vector<16xf32>
        %mul3A_1591 = arith.mulf %sub3A_1590, %gather3A_1572 : vector<16xf32>
        %max3A_1592 = arith.constant 0.000000e+00 : f32
        %max3A_1593 = vector.broadcast %max3A_1592 : f32 to vector<16xf32>
        %max3A_1594 = arith.maximumf %mul3A_1591, %max3A_1593 : vector<16xf32>
        %min3A_1595 = arith.constant 1.000000e+00 : f32
        %min3A_1596 = vector.broadcast %min3A_1595 : f32 to vector<16xf32>
        %min3A_1597 = arith.minimumf %max3A_1594, %min3A_1596 : vector<16xf32>
        %sub3A_1598 = arith.constant 1.000000e+00 : f32
        %sub3A_1599 = vector.broadcast %sub3A_1598 : f32 to vector<16xf32>
        %sub3A_1600 = arith.subf %sub3A_1599, %min3A_1597 : vector<16xf32>
        %mul3A_1601 = arith.mulf %gather3A_1580, %min3A_1597 : vector<16xf32>
        %mul3A_1602 = arith.mulf %mul3A_1589, %min3A_1597 : vector<16xf32>
        %mul3A_1603 = arith.mulf %gather3A_1584, %sub3A_1600 : vector<16xf32>
        %add3A_1604 = arith.addf %mul3A_1602, %mul3A_1603 : vector<16xf32>
        %mul3A_1605 = arith.mulf %mul3A_1601, %add3A_1604 : vector<16xf32>
        %mul3A_1606 = arith.mulf %min3A_1597, %sub3A_1600 : vector<16xf32>
        %mul3A_1607 = arith.mulf %gather3A_1588, %mul3A_1606 : vector<16xf32>
        %add3A_1608 = arith.addf %mul3A_1589, %mul3A_1607 : vector<16xf32>
        %div3A_1609 = arith.divf %mul3A_1605, %add3A_1608 : vector<16xf32>
        %add3A_1610 = arith.addf %gather3A_1576, %div3A_1609 : vector<16xf32>
        %abs3A_1611 = math.absf %select_n3A_871 : vector<16xf32>
        %lt3A_1612 = arith.constant 1.000000e+01 : f32
        %lt3A_1613 = vector.broadcast %lt3A_1612 : f32 to vector<16xf32>
        %lt3A_1614 = arith.cmpf olt, %abs3A_1611, %lt3A_1613 : vector<16xf32>
        %select_n3A_1615 = arith.select %lt3A_1614, %add3A_1610, %select_n3A_871 : vector<16xi1>, vector<16xf32>
        %gather3A_1616 = tpu.vector_load_idx %arg8[%select_n3A_1325] : memref<98304xf32, #tpu.memory_space<vmem>>[vector<16xi32>], vector<16xf32>,
        %add3A_1617 = arith.constant 8192 : i32
        %add3A_1618 = vector.broadcast %add3A_1617 : i32 to vector<16xi32>
        %add3A_1619 = arith.addi %select_n3A_1325, %add3A_1618 : vector<16xi32>
        %gather3A_1620 = tpu.vector_load_idx %arg8[%add3A_1619] : memref<98304xf32, #tpu.memory_space<vmem>>[vector<16xi32>], vector<16xf32>,
        %add3A_1621 = arith.constant 16384 : i32
        %add3A_1622 = vector.broadcast %add3A_1621 : i32 to vector<16xi32>
        %add3A_1623 = arith.addi %select_n3A_1325, %add3A_1622 : vector<16xi32>
        %gather3A_1624 = tpu.vector_load_idx %arg8[%add3A_1623] : memref<98304xf32, #tpu.memory_space<vmem>>[vector<16xi32>], vector<16xf32>,
        %add3A_1625 = arith.constant 24576 : i32
        %add3A_1626 = vector.broadcast %add3A_1625 : i32 to vector<16xi32>
        %add3A_1627 = arith.addi %select_n3A_1325, %add3A_1626 : vector<16xi32>
        %gather3A_1628 = tpu.vector_load_idx %arg8[%add3A_1627] : memref<98304xf32, #tpu.memory_space<vmem>>[vector<16xi32>], vector<16xf32>,
        %add3A_1629 = arith.constant 32768 : i32
        %add3A_1630 = vector.broadcast %add3A_1629 : i32 to vector<16xi32>
        %add3A_1631 = arith.addi %select_n3A_1325, %add3A_1630 : vector<16xi32>
        %gather3A_1632 = tpu.vector_load_idx %arg8[%add3A_1631] : memref<98304xf32, #tpu.memory_space<vmem>>[vector<16xi32>], vector<16xf32>,
        %add3A_1633 = arith.constant 40960 : i32
        %add3A_1634 = vector.broadcast %add3A_1633 : i32 to vector<16xi32>
        %add3A_1635 = arith.addi %select_n3A_1325, %add3A_1634 : vector<16xi32>
        %gather3A_1636 = tpu.vector_load_idx %arg8[%add3A_1635] : memref<98304xf32, #tpu.memory_space<vmem>>[vector<16xi32>], vector<16xf32>,
        %mul3A_1637 = arith.mulf %gather3A_1628, %gather3A_1620 : vector<16xf32>
        %sub3A_1638 = arith.subf %min3A_1009, %gather3A_1616 : vector<16xf32>
        %mul3A_1639 = arith.mulf %sub3A_1638, %gather3A_1620 : vector<16xf32>
        %max3A_1640 = arith.constant 0.000000e+00 : f32
        %max3A_1641 = vector.broadcast %max3A_1640 : f32 to vector<16xf32>
        %max3A_1642 = arith.maximumf %mul3A_1639, %max3A_1641 : vector<16xf32>
        %min3A_1643 = arith.constant 1.000000e+00 : f32
        %min3A_1644 = vector.broadcast %min3A_1643 : f32 to vector<16xf32>
        %min3A_1645 = arith.minimumf %max3A_1642, %min3A_1644 : vector<16xf32>
        %sub3A_1646 = arith.constant 1.000000e+00 : f32
        %sub3A_1647 = vector.broadcast %sub3A_1646 : f32 to vector<16xf32>
        %sub3A_1648 = arith.subf %sub3A_1647, %min3A_1645 : vector<16xf32>
        %mul3A_1649 = arith.mulf %gather3A_1628, %min3A_1645 : vector<16xf32>
        %mul3A_1650 = arith.mulf %mul3A_1637, %min3A_1645 : vector<16xf32>
        %mul3A_1651 = arith.mulf %gather3A_1632, %sub3A_1648 : vector<16xf32>
        %add3A_1652 = arith.addf %mul3A_1650, %mul3A_1651 : vector<16xf32>
        %mul3A_1653 = arith.mulf %mul3A_1649, %add3A_1652 : vector<16xf32>
        %mul3A_1654 = arith.mulf %min3A_1645, %sub3A_1648 : vector<16xf32>
        %mul3A_1655 = arith.mulf %gather3A_1636, %mul3A_1654 : vector<16xf32>
        %add3A_1656 = arith.addf %mul3A_1637, %mul3A_1655 : vector<16xf32>
        %div3A_1657 = arith.divf %mul3A_1653, %add3A_1656 : vector<16xf32>
        %add3A_1658 = arith.addf %gather3A_1624, %div3A_1657 : vector<16xf32>
        %abs3A_1659 = math.absf %select_n3A_919 : vector<16xf32>
        %lt3A_1660 = arith.constant 1.000000e+01 : f32
        %lt3A_1661 = vector.broadcast %lt3A_1660 : f32 to vector<16xf32>
        %lt3A_1662 = arith.cmpf olt, %abs3A_1659, %lt3A_1661 : vector<16xf32>
        %select_n3A_1663 = arith.select %lt3A_1662, %add3A_1658, %select_n3A_919 : vector<16xi1>, vector<16xf32>
        %gather3A_1664 = tpu.vector_load_idx %arg8[%select_n3A_1327] : memref<98304xf32, #tpu.memory_space<vmem>>[vector<16xi32>], vector<16xf32>,
        %add3A_1665 = arith.constant 8192 : i32
        %add3A_1666 = vector.broadcast %add3A_1665 : i32 to vector<16xi32>
        %add3A_1667 = arith.addi %select_n3A_1327, %add3A_1666 : vector<16xi32>
        %gather3A_1668 = tpu.vector_load_idx %arg8[%add3A_1667] : memref<98304xf32, #tpu.memory_space<vmem>>[vector<16xi32>], vector<16xf32>,
        %add3A_1669 = arith.constant 16384 : i32
        %add3A_1670 = vector.broadcast %add3A_1669 : i32 to vector<16xi32>
        %add3A_1671 = arith.addi %select_n3A_1327, %add3A_1670 : vector<16xi32>
        %gather3A_1672 = tpu.vector_load_idx %arg8[%add3A_1671] : memref<98304xf32, #tpu.memory_space<vmem>>[vector<16xi32>], vector<16xf32>,
        %add3A_1673 = arith.constant 24576 : i32
        %add3A_1674 = vector.broadcast %add3A_1673 : i32 to vector<16xi32>
        %add3A_1675 = arith.addi %select_n3A_1327, %add3A_1674 : vector<16xi32>
        %gather3A_1676 = tpu.vector_load_idx %arg8[%add3A_1675] : memref<98304xf32, #tpu.memory_space<vmem>>[vector<16xi32>], vector<16xf32>,
        %add3A_1677 = arith.constant 32768 : i32
        %add3A_1678 = vector.broadcast %add3A_1677 : i32 to vector<16xi32>
        %add3A_1679 = arith.addi %select_n3A_1327, %add3A_1678 : vector<16xi32>
        %gather3A_1680 = tpu.vector_load_idx %arg8[%add3A_1679] : memref<98304xf32, #tpu.memory_space<vmem>>[vector<16xi32>], vector<16xf32>,
        %add3A_1681 = arith.constant 40960 : i32
        %add3A_1682 = vector.broadcast %add3A_1681 : i32 to vector<16xi32>
        %add3A_1683 = arith.addi %select_n3A_1327, %add3A_1682 : vector<16xi32>
        %gather3A_1684 = tpu.vector_load_idx %arg8[%add3A_1683] : memref<98304xf32, #tpu.memory_space<vmem>>[vector<16xi32>], vector<16xf32>,
        %mul3A_1685 = arith.mulf %gather3A_1676, %gather3A_1668 : vector<16xf32>
        %sub3A_1686 = arith.subf %min3A_1015, %gather3A_1664 : vector<16xf32>
        %mul3A_1687 = arith.mulf %sub3A_1686, %gather3A_1668 : vector<16xf32>
        %max3A_1688 = arith.constant 0.000000e+00 : f32
        %max3A_1689 = vector.broadcast %max3A_1688 : f32 to vector<16xf32>
        %max3A_1690 = arith.maximumf %mul3A_1687, %max3A_1689 : vector<16xf32>
        %min3A_1691 = arith.constant 1.000000e+00 : f32
        %min3A_1692 = vector.broadcast %min3A_1691 : f32 to vector<16xf32>
        %min3A_1693 = arith.minimumf %max3A_1690, %min3A_1692 : vector<16xf32>
        %sub3A_1694 = arith.constant 1.000000e+00 : f32
        %sub3A_1695 = vector.broadcast %sub3A_1694 : f32 to vector<16xf32>
        %sub3A_1696 = arith.subf %sub3A_1695, %min3A_1693 : vector<16xf32>
        %mul3A_1697 = arith.mulf %gather3A_1676, %min3A_1693 : vector<16xf32>
        %mul3A_1698 = arith.mulf %mul3A_1685, %min3A_1693 : vector<16xf32>
        %mul3A_1699 = arith.mulf %gather3A_1680, %sub3A_1696 : vector<16xf32>
        %add3A_1700 = arith.addf %mul3A_1698, %mul3A_1699 : vector<16xf32>
        %mul3A_1701 = arith.mulf %mul3A_1697, %add3A_1700 : vector<16xf32>
        %mul3A_1702 = arith.mulf %min3A_1693, %sub3A_1696 : vector<16xf32>
        %mul3A_1703 = arith.mulf %gather3A_1684, %mul3A_1702 : vector<16xf32>
        %add3A_1704 = arith.addf %mul3A_1685, %mul3A_1703 : vector<16xf32>
        %div3A_1705 = arith.divf %mul3A_1701, %add3A_1704 : vector<16xf32>
        %add3A_1706 = arith.addf %gather3A_1672, %div3A_1705 : vector<16xf32>
        %abs3A_1707 = math.absf %select_n3A_967 : vector<16xf32>
        %lt3A_1708 = arith.constant 1.000000e+01 : f32
        %lt3A_1709 = vector.broadcast %lt3A_1708 : f32 to vector<16xf32>
        %lt3A_1710 = arith.cmpf olt, %abs3A_1707, %lt3A_1709 : vector<16xf32>
        %select_n3A_1711 = arith.select %lt3A_1710, %add3A_1706, %select_n3A_967 : vector<16xi1>, vector<16xf32>
        %broadcast_in_dim3A = vector.broadcast %scan3A_190 : i32 to vector<16xi32>
        %gather3A_1712 = arith.constant 0 : i32
        %gather3A_1713 = arith.constant 0 : i32
        %gather3A_1714 = tpu.memref_slice %arg10[%gather3A_1712, %gather3A_1713] : memref<2x64xf32, #tpu.memory_space<vmem>> -> memref<1x64xf32, #tpu.memory_space<vmem>>
        %gather3A_1715 = tpu.memref_squeeze %gather3A_1714 : memref<1x64xf32, #tpu.memory_space<vmem>> -> memref<64xf32, #tpu.memory_space<vmem>>
        %gather3A_1716 = tpu.vector_load_idx %gather3A_1715[%broadcast_in_dim3A] : memref<64xf32, #tpu.memory_space<vmem>>[vector<16xi32>], vector<16xf32>,
        %mul3A_1717 = arith.mulf %select_n3A_1375, %get3A_13 : vector<16xf32>
        %add3A_1718 = arith.addf %mul3A_1717, %get3A_45 : vector<16xf32>
        %mul3A_1719 = arith.mulf %gather3A_1716, %add3A_1718 : vector<16xf32>
        %swap3A = arith.constant 0 : i32
        %swap3A_1720 = arith.index_cast %swap3A : i32 to index
        %swap3A_1721 = arith.index_cast %scan3A_190 : i32 to index
        %swap3A_1722 = arith.constant 0 : index
        %swap3A_1723 = tpu.vector_load %arg9[%swap3A_1720, %swap3A_1721, %swap3A_1722] {strides = array<i32>} : memref<2x64x128xf32, #tpu.memory_space<vmem>>, vector<16xf32>,
        tpu.vector_store %arg9[%swap3A_1720, %swap3A_1721, %swap3A_1722], %mul3A_1719 {strides = array<i32>} : memref<2x64x128xf32, #tpu.memory_space<vmem>>, vector<16xf32>,
        %mul3A_1724 = arith.mulf %select_n3A_1423, %get3A_17 : vector<16xf32>
        %add3A_1725 = arith.addf %mul3A_1724, %get3A_49 : vector<16xf32>
        %mul3A_1726 = arith.mulf %gather3A_1716, %add3A_1725 : vector<16xf32>
        %swap3A_1727 = arith.constant 0 : i32
        %swap3A_1728 = arith.index_cast %swap3A_1727 : i32 to index
        %swap3A_1729 = arith.index_cast %scan3A_190 : i32 to index
        %swap3A_1730 = arith.constant 16 : index
        %swap3A_1731 = tpu.vector_load %arg9[%swap3A_1728, %swap3A_1729, %swap3A_1730] {strides = array<i32>} : memref<2x64x128xf32, #tpu.memory_space<vmem>>, vector<16xf32>,
        tpu.vector_store %arg9[%swap3A_1728, %swap3A_1729, %swap3A_1730], %mul3A_1726 {strides = array<i32>} : memref<2x64x128xf32, #tpu.memory_space<vmem>>, vector<16xf32>,
        %mul3A_1732 = arith.mulf %select_n3A_1471, %get3A_21 : vector<16xf32>
        %add3A_1733 = arith.addf %mul3A_1732, %get3A_53 : vector<16xf32>
        %mul3A_1734 = arith.mulf %gather3A_1716, %add3A_1733 : vector<16xf32>
        %swap3A_1735 = arith.constant 0 : i32
        %swap3A_1736 = arith.index_cast %swap3A_1735 : i32 to index
        %swap3A_1737 = arith.index_cast %scan3A_190 : i32 to index
        %swap3A_1738 = arith.constant 32 : index
        %swap3A_1739 = tpu.vector_load %arg9[%swap3A_1736, %swap3A_1737, %swap3A_1738] {strides = array<i32>} : memref<2x64x128xf32, #tpu.memory_space<vmem>>, vector<16xf32>,
        tpu.vector_store %arg9[%swap3A_1736, %swap3A_1737, %swap3A_1738], %mul3A_1734 {strides = array<i32>} : memref<2x64x128xf32, #tpu.memory_space<vmem>>, vector<16xf32>,
        %mul3A_1740 = arith.mulf %select_n3A_1519, %get3A_25 : vector<16xf32>
        %add3A_1741 = arith.addf %mul3A_1740, %get3A_57 : vector<16xf32>
        %mul3A_1742 = arith.mulf %gather3A_1716, %add3A_1741 : vector<16xf32>
        %swap3A_1743 = arith.constant 0 : i32
        %swap3A_1744 = arith.index_cast %swap3A_1743 : i32 to index
        %swap3A_1745 = arith.index_cast %scan3A_190 : i32 to index
        %swap3A_1746 = arith.constant 48 : index
        %swap3A_1747 = tpu.vector_load %arg9[%swap3A_1744, %swap3A_1745, %swap3A_1746] {strides = array<i32>} : memref<2x64x128xf32, #tpu.memory_space<vmem>>, vector<16xf32>,
        tpu.vector_store %arg9[%swap3A_1744, %swap3A_1745, %swap3A_1746], %mul3A_1742 {strides = array<i32>} : memref<2x64x128xf32, #tpu.memory_space<vmem>>, vector<16xf32>,
        %mul3A_1748 = arith.mulf %select_n3A_1567, %get3A_29 : vector<16xf32>
        %add3A_1749 = arith.addf %mul3A_1748, %get3A_61 : vector<16xf32>
        %mul3A_1750 = arith.mulf %gather3A_1716, %add3A_1749 : vector<16xf32>
        %swap3A_1751 = arith.constant 0 : i32
        %swap3A_1752 = arith.index_cast %swap3A_1751 : i32 to index
        %swap3A_1753 = arith.index_cast %scan3A_190 : i32 to index
        %swap3A_1754 = arith.constant 64 : index
        %swap3A_1755 = tpu.vector_load %arg9[%swap3A_1752, %swap3A_1753, %swap3A_1754] {strides = array<i32>} : memref<2x64x128xf32, #tpu.memory_space<vmem>>, vector<16xf32>,
        tpu.vector_store %arg9[%swap3A_1752, %swap3A_1753, %swap3A_1754], %mul3A_1750 {strides = array<i32>} : memref<2x64x128xf32, #tpu.memory_space<vmem>>, vector<16xf32>,
        %mul3A_1756 = arith.mulf %select_n3A_1615, %get3A_33 : vector<16xf32>
        %add3A_1757 = arith.addf %mul3A_1756, %get3A_65 : vector<16xf32>
        %mul3A_1758 = arith.mulf %gather3A_1716, %add3A_1757 : vector<16xf32>
        %swap3A_1759 = arith.constant 0 : i32
        %swap3A_1760 = arith.index_cast %swap3A_1759 : i32 to index
        %swap3A_1761 = arith.index_cast %scan3A_190 : i32 to index
        %swap3A_1762 = arith.constant 80 : index
        %swap3A_1763 = tpu.vector_load %arg9[%swap3A_1760, %swap3A_1761, %swap3A_1762] {strides = array<i32>} : memref<2x64x128xf32, #tpu.memory_space<vmem>>, vector<16xf32>,
        tpu.vector_store %arg9[%swap3A_1760, %swap3A_1761, %swap3A_1762], %mul3A_1758 {strides = array<i32>} : memref<2x64x128xf32, #tpu.memory_space<vmem>>, vector<16xf32>,
        %mul3A_1764 = arith.mulf %select_n3A_1663, %get3A_37 : vector<16xf32>
        %add3A_1765 = arith.addf %mul3A_1764, %get3A_69 : vector<16xf32>
        %mul3A_1766 = arith.mulf %gather3A_1716, %add3A_1765 : vector<16xf32>
        %swap3A_1767 = arith.constant 0 : i32
        %swap3A_1768 = arith.index_cast %swap3A_1767 : i32 to index
        %swap3A_1769 = arith.index_cast %scan3A_190 : i32 to index
        %swap3A_1770 = arith.constant 96 : index
        %swap3A_1771 = tpu.vector_load %arg9[%swap3A_1768, %swap3A_1769, %swap3A_1770] {strides = array<i32>} : memref<2x64x128xf32, #tpu.memory_space<vmem>>, vector<16xf32>,
        tpu.vector_store %arg9[%swap3A_1768, %swap3A_1769, %swap3A_1770], %mul3A_1766 {strides = array<i32>} : memref<2x64x128xf32, #tpu.memory_space<vmem>>, vector<16xf32>,
        %mul3A_1772 = arith.mulf %select_n3A_1711, %get3A_41 : vector<16xf32>
        %add3A_1773 = arith.addf %mul3A_1772, %get3A_73 : vector<16xf32>
        %mul3A_1774 = arith.mulf %gather3A_1716, %add3A_1773 : vector<16xf32>
        %swap3A_1775 = arith.constant 0 : i32
        %swap3A_1776 = arith.index_cast %swap3A_1775 : i32 to index
        %swap3A_1777 = arith.index_cast %scan3A_190 : i32 to index
        %swap3A_1778 = arith.constant 112 : index
        %swap3A_1779 = tpu.vector_load %arg9[%swap3A_1776, %swap3A_1777, %swap3A_1778] {strides = array<i32>} : memref<2x64x128xf32, #tpu.memory_space<vmem>>, vector<16xf32>,
        tpu.vector_store %arg9[%swap3A_1776, %swap3A_1777, %swap3A_1778], %mul3A_1774 {strides = array<i32>} : memref<2x64x128xf32, #tpu.memory_space<vmem>>, vector<16xf32>,
      }
      %scan3A_142 = arith.constant 64 : i32
      %run_scoped3A_143 = arith.constant 0 : i32
      "tpu.region"() ({
        %run_scoped3A_190 = tpu.sem_alloc : memref<!tpu.dma_semaphore, #tpu.memory_space<semaphore_mem>>
        %dma_start3A_191 = arith.constant 0 : i32
        %dma_start3A_192 = arith.constant 0 : i32
        %dma_start3A_193 = tpu.memref_slice %arg9[%run_scoped3A_143, %dma_start3A_191, %dma_start3A_192] : memref<2x64x128xf32, #tpu.memory_space<vmem>> -> memref<1x64x128xf32, #tpu.memory_space<vmem>>
        %dma_start3A_194 = tpu.memref_squeeze %dma_start3A_193 : memref<1x64x128xf32, #tpu.memory_space<vmem>> -> memref<64x128xf32, #tpu.memory_space<vmem>>
        %dma_start3A_195 = tpu.memref_slice %arg7[%multiple_of3A_109, %multiple_of3A] : memref<16384x512xf32, #tpu.memory_space<hbm>> -> memref<64x128xf32, #tpu.memory_space<hbm>>
        %dma_start3A_196 = tpu.memref_slice %arg7[%multiple_of3A_109, %multiple_of3A] : memref<16384x512xf32, #tpu.memory_space<hbm>> -> memref<64x128xf32, #tpu.memory_space<hbm>>
        %dma_start3A_197 = arith.constant 0 : i32
        %dma_start3A_198 = arith.constant 0 : i32
        %dma_start3A_199 = tpu.memref_slice %arg9[%run_scoped3A_143, %dma_start3A_197, %dma_start3A_198] : memref<2x64x128xf32, #tpu.memory_space<vmem>> -> memref<1x64x128xf32, #tpu.memory_space<vmem>>
        %dma_start3A_200 = tpu.memref_squeeze %dma_start3A_199 : memref<1x64x128xf32, #tpu.memory_space<vmem>> -> memref<64x128xf32, #tpu.memory_space<vmem>>
        tpu.enqueue_dma source(%dma_start3A_200 : memref<64x128xf32, #tpu.memory_space<vmem>>) target(%dma_start3A_196 : memref<64x128xf32, #tpu.memory_space<hbm>>) target_semaphore(%run_scoped3A_190 : memref<!tpu.dma_semaphore, #tpu.memory_space<semaphore_mem>>)
        %dma_wait3A_201 = arith.constant 0 : i32
        %dma_wait3A_202 = arith.constant 0 : i32
        %dma_wait3A_203 = tpu.memref_slice %arg9[%run_scoped3A_143, %dma_wait3A_201, %dma_wait3A_202] : memref<2x64x128xf32, #tpu.memory_space<vmem>> -> memref<1x64x128xf32, #tpu.memory_space<vmem>>
        %dma_wait3A_204 = tpu.memref_squeeze %dma_wait3A_203 : memref<1x64x128xf32, #tpu.memory_space<vmem>> -> memref<64x128xf32, #tpu.memory_space<vmem>>
        %dma_wait3A_205 = tpu.memref_slice %arg7[%multiple_of3A_109, %multiple_of3A] : memref<16384x512xf32, #tpu.memory_space<hbm>> -> memref<64x128xf32, #tpu.memory_space<hbm>>
        %dma_wait3A_206 = tpu.memref_slice %arg7[%multiple_of3A_109, %multiple_of3A] : memref<16384x512xf32, #tpu.memory_space<hbm>> -> memref<64x128xf32, #tpu.memory_space<hbm>>
        %dma_wait3A_207 = arith.constant 0 : i32
        %dma_wait3A_208 = arith.constant 0 : i32
        %dma_wait3A_209 = tpu.memref_slice %arg9[%run_scoped3A_143, %dma_wait3A_207, %dma_wait3A_208] : memref<2x64x128xf32, #tpu.memory_space<vmem>> -> memref<1x64x128xf32, #tpu.memory_space<vmem>>
        %dma_wait3A_210 = tpu.memref_squeeze %dma_wait3A_209 : memref<1x64x128xf32, #tpu.memory_space<vmem>> -> memref<64x128xf32, #tpu.memory_space<vmem>>
        tpu.wait_dma2 semaphore(%run_scoped3A_190 : memref<!tpu.dma_semaphore, #tpu.memory_space<semaphore_mem>>) src(%dma_wait3A_210 : memref<64x128xf32, #tpu.memory_space<vmem>>) dst(%dma_wait3A_206 : memref<64x128xf32, #tpu.memory_space<hbm>>)
        tpu.yield
      }) : () -> ()
      %mul3A_144 = arith.constant 2 : i32
      %mul3A_145 = arith.muli %scan3A_101, %mul3A_144 : i32
      %add3A_146 = arith.constant 1 : i32
      %add3A_147 = arith.addi %mul3A_145, %add3A_146 : i32
      %mul3A_148 = arith.constant 64 : i32
      %mul3A_149 = arith.muli %add3A_147, %mul3A_148 : i32
      %add3A_150 = arith.addi %mul3A_10, %mul3A_149 : i32
      %multiple_of3A_151 = tpu.assume_multiple %add3A_150, 8 : i32
      %add3A_152 = arith.constant 1 : i32
      %add3A_153 = arith.addi %add3A_147, %add3A_152 : i32
      %lt3A_154 = arith.constant 32 : i32
      %lt3A_155 = arith.cmpi slt, %add3A_153, %lt3A_154 : i32
      %convert_element_type3A_156 = arith.extui %lt3A_155 : i1 to i32
      %cond3A_157 = arith.constant 0 : i32
      %cond3A_158 = arith.cmpi ne, %convert_element_type3A_156, %cond3A_157 : i32
      scf.if %cond3A_158 {
        %add3A_190 = arith.constant 1 : i32
        %add3A_191 = arith.addi %add3A_147, %add3A_190 : i32
        %mul3A_192 = arith.constant 64 : i32
        %mul3A_193 = arith.muli %add3A_191, %mul3A_192 : i32
        %add3A_194 = arith.addi %mul3A_10, %mul3A_193 : i32
        %multiple_of3A_195 = tpu.assume_multiple %add3A_194, 8 : i32
        %dma_start3A_196 = arith.constant 0 : i32
        %dma_start3A_197 = arith.constant 0 : i32
        %dma_start3A_198 = arith.constant 0 : i32
        %dma_start3A_199 = tpu.memref_slice %arg9[%dma_start3A_196, %dma_start3A_197, %dma_start3A_198] : memref<2x64x128xf32, #tpu.memory_space<vmem>> -> memref<1x64x128xf32, #tpu.memory_space<vmem>>
        %dma_start3A_200 = tpu.memref_squeeze %dma_start3A_199 : memref<1x64x128xf32, #tpu.memory_space<vmem>> -> memref<64x128xf32, #tpu.memory_space<vmem>>
        %dma_start3A_201 = tpu.memref_slice %arg2[%multiple_of3A_195, %multiple_of3A] : memref<16384x512xf32, #tpu.memory_space<hbm>> -> memref<64x128xf32, #tpu.memory_space<hbm>>
        %dma_start3A_202 = arith.constant 0 : i32
        %dma_start3A_203 = arith.constant 0 : i32
        %dma_start3A_204 = tpu.memref_slice %arg9[%dma_start3A_196, %dma_start3A_202, %dma_start3A_203] : memref<2x64x128xf32, #tpu.memory_space<vmem>> -> memref<1x64x128xf32, #tpu.memory_space<vmem>>
        %dma_start3A_205 = tpu.memref_squeeze %dma_start3A_204 : memref<1x64x128xf32, #tpu.memory_space<vmem>> -> memref<64x128xf32, #tpu.memory_space<vmem>>
        %dma_start3A_206 = tpu.memref_slice %arg2[%multiple_of3A_195, %multiple_of3A] : memref<16384x512xf32, #tpu.memory_space<hbm>> -> memref<64x128xf32, #tpu.memory_space<hbm>>
        tpu.enqueue_dma source(%dma_start3A_206 : memref<64x128xf32, #tpu.memory_space<hbm>>) target(%dma_start3A_205 : memref<64x128xf32, #tpu.memory_space<vmem>>) target_semaphore(%arg12 : memref<!tpu.dma_semaphore, #tpu.memory_space<semaphore_mem>>)
        %dma_start3A_207 = arith.constant 0 : i32
        %dma_start3A_208 = arith.constant 0 : i32
        %dma_start3A_209 = tpu.memref_slice %arg10[%dma_start3A_207, %dma_start3A_208] : memref<2x64xf32, #tpu.memory_space<vmem>> -> memref<1x64xf32, #tpu.memory_space<vmem>>
        %dma_start3A_210 = tpu.memref_squeeze %dma_start3A_209 : memref<1x64xf32, #tpu.memory_space<vmem>> -> memref<64xf32, #tpu.memory_space<vmem>>
        %dma_start3A_211 = tpu.memref_slice %arg3[%multiple_of3A_195] : memref<16384xf32, #tpu.memory_space<hbm>> -> memref<64xf32, #tpu.memory_space<hbm>>
        %dma_start3A_212 = arith.constant 0 : i32
        %dma_start3A_213 = tpu.memref_slice %arg10[%dma_start3A_207, %dma_start3A_212] : memref<2x64xf32, #tpu.memory_space<vmem>> -> memref<1x64xf32, #tpu.memory_space<vmem>>
        %dma_start3A_214 = tpu.memref_squeeze %dma_start3A_213 : memref<1x64xf32, #tpu.memory_space<vmem>> -> memref<64xf32, #tpu.memory_space<vmem>>
        %dma_start3A_215 = tpu.memref_slice %arg3[%multiple_of3A_195] : memref<16384xf32, #tpu.memory_space<hbm>> -> memref<64xf32, #tpu.memory_space<hbm>>
        tpu.enqueue_dma source(%dma_start3A_215 : memref<64xf32, #tpu.memory_space<hbm>>) target(%dma_start3A_214 : memref<64xf32, #tpu.memory_space<vmem>>) target_semaphore(%arg12 : memref<!tpu.dma_semaphore, #tpu.memory_space<semaphore_mem>>)
      } else {
      }
      %mul3A_159 = arith.constant 64 : i32
      %mul3A_160 = arith.muli %add3A_147, %mul3A_159 : i32
      %add3A_161 = arith.addi %mul3A_10, %mul3A_160 : i32
      %multiple_of3A_162 = tpu.assume_multiple %add3A_161, 8 : i32
      %dma_wait3A_163 = arith.constant 1 : i32
      %dma_wait3A_164 = arith.constant 0 : i32
      %dma_wait3A_165 = arith.constant 0 : i32
      %dma_wait3A_166 = tpu.memref_slice %arg9[%dma_wait3A_163, %dma_wait3A_164, %dma_wait3A_165] : memref<2x64x128xf32, #tpu.memory_space<vmem>> -> memref<1x64x128xf32, #tpu.memory_space<vmem>>
      %dma_wait3A_167 = tpu.memref_squeeze %dma_wait3A_166 : memref<1x64x128xf32, #tpu.memory_space<vmem>> -> memref<64x128xf32, #tpu.memory_space<vmem>>
      %dma_wait3A_168 = tpu.memref_slice %arg2[%multiple_of3A_162, %multiple_of3A] : memref<16384x512xf32, #tpu.memory_space<hbm>> -> memref<64x128xf32, #tpu.memory_space<hbm>>
      %dma_wait3A_169 = arith.constant 0 : i32
      %dma_wait3A_170 = arith.constant 0 : i32
      %dma_wait3A_171 = tpu.memref_slice %arg9[%dma_wait3A_163, %dma_wait3A_169, %dma_wait3A_170] : memref<2x64x128xf32, #tpu.memory_space<vmem>> -> memref<1x64x128xf32, #tpu.memory_space<vmem>>
      %dma_wait3A_172 = tpu.memref_squeeze %dma_wait3A_171 : memref<1x64x128xf32, #tpu.memory_space<vmem>> -> memref<64x128xf32, #tpu.memory_space<vmem>>
      %dma_wait3A_173 = tpu.memref_slice %arg2[%multiple_of3A_162, %multiple_of3A] : memref<16384x512xf32, #tpu.memory_space<hbm>> -> memref<64x128xf32, #tpu.memory_space<hbm>>
      tpu.wait_dma2 semaphore(%arg13 : memref<!tpu.dma_semaphore, #tpu.memory_space<semaphore_mem>>) src(%dma_wait3A_173 : memref<64x128xf32, #tpu.memory_space<hbm>>) dst(%dma_wait3A_172 : memref<64x128xf32, #tpu.memory_space<vmem>>)
      %dma_wait3A_174 = arith.constant 1 : i32
      %dma_wait3A_175 = arith.constant 0 : i32
      %dma_wait3A_176 = tpu.memref_slice %arg10[%dma_wait3A_174, %dma_wait3A_175] : memref<2x64xf32, #tpu.memory_space<vmem>> -> memref<1x64xf32, #tpu.memory_space<vmem>>
      %dma_wait3A_177 = tpu.memref_squeeze %dma_wait3A_176 : memref<1x64xf32, #tpu.memory_space<vmem>> -> memref<64xf32, #tpu.memory_space<vmem>>
      %dma_wait3A_178 = tpu.memref_slice %arg3[%multiple_of3A_162] : memref<16384xf32, #tpu.memory_space<hbm>> -> memref<64xf32, #tpu.memory_space<hbm>>
      %dma_wait3A_179 = arith.constant 0 : i32
      %dma_wait3A_180 = tpu.memref_slice %arg10[%dma_wait3A_174, %dma_wait3A_179] : memref<2x64xf32, #tpu.memory_space<vmem>> -> memref<1x64xf32, #tpu.memory_space<vmem>>
      %dma_wait3A_181 = tpu.memref_squeeze %dma_wait3A_180 : memref<1x64xf32, #tpu.memory_space<vmem>> -> memref<64xf32, #tpu.memory_space<vmem>>
      %dma_wait3A_182 = tpu.memref_slice %arg3[%multiple_of3A_162] : memref<16384xf32, #tpu.memory_space<hbm>> -> memref<64xf32, #tpu.memory_space<hbm>>
      tpu.wait_dma2 semaphore(%arg13 : memref<!tpu.dma_semaphore, #tpu.memory_space<semaphore_mem>>) src(%dma_wait3A_182 : memref<64xf32, #tpu.memory_space<hbm>>) dst(%dma_wait3A_181 : memref<64xf32, #tpu.memory_space<vmem>>)
      %scan3A_183 = arith.constant 0 : i32
      %scan3A_184 = arith.constant 0 : i32
      %scan3A_185 = arith.constant 64 : i32
      %scan3A_186 = arith.addi %scan3A_184, %scan3A_185 : i32
      %scan3A_187 = arith.constant 1 : i32
      scf.for %scan3A_190 = %scan3A_184 to %scan3A_186 step %scan3A_187  : i32 {
        %get3A_191 = arith.constant 1 : i32
        %get3A_192 = arith.index_cast %get3A_191 : i32 to index
        %get3A_193 = arith.index_cast %scan3A_190 : i32 to index
        %get3A_194 = arith.constant 0 : index
        %get3A_195 = tpu.vector_load %arg9[%get3A_192, %get3A_193, %get3A_194] {strides = array<i32>} : memref<2x64x128xf32, #tpu.memory_space<vmem>>, vector<16xf32>,
        %get3A_196 = arith.constant 1 : i32
        %get3A_197 = arith.index_cast %get3A_196 : i32 to index
        %get3A_198 = arith.index_cast %scan3A_190 : i32 to index
        %get3A_199 = arith.constant 16 : index
        %get3A_200 = tpu.vector_load %arg9[%get3A_197, %get3A_198, %get3A_199] {strides = array<i32>} : memref<2x64x128xf32, #tpu.memory_space<vmem>>, vector<16xf32>,
        %get3A_201 = arith.constant 1 : i32
        %get3A_202 = arith.index_cast %get3A_201 : i32 to index
        %get3A_203 = arith.index_cast %scan3A_190 : i32 to index
        %get3A_204 = arith.constant 32 : index
        %get3A_205 = tpu.vector_load %arg9[%get3A_202, %get3A_203, %get3A_204] {strides = array<i32>} : memref<2x64x128xf32, #tpu.memory_space<vmem>>, vector<16xf32>,
        %get3A_206 = arith.constant 1 : i32
        %get3A_207 = arith.index_cast %get3A_206 : i32 to index
        %get3A_208 = arith.index_cast %scan3A_190 : i32 to index
        %get3A_209 = arith.constant 48 : index
        %get3A_210 = tpu.vector_load %arg9[%get3A_207, %get3A_208, %get3A_209] {strides = array<i32>} : memref<2x64x128xf32, #tpu.memory_space<vmem>>, vector<16xf32>,
        %get3A_211 = arith.constant 1 : i32
        %get3A_212 = arith.index_cast %get3A_211 : i32 to index
        %get3A_213 = arith.index_cast %scan3A_190 : i32 to index
        %get3A_214 = arith.constant 64 : index
        %get3A_215 = tpu.vector_load %arg9[%get3A_212, %get3A_213, %get3A_214] {strides = array<i32>} : memref<2x64x128xf32, #tpu.memory_space<vmem>>, vector<16xf32>,
        %get3A_216 = arith.constant 1 : i32
        %get3A_217 = arith.index_cast %get3A_216 : i32 to index
        %get3A_218 = arith.index_cast %scan3A_190 : i32 to index
        %get3A_219 = arith.constant 80 : index
        %get3A_220 = tpu.vector_load %arg9[%get3A_217, %get3A_218, %get3A_219] {strides = array<i32>} : memref<2x64x128xf32, #tpu.memory_space<vmem>>, vector<16xf32>,
        %get3A_221 = arith.constant 1 : i32
        %get3A_222 = arith.index_cast %get3A_221 : i32 to index
        %get3A_223 = arith.index_cast %scan3A_190 : i32 to index
        %get3A_224 = arith.constant 96 : index
        %get3A_225 = tpu.vector_load %arg9[%get3A_222, %get3A_223, %get3A_224] {strides = array<i32>} : memref<2x64x128xf32, #tpu.memory_space<vmem>>, vector<16xf32>,
        %get3A_226 = arith.constant 1 : i32
        %get3A_227 = arith.index_cast %get3A_226 : i32 to index
        %get3A_228 = arith.index_cast %scan3A_190 : i32 to index
        %get3A_229 = arith.constant 112 : index
        %get3A_230 = tpu.vector_load %arg9[%get3A_227, %get3A_228, %get3A_229] {strides = array<i32>} : memref<2x64x128xf32, #tpu.memory_space<vmem>>, vector<16xf32>,
        %max3A = arith.constant -1.000000e+01 : f32
        %max3A_231 = vector.broadcast %max3A : f32 to vector<16xf32>
        %max3A_232 = arith.maximumf %get3A_195, %max3A_231 : vector<16xf32>
        %min3A = arith.constant 1.000000e+01 : f32
        %min3A_233 = vector.broadcast %min3A : f32 to vector<16xf32>
        %min3A_234 = arith.minimumf %max3A_232, %min3A_233 : vector<16xf32>
        %max3A_235 = arith.constant -1.000000e+01 : f32
        %max3A_236 = vector.broadcast %max3A_235 : f32 to vector<16xf32>
        %max3A_237 = arith.maximumf %get3A_200, %max3A_236 : vector<16xf32>
        %min3A_238 = arith.constant 1.000000e+01 : f32
        %min3A_239 = vector.broadcast %min3A_238 : f32 to vector<16xf32>
        %min3A_240 = arith.minimumf %max3A_237, %min3A_239 : vector<16xf32>
        %max3A_241 = arith.constant -1.000000e+01 : f32
        %max3A_242 = vector.broadcast %max3A_241 : f32 to vector<16xf32>
        %max3A_243 = arith.maximumf %get3A_205, %max3A_242 : vector<16xf32>
        %min3A_244 = arith.constant 1.000000e+01 : f32
        %min3A_245 = vector.broadcast %min3A_244 : f32 to vector<16xf32>
        %min3A_246 = arith.minimumf %max3A_243, %min3A_245 : vector<16xf32>
        %max3A_247 = arith.constant -1.000000e+01 : f32
        %max3A_248 = vector.broadcast %max3A_247 : f32 to vector<16xf32>
        %max3A_249 = arith.maximumf %get3A_210, %max3A_248 : vector<16xf32>
        %min3A_250 = arith.constant 1.000000e+01 : f32
        %min3A_251 = vector.broadcast %min3A_250 : f32 to vector<16xf32>
        %min3A_252 = arith.minimumf %max3A_249, %min3A_251 : vector<16xf32>
        %max3A_253 = arith.constant -1.000000e+01 : f32
        %max3A_254 = vector.broadcast %max3A_253 : f32 to vector<16xf32>
        %max3A_255 = arith.maximumf %get3A_215, %max3A_254 : vector<16xf32>
        %min3A_256 = arith.constant 1.000000e+01 : f32
        %min3A_257 = vector.broadcast %min3A_256 : f32 to vector<16xf32>
        %min3A_258 = arith.minimumf %max3A_255, %min3A_257 : vector<16xf32>
        %max3A_259 = arith.constant -1.000000e+01 : f32
        %max3A_260 = vector.broadcast %max3A_259 : f32 to vector<16xf32>
        %max3A_261 = arith.maximumf %get3A_220, %max3A_260 : vector<16xf32>
        %min3A_262 = arith.constant 1.000000e+01 : f32
        %min3A_263 = vector.broadcast %min3A_262 : f32 to vector<16xf32>
        %min3A_264 = arith.minimumf %max3A_261, %min3A_263 : vector<16xf32>
        %max3A_265 = arith.constant -1.000000e+01 : f32
        %max3A_266 = vector.broadcast %max3A_265 : f32 to vector<16xf32>
        %max3A_267 = arith.maximumf %get3A_225, %max3A_266 : vector<16xf32>
        %min3A_268 = arith.constant 1.000000e+01 : f32
        %min3A_269 = vector.broadcast %min3A_268 : f32 to vector<16xf32>
        %min3A_270 = arith.minimumf %max3A_267, %min3A_269 : vector<16xf32>
        %max3A_271 = arith.constant -1.000000e+01 : f32
        %max3A_272 = vector.broadcast %max3A_271 : f32 to vector<16xf32>
        %max3A_273 = arith.maximumf %get3A_230, %max3A_272 : vector<16xf32>
        %min3A_274 = arith.constant 1.000000e+01 : f32
        %min3A_275 = vector.broadcast %min3A_274 : f32 to vector<16xf32>
        %min3A_276 = arith.minimumf %max3A_273, %min3A_275 : vector<16xf32>
        %add3A_277 = arith.constant 0 : i32
        %add3A_278 = vector.broadcast %add3A_277 : i32 to vector<16xi32>
        %add3A_279 = arith.addi %iota3A, %add3A_278 : vector<16xi32>
        %add3A_280 = arith.constant 16 : i32
        %add3A_281 = vector.broadcast %add3A_280 : i32 to vector<16xi32>
        %add3A_282 = arith.addi %iota3A, %add3A_281 : vector<16xi32>
        %add3A_283 = arith.constant 32 : i32
        %add3A_284 = vector.broadcast %add3A_283 : i32 to vector<16xi32>
        %add3A_285 = arith.addi %iota3A, %add3A_284 : vector<16xi32>
        %add3A_286 = arith.constant 48 : i32
        %add3A_287 = vector.broadcast %add3A_286 : i32 to vector<16xi32>
        %add3A_288 = arith.addi %iota3A, %add3A_287 : vector<16xi32>
        %add3A_289 = arith.constant 64 : i32
        %add3A_290 = vector.broadcast %add3A_289 : i32 to vector<16xi32>
        %add3A_291 = arith.addi %iota3A, %add3A_290 : vector<16xi32>
        %add3A_292 = arith.constant 80 : i32
        %add3A_293 = vector.broadcast %add3A_292 : i32 to vector<16xi32>
        %add3A_294 = arith.addi %iota3A, %add3A_293 : vector<16xi32>
        %add3A_295 = arith.constant 96 : i32
        %add3A_296 = vector.broadcast %add3A_295 : i32 to vector<16xi32>
        %add3A_297 = arith.addi %iota3A, %add3A_296 : vector<16xi32>
        %add3A_298 = arith.constant 112 : i32
        %add3A_299 = vector.broadcast %add3A_298 : i32 to vector<16xi32>
        %add3A_300 = arith.addi %iota3A, %add3A_299 : vector<16xi32>
        %add3A_301 = arith.constant 4096 : i32
        %add3A_302 = vector.broadcast %add3A_301 : i32 to vector<16xi32>
        %add3A_303 = arith.addi %add3A_279, %add3A_302 : vector<16xi32>
        %add3A_304 = arith.constant 4096 : i32
        %add3A_305 = vector.broadcast %add3A_304 : i32 to vector<16xi32>
        %add3A_306 = arith.addi %add3A_282, %add3A_305 : vector<16xi32>
        %add3A_307 = arith.constant 4096 : i32
        %add3A_308 = vector.broadcast %add3A_307 : i32 to vector<16xi32>
        %add3A_309 = arith.addi %add3A_285, %add3A_308 : vector<16xi32>
        %add3A_310 = arith.constant 4096 : i32
        %add3A_311 = vector.broadcast %add3A_310 : i32 to vector<16xi32>
        %add3A_312 = arith.addi %add3A_288, %add3A_311 : vector<16xi32>
        %add3A_313 = arith.constant 4096 : i32
        %add3A_314 = vector.broadcast %add3A_313 : i32 to vector<16xi32>
        %add3A_315 = arith.addi %add3A_291, %add3A_314 : vector<16xi32>
        %add3A_316 = arith.constant 4096 : i32
        %add3A_317 = vector.broadcast %add3A_316 : i32 to vector<16xi32>
        %add3A_318 = arith.addi %add3A_294, %add3A_317 : vector<16xi32>
        %add3A_319 = arith.constant 4096 : i32
        %add3A_320 = vector.broadcast %add3A_319 : i32 to vector<16xi32>
        %add3A_321 = arith.addi %add3A_297, %add3A_320 : vector<16xi32>
        %add3A_322 = arith.constant 4096 : i32
        %add3A_323 = vector.broadcast %add3A_322 : i32 to vector<16xi32>
        %add3A_324 = arith.addi %add3A_300, %add3A_323 : vector<16xi32>
        %gather3A = tpu.vector_load_idx %arg8[%add3A_303] : memref<98304xf32, #tpu.memory_space<vmem>>[vector<16xi32>], vector<16xf32>,
        %gather3A_325 = tpu.vector_load_idx %arg8[%add3A_306] : memref<98304xf32, #tpu.memory_space<vmem>>[vector<16xi32>], vector<16xf32>,
        %gather3A_326 = tpu.vector_load_idx %arg8[%add3A_309] : memref<98304xf32, #tpu.memory_space<vmem>>[vector<16xi32>], vector<16xf32>,
        %gather3A_327 = tpu.vector_load_idx %arg8[%add3A_312] : memref<98304xf32, #tpu.memory_space<vmem>>[vector<16xi32>], vector<16xf32>,
        %gather3A_328 = tpu.vector_load_idx %arg8[%add3A_315] : memref<98304xf32, #tpu.memory_space<vmem>>[vector<16xi32>], vector<16xf32>,
        %gather3A_329 = tpu.vector_load_idx %arg8[%add3A_318] : memref<98304xf32, #tpu.memory_space<vmem>>[vector<16xi32>], vector<16xf32>,
        %gather3A_330 = tpu.vector_load_idx %arg8[%add3A_321] : memref<98304xf32, #tpu.memory_space<vmem>>[vector<16xi32>], vector<16xf32>,
        %gather3A_331 = tpu.vector_load_idx %arg8[%add3A_324] : memref<98304xf32, #tpu.memory_space<vmem>>[vector<16xi32>], vector<16xf32>,
        %ge3A = arith.cmpf oge, %min3A_234, %gather3A : vector<16xf32>
        %select_n3A = arith.select %ge3A, %add3A_303, %add3A_279 : vector<16xi1>, vector<16xi32>
        %ge3A_332 = arith.cmpf oge, %min3A_240, %gather3A_325 : vector<16xf32>
        %select_n3A_333 = arith.select %ge3A_332, %add3A_306, %add3A_282 : vector<16xi1>, vector<16xi32>
        %ge3A_334 = arith.cmpf oge, %min3A_246, %gather3A_326 : vector<16xf32>
        %select_n3A_335 = arith.select %ge3A_334, %add3A_309, %add3A_285 : vector<16xi1>, vector<16xi32>
        %ge3A_336 = arith.cmpf oge, %min3A_252, %gather3A_327 : vector<16xf32>
        %select_n3A_337 = arith.select %ge3A_336, %add3A_312, %add3A_288 : vector<16xi1>, vector<16xi32>
        %ge3A_338 = arith.cmpf oge, %min3A_258, %gather3A_328 : vector<16xf32>
        %select_n3A_339 = arith.select %ge3A_338, %add3A_315, %add3A_291 : vector<16xi1>, vector<16xi32>
        %ge3A_340 = arith.cmpf oge, %min3A_264, %gather3A_329 : vector<16xf32>
        %select_n3A_341 = arith.select %ge3A_340, %add3A_318, %add3A_294 : vector<16xi1>, vector<16xi32>
        %ge3A_342 = arith.cmpf oge, %min3A_270, %gather3A_330 : vector<16xf32>
        %select_n3A_343 = arith.select %ge3A_342, %add3A_321, %add3A_297 : vector<16xi1>, vector<16xi32>
        %ge3A_344 = arith.cmpf oge, %min3A_276, %gather3A_331 : vector<16xf32>
        %select_n3A_345 = arith.select %ge3A_344, %add3A_324, %add3A_300 : vector<16xi1>, vector<16xi32>
        %add3A_346 = arith.constant 2048 : i32
        %add3A_347 = vector.broadcast %add3A_346 : i32 to vector<16xi32>
        %add3A_348 = arith.addi %select_n3A, %add3A_347 : vector<16xi32>
        %add3A_349 = arith.constant 2048 : i32
        %add3A_350 = vector.broadcast %add3A_349 : i32 to vector<16xi32>
        %add3A_351 = arith.addi %select_n3A_333, %add3A_350 : vector<16xi32>
        %add3A_352 = arith.constant 2048 : i32
        %add3A_353 = vector.broadcast %add3A_352 : i32 to vector<16xi32>
        %add3A_354 = arith.addi %select_n3A_335, %add3A_353 : vector<16xi32>
        %add3A_355 = arith.constant 2048 : i32
        %add3A_356 = vector.broadcast %add3A_355 : i32 to vector<16xi32>
        %add3A_357 = arith.addi %select_n3A_337, %add3A_356 : vector<16xi32>
        %add3A_358 = arith.constant 2048 : i32
        %add3A_359 = vector.broadcast %add3A_358 : i32 to vector<16xi32>
        %add3A_360 = arith.addi %select_n3A_339, %add3A_359 : vector<16xi32>
        %add3A_361 = arith.constant 2048 : i32
        %add3A_362 = vector.broadcast %add3A_361 : i32 to vector<16xi32>
        %add3A_363 = arith.addi %select_n3A_341, %add3A_362 : vector<16xi32>
        %add3A_364 = arith.constant 2048 : i32
        %add3A_365 = vector.broadcast %add3A_364 : i32 to vector<16xi32>
        %add3A_366 = arith.addi %select_n3A_343, %add3A_365 : vector<16xi32>
        %add3A_367 = arith.constant 2048 : i32
        %add3A_368 = vector.broadcast %add3A_367 : i32 to vector<16xi32>
        %add3A_369 = arith.addi %select_n3A_345, %add3A_368 : vector<16xi32>
        %gather3A_370 = tpu.vector_load_idx %arg8[%add3A_348] : memref<98304xf32, #tpu.memory_space<vmem>>[vector<16xi32>], vector<16xf32>,
        %gather3A_371 = tpu.vector_load_idx %arg8[%add3A_351] : memref<98304xf32, #tpu.memory_space<vmem>>[vector<16xi32>], vector<16xf32>,
        %gather3A_372 = tpu.vector_load_idx %arg8[%add3A_354] : memref<98304xf32, #tpu.memory_space<vmem>>[vector<16xi32>], vector<16xf32>,
        %gather3A_373 = tpu.vector_load_idx %arg8[%add3A_357] : memref<98304xf32, #tpu.memory_space<vmem>>[vector<16xi32>], vector<16xf32>,
        %gather3A_374 = tpu.vector_load_idx %arg8[%add3A_360] : memref<98304xf32, #tpu.memory_space<vmem>>[vector<16xi32>], vector<16xf32>,
        %gather3A_375 = tpu.vector_load_idx %arg8[%add3A_363] : memref<98304xf32, #tpu.memory_space<vmem>>[vector<16xi32>], vector<16xf32>,
        %gather3A_376 = tpu.vector_load_idx %arg8[%add3A_366] : memref<98304xf32, #tpu.memory_space<vmem>>[vector<16xi32>], vector<16xf32>,
        %gather3A_377 = tpu.vector_load_idx %arg8[%add3A_369] : memref<98304xf32, #tpu.memory_space<vmem>>[vector<16xi32>], vector<16xf32>,
        %ge3A_378 = arith.cmpf oge, %min3A_234, %gather3A_370 : vector<16xf32>
        %select_n3A_379 = arith.select %ge3A_378, %add3A_348, %select_n3A : vector<16xi1>, vector<16xi32>
        %ge3A_380 = arith.cmpf oge, %min3A_240, %gather3A_371 : vector<16xf32>
        %select_n3A_381 = arith.select %ge3A_380, %add3A_351, %select_n3A_333 : vector<16xi1>, vector<16xi32>
        %ge3A_382 = arith.cmpf oge, %min3A_246, %gather3A_372 : vector<16xf32>
        %select_n3A_383 = arith.select %ge3A_382, %add3A_354, %select_n3A_335 : vector<16xi1>, vector<16xi32>
        %ge3A_384 = arith.cmpf oge, %min3A_252, %gather3A_373 : vector<16xf32>
        %select_n3A_385 = arith.select %ge3A_384, %add3A_357, %select_n3A_337 : vector<16xi1>, vector<16xi32>
        %ge3A_386 = arith.cmpf oge, %min3A_258, %gather3A_374 : vector<16xf32>
        %select_n3A_387 = arith.select %ge3A_386, %add3A_360, %select_n3A_339 : vector<16xi1>, vector<16xi32>
        %ge3A_388 = arith.cmpf oge, %min3A_264, %gather3A_375 : vector<16xf32>
        %select_n3A_389 = arith.select %ge3A_388, %add3A_363, %select_n3A_341 : vector<16xi1>, vector<16xi32>
        %ge3A_390 = arith.cmpf oge, %min3A_270, %gather3A_376 : vector<16xf32>
        %select_n3A_391 = arith.select %ge3A_390, %add3A_366, %select_n3A_343 : vector<16xi1>, vector<16xi32>
        %ge3A_392 = arith.cmpf oge, %min3A_276, %gather3A_377 : vector<16xf32>
        %select_n3A_393 = arith.select %ge3A_392, %add3A_369, %select_n3A_345 : vector<16xi1>, vector<16xi32>
        %add3A_394 = arith.constant 1024 : i32
        %add3A_395 = vector.broadcast %add3A_394 : i32 to vector<16xi32>
        %add3A_396 = arith.addi %select_n3A_379, %add3A_395 : vector<16xi32>
        %add3A_397 = arith.constant 1024 : i32
        %add3A_398 = vector.broadcast %add3A_397 : i32 to vector<16xi32>
        %add3A_399 = arith.addi %select_n3A_381, %add3A_398 : vector<16xi32>
        %add3A_400 = arith.constant 1024 : i32
        %add3A_401 = vector.broadcast %add3A_400 : i32 to vector<16xi32>
        %add3A_402 = arith.addi %select_n3A_383, %add3A_401 : vector<16xi32>
        %add3A_403 = arith.constant 1024 : i32
        %add3A_404 = vector.broadcast %add3A_403 : i32 to vector<16xi32>
        %add3A_405 = arith.addi %select_n3A_385, %add3A_404 : vector<16xi32>
        %add3A_406 = arith.constant 1024 : i32
        %add3A_407 = vector.broadcast %add3A_406 : i32 to vector<16xi32>
        %add3A_408 = arith.addi %select_n3A_387, %add3A_407 : vector<16xi32>
        %add3A_409 = arith.constant 1024 : i32
        %add3A_410 = vector.broadcast %add3A_409 : i32 to vector<16xi32>
        %add3A_411 = arith.addi %select_n3A_389, %add3A_410 : vector<16xi32>
        %add3A_412 = arith.constant 1024 : i32
        %add3A_413 = vector.broadcast %add3A_412 : i32 to vector<16xi32>
        %add3A_414 = arith.addi %select_n3A_391, %add3A_413 : vector<16xi32>
        %add3A_415 = arith.constant 1024 : i32
        %add3A_416 = vector.broadcast %add3A_415 : i32 to vector<16xi32>
        %add3A_417 = arith.addi %select_n3A_393, %add3A_416 : vector<16xi32>
        %gather3A_418 = tpu.vector_load_idx %arg8[%add3A_396] : memref<98304xf32, #tpu.memory_space<vmem>>[vector<16xi32>], vector<16xf32>,
        %gather3A_419 = tpu.vector_load_idx %arg8[%add3A_399] : memref<98304xf32, #tpu.memory_space<vmem>>[vector<16xi32>], vector<16xf32>,
        %gather3A_420 = tpu.vector_load_idx %arg8[%add3A_402] : memref<98304xf32, #tpu.memory_space<vmem>>[vector<16xi32>], vector<16xf32>,
        %gather3A_421 = tpu.vector_load_idx %arg8[%add3A_405] : memref<98304xf32, #tpu.memory_space<vmem>>[vector<16xi32>], vector<16xf32>,
        %gather3A_422 = tpu.vector_load_idx %arg8[%add3A_408] : memref<98304xf32, #tpu.memory_space<vmem>>[vector<16xi32>], vector<16xf32>,
        %gather3A_423 = tpu.vector_load_idx %arg8[%add3A_411] : memref<98304xf32, #tpu.memory_space<vmem>>[vector<16xi32>], vector<16xf32>,
        %gather3A_424 = tpu.vector_load_idx %arg8[%add3A_414] : memref<98304xf32, #tpu.memory_space<vmem>>[vector<16xi32>], vector<16xf32>,
        %gather3A_425 = tpu.vector_load_idx %arg8[%add3A_417] : memref<98304xf32, #tpu.memory_space<vmem>>[vector<16xi32>], vector<16xf32>,
        %ge3A_426 = arith.cmpf oge, %min3A_234, %gather3A_418 : vector<16xf32>
        %select_n3A_427 = arith.select %ge3A_426, %add3A_396, %select_n3A_379 : vector<16xi1>, vector<16xi32>
        %ge3A_428 = arith.cmpf oge, %min3A_240, %gather3A_419 : vector<16xf32>
        %select_n3A_429 = arith.select %ge3A_428, %add3A_399, %select_n3A_381 : vector<16xi1>, vector<16xi32>
        %ge3A_430 = arith.cmpf oge, %min3A_246, %gather3A_420 : vector<16xf32>
        %select_n3A_431 = arith.select %ge3A_430, %add3A_402, %select_n3A_383 : vector<16xi1>, vector<16xi32>
        %ge3A_432 = arith.cmpf oge, %min3A_252, %gather3A_421 : vector<16xf32>
        %select_n3A_433 = arith.select %ge3A_432, %add3A_405, %select_n3A_385 : vector<16xi1>, vector<16xi32>
        %ge3A_434 = arith.cmpf oge, %min3A_258, %gather3A_422 : vector<16xf32>
        %select_n3A_435 = arith.select %ge3A_434, %add3A_408, %select_n3A_387 : vector<16xi1>, vector<16xi32>
        %ge3A_436 = arith.cmpf oge, %min3A_264, %gather3A_423 : vector<16xf32>
        %select_n3A_437 = arith.select %ge3A_436, %add3A_411, %select_n3A_389 : vector<16xi1>, vector<16xi32>
        %ge3A_438 = arith.cmpf oge, %min3A_270, %gather3A_424 : vector<16xf32>
        %select_n3A_439 = arith.select %ge3A_438, %add3A_414, %select_n3A_391 : vector<16xi1>, vector<16xi32>
        %ge3A_440 = arith.cmpf oge, %min3A_276, %gather3A_425 : vector<16xf32>
        %select_n3A_441 = arith.select %ge3A_440, %add3A_417, %select_n3A_393 : vector<16xi1>, vector<16xi32>
        %add3A_442 = arith.constant 512 : i32
        %add3A_443 = vector.broadcast %add3A_442 : i32 to vector<16xi32>
        %add3A_444 = arith.addi %select_n3A_427, %add3A_443 : vector<16xi32>
        %add3A_445 = arith.constant 512 : i32
        %add3A_446 = vector.broadcast %add3A_445 : i32 to vector<16xi32>
        %add3A_447 = arith.addi %select_n3A_429, %add3A_446 : vector<16xi32>
        %add3A_448 = arith.constant 512 : i32
        %add3A_449 = vector.broadcast %add3A_448 : i32 to vector<16xi32>
        %add3A_450 = arith.addi %select_n3A_431, %add3A_449 : vector<16xi32>
        %add3A_451 = arith.constant 512 : i32
        %add3A_452 = vector.broadcast %add3A_451 : i32 to vector<16xi32>
        %add3A_453 = arith.addi %select_n3A_433, %add3A_452 : vector<16xi32>
        %add3A_454 = arith.constant 512 : i32
        %add3A_455 = vector.broadcast %add3A_454 : i32 to vector<16xi32>
        %add3A_456 = arith.addi %select_n3A_435, %add3A_455 : vector<16xi32>
        %add3A_457 = arith.constant 512 : i32
        %add3A_458 = vector.broadcast %add3A_457 : i32 to vector<16xi32>
        %add3A_459 = arith.addi %select_n3A_437, %add3A_458 : vector<16xi32>
        %add3A_460 = arith.constant 512 : i32
        %add3A_461 = vector.broadcast %add3A_460 : i32 to vector<16xi32>
        %add3A_462 = arith.addi %select_n3A_439, %add3A_461 : vector<16xi32>
        %add3A_463 = arith.constant 512 : i32
        %add3A_464 = vector.broadcast %add3A_463 : i32 to vector<16xi32>
        %add3A_465 = arith.addi %select_n3A_441, %add3A_464 : vector<16xi32>
        %gather3A_466 = tpu.vector_load_idx %arg8[%add3A_444] : memref<98304xf32, #tpu.memory_space<vmem>>[vector<16xi32>], vector<16xf32>,
        %gather3A_467 = tpu.vector_load_idx %arg8[%add3A_447] : memref<98304xf32, #tpu.memory_space<vmem>>[vector<16xi32>], vector<16xf32>,
        %gather3A_468 = tpu.vector_load_idx %arg8[%add3A_450] : memref<98304xf32, #tpu.memory_space<vmem>>[vector<16xi32>], vector<16xf32>,
        %gather3A_469 = tpu.vector_load_idx %arg8[%add3A_453] : memref<98304xf32, #tpu.memory_space<vmem>>[vector<16xi32>], vector<16xf32>,
        %gather3A_470 = tpu.vector_load_idx %arg8[%add3A_456] : memref<98304xf32, #tpu.memory_space<vmem>>[vector<16xi32>], vector<16xf32>,
        %gather3A_471 = tpu.vector_load_idx %arg8[%add3A_459] : memref<98304xf32, #tpu.memory_space<vmem>>[vector<16xi32>], vector<16xf32>,
        %gather3A_472 = tpu.vector_load_idx %arg8[%add3A_462] : memref<98304xf32, #tpu.memory_space<vmem>>[vector<16xi32>], vector<16xf32>,
        %gather3A_473 = tpu.vector_load_idx %arg8[%add3A_465] : memref<98304xf32, #tpu.memory_space<vmem>>[vector<16xi32>], vector<16xf32>,
        %ge3A_474 = arith.cmpf oge, %min3A_234, %gather3A_466 : vector<16xf32>
        %select_n3A_475 = arith.select %ge3A_474, %add3A_444, %select_n3A_427 : vector<16xi1>, vector<16xi32>
        %ge3A_476 = arith.cmpf oge, %min3A_240, %gather3A_467 : vector<16xf32>
        %select_n3A_477 = arith.select %ge3A_476, %add3A_447, %select_n3A_429 : vector<16xi1>, vector<16xi32>
        %ge3A_478 = arith.cmpf oge, %min3A_246, %gather3A_468 : vector<16xf32>
        %select_n3A_479 = arith.select %ge3A_478, %add3A_450, %select_n3A_431 : vector<16xi1>, vector<16xi32>
        %ge3A_480 = arith.cmpf oge, %min3A_252, %gather3A_469 : vector<16xf32>
        %select_n3A_481 = arith.select %ge3A_480, %add3A_453, %select_n3A_433 : vector<16xi1>, vector<16xi32>
        %ge3A_482 = arith.cmpf oge, %min3A_258, %gather3A_470 : vector<16xf32>
        %select_n3A_483 = arith.select %ge3A_482, %add3A_456, %select_n3A_435 : vector<16xi1>, vector<16xi32>
        %ge3A_484 = arith.cmpf oge, %min3A_264, %gather3A_471 : vector<16xf32>
        %select_n3A_485 = arith.select %ge3A_484, %add3A_459, %select_n3A_437 : vector<16xi1>, vector<16xi32>
        %ge3A_486 = arith.cmpf oge, %min3A_270, %gather3A_472 : vector<16xf32>
        %select_n3A_487 = arith.select %ge3A_486, %add3A_462, %select_n3A_439 : vector<16xi1>, vector<16xi32>
        %ge3A_488 = arith.cmpf oge, %min3A_276, %gather3A_473 : vector<16xf32>
        %select_n3A_489 = arith.select %ge3A_488, %add3A_465, %select_n3A_441 : vector<16xi1>, vector<16xi32>
        %add3A_490 = arith.constant 256 : i32
        %add3A_491 = vector.broadcast %add3A_490 : i32 to vector<16xi32>
        %add3A_492 = arith.addi %select_n3A_475, %add3A_491 : vector<16xi32>
        %add3A_493 = arith.constant 256 : i32
        %add3A_494 = vector.broadcast %add3A_493 : i32 to vector<16xi32>
        %add3A_495 = arith.addi %select_n3A_477, %add3A_494 : vector<16xi32>
        %add3A_496 = arith.constant 256 : i32
        %add3A_497 = vector.broadcast %add3A_496 : i32 to vector<16xi32>
        %add3A_498 = arith.addi %select_n3A_479, %add3A_497 : vector<16xi32>
        %add3A_499 = arith.constant 256 : i32
        %add3A_500 = vector.broadcast %add3A_499 : i32 to vector<16xi32>
        %add3A_501 = arith.addi %select_n3A_481, %add3A_500 : vector<16xi32>
        %add3A_502 = arith.constant 256 : i32
        %add3A_503 = vector.broadcast %add3A_502 : i32 to vector<16xi32>
        %add3A_504 = arith.addi %select_n3A_483, %add3A_503 : vector<16xi32>
        %add3A_505 = arith.constant 256 : i32
        %add3A_506 = vector.broadcast %add3A_505 : i32 to vector<16xi32>
        %add3A_507 = arith.addi %select_n3A_485, %add3A_506 : vector<16xi32>
        %add3A_508 = arith.constant 256 : i32
        %add3A_509 = vector.broadcast %add3A_508 : i32 to vector<16xi32>
        %add3A_510 = arith.addi %select_n3A_487, %add3A_509 : vector<16xi32>
        %add3A_511 = arith.constant 256 : i32
        %add3A_512 = vector.broadcast %add3A_511 : i32 to vector<16xi32>
        %add3A_513 = arith.addi %select_n3A_489, %add3A_512 : vector<16xi32>
        %gather3A_514 = tpu.vector_load_idx %arg8[%add3A_492] : memref<98304xf32, #tpu.memory_space<vmem>>[vector<16xi32>], vector<16xf32>,
        %gather3A_515 = tpu.vector_load_idx %arg8[%add3A_495] : memref<98304xf32, #tpu.memory_space<vmem>>[vector<16xi32>], vector<16xf32>,
        %gather3A_516 = tpu.vector_load_idx %arg8[%add3A_498] : memref<98304xf32, #tpu.memory_space<vmem>>[vector<16xi32>], vector<16xf32>,
        %gather3A_517 = tpu.vector_load_idx %arg8[%add3A_501] : memref<98304xf32, #tpu.memory_space<vmem>>[vector<16xi32>], vector<16xf32>,
        %gather3A_518 = tpu.vector_load_idx %arg8[%add3A_504] : memref<98304xf32, #tpu.memory_space<vmem>>[vector<16xi32>], vector<16xf32>,
        %gather3A_519 = tpu.vector_load_idx %arg8[%add3A_507] : memref<98304xf32, #tpu.memory_space<vmem>>[vector<16xi32>], vector<16xf32>,
        %gather3A_520 = tpu.vector_load_idx %arg8[%add3A_510] : memref<98304xf32, #tpu.memory_space<vmem>>[vector<16xi32>], vector<16xf32>,
        %gather3A_521 = tpu.vector_load_idx %arg8[%add3A_513] : memref<98304xf32, #tpu.memory_space<vmem>>[vector<16xi32>], vector<16xf32>,
        %ge3A_522 = arith.cmpf oge, %min3A_234, %gather3A_514 : vector<16xf32>
        %select_n3A_523 = arith.select %ge3A_522, %add3A_492, %select_n3A_475 : vector<16xi1>, vector<16xi32>
        %ge3A_524 = arith.cmpf oge, %min3A_240, %gather3A_515 : vector<16xf32>
        %select_n3A_525 = arith.select %ge3A_524, %add3A_495, %select_n3A_477 : vector<16xi1>, vector<16xi32>
        %ge3A_526 = arith.cmpf oge, %min3A_246, %gather3A_516 : vector<16xf32>
        %select_n3A_527 = arith.select %ge3A_526, %add3A_498, %select_n3A_479 : vector<16xi1>, vector<16xi32>
        %ge3A_528 = arith.cmpf oge, %min3A_252, %gather3A_517 : vector<16xf32>
        %select_n3A_529 = arith.select %ge3A_528, %add3A_501, %select_n3A_481 : vector<16xi1>, vector<16xi32>
        %ge3A_530 = arith.cmpf oge, %min3A_258, %gather3A_518 : vector<16xf32>
        %select_n3A_531 = arith.select %ge3A_530, %add3A_504, %select_n3A_483 : vector<16xi1>, vector<16xi32>
        %ge3A_532 = arith.cmpf oge, %min3A_264, %gather3A_519 : vector<16xf32>
        %select_n3A_533 = arith.select %ge3A_532, %add3A_507, %select_n3A_485 : vector<16xi1>, vector<16xi32>
        %ge3A_534 = arith.cmpf oge, %min3A_270, %gather3A_520 : vector<16xf32>
        %select_n3A_535 = arith.select %ge3A_534, %add3A_510, %select_n3A_487 : vector<16xi1>, vector<16xi32>
        %ge3A_536 = arith.cmpf oge, %min3A_276, %gather3A_521 : vector<16xf32>
        %select_n3A_537 = arith.select %ge3A_536, %add3A_513, %select_n3A_489 : vector<16xi1>, vector<16xi32>
        %add3A_538 = arith.constant 128 : i32
        %add3A_539 = vector.broadcast %add3A_538 : i32 to vector<16xi32>
        %add3A_540 = arith.addi %select_n3A_523, %add3A_539 : vector<16xi32>
        %add3A_541 = arith.constant 128 : i32
        %add3A_542 = vector.broadcast %add3A_541 : i32 to vector<16xi32>
        %add3A_543 = arith.addi %select_n3A_525, %add3A_542 : vector<16xi32>
        %add3A_544 = arith.constant 128 : i32
        %add3A_545 = vector.broadcast %add3A_544 : i32 to vector<16xi32>
        %add3A_546 = arith.addi %select_n3A_527, %add3A_545 : vector<16xi32>
        %add3A_547 = arith.constant 128 : i32
        %add3A_548 = vector.broadcast %add3A_547 : i32 to vector<16xi32>
        %add3A_549 = arith.addi %select_n3A_529, %add3A_548 : vector<16xi32>
        %add3A_550 = arith.constant 128 : i32
        %add3A_551 = vector.broadcast %add3A_550 : i32 to vector<16xi32>
        %add3A_552 = arith.addi %select_n3A_531, %add3A_551 : vector<16xi32>
        %add3A_553 = arith.constant 128 : i32
        %add3A_554 = vector.broadcast %add3A_553 : i32 to vector<16xi32>
        %add3A_555 = arith.addi %select_n3A_533, %add3A_554 : vector<16xi32>
        %add3A_556 = arith.constant 128 : i32
        %add3A_557 = vector.broadcast %add3A_556 : i32 to vector<16xi32>
        %add3A_558 = arith.addi %select_n3A_535, %add3A_557 : vector<16xi32>
        %add3A_559 = arith.constant 128 : i32
        %add3A_560 = vector.broadcast %add3A_559 : i32 to vector<16xi32>
        %add3A_561 = arith.addi %select_n3A_537, %add3A_560 : vector<16xi32>
        %gather3A_562 = tpu.vector_load_idx %arg8[%add3A_540] : memref<98304xf32, #tpu.memory_space<vmem>>[vector<16xi32>], vector<16xf32>,
        %gather3A_563 = tpu.vector_load_idx %arg8[%add3A_543] : memref<98304xf32, #tpu.memory_space<vmem>>[vector<16xi32>], vector<16xf32>,
        %gather3A_564 = tpu.vector_load_idx %arg8[%add3A_546] : memref<98304xf32, #tpu.memory_space<vmem>>[vector<16xi32>], vector<16xf32>,
        %gather3A_565 = tpu.vector_load_idx %arg8[%add3A_549] : memref<98304xf32, #tpu.memory_space<vmem>>[vector<16xi32>], vector<16xf32>,
        %gather3A_566 = tpu.vector_load_idx %arg8[%add3A_552] : memref<98304xf32, #tpu.memory_space<vmem>>[vector<16xi32>], vector<16xf32>,
        %gather3A_567 = tpu.vector_load_idx %arg8[%add3A_555] : memref<98304xf32, #tpu.memory_space<vmem>>[vector<16xi32>], vector<16xf32>,
        %gather3A_568 = tpu.vector_load_idx %arg8[%add3A_558] : memref<98304xf32, #tpu.memory_space<vmem>>[vector<16xi32>], vector<16xf32>,
        %gather3A_569 = tpu.vector_load_idx %arg8[%add3A_561] : memref<98304xf32, #tpu.memory_space<vmem>>[vector<16xi32>], vector<16xf32>,
        %ge3A_570 = arith.cmpf oge, %min3A_234, %gather3A_562 : vector<16xf32>
        %select_n3A_571 = arith.select %ge3A_570, %add3A_540, %select_n3A_523 : vector<16xi1>, vector<16xi32>
        %ge3A_572 = arith.cmpf oge, %min3A_240, %gather3A_563 : vector<16xf32>
        %select_n3A_573 = arith.select %ge3A_572, %add3A_543, %select_n3A_525 : vector<16xi1>, vector<16xi32>
        %ge3A_574 = arith.cmpf oge, %min3A_246, %gather3A_564 : vector<16xf32>
        %select_n3A_575 = arith.select %ge3A_574, %add3A_546, %select_n3A_527 : vector<16xi1>, vector<16xi32>
        %ge3A_576 = arith.cmpf oge, %min3A_252, %gather3A_565 : vector<16xf32>
        %select_n3A_577 = arith.select %ge3A_576, %add3A_549, %select_n3A_529 : vector<16xi1>, vector<16xi32>
        %ge3A_578 = arith.cmpf oge, %min3A_258, %gather3A_566 : vector<16xf32>
        %select_n3A_579 = arith.select %ge3A_578, %add3A_552, %select_n3A_531 : vector<16xi1>, vector<16xi32>
        %ge3A_580 = arith.cmpf oge, %min3A_264, %gather3A_567 : vector<16xf32>
        %select_n3A_581 = arith.select %ge3A_580, %add3A_555, %select_n3A_533 : vector<16xi1>, vector<16xi32>
        %ge3A_582 = arith.cmpf oge, %min3A_270, %gather3A_568 : vector<16xf32>
        %select_n3A_583 = arith.select %ge3A_582, %add3A_558, %select_n3A_535 : vector<16xi1>, vector<16xi32>
        %ge3A_584 = arith.cmpf oge, %min3A_276, %gather3A_569 : vector<16xf32>
        %select_n3A_585 = arith.select %ge3A_584, %add3A_561, %select_n3A_537 : vector<16xi1>, vector<16xi32>
        %gather3A_586 = tpu.vector_load_idx %arg8[%select_n3A_571] : memref<98304xf32, #tpu.memory_space<vmem>>[vector<16xi32>], vector<16xf32>,
        %add3A_587 = arith.constant 8192 : i32
        %add3A_588 = vector.broadcast %add3A_587 : i32 to vector<16xi32>
        %add3A_589 = arith.addi %select_n3A_571, %add3A_588 : vector<16xi32>
        %gather3A_590 = tpu.vector_load_idx %arg8[%add3A_589] : memref<98304xf32, #tpu.memory_space<vmem>>[vector<16xi32>], vector<16xf32>,
        %add3A_591 = arith.constant 16384 : i32
        %add3A_592 = vector.broadcast %add3A_591 : i32 to vector<16xi32>
        %add3A_593 = arith.addi %select_n3A_571, %add3A_592 : vector<16xi32>
        %gather3A_594 = tpu.vector_load_idx %arg8[%add3A_593] : memref<98304xf32, #tpu.memory_space<vmem>>[vector<16xi32>], vector<16xf32>,
        %add3A_595 = arith.constant 24576 : i32
        %add3A_596 = vector.broadcast %add3A_595 : i32 to vector<16xi32>
        %add3A_597 = arith.addi %select_n3A_571, %add3A_596 : vector<16xi32>
        %gather3A_598 = tpu.vector_load_idx %arg8[%add3A_597] : memref<98304xf32, #tpu.memory_space<vmem>>[vector<16xi32>], vector<16xf32>,
        %add3A_599 = arith.constant 32768 : i32
        %add3A_600 = vector.broadcast %add3A_599 : i32 to vector<16xi32>
        %add3A_601 = arith.addi %select_n3A_571, %add3A_600 : vector<16xi32>
        %gather3A_602 = tpu.vector_load_idx %arg8[%add3A_601] : memref<98304xf32, #tpu.memory_space<vmem>>[vector<16xi32>], vector<16xf32>,
        %add3A_603 = arith.constant 40960 : i32
        %add3A_604 = vector.broadcast %add3A_603 : i32 to vector<16xi32>
        %add3A_605 = arith.addi %select_n3A_571, %add3A_604 : vector<16xi32>
        %gather3A_606 = tpu.vector_load_idx %arg8[%add3A_605] : memref<98304xf32, #tpu.memory_space<vmem>>[vector<16xi32>], vector<16xf32>,
        %mul3A_607 = arith.mulf %gather3A_598, %gather3A_590 : vector<16xf32>
        %sub3A = arith.subf %min3A_234, %gather3A_586 : vector<16xf32>
        %mul3A_608 = arith.mulf %sub3A, %gather3A_590 : vector<16xf32>
        %max3A_609 = arith.constant 0.000000e+00 : f32
        %max3A_610 = vector.broadcast %max3A_609 : f32 to vector<16xf32>
        %max3A_611 = arith.maximumf %mul3A_608, %max3A_610 : vector<16xf32>
        %min3A_612 = arith.constant 1.000000e+00 : f32
        %min3A_613 = vector.broadcast %min3A_612 : f32 to vector<16xf32>
        %min3A_614 = arith.minimumf %max3A_611, %min3A_613 : vector<16xf32>
        %sub3A_615 = arith.constant 1.000000e+00 : f32
        %sub3A_616 = vector.broadcast %sub3A_615 : f32 to vector<16xf32>
        %sub3A_617 = arith.subf %sub3A_616, %min3A_614 : vector<16xf32>
        %mul3A_618 = arith.mulf %gather3A_598, %min3A_614 : vector<16xf32>
        %mul3A_619 = arith.mulf %mul3A_607, %min3A_614 : vector<16xf32>
        %mul3A_620 = arith.mulf %gather3A_602, %sub3A_617 : vector<16xf32>
        %add3A_621 = arith.addf %mul3A_619, %mul3A_620 : vector<16xf32>
        %mul3A_622 = arith.mulf %mul3A_618, %add3A_621 : vector<16xf32>
        %mul3A_623 = arith.mulf %min3A_614, %sub3A_617 : vector<16xf32>
        %mul3A_624 = arith.mulf %gather3A_606, %mul3A_623 : vector<16xf32>
        %add3A_625 = arith.addf %mul3A_607, %mul3A_624 : vector<16xf32>
        %div3A_626 = arith.divf %mul3A_622, %add3A_625 : vector<16xf32>
        %add3A_627 = arith.addf %gather3A_594, %div3A_626 : vector<16xf32>
        %abs3A = math.absf %get3A_195 : vector<16xf32>
        %lt3A_628 = arith.constant 1.000000e+01 : f32
        %lt3A_629 = vector.broadcast %lt3A_628 : f32 to vector<16xf32>
        %lt3A_630 = arith.cmpf olt, %abs3A, %lt3A_629 : vector<16xf32>
        %select_n3A_631 = arith.select %lt3A_630, %add3A_627, %get3A_195 : vector<16xi1>, vector<16xf32>
        %gather3A_632 = tpu.vector_load_idx %arg8[%select_n3A_573] : memref<98304xf32, #tpu.memory_space<vmem>>[vector<16xi32>], vector<16xf32>,
        %add3A_633 = arith.constant 8192 : i32
        %add3A_634 = vector.broadcast %add3A_633 : i32 to vector<16xi32>
        %add3A_635 = arith.addi %select_n3A_573, %add3A_634 : vector<16xi32>
        %gather3A_636 = tpu.vector_load_idx %arg8[%add3A_635] : memref<98304xf32, #tpu.memory_space<vmem>>[vector<16xi32>], vector<16xf32>,
        %add3A_637 = arith.constant 16384 : i32
        %add3A_638 = vector.broadcast %add3A_637 : i32 to vector<16xi32>
        %add3A_639 = arith.addi %select_n3A_573, %add3A_638 : vector<16xi32>
        %gather3A_640 = tpu.vector_load_idx %arg8[%add3A_639] : memref<98304xf32, #tpu.memory_space<vmem>>[vector<16xi32>], vector<16xf32>,
        %add3A_641 = arith.constant 24576 : i32
        %add3A_642 = vector.broadcast %add3A_641 : i32 to vector<16xi32>
        %add3A_643 = arith.addi %select_n3A_573, %add3A_642 : vector<16xi32>
        %gather3A_644 = tpu.vector_load_idx %arg8[%add3A_643] : memref<98304xf32, #tpu.memory_space<vmem>>[vector<16xi32>], vector<16xf32>,
        %add3A_645 = arith.constant 32768 : i32
        %add3A_646 = vector.broadcast %add3A_645 : i32 to vector<16xi32>
        %add3A_647 = arith.addi %select_n3A_573, %add3A_646 : vector<16xi32>
        %gather3A_648 = tpu.vector_load_idx %arg8[%add3A_647] : memref<98304xf32, #tpu.memory_space<vmem>>[vector<16xi32>], vector<16xf32>,
        %add3A_649 = arith.constant 40960 : i32
        %add3A_650 = vector.broadcast %add3A_649 : i32 to vector<16xi32>
        %add3A_651 = arith.addi %select_n3A_573, %add3A_650 : vector<16xi32>
        %gather3A_652 = tpu.vector_load_idx %arg8[%add3A_651] : memref<98304xf32, #tpu.memory_space<vmem>>[vector<16xi32>], vector<16xf32>,
        %mul3A_653 = arith.mulf %gather3A_644, %gather3A_636 : vector<16xf32>
        %sub3A_654 = arith.subf %min3A_240, %gather3A_632 : vector<16xf32>
        %mul3A_655 = arith.mulf %sub3A_654, %gather3A_636 : vector<16xf32>
        %max3A_656 = arith.constant 0.000000e+00 : f32
        %max3A_657 = vector.broadcast %max3A_656 : f32 to vector<16xf32>
        %max3A_658 = arith.maximumf %mul3A_655, %max3A_657 : vector<16xf32>
        %min3A_659 = arith.constant 1.000000e+00 : f32
        %min3A_660 = vector.broadcast %min3A_659 : f32 to vector<16xf32>
        %min3A_661 = arith.minimumf %max3A_658, %min3A_660 : vector<16xf32>
        %sub3A_662 = arith.constant 1.000000e+00 : f32
        %sub3A_663 = vector.broadcast %sub3A_662 : f32 to vector<16xf32>
        %sub3A_664 = arith.subf %sub3A_663, %min3A_661 : vector<16xf32>
        %mul3A_665 = arith.mulf %gather3A_644, %min3A_661 : vector<16xf32>
        %mul3A_666 = arith.mulf %mul3A_653, %min3A_661 : vector<16xf32>
        %mul3A_667 = arith.mulf %gather3A_648, %sub3A_664 : vector<16xf32>
        %add3A_668 = arith.addf %mul3A_666, %mul3A_667 : vector<16xf32>
        %mul3A_669 = arith.mulf %mul3A_665, %add3A_668 : vector<16xf32>
        %mul3A_670 = arith.mulf %min3A_661, %sub3A_664 : vector<16xf32>
        %mul3A_671 = arith.mulf %gather3A_652, %mul3A_670 : vector<16xf32>
        %add3A_672 = arith.addf %mul3A_653, %mul3A_671 : vector<16xf32>
        %div3A_673 = arith.divf %mul3A_669, %add3A_672 : vector<16xf32>
        %add3A_674 = arith.addf %gather3A_640, %div3A_673 : vector<16xf32>
        %abs3A_675 = math.absf %get3A_200 : vector<16xf32>
        %lt3A_676 = arith.constant 1.000000e+01 : f32
        %lt3A_677 = vector.broadcast %lt3A_676 : f32 to vector<16xf32>
        %lt3A_678 = arith.cmpf olt, %abs3A_675, %lt3A_677 : vector<16xf32>
        %select_n3A_679 = arith.select %lt3A_678, %add3A_674, %get3A_200 : vector<16xi1>, vector<16xf32>
        %gather3A_680 = tpu.vector_load_idx %arg8[%select_n3A_575] : memref<98304xf32, #tpu.memory_space<vmem>>[vector<16xi32>], vector<16xf32>,
        %add3A_681 = arith.constant 8192 : i32
        %add3A_682 = vector.broadcast %add3A_681 : i32 to vector<16xi32>
        %add3A_683 = arith.addi %select_n3A_575, %add3A_682 : vector<16xi32>
        %gather3A_684 = tpu.vector_load_idx %arg8[%add3A_683] : memref<98304xf32, #tpu.memory_space<vmem>>[vector<16xi32>], vector<16xf32>,
        %add3A_685 = arith.constant 16384 : i32
        %add3A_686 = vector.broadcast %add3A_685 : i32 to vector<16xi32>
        %add3A_687 = arith.addi %select_n3A_575, %add3A_686 : vector<16xi32>
        %gather3A_688 = tpu.vector_load_idx %arg8[%add3A_687] : memref<98304xf32, #tpu.memory_space<vmem>>[vector<16xi32>], vector<16xf32>,
        %add3A_689 = arith.constant 24576 : i32
        %add3A_690 = vector.broadcast %add3A_689 : i32 to vector<16xi32>
        %add3A_691 = arith.addi %select_n3A_575, %add3A_690 : vector<16xi32>
        %gather3A_692 = tpu.vector_load_idx %arg8[%add3A_691] : memref<98304xf32, #tpu.memory_space<vmem>>[vector<16xi32>], vector<16xf32>,
        %add3A_693 = arith.constant 32768 : i32
        %add3A_694 = vector.broadcast %add3A_693 : i32 to vector<16xi32>
        %add3A_695 = arith.addi %select_n3A_575, %add3A_694 : vector<16xi32>
        %gather3A_696 = tpu.vector_load_idx %arg8[%add3A_695] : memref<98304xf32, #tpu.memory_space<vmem>>[vector<16xi32>], vector<16xf32>,
        %add3A_697 = arith.constant 40960 : i32
        %add3A_698 = vector.broadcast %add3A_697 : i32 to vector<16xi32>
        %add3A_699 = arith.addi %select_n3A_575, %add3A_698 : vector<16xi32>
        %gather3A_700 = tpu.vector_load_idx %arg8[%add3A_699] : memref<98304xf32, #tpu.memory_space<vmem>>[vector<16xi32>], vector<16xf32>,
        %mul3A_701 = arith.mulf %gather3A_692, %gather3A_684 : vector<16xf32>
        %sub3A_702 = arith.subf %min3A_246, %gather3A_680 : vector<16xf32>
        %mul3A_703 = arith.mulf %sub3A_702, %gather3A_684 : vector<16xf32>
        %max3A_704 = arith.constant 0.000000e+00 : f32
        %max3A_705 = vector.broadcast %max3A_704 : f32 to vector<16xf32>
        %max3A_706 = arith.maximumf %mul3A_703, %max3A_705 : vector<16xf32>
        %min3A_707 = arith.constant 1.000000e+00 : f32
        %min3A_708 = vector.broadcast %min3A_707 : f32 to vector<16xf32>
        %min3A_709 = arith.minimumf %max3A_706, %min3A_708 : vector<16xf32>
        %sub3A_710 = arith.constant 1.000000e+00 : f32
        %sub3A_711 = vector.broadcast %sub3A_710 : f32 to vector<16xf32>
        %sub3A_712 = arith.subf %sub3A_711, %min3A_709 : vector<16xf32>
        %mul3A_713 = arith.mulf %gather3A_692, %min3A_709 : vector<16xf32>
        %mul3A_714 = arith.mulf %mul3A_701, %min3A_709 : vector<16xf32>
        %mul3A_715 = arith.mulf %gather3A_696, %sub3A_712 : vector<16xf32>
        %add3A_716 = arith.addf %mul3A_714, %mul3A_715 : vector<16xf32>
        %mul3A_717 = arith.mulf %mul3A_713, %add3A_716 : vector<16xf32>
        %mul3A_718 = arith.mulf %min3A_709, %sub3A_712 : vector<16xf32>
        %mul3A_719 = arith.mulf %gather3A_700, %mul3A_718 : vector<16xf32>
        %add3A_720 = arith.addf %mul3A_701, %mul3A_719 : vector<16xf32>
        %div3A_721 = arith.divf %mul3A_717, %add3A_720 : vector<16xf32>
        %add3A_722 = arith.addf %gather3A_688, %div3A_721 : vector<16xf32>
        %abs3A_723 = math.absf %get3A_205 : vector<16xf32>
        %lt3A_724 = arith.constant 1.000000e+01 : f32
        %lt3A_725 = vector.broadcast %lt3A_724 : f32 to vector<16xf32>
        %lt3A_726 = arith.cmpf olt, %abs3A_723, %lt3A_725 : vector<16xf32>
        %select_n3A_727 = arith.select %lt3A_726, %add3A_722, %get3A_205 : vector<16xi1>, vector<16xf32>
        %gather3A_728 = tpu.vector_load_idx %arg8[%select_n3A_577] : memref<98304xf32, #tpu.memory_space<vmem>>[vector<16xi32>], vector<16xf32>,
        %add3A_729 = arith.constant 8192 : i32
        %add3A_730 = vector.broadcast %add3A_729 : i32 to vector<16xi32>
        %add3A_731 = arith.addi %select_n3A_577, %add3A_730 : vector<16xi32>
        %gather3A_732 = tpu.vector_load_idx %arg8[%add3A_731] : memref<98304xf32, #tpu.memory_space<vmem>>[vector<16xi32>], vector<16xf32>,
        %add3A_733 = arith.constant 16384 : i32
        %add3A_734 = vector.broadcast %add3A_733 : i32 to vector<16xi32>
        %add3A_735 = arith.addi %select_n3A_577, %add3A_734 : vector<16xi32>
        %gather3A_736 = tpu.vector_load_idx %arg8[%add3A_735] : memref<98304xf32, #tpu.memory_space<vmem>>[vector<16xi32>], vector<16xf32>,
        %add3A_737 = arith.constant 24576 : i32
        %add3A_738 = vector.broadcast %add3A_737 : i32 to vector<16xi32>
        %add3A_739 = arith.addi %select_n3A_577, %add3A_738 : vector<16xi32>
        %gather3A_740 = tpu.vector_load_idx %arg8[%add3A_739] : memref<98304xf32, #tpu.memory_space<vmem>>[vector<16xi32>], vector<16xf32>,
        %add3A_741 = arith.constant 32768 : i32
        %add3A_742 = vector.broadcast %add3A_741 : i32 to vector<16xi32>
        %add3A_743 = arith.addi %select_n3A_577, %add3A_742 : vector<16xi32>
        %gather3A_744 = tpu.vector_load_idx %arg8[%add3A_743] : memref<98304xf32, #tpu.memory_space<vmem>>[vector<16xi32>], vector<16xf32>,
        %add3A_745 = arith.constant 40960 : i32
        %add3A_746 = vector.broadcast %add3A_745 : i32 to vector<16xi32>
        %add3A_747 = arith.addi %select_n3A_577, %add3A_746 : vector<16xi32>
        %gather3A_748 = tpu.vector_load_idx %arg8[%add3A_747] : memref<98304xf32, #tpu.memory_space<vmem>>[vector<16xi32>], vector<16xf32>,
        %mul3A_749 = arith.mulf %gather3A_740, %gather3A_732 : vector<16xf32>
        %sub3A_750 = arith.subf %min3A_252, %gather3A_728 : vector<16xf32>
        %mul3A_751 = arith.mulf %sub3A_750, %gather3A_732 : vector<16xf32>
        %max3A_752 = arith.constant 0.000000e+00 : f32
        %max3A_753 = vector.broadcast %max3A_752 : f32 to vector<16xf32>
        %max3A_754 = arith.maximumf %mul3A_751, %max3A_753 : vector<16xf32>
        %min3A_755 = arith.constant 1.000000e+00 : f32
        %min3A_756 = vector.broadcast %min3A_755 : f32 to vector<16xf32>
        %min3A_757 = arith.minimumf %max3A_754, %min3A_756 : vector<16xf32>
        %sub3A_758 = arith.constant 1.000000e+00 : f32
        %sub3A_759 = vector.broadcast %sub3A_758 : f32 to vector<16xf32>
        %sub3A_760 = arith.subf %sub3A_759, %min3A_757 : vector<16xf32>
        %mul3A_761 = arith.mulf %gather3A_740, %min3A_757 : vector<16xf32>
        %mul3A_762 = arith.mulf %mul3A_749, %min3A_757 : vector<16xf32>
        %mul3A_763 = arith.mulf %gather3A_744, %sub3A_760 : vector<16xf32>
        %add3A_764 = arith.addf %mul3A_762, %mul3A_763 : vector<16xf32>
        %mul3A_765 = arith.mulf %mul3A_761, %add3A_764 : vector<16xf32>
        %mul3A_766 = arith.mulf %min3A_757, %sub3A_760 : vector<16xf32>
        %mul3A_767 = arith.mulf %gather3A_748, %mul3A_766 : vector<16xf32>
        %add3A_768 = arith.addf %mul3A_749, %mul3A_767 : vector<16xf32>
        %div3A_769 = arith.divf %mul3A_765, %add3A_768 : vector<16xf32>
        %add3A_770 = arith.addf %gather3A_736, %div3A_769 : vector<16xf32>
        %abs3A_771 = math.absf %get3A_210 : vector<16xf32>
        %lt3A_772 = arith.constant 1.000000e+01 : f32
        %lt3A_773 = vector.broadcast %lt3A_772 : f32 to vector<16xf32>
        %lt3A_774 = arith.cmpf olt, %abs3A_771, %lt3A_773 : vector<16xf32>
        %select_n3A_775 = arith.select %lt3A_774, %add3A_770, %get3A_210 : vector<16xi1>, vector<16xf32>
        %gather3A_776 = tpu.vector_load_idx %arg8[%select_n3A_579] : memref<98304xf32, #tpu.memory_space<vmem>>[vector<16xi32>], vector<16xf32>,
        %add3A_777 = arith.constant 8192 : i32
        %add3A_778 = vector.broadcast %add3A_777 : i32 to vector<16xi32>
        %add3A_779 = arith.addi %select_n3A_579, %add3A_778 : vector<16xi32>
        %gather3A_780 = tpu.vector_load_idx %arg8[%add3A_779] : memref<98304xf32, #tpu.memory_space<vmem>>[vector<16xi32>], vector<16xf32>,
        %add3A_781 = arith.constant 16384 : i32
        %add3A_782 = vector.broadcast %add3A_781 : i32 to vector<16xi32>
        %add3A_783 = arith.addi %select_n3A_579, %add3A_782 : vector<16xi32>
        %gather3A_784 = tpu.vector_load_idx %arg8[%add3A_783] : memref<98304xf32, #tpu.memory_space<vmem>>[vector<16xi32>], vector<16xf32>,
        %add3A_785 = arith.constant 24576 : i32
        %add3A_786 = vector.broadcast %add3A_785 : i32 to vector<16xi32>
        %add3A_787 = arith.addi %select_n3A_579, %add3A_786 : vector<16xi32>
        %gather3A_788 = tpu.vector_load_idx %arg8[%add3A_787] : memref<98304xf32, #tpu.memory_space<vmem>>[vector<16xi32>], vector<16xf32>,
        %add3A_789 = arith.constant 32768 : i32
        %add3A_790 = vector.broadcast %add3A_789 : i32 to vector<16xi32>
        %add3A_791 = arith.addi %select_n3A_579, %add3A_790 : vector<16xi32>
        %gather3A_792 = tpu.vector_load_idx %arg8[%add3A_791] : memref<98304xf32, #tpu.memory_space<vmem>>[vector<16xi32>], vector<16xf32>,
        %add3A_793 = arith.constant 40960 : i32
        %add3A_794 = vector.broadcast %add3A_793 : i32 to vector<16xi32>
        %add3A_795 = arith.addi %select_n3A_579, %add3A_794 : vector<16xi32>
        %gather3A_796 = tpu.vector_load_idx %arg8[%add3A_795] : memref<98304xf32, #tpu.memory_space<vmem>>[vector<16xi32>], vector<16xf32>,
        %mul3A_797 = arith.mulf %gather3A_788, %gather3A_780 : vector<16xf32>
        %sub3A_798 = arith.subf %min3A_258, %gather3A_776 : vector<16xf32>
        %mul3A_799 = arith.mulf %sub3A_798, %gather3A_780 : vector<16xf32>
        %max3A_800 = arith.constant 0.000000e+00 : f32
        %max3A_801 = vector.broadcast %max3A_800 : f32 to vector<16xf32>
        %max3A_802 = arith.maximumf %mul3A_799, %max3A_801 : vector<16xf32>
        %min3A_803 = arith.constant 1.000000e+00 : f32
        %min3A_804 = vector.broadcast %min3A_803 : f32 to vector<16xf32>
        %min3A_805 = arith.minimumf %max3A_802, %min3A_804 : vector<16xf32>
        %sub3A_806 = arith.constant 1.000000e+00 : f32
        %sub3A_807 = vector.broadcast %sub3A_806 : f32 to vector<16xf32>
        %sub3A_808 = arith.subf %sub3A_807, %min3A_805 : vector<16xf32>
        %mul3A_809 = arith.mulf %gather3A_788, %min3A_805 : vector<16xf32>
        %mul3A_810 = arith.mulf %mul3A_797, %min3A_805 : vector<16xf32>
        %mul3A_811 = arith.mulf %gather3A_792, %sub3A_808 : vector<16xf32>
        %add3A_812 = arith.addf %mul3A_810, %mul3A_811 : vector<16xf32>
        %mul3A_813 = arith.mulf %mul3A_809, %add3A_812 : vector<16xf32>
        %mul3A_814 = arith.mulf %min3A_805, %sub3A_808 : vector<16xf32>
        %mul3A_815 = arith.mulf %gather3A_796, %mul3A_814 : vector<16xf32>
        %add3A_816 = arith.addf %mul3A_797, %mul3A_815 : vector<16xf32>
        %div3A_817 = arith.divf %mul3A_813, %add3A_816 : vector<16xf32>
        %add3A_818 = arith.addf %gather3A_784, %div3A_817 : vector<16xf32>
        %abs3A_819 = math.absf %get3A_215 : vector<16xf32>
        %lt3A_820 = arith.constant 1.000000e+01 : f32
        %lt3A_821 = vector.broadcast %lt3A_820 : f32 to vector<16xf32>
        %lt3A_822 = arith.cmpf olt, %abs3A_819, %lt3A_821 : vector<16xf32>
        %select_n3A_823 = arith.select %lt3A_822, %add3A_818, %get3A_215 : vector<16xi1>, vector<16xf32>
        %gather3A_824 = tpu.vector_load_idx %arg8[%select_n3A_581] : memref<98304xf32, #tpu.memory_space<vmem>>[vector<16xi32>], vector<16xf32>,
        %add3A_825 = arith.constant 8192 : i32
        %add3A_826 = vector.broadcast %add3A_825 : i32 to vector<16xi32>
        %add3A_827 = arith.addi %select_n3A_581, %add3A_826 : vector<16xi32>
        %gather3A_828 = tpu.vector_load_idx %arg8[%add3A_827] : memref<98304xf32, #tpu.memory_space<vmem>>[vector<16xi32>], vector<16xf32>,
        %add3A_829 = arith.constant 16384 : i32
        %add3A_830 = vector.broadcast %add3A_829 : i32 to vector<16xi32>
        %add3A_831 = arith.addi %select_n3A_581, %add3A_830 : vector<16xi32>
        %gather3A_832 = tpu.vector_load_idx %arg8[%add3A_831] : memref<98304xf32, #tpu.memory_space<vmem>>[vector<16xi32>], vector<16xf32>,
        %add3A_833 = arith.constant 24576 : i32
        %add3A_834 = vector.broadcast %add3A_833 : i32 to vector<16xi32>
        %add3A_835 = arith.addi %select_n3A_581, %add3A_834 : vector<16xi32>
        %gather3A_836 = tpu.vector_load_idx %arg8[%add3A_835] : memref<98304xf32, #tpu.memory_space<vmem>>[vector<16xi32>], vector<16xf32>,
        %add3A_837 = arith.constant 32768 : i32
        %add3A_838 = vector.broadcast %add3A_837 : i32 to vector<16xi32>
        %add3A_839 = arith.addi %select_n3A_581, %add3A_838 : vector<16xi32>
        %gather3A_840 = tpu.vector_load_idx %arg8[%add3A_839] : memref<98304xf32, #tpu.memory_space<vmem>>[vector<16xi32>], vector<16xf32>,
        %add3A_841 = arith.constant 40960 : i32
        %add3A_842 = vector.broadcast %add3A_841 : i32 to vector<16xi32>
        %add3A_843 = arith.addi %select_n3A_581, %add3A_842 : vector<16xi32>
        %gather3A_844 = tpu.vector_load_idx %arg8[%add3A_843] : memref<98304xf32, #tpu.memory_space<vmem>>[vector<16xi32>], vector<16xf32>,
        %mul3A_845 = arith.mulf %gather3A_836, %gather3A_828 : vector<16xf32>
        %sub3A_846 = arith.subf %min3A_264, %gather3A_824 : vector<16xf32>
        %mul3A_847 = arith.mulf %sub3A_846, %gather3A_828 : vector<16xf32>
        %max3A_848 = arith.constant 0.000000e+00 : f32
        %max3A_849 = vector.broadcast %max3A_848 : f32 to vector<16xf32>
        %max3A_850 = arith.maximumf %mul3A_847, %max3A_849 : vector<16xf32>
        %min3A_851 = arith.constant 1.000000e+00 : f32
        %min3A_852 = vector.broadcast %min3A_851 : f32 to vector<16xf32>
        %min3A_853 = arith.minimumf %max3A_850, %min3A_852 : vector<16xf32>
        %sub3A_854 = arith.constant 1.000000e+00 : f32
        %sub3A_855 = vector.broadcast %sub3A_854 : f32 to vector<16xf32>
        %sub3A_856 = arith.subf %sub3A_855, %min3A_853 : vector<16xf32>
        %mul3A_857 = arith.mulf %gather3A_836, %min3A_853 : vector<16xf32>
        %mul3A_858 = arith.mulf %mul3A_845, %min3A_853 : vector<16xf32>
        %mul3A_859 = arith.mulf %gather3A_840, %sub3A_856 : vector<16xf32>
        %add3A_860 = arith.addf %mul3A_858, %mul3A_859 : vector<16xf32>
        %mul3A_861 = arith.mulf %mul3A_857, %add3A_860 : vector<16xf32>
        %mul3A_862 = arith.mulf %min3A_853, %sub3A_856 : vector<16xf32>
        %mul3A_863 = arith.mulf %gather3A_844, %mul3A_862 : vector<16xf32>
        %add3A_864 = arith.addf %mul3A_845, %mul3A_863 : vector<16xf32>
        %div3A_865 = arith.divf %mul3A_861, %add3A_864 : vector<16xf32>
        %add3A_866 = arith.addf %gather3A_832, %div3A_865 : vector<16xf32>
        %abs3A_867 = math.absf %get3A_220 : vector<16xf32>
        %lt3A_868 = arith.constant 1.000000e+01 : f32
        %lt3A_869 = vector.broadcast %lt3A_868 : f32 to vector<16xf32>
        %lt3A_870 = arith.cmpf olt, %abs3A_867, %lt3A_869 : vector<16xf32>
        %select_n3A_871 = arith.select %lt3A_870, %add3A_866, %get3A_220 : vector<16xi1>, vector<16xf32>
        %gather3A_872 = tpu.vector_load_idx %arg8[%select_n3A_583] : memref<98304xf32, #tpu.memory_space<vmem>>[vector<16xi32>], vector<16xf32>,
        %add3A_873 = arith.constant 8192 : i32
        %add3A_874 = vector.broadcast %add3A_873 : i32 to vector<16xi32>
        %add3A_875 = arith.addi %select_n3A_583, %add3A_874 : vector<16xi32>
        %gather3A_876 = tpu.vector_load_idx %arg8[%add3A_875] : memref<98304xf32, #tpu.memory_space<vmem>>[vector<16xi32>], vector<16xf32>,
        %add3A_877 = arith.constant 16384 : i32
        %add3A_878 = vector.broadcast %add3A_877 : i32 to vector<16xi32>
        %add3A_879 = arith.addi %select_n3A_583, %add3A_878 : vector<16xi32>
        %gather3A_880 = tpu.vector_load_idx %arg8[%add3A_879] : memref<98304xf32, #tpu.memory_space<vmem>>[vector<16xi32>], vector<16xf32>,
        %add3A_881 = arith.constant 24576 : i32
        %add3A_882 = vector.broadcast %add3A_881 : i32 to vector<16xi32>
        %add3A_883 = arith.addi %select_n3A_583, %add3A_882 : vector<16xi32>
        %gather3A_884 = tpu.vector_load_idx %arg8[%add3A_883] : memref<98304xf32, #tpu.memory_space<vmem>>[vector<16xi32>], vector<16xf32>,
        %add3A_885 = arith.constant 32768 : i32
        %add3A_886 = vector.broadcast %add3A_885 : i32 to vector<16xi32>
        %add3A_887 = arith.addi %select_n3A_583, %add3A_886 : vector<16xi32>
        %gather3A_888 = tpu.vector_load_idx %arg8[%add3A_887] : memref<98304xf32, #tpu.memory_space<vmem>>[vector<16xi32>], vector<16xf32>,
        %add3A_889 = arith.constant 40960 : i32
        %add3A_890 = vector.broadcast %add3A_889 : i32 to vector<16xi32>
        %add3A_891 = arith.addi %select_n3A_583, %add3A_890 : vector<16xi32>
        %gather3A_892 = tpu.vector_load_idx %arg8[%add3A_891] : memref<98304xf32, #tpu.memory_space<vmem>>[vector<16xi32>], vector<16xf32>,
        %mul3A_893 = arith.mulf %gather3A_884, %gather3A_876 : vector<16xf32>
        %sub3A_894 = arith.subf %min3A_270, %gather3A_872 : vector<16xf32>
        %mul3A_895 = arith.mulf %sub3A_894, %gather3A_876 : vector<16xf32>
        %max3A_896 = arith.constant 0.000000e+00 : f32
        %max3A_897 = vector.broadcast %max3A_896 : f32 to vector<16xf32>
        %max3A_898 = arith.maximumf %mul3A_895, %max3A_897 : vector<16xf32>
        %min3A_899 = arith.constant 1.000000e+00 : f32
        %min3A_900 = vector.broadcast %min3A_899 : f32 to vector<16xf32>
        %min3A_901 = arith.minimumf %max3A_898, %min3A_900 : vector<16xf32>
        %sub3A_902 = arith.constant 1.000000e+00 : f32
        %sub3A_903 = vector.broadcast %sub3A_902 : f32 to vector<16xf32>
        %sub3A_904 = arith.subf %sub3A_903, %min3A_901 : vector<16xf32>
        %mul3A_905 = arith.mulf %gather3A_884, %min3A_901 : vector<16xf32>
        %mul3A_906 = arith.mulf %mul3A_893, %min3A_901 : vector<16xf32>
        %mul3A_907 = arith.mulf %gather3A_888, %sub3A_904 : vector<16xf32>
        %add3A_908 = arith.addf %mul3A_906, %mul3A_907 : vector<16xf32>
        %mul3A_909 = arith.mulf %mul3A_905, %add3A_908 : vector<16xf32>
        %mul3A_910 = arith.mulf %min3A_901, %sub3A_904 : vector<16xf32>
        %mul3A_911 = arith.mulf %gather3A_892, %mul3A_910 : vector<16xf32>
        %add3A_912 = arith.addf %mul3A_893, %mul3A_911 : vector<16xf32>
        %div3A_913 = arith.divf %mul3A_909, %add3A_912 : vector<16xf32>
        %add3A_914 = arith.addf %gather3A_880, %div3A_913 : vector<16xf32>
        %abs3A_915 = math.absf %get3A_225 : vector<16xf32>
        %lt3A_916 = arith.constant 1.000000e+01 : f32
        %lt3A_917 = vector.broadcast %lt3A_916 : f32 to vector<16xf32>
        %lt3A_918 = arith.cmpf olt, %abs3A_915, %lt3A_917 : vector<16xf32>
        %select_n3A_919 = arith.select %lt3A_918, %add3A_914, %get3A_225 : vector<16xi1>, vector<16xf32>
        %gather3A_920 = tpu.vector_load_idx %arg8[%select_n3A_585] : memref<98304xf32, #tpu.memory_space<vmem>>[vector<16xi32>], vector<16xf32>,
        %add3A_921 = arith.constant 8192 : i32
        %add3A_922 = vector.broadcast %add3A_921 : i32 to vector<16xi32>
        %add3A_923 = arith.addi %select_n3A_585, %add3A_922 : vector<16xi32>
        %gather3A_924 = tpu.vector_load_idx %arg8[%add3A_923] : memref<98304xf32, #tpu.memory_space<vmem>>[vector<16xi32>], vector<16xf32>,
        %add3A_925 = arith.constant 16384 : i32
        %add3A_926 = vector.broadcast %add3A_925 : i32 to vector<16xi32>
        %add3A_927 = arith.addi %select_n3A_585, %add3A_926 : vector<16xi32>
        %gather3A_928 = tpu.vector_load_idx %arg8[%add3A_927] : memref<98304xf32, #tpu.memory_space<vmem>>[vector<16xi32>], vector<16xf32>,
        %add3A_929 = arith.constant 24576 : i32
        %add3A_930 = vector.broadcast %add3A_929 : i32 to vector<16xi32>
        %add3A_931 = arith.addi %select_n3A_585, %add3A_930 : vector<16xi32>
        %gather3A_932 = tpu.vector_load_idx %arg8[%add3A_931] : memref<98304xf32, #tpu.memory_space<vmem>>[vector<16xi32>], vector<16xf32>,
        %add3A_933 = arith.constant 32768 : i32
        %add3A_934 = vector.broadcast %add3A_933 : i32 to vector<16xi32>
        %add3A_935 = arith.addi %select_n3A_585, %add3A_934 : vector<16xi32>
        %gather3A_936 = tpu.vector_load_idx %arg8[%add3A_935] : memref<98304xf32, #tpu.memory_space<vmem>>[vector<16xi32>], vector<16xf32>,
        %add3A_937 = arith.constant 40960 : i32
        %add3A_938 = vector.broadcast %add3A_937 : i32 to vector<16xi32>
        %add3A_939 = arith.addi %select_n3A_585, %add3A_938 : vector<16xi32>
        %gather3A_940 = tpu.vector_load_idx %arg8[%add3A_939] : memref<98304xf32, #tpu.memory_space<vmem>>[vector<16xi32>], vector<16xf32>,
        %mul3A_941 = arith.mulf %gather3A_932, %gather3A_924 : vector<16xf32>
        %sub3A_942 = arith.subf %min3A_276, %gather3A_920 : vector<16xf32>
        %mul3A_943 = arith.mulf %sub3A_942, %gather3A_924 : vector<16xf32>
        %max3A_944 = arith.constant 0.000000e+00 : f32
        %max3A_945 = vector.broadcast %max3A_944 : f32 to vector<16xf32>
        %max3A_946 = arith.maximumf %mul3A_943, %max3A_945 : vector<16xf32>
        %min3A_947 = arith.constant 1.000000e+00 : f32
        %min3A_948 = vector.broadcast %min3A_947 : f32 to vector<16xf32>
        %min3A_949 = arith.minimumf %max3A_946, %min3A_948 : vector<16xf32>
        %sub3A_950 = arith.constant 1.000000e+00 : f32
        %sub3A_951 = vector.broadcast %sub3A_950 : f32 to vector<16xf32>
        %sub3A_952 = arith.subf %sub3A_951, %min3A_949 : vector<16xf32>
        %mul3A_953 = arith.mulf %gather3A_932, %min3A_949 : vector<16xf32>
        %mul3A_954 = arith.mulf %mul3A_941, %min3A_949 : vector<16xf32>
        %mul3A_955 = arith.mulf %gather3A_936, %sub3A_952 : vector<16xf32>
        %add3A_956 = arith.addf %mul3A_954, %mul3A_955 : vector<16xf32>
        %mul3A_957 = arith.mulf %mul3A_953, %add3A_956 : vector<16xf32>
        %mul3A_958 = arith.mulf %min3A_949, %sub3A_952 : vector<16xf32>
        %mul3A_959 = arith.mulf %gather3A_940, %mul3A_958 : vector<16xf32>
        %add3A_960 = arith.addf %mul3A_941, %mul3A_959 : vector<16xf32>
        %div3A_961 = arith.divf %mul3A_957, %add3A_960 : vector<16xf32>
        %add3A_962 = arith.addf %gather3A_928, %div3A_961 : vector<16xf32>
        %abs3A_963 = math.absf %get3A_230 : vector<16xf32>
        %lt3A_964 = arith.constant 1.000000e+01 : f32
        %lt3A_965 = vector.broadcast %lt3A_964 : f32 to vector<16xf32>
        %lt3A_966 = arith.cmpf olt, %abs3A_963, %lt3A_965 : vector<16xf32>
        %select_n3A_967 = arith.select %lt3A_966, %add3A_962, %get3A_230 : vector<16xi1>, vector<16xf32>
        %max3A_968 = arith.constant -1.000000e+01 : f32
        %max3A_969 = vector.broadcast %max3A_968 : f32 to vector<16xf32>
        %max3A_970 = arith.maximumf %select_n3A_631, %max3A_969 : vector<16xf32>
        %min3A_971 = arith.constant 1.000000e+01 : f32
        %min3A_972 = vector.broadcast %min3A_971 : f32 to vector<16xf32>
        %min3A_973 = arith.minimumf %max3A_970, %min3A_972 : vector<16xf32>
        %max3A_974 = arith.constant -1.000000e+01 : f32
        %max3A_975 = vector.broadcast %max3A_974 : f32 to vector<16xf32>
        %max3A_976 = arith.maximumf %select_n3A_679, %max3A_975 : vector<16xf32>
        %min3A_977 = arith.constant 1.000000e+01 : f32
        %min3A_978 = vector.broadcast %min3A_977 : f32 to vector<16xf32>
        %min3A_979 = arith.minimumf %max3A_976, %min3A_978 : vector<16xf32>
        %max3A_980 = arith.constant -1.000000e+01 : f32
        %max3A_981 = vector.broadcast %max3A_980 : f32 to vector<16xf32>
        %max3A_982 = arith.maximumf %select_n3A_727, %max3A_981 : vector<16xf32>
        %min3A_983 = arith.constant 1.000000e+01 : f32
        %min3A_984 = vector.broadcast %min3A_983 : f32 to vector<16xf32>
        %min3A_985 = arith.minimumf %max3A_982, %min3A_984 : vector<16xf32>
        %max3A_986 = arith.constant -1.000000e+01 : f32
        %max3A_987 = vector.broadcast %max3A_986 : f32 to vector<16xf32>
        %max3A_988 = arith.maximumf %select_n3A_775, %max3A_987 : vector<16xf32>
        %min3A_989 = arith.constant 1.000000e+01 : f32
        %min3A_990 = vector.broadcast %min3A_989 : f32 to vector<16xf32>
        %min3A_991 = arith.minimumf %max3A_988, %min3A_990 : vector<16xf32>
        %max3A_992 = arith.constant -1.000000e+01 : f32
        %max3A_993 = vector.broadcast %max3A_992 : f32 to vector<16xf32>
        %max3A_994 = arith.maximumf %select_n3A_823, %max3A_993 : vector<16xf32>
        %min3A_995 = arith.constant 1.000000e+01 : f32
        %min3A_996 = vector.broadcast %min3A_995 : f32 to vector<16xf32>
        %min3A_997 = arith.minimumf %max3A_994, %min3A_996 : vector<16xf32>
        %max3A_998 = arith.constant -1.000000e+01 : f32
        %max3A_999 = vector.broadcast %max3A_998 : f32 to vector<16xf32>
        %max3A_1000 = arith.maximumf %select_n3A_871, %max3A_999 : vector<16xf32>
        %min3A_1001 = arith.constant 1.000000e+01 : f32
        %min3A_1002 = vector.broadcast %min3A_1001 : f32 to vector<16xf32>
        %min3A_1003 = arith.minimumf %max3A_1000, %min3A_1002 : vector<16xf32>
        %max3A_1004 = arith.constant -1.000000e+01 : f32
        %max3A_1005 = vector.broadcast %max3A_1004 : f32 to vector<16xf32>
        %max3A_1006 = arith.maximumf %select_n3A_919, %max3A_1005 : vector<16xf32>
        %min3A_1007 = arith.constant 1.000000e+01 : f32
        %min3A_1008 = vector.broadcast %min3A_1007 : f32 to vector<16xf32>
        %min3A_1009 = arith.minimumf %max3A_1006, %min3A_1008 : vector<16xf32>
        %max3A_1010 = arith.constant -1.000000e+01 : f32
        %max3A_1011 = vector.broadcast %max3A_1010 : f32 to vector<16xf32>
        %max3A_1012 = arith.maximumf %select_n3A_967, %max3A_1011 : vector<16xf32>
        %min3A_1013 = arith.constant 1.000000e+01 : f32
        %min3A_1014 = vector.broadcast %min3A_1013 : f32 to vector<16xf32>
        %min3A_1015 = arith.minimumf %max3A_1012, %min3A_1014 : vector<16xf32>
        %add3A_1016 = arith.constant 49152 : i32
        %add3A_1017 = vector.broadcast %add3A_1016 : i32 to vector<16xi32>
        %add3A_1018 = arith.addi %iota3A, %add3A_1017 : vector<16xi32>
        %add3A_1019 = arith.constant 49168 : i32
        %add3A_1020 = vector.broadcast %add3A_1019 : i32 to vector<16xi32>
        %add3A_1021 = arith.addi %iota3A, %add3A_1020 : vector<16xi32>
        %add3A_1022 = arith.constant 49184 : i32
        %add3A_1023 = vector.broadcast %add3A_1022 : i32 to vector<16xi32>
        %add3A_1024 = arith.addi %iota3A, %add3A_1023 : vector<16xi32>
        %add3A_1025 = arith.constant 49200 : i32
        %add3A_1026 = vector.broadcast %add3A_1025 : i32 to vector<16xi32>
        %add3A_1027 = arith.addi %iota3A, %add3A_1026 : vector<16xi32>
        %add3A_1028 = arith.constant 49216 : i32
        %add3A_1029 = vector.broadcast %add3A_1028 : i32 to vector<16xi32>
        %add3A_1030 = arith.addi %iota3A, %add3A_1029 : vector<16xi32>
        %add3A_1031 = arith.constant 49232 : i32
        %add3A_1032 = vector.broadcast %add3A_1031 : i32 to vector<16xi32>
        %add3A_1033 = arith.addi %iota3A, %add3A_1032 : vector<16xi32>
        %add3A_1034 = arith.constant 49248 : i32
        %add3A_1035 = vector.broadcast %add3A_1034 : i32 to vector<16xi32>
        %add3A_1036 = arith.addi %iota3A, %add3A_1035 : vector<16xi32>
        %add3A_1037 = arith.constant 49264 : i32
        %add3A_1038 = vector.broadcast %add3A_1037 : i32 to vector<16xi32>
        %add3A_1039 = arith.addi %iota3A, %add3A_1038 : vector<16xi32>
        %add3A_1040 = arith.constant 4096 : i32
        %add3A_1041 = vector.broadcast %add3A_1040 : i32 to vector<16xi32>
        %add3A_1042 = arith.addi %add3A_1018, %add3A_1041 : vector<16xi32>
        %add3A_1043 = arith.constant 4096 : i32
        %add3A_1044 = vector.broadcast %add3A_1043 : i32 to vector<16xi32>
        %add3A_1045 = arith.addi %add3A_1021, %add3A_1044 : vector<16xi32>
        %add3A_1046 = arith.constant 4096 : i32
        %add3A_1047 = vector.broadcast %add3A_1046 : i32 to vector<16xi32>
        %add3A_1048 = arith.addi %add3A_1024, %add3A_1047 : vector<16xi32>
        %add3A_1049 = arith.constant 4096 : i32
        %add3A_1050 = vector.broadcast %add3A_1049 : i32 to vector<16xi32>
        %add3A_1051 = arith.addi %add3A_1027, %add3A_1050 : vector<16xi32>
        %add3A_1052 = arith.constant 4096 : i32
        %add3A_1053 = vector.broadcast %add3A_1052 : i32 to vector<16xi32>
        %add3A_1054 = arith.addi %add3A_1030, %add3A_1053 : vector<16xi32>
        %add3A_1055 = arith.constant 4096 : i32
        %add3A_1056 = vector.broadcast %add3A_1055 : i32 to vector<16xi32>
        %add3A_1057 = arith.addi %add3A_1033, %add3A_1056 : vector<16xi32>
        %add3A_1058 = arith.constant 4096 : i32
        %add3A_1059 = vector.broadcast %add3A_1058 : i32 to vector<16xi32>
        %add3A_1060 = arith.addi %add3A_1036, %add3A_1059 : vector<16xi32>
        %add3A_1061 = arith.constant 4096 : i32
        %add3A_1062 = vector.broadcast %add3A_1061 : i32 to vector<16xi32>
        %add3A_1063 = arith.addi %add3A_1039, %add3A_1062 : vector<16xi32>
        %gather3A_1064 = tpu.vector_load_idx %arg8[%add3A_1042] : memref<98304xf32, #tpu.memory_space<vmem>>[vector<16xi32>], vector<16xf32>,
        %gather3A_1065 = tpu.vector_load_idx %arg8[%add3A_1045] : memref<98304xf32, #tpu.memory_space<vmem>>[vector<16xi32>], vector<16xf32>,
        %gather3A_1066 = tpu.vector_load_idx %arg8[%add3A_1048] : memref<98304xf32, #tpu.memory_space<vmem>>[vector<16xi32>], vector<16xf32>,
        %gather3A_1067 = tpu.vector_load_idx %arg8[%add3A_1051] : memref<98304xf32, #tpu.memory_space<vmem>>[vector<16xi32>], vector<16xf32>,
        %gather3A_1068 = tpu.vector_load_idx %arg8[%add3A_1054] : memref<98304xf32, #tpu.memory_space<vmem>>[vector<16xi32>], vector<16xf32>,
        %gather3A_1069 = tpu.vector_load_idx %arg8[%add3A_1057] : memref<98304xf32, #tpu.memory_space<vmem>>[vector<16xi32>], vector<16xf32>,
        %gather3A_1070 = tpu.vector_load_idx %arg8[%add3A_1060] : memref<98304xf32, #tpu.memory_space<vmem>>[vector<16xi32>], vector<16xf32>,
        %gather3A_1071 = tpu.vector_load_idx %arg8[%add3A_1063] : memref<98304xf32, #tpu.memory_space<vmem>>[vector<16xi32>], vector<16xf32>,
        %ge3A_1072 = arith.cmpf oge, %min3A_973, %gather3A_1064 : vector<16xf32>
        %select_n3A_1073 = arith.select %ge3A_1072, %add3A_1042, %add3A_1018 : vector<16xi1>, vector<16xi32>
        %ge3A_1074 = arith.cmpf oge, %min3A_979, %gather3A_1065 : vector<16xf32>
        %select_n3A_1075 = arith.select %ge3A_1074, %add3A_1045, %add3A_1021 : vector<16xi1>, vector<16xi32>
        %ge3A_1076 = arith.cmpf oge, %min3A_985, %gather3A_1066 : vector<16xf32>
        %select_n3A_1077 = arith.select %ge3A_1076, %add3A_1048, %add3A_1024 : vector<16xi1>, vector<16xi32>
        %ge3A_1078 = arith.cmpf oge, %min3A_991, %gather3A_1067 : vector<16xf32>
        %select_n3A_1079 = arith.select %ge3A_1078, %add3A_1051, %add3A_1027 : vector<16xi1>, vector<16xi32>
        %ge3A_1080 = arith.cmpf oge, %min3A_997, %gather3A_1068 : vector<16xf32>
        %select_n3A_1081 = arith.select %ge3A_1080, %add3A_1054, %add3A_1030 : vector<16xi1>, vector<16xi32>
        %ge3A_1082 = arith.cmpf oge, %min3A_1003, %gather3A_1069 : vector<16xf32>
        %select_n3A_1083 = arith.select %ge3A_1082, %add3A_1057, %add3A_1033 : vector<16xi1>, vector<16xi32>
        %ge3A_1084 = arith.cmpf oge, %min3A_1009, %gather3A_1070 : vector<16xf32>
        %select_n3A_1085 = arith.select %ge3A_1084, %add3A_1060, %add3A_1036 : vector<16xi1>, vector<16xi32>
        %ge3A_1086 = arith.cmpf oge, %min3A_1015, %gather3A_1071 : vector<16xf32>
        %select_n3A_1087 = arith.select %ge3A_1086, %add3A_1063, %add3A_1039 : vector<16xi1>, vector<16xi32>
        %add3A_1088 = arith.constant 2048 : i32
        %add3A_1089 = vector.broadcast %add3A_1088 : i32 to vector<16xi32>
        %add3A_1090 = arith.addi %select_n3A_1073, %add3A_1089 : vector<16xi32>
        %add3A_1091 = arith.constant 2048 : i32
        %add3A_1092 = vector.broadcast %add3A_1091 : i32 to vector<16xi32>
        %add3A_1093 = arith.addi %select_n3A_1075, %add3A_1092 : vector<16xi32>
        %add3A_1094 = arith.constant 2048 : i32
        %add3A_1095 = vector.broadcast %add3A_1094 : i32 to vector<16xi32>
        %add3A_1096 = arith.addi %select_n3A_1077, %add3A_1095 : vector<16xi32>
        %add3A_1097 = arith.constant 2048 : i32
        %add3A_1098 = vector.broadcast %add3A_1097 : i32 to vector<16xi32>
        %add3A_1099 = arith.addi %select_n3A_1079, %add3A_1098 : vector<16xi32>
        %add3A_1100 = arith.constant 2048 : i32
        %add3A_1101 = vector.broadcast %add3A_1100 : i32 to vector<16xi32>
        %add3A_1102 = arith.addi %select_n3A_1081, %add3A_1101 : vector<16xi32>
        %add3A_1103 = arith.constant 2048 : i32
        %add3A_1104 = vector.broadcast %add3A_1103 : i32 to vector<16xi32>
        %add3A_1105 = arith.addi %select_n3A_1083, %add3A_1104 : vector<16xi32>
        %add3A_1106 = arith.constant 2048 : i32
        %add3A_1107 = vector.broadcast %add3A_1106 : i32 to vector<16xi32>
        %add3A_1108 = arith.addi %select_n3A_1085, %add3A_1107 : vector<16xi32>
        %add3A_1109 = arith.constant 2048 : i32
        %add3A_1110 = vector.broadcast %add3A_1109 : i32 to vector<16xi32>
        %add3A_1111 = arith.addi %select_n3A_1087, %add3A_1110 : vector<16xi32>
        %gather3A_1112 = tpu.vector_load_idx %arg8[%add3A_1090] : memref<98304xf32, #tpu.memory_space<vmem>>[vector<16xi32>], vector<16xf32>,
        %gather3A_1113 = tpu.vector_load_idx %arg8[%add3A_1093] : memref<98304xf32, #tpu.memory_space<vmem>>[vector<16xi32>], vector<16xf32>,
        %gather3A_1114 = tpu.vector_load_idx %arg8[%add3A_1096] : memref<98304xf32, #tpu.memory_space<vmem>>[vector<16xi32>], vector<16xf32>,
        %gather3A_1115 = tpu.vector_load_idx %arg8[%add3A_1099] : memref<98304xf32, #tpu.memory_space<vmem>>[vector<16xi32>], vector<16xf32>,
        %gather3A_1116 = tpu.vector_load_idx %arg8[%add3A_1102] : memref<98304xf32, #tpu.memory_space<vmem>>[vector<16xi32>], vector<16xf32>,
        %gather3A_1117 = tpu.vector_load_idx %arg8[%add3A_1105] : memref<98304xf32, #tpu.memory_space<vmem>>[vector<16xi32>], vector<16xf32>,
        %gather3A_1118 = tpu.vector_load_idx %arg8[%add3A_1108] : memref<98304xf32, #tpu.memory_space<vmem>>[vector<16xi32>], vector<16xf32>,
        %gather3A_1119 = tpu.vector_load_idx %arg8[%add3A_1111] : memref<98304xf32, #tpu.memory_space<vmem>>[vector<16xi32>], vector<16xf32>,
        %ge3A_1120 = arith.cmpf oge, %min3A_973, %gather3A_1112 : vector<16xf32>
        %select_n3A_1121 = arith.select %ge3A_1120, %add3A_1090, %select_n3A_1073 : vector<16xi1>, vector<16xi32>
        %ge3A_1122 = arith.cmpf oge, %min3A_979, %gather3A_1113 : vector<16xf32>
        %select_n3A_1123 = arith.select %ge3A_1122, %add3A_1093, %select_n3A_1075 : vector<16xi1>, vector<16xi32>
        %ge3A_1124 = arith.cmpf oge, %min3A_985, %gather3A_1114 : vector<16xf32>
        %select_n3A_1125 = arith.select %ge3A_1124, %add3A_1096, %select_n3A_1077 : vector<16xi1>, vector<16xi32>
        %ge3A_1126 = arith.cmpf oge, %min3A_991, %gather3A_1115 : vector<16xf32>
        %select_n3A_1127 = arith.select %ge3A_1126, %add3A_1099, %select_n3A_1079 : vector<16xi1>, vector<16xi32>
        %ge3A_1128 = arith.cmpf oge, %min3A_997, %gather3A_1116 : vector<16xf32>
        %select_n3A_1129 = arith.select %ge3A_1128, %add3A_1102, %select_n3A_1081 : vector<16xi1>, vector<16xi32>
        %ge3A_1130 = arith.cmpf oge, %min3A_1003, %gather3A_1117 : vector<16xf32>
        %select_n3A_1131 = arith.select %ge3A_1130, %add3A_1105, %select_n3A_1083 : vector<16xi1>, vector<16xi32>
        %ge3A_1132 = arith.cmpf oge, %min3A_1009, %gather3A_1118 : vector<16xf32>
        %select_n3A_1133 = arith.select %ge3A_1132, %add3A_1108, %select_n3A_1085 : vector<16xi1>, vector<16xi32>
        %ge3A_1134 = arith.cmpf oge, %min3A_1015, %gather3A_1119 : vector<16xf32>
        %select_n3A_1135 = arith.select %ge3A_1134, %add3A_1111, %select_n3A_1087 : vector<16xi1>, vector<16xi32>
        %add3A_1136 = arith.constant 1024 : i32
        %add3A_1137 = vector.broadcast %add3A_1136 : i32 to vector<16xi32>
        %add3A_1138 = arith.addi %select_n3A_1121, %add3A_1137 : vector<16xi32>
        %add3A_1139 = arith.constant 1024 : i32
        %add3A_1140 = vector.broadcast %add3A_1139 : i32 to vector<16xi32>
        %add3A_1141 = arith.addi %select_n3A_1123, %add3A_1140 : vector<16xi32>
        %add3A_1142 = arith.constant 1024 : i32
        %add3A_1143 = vector.broadcast %add3A_1142 : i32 to vector<16xi32>
        %add3A_1144 = arith.addi %select_n3A_1125, %add3A_1143 : vector<16xi32>
        %add3A_1145 = arith.constant 1024 : i32
        %add3A_1146 = vector.broadcast %add3A_1145 : i32 to vector<16xi32>
        %add3A_1147 = arith.addi %select_n3A_1127, %add3A_1146 : vector<16xi32>
        %add3A_1148 = arith.constant 1024 : i32
        %add3A_1149 = vector.broadcast %add3A_1148 : i32 to vector<16xi32>
        %add3A_1150 = arith.addi %select_n3A_1129, %add3A_1149 : vector<16xi32>
        %add3A_1151 = arith.constant 1024 : i32
        %add3A_1152 = vector.broadcast %add3A_1151 : i32 to vector<16xi32>
        %add3A_1153 = arith.addi %select_n3A_1131, %add3A_1152 : vector<16xi32>
        %add3A_1154 = arith.constant 1024 : i32
        %add3A_1155 = vector.broadcast %add3A_1154 : i32 to vector<16xi32>
        %add3A_1156 = arith.addi %select_n3A_1133, %add3A_1155 : vector<16xi32>
        %add3A_1157 = arith.constant 1024 : i32
        %add3A_1158 = vector.broadcast %add3A_1157 : i32 to vector<16xi32>
        %add3A_1159 = arith.addi %select_n3A_1135, %add3A_1158 : vector<16xi32>
        %gather3A_1160 = tpu.vector_load_idx %arg8[%add3A_1138] : memref<98304xf32, #tpu.memory_space<vmem>>[vector<16xi32>], vector<16xf32>,
        %gather3A_1161 = tpu.vector_load_idx %arg8[%add3A_1141] : memref<98304xf32, #tpu.memory_space<vmem>>[vector<16xi32>], vector<16xf32>,
        %gather3A_1162 = tpu.vector_load_idx %arg8[%add3A_1144] : memref<98304xf32, #tpu.memory_space<vmem>>[vector<16xi32>], vector<16xf32>,
        %gather3A_1163 = tpu.vector_load_idx %arg8[%add3A_1147] : memref<98304xf32, #tpu.memory_space<vmem>>[vector<16xi32>], vector<16xf32>,
        %gather3A_1164 = tpu.vector_load_idx %arg8[%add3A_1150] : memref<98304xf32, #tpu.memory_space<vmem>>[vector<16xi32>], vector<16xf32>,
        %gather3A_1165 = tpu.vector_load_idx %arg8[%add3A_1153] : memref<98304xf32, #tpu.memory_space<vmem>>[vector<16xi32>], vector<16xf32>,
        %gather3A_1166 = tpu.vector_load_idx %arg8[%add3A_1156] : memref<98304xf32, #tpu.memory_space<vmem>>[vector<16xi32>], vector<16xf32>,
        %gather3A_1167 = tpu.vector_load_idx %arg8[%add3A_1159] : memref<98304xf32, #tpu.memory_space<vmem>>[vector<16xi32>], vector<16xf32>,
        %ge3A_1168 = arith.cmpf oge, %min3A_973, %gather3A_1160 : vector<16xf32>
        %select_n3A_1169 = arith.select %ge3A_1168, %add3A_1138, %select_n3A_1121 : vector<16xi1>, vector<16xi32>
        %ge3A_1170 = arith.cmpf oge, %min3A_979, %gather3A_1161 : vector<16xf32>
        %select_n3A_1171 = arith.select %ge3A_1170, %add3A_1141, %select_n3A_1123 : vector<16xi1>, vector<16xi32>
        %ge3A_1172 = arith.cmpf oge, %min3A_985, %gather3A_1162 : vector<16xf32>
        %select_n3A_1173 = arith.select %ge3A_1172, %add3A_1144, %select_n3A_1125 : vector<16xi1>, vector<16xi32>
        %ge3A_1174 = arith.cmpf oge, %min3A_991, %gather3A_1163 : vector<16xf32>
        %select_n3A_1175 = arith.select %ge3A_1174, %add3A_1147, %select_n3A_1127 : vector<16xi1>, vector<16xi32>
        %ge3A_1176 = arith.cmpf oge, %min3A_997, %gather3A_1164 : vector<16xf32>
        %select_n3A_1177 = arith.select %ge3A_1176, %add3A_1150, %select_n3A_1129 : vector<16xi1>, vector<16xi32>
        %ge3A_1178 = arith.cmpf oge, %min3A_1003, %gather3A_1165 : vector<16xf32>
        %select_n3A_1179 = arith.select %ge3A_1178, %add3A_1153, %select_n3A_1131 : vector<16xi1>, vector<16xi32>
        %ge3A_1180 = arith.cmpf oge, %min3A_1009, %gather3A_1166 : vector<16xf32>
        %select_n3A_1181 = arith.select %ge3A_1180, %add3A_1156, %select_n3A_1133 : vector<16xi1>, vector<16xi32>
        %ge3A_1182 = arith.cmpf oge, %min3A_1015, %gather3A_1167 : vector<16xf32>
        %select_n3A_1183 = arith.select %ge3A_1182, %add3A_1159, %select_n3A_1135 : vector<16xi1>, vector<16xi32>
        %add3A_1184 = arith.constant 512 : i32
        %add3A_1185 = vector.broadcast %add3A_1184 : i32 to vector<16xi32>
        %add3A_1186 = arith.addi %select_n3A_1169, %add3A_1185 : vector<16xi32>
        %add3A_1187 = arith.constant 512 : i32
        %add3A_1188 = vector.broadcast %add3A_1187 : i32 to vector<16xi32>
        %add3A_1189 = arith.addi %select_n3A_1171, %add3A_1188 : vector<16xi32>
        %add3A_1190 = arith.constant 512 : i32
        %add3A_1191 = vector.broadcast %add3A_1190 : i32 to vector<16xi32>
        %add3A_1192 = arith.addi %select_n3A_1173, %add3A_1191 : vector<16xi32>
        %add3A_1193 = arith.constant 512 : i32
        %add3A_1194 = vector.broadcast %add3A_1193 : i32 to vector<16xi32>
        %add3A_1195 = arith.addi %select_n3A_1175, %add3A_1194 : vector<16xi32>
        %add3A_1196 = arith.constant 512 : i32
        %add3A_1197 = vector.broadcast %add3A_1196 : i32 to vector<16xi32>
        %add3A_1198 = arith.addi %select_n3A_1177, %add3A_1197 : vector<16xi32>
        %add3A_1199 = arith.constant 512 : i32
        %add3A_1200 = vector.broadcast %add3A_1199 : i32 to vector<16xi32>
        %add3A_1201 = arith.addi %select_n3A_1179, %add3A_1200 : vector<16xi32>
        %add3A_1202 = arith.constant 512 : i32
        %add3A_1203 = vector.broadcast %add3A_1202 : i32 to vector<16xi32>
        %add3A_1204 = arith.addi %select_n3A_1181, %add3A_1203 : vector<16xi32>
        %add3A_1205 = arith.constant 512 : i32
        %add3A_1206 = vector.broadcast %add3A_1205 : i32 to vector<16xi32>
        %add3A_1207 = arith.addi %select_n3A_1183, %add3A_1206 : vector<16xi32>
        %gather3A_1208 = tpu.vector_load_idx %arg8[%add3A_1186] : memref<98304xf32, #tpu.memory_space<vmem>>[vector<16xi32>], vector<16xf32>,
        %gather3A_1209 = tpu.vector_load_idx %arg8[%add3A_1189] : memref<98304xf32, #tpu.memory_space<vmem>>[vector<16xi32>], vector<16xf32>,
        %gather3A_1210 = tpu.vector_load_idx %arg8[%add3A_1192] : memref<98304xf32, #tpu.memory_space<vmem>>[vector<16xi32>], vector<16xf32>,
        %gather3A_1211 = tpu.vector_load_idx %arg8[%add3A_1195] : memref<98304xf32, #tpu.memory_space<vmem>>[vector<16xi32>], vector<16xf32>,
        %gather3A_1212 = tpu.vector_load_idx %arg8[%add3A_1198] : memref<98304xf32, #tpu.memory_space<vmem>>[vector<16xi32>], vector<16xf32>,
        %gather3A_1213 = tpu.vector_load_idx %arg8[%add3A_1201] : memref<98304xf32, #tpu.memory_space<vmem>>[vector<16xi32>], vector<16xf32>,
        %gather3A_1214 = tpu.vector_load_idx %arg8[%add3A_1204] : memref<98304xf32, #tpu.memory_space<vmem>>[vector<16xi32>], vector<16xf32>,
        %gather3A_1215 = tpu.vector_load_idx %arg8[%add3A_1207] : memref<98304xf32, #tpu.memory_space<vmem>>[vector<16xi32>], vector<16xf32>,
        %ge3A_1216 = arith.cmpf oge, %min3A_973, %gather3A_1208 : vector<16xf32>
        %select_n3A_1217 = arith.select %ge3A_1216, %add3A_1186, %select_n3A_1169 : vector<16xi1>, vector<16xi32>
        %ge3A_1218 = arith.cmpf oge, %min3A_979, %gather3A_1209 : vector<16xf32>
        %select_n3A_1219 = arith.select %ge3A_1218, %add3A_1189, %select_n3A_1171 : vector<16xi1>, vector<16xi32>
        %ge3A_1220 = arith.cmpf oge, %min3A_985, %gather3A_1210 : vector<16xf32>
        %select_n3A_1221 = arith.select %ge3A_1220, %add3A_1192, %select_n3A_1173 : vector<16xi1>, vector<16xi32>
        %ge3A_1222 = arith.cmpf oge, %min3A_991, %gather3A_1211 : vector<16xf32>
        %select_n3A_1223 = arith.select %ge3A_1222, %add3A_1195, %select_n3A_1175 : vector<16xi1>, vector<16xi32>
        %ge3A_1224 = arith.cmpf oge, %min3A_997, %gather3A_1212 : vector<16xf32>
        %select_n3A_1225 = arith.select %ge3A_1224, %add3A_1198, %select_n3A_1177 : vector<16xi1>, vector<16xi32>
        %ge3A_1226 = arith.cmpf oge, %min3A_1003, %gather3A_1213 : vector<16xf32>
        %select_n3A_1227 = arith.select %ge3A_1226, %add3A_1201, %select_n3A_1179 : vector<16xi1>, vector<16xi32>
        %ge3A_1228 = arith.cmpf oge, %min3A_1009, %gather3A_1214 : vector<16xf32>
        %select_n3A_1229 = arith.select %ge3A_1228, %add3A_1204, %select_n3A_1181 : vector<16xi1>, vector<16xi32>
        %ge3A_1230 = arith.cmpf oge, %min3A_1015, %gather3A_1215 : vector<16xf32>
        %select_n3A_1231 = arith.select %ge3A_1230, %add3A_1207, %select_n3A_1183 : vector<16xi1>, vector<16xi32>
        %add3A_1232 = arith.constant 256 : i32
        %add3A_1233 = vector.broadcast %add3A_1232 : i32 to vector<16xi32>
        %add3A_1234 = arith.addi %select_n3A_1217, %add3A_1233 : vector<16xi32>
        %add3A_1235 = arith.constant 256 : i32
        %add3A_1236 = vector.broadcast %add3A_1235 : i32 to vector<16xi32>
        %add3A_1237 = arith.addi %select_n3A_1219, %add3A_1236 : vector<16xi32>
        %add3A_1238 = arith.constant 256 : i32
        %add3A_1239 = vector.broadcast %add3A_1238 : i32 to vector<16xi32>
        %add3A_1240 = arith.addi %select_n3A_1221, %add3A_1239 : vector<16xi32>
        %add3A_1241 = arith.constant 256 : i32
        %add3A_1242 = vector.broadcast %add3A_1241 : i32 to vector<16xi32>
        %add3A_1243 = arith.addi %select_n3A_1223, %add3A_1242 : vector<16xi32>
        %add3A_1244 = arith.constant 256 : i32
        %add3A_1245 = vector.broadcast %add3A_1244 : i32 to vector<16xi32>
        %add3A_1246 = arith.addi %select_n3A_1225, %add3A_1245 : vector<16xi32>
        %add3A_1247 = arith.constant 256 : i32
        %add3A_1248 = vector.broadcast %add3A_1247 : i32 to vector<16xi32>
        %add3A_1249 = arith.addi %select_n3A_1227, %add3A_1248 : vector<16xi32>
        %add3A_1250 = arith.constant 256 : i32
        %add3A_1251 = vector.broadcast %add3A_1250 : i32 to vector<16xi32>
        %add3A_1252 = arith.addi %select_n3A_1229, %add3A_1251 : vector<16xi32>
        %add3A_1253 = arith.constant 256 : i32
        %add3A_1254 = vector.broadcast %add3A_1253 : i32 to vector<16xi32>
        %add3A_1255 = arith.addi %select_n3A_1231, %add3A_1254 : vector<16xi32>
        %gather3A_1256 = tpu.vector_load_idx %arg8[%add3A_1234] : memref<98304xf32, #tpu.memory_space<vmem>>[vector<16xi32>], vector<16xf32>,
        %gather3A_1257 = tpu.vector_load_idx %arg8[%add3A_1237] : memref<98304xf32, #tpu.memory_space<vmem>>[vector<16xi32>], vector<16xf32>,
        %gather3A_1258 = tpu.vector_load_idx %arg8[%add3A_1240] : memref<98304xf32, #tpu.memory_space<vmem>>[vector<16xi32>], vector<16xf32>,
        %gather3A_1259 = tpu.vector_load_idx %arg8[%add3A_1243] : memref<98304xf32, #tpu.memory_space<vmem>>[vector<16xi32>], vector<16xf32>,
        %gather3A_1260 = tpu.vector_load_idx %arg8[%add3A_1246] : memref<98304xf32, #tpu.memory_space<vmem>>[vector<16xi32>], vector<16xf32>,
        %gather3A_1261 = tpu.vector_load_idx %arg8[%add3A_1249] : memref<98304xf32, #tpu.memory_space<vmem>>[vector<16xi32>], vector<16xf32>,
        %gather3A_1262 = tpu.vector_load_idx %arg8[%add3A_1252] : memref<98304xf32, #tpu.memory_space<vmem>>[vector<16xi32>], vector<16xf32>,
        %gather3A_1263 = tpu.vector_load_idx %arg8[%add3A_1255] : memref<98304xf32, #tpu.memory_space<vmem>>[vector<16xi32>], vector<16xf32>,
        %ge3A_1264 = arith.cmpf oge, %min3A_973, %gather3A_1256 : vector<16xf32>
        %select_n3A_1265 = arith.select %ge3A_1264, %add3A_1234, %select_n3A_1217 : vector<16xi1>, vector<16xi32>
        %ge3A_1266 = arith.cmpf oge, %min3A_979, %gather3A_1257 : vector<16xf32>
        %select_n3A_1267 = arith.select %ge3A_1266, %add3A_1237, %select_n3A_1219 : vector<16xi1>, vector<16xi32>
        %ge3A_1268 = arith.cmpf oge, %min3A_985, %gather3A_1258 : vector<16xf32>
        %select_n3A_1269 = arith.select %ge3A_1268, %add3A_1240, %select_n3A_1221 : vector<16xi1>, vector<16xi32>
        %ge3A_1270 = arith.cmpf oge, %min3A_991, %gather3A_1259 : vector<16xf32>
        %select_n3A_1271 = arith.select %ge3A_1270, %add3A_1243, %select_n3A_1223 : vector<16xi1>, vector<16xi32>
        %ge3A_1272 = arith.cmpf oge, %min3A_997, %gather3A_1260 : vector<16xf32>
        %select_n3A_1273 = arith.select %ge3A_1272, %add3A_1246, %select_n3A_1225 : vector<16xi1>, vector<16xi32>
        %ge3A_1274 = arith.cmpf oge, %min3A_1003, %gather3A_1261 : vector<16xf32>
        %select_n3A_1275 = arith.select %ge3A_1274, %add3A_1249, %select_n3A_1227 : vector<16xi1>, vector<16xi32>
        %ge3A_1276 = arith.cmpf oge, %min3A_1009, %gather3A_1262 : vector<16xf32>
        %select_n3A_1277 = arith.select %ge3A_1276, %add3A_1252, %select_n3A_1229 : vector<16xi1>, vector<16xi32>
        %ge3A_1278 = arith.cmpf oge, %min3A_1015, %gather3A_1263 : vector<16xf32>
        %select_n3A_1279 = arith.select %ge3A_1278, %add3A_1255, %select_n3A_1231 : vector<16xi1>, vector<16xi32>
        %add3A_1280 = arith.constant 128 : i32
        %add3A_1281 = vector.broadcast %add3A_1280 : i32 to vector<16xi32>
        %add3A_1282 = arith.addi %select_n3A_1265, %add3A_1281 : vector<16xi32>
        %add3A_1283 = arith.constant 128 : i32
        %add3A_1284 = vector.broadcast %add3A_1283 : i32 to vector<16xi32>
        %add3A_1285 = arith.addi %select_n3A_1267, %add3A_1284 : vector<16xi32>
        %add3A_1286 = arith.constant 128 : i32
        %add3A_1287 = vector.broadcast %add3A_1286 : i32 to vector<16xi32>
        %add3A_1288 = arith.addi %select_n3A_1269, %add3A_1287 : vector<16xi32>
        %add3A_1289 = arith.constant 128 : i32
        %add3A_1290 = vector.broadcast %add3A_1289 : i32 to vector<16xi32>
        %add3A_1291 = arith.addi %select_n3A_1271, %add3A_1290 : vector<16xi32>
        %add3A_1292 = arith.constant 128 : i32
        %add3A_1293 = vector.broadcast %add3A_1292 : i32 to vector<16xi32>
        %add3A_1294 = arith.addi %select_n3A_1273, %add3A_1293 : vector<16xi32>
        %add3A_1295 = arith.constant 128 : i32
        %add3A_1296 = vector.broadcast %add3A_1295 : i32 to vector<16xi32>
        %add3A_1297 = arith.addi %select_n3A_1275, %add3A_1296 : vector<16xi32>
        %add3A_1298 = arith.constant 128 : i32
        %add3A_1299 = vector.broadcast %add3A_1298 : i32 to vector<16xi32>
        %add3A_1300 = arith.addi %select_n3A_1277, %add3A_1299 : vector<16xi32>
        %add3A_1301 = arith.constant 128 : i32
        %add3A_1302 = vector.broadcast %add3A_1301 : i32 to vector<16xi32>
        %add3A_1303 = arith.addi %select_n3A_1279, %add3A_1302 : vector<16xi32>
        %gather3A_1304 = tpu.vector_load_idx %arg8[%add3A_1282] : memref<98304xf32, #tpu.memory_space<vmem>>[vector<16xi32>], vector<16xf32>,
        %gather3A_1305 = tpu.vector_load_idx %arg8[%add3A_1285] : memref<98304xf32, #tpu.memory_space<vmem>>[vector<16xi32>], vector<16xf32>,
        %gather3A_1306 = tpu.vector_load_idx %arg8[%add3A_1288] : memref<98304xf32, #tpu.memory_space<vmem>>[vector<16xi32>], vector<16xf32>,
        %gather3A_1307 = tpu.vector_load_idx %arg8[%add3A_1291] : memref<98304xf32, #tpu.memory_space<vmem>>[vector<16xi32>], vector<16xf32>,
        %gather3A_1308 = tpu.vector_load_idx %arg8[%add3A_1294] : memref<98304xf32, #tpu.memory_space<vmem>>[vector<16xi32>], vector<16xf32>,
        %gather3A_1309 = tpu.vector_load_idx %arg8[%add3A_1297] : memref<98304xf32, #tpu.memory_space<vmem>>[vector<16xi32>], vector<16xf32>,
        %gather3A_1310 = tpu.vector_load_idx %arg8[%add3A_1300] : memref<98304xf32, #tpu.memory_space<vmem>>[vector<16xi32>], vector<16xf32>,
        %gather3A_1311 = tpu.vector_load_idx %arg8[%add3A_1303] : memref<98304xf32, #tpu.memory_space<vmem>>[vector<16xi32>], vector<16xf32>,
        %ge3A_1312 = arith.cmpf oge, %min3A_973, %gather3A_1304 : vector<16xf32>
        %select_n3A_1313 = arith.select %ge3A_1312, %add3A_1282, %select_n3A_1265 : vector<16xi1>, vector<16xi32>
        %ge3A_1314 = arith.cmpf oge, %min3A_979, %gather3A_1305 : vector<16xf32>
        %select_n3A_1315 = arith.select %ge3A_1314, %add3A_1285, %select_n3A_1267 : vector<16xi1>, vector<16xi32>
        %ge3A_1316 = arith.cmpf oge, %min3A_985, %gather3A_1306 : vector<16xf32>
        %select_n3A_1317 = arith.select %ge3A_1316, %add3A_1288, %select_n3A_1269 : vector<16xi1>, vector<16xi32>
        %ge3A_1318 = arith.cmpf oge, %min3A_991, %gather3A_1307 : vector<16xf32>
        %select_n3A_1319 = arith.select %ge3A_1318, %add3A_1291, %select_n3A_1271 : vector<16xi1>, vector<16xi32>
        %ge3A_1320 = arith.cmpf oge, %min3A_997, %gather3A_1308 : vector<16xf32>
        %select_n3A_1321 = arith.select %ge3A_1320, %add3A_1294, %select_n3A_1273 : vector<16xi1>, vector<16xi32>
        %ge3A_1322 = arith.cmpf oge, %min3A_1003, %gather3A_1309 : vector<16xf32>
        %select_n3A_1323 = arith.select %ge3A_1322, %add3A_1297, %select_n3A_1275 : vector<16xi1>, vector<16xi32>
        %ge3A_1324 = arith.cmpf oge, %min3A_1009, %gather3A_1310 : vector<16xf32>
        %select_n3A_1325 = arith.select %ge3A_1324, %add3A_1300, %select_n3A_1277 : vector<16xi1>, vector<16xi32>
        %ge3A_1326 = arith.cmpf oge, %min3A_1015, %gather3A_1311 : vector<16xf32>
        %select_n3A_1327 = arith.select %ge3A_1326, %add3A_1303, %select_n3A_1279 : vector<16xi1>, vector<16xi32>
        %gather3A_1328 = tpu.vector_load_idx %arg8[%select_n3A_1313] : memref<98304xf32, #tpu.memory_space<vmem>>[vector<16xi32>], vector<16xf32>,
        %add3A_1329 = arith.constant 8192 : i32
        %add3A_1330 = vector.broadcast %add3A_1329 : i32 to vector<16xi32>
        %add3A_1331 = arith.addi %select_n3A_1313, %add3A_1330 : vector<16xi32>
        %gather3A_1332 = tpu.vector_load_idx %arg8[%add3A_1331] : memref<98304xf32, #tpu.memory_space<vmem>>[vector<16xi32>], vector<16xf32>,
        %add3A_1333 = arith.constant 16384 : i32
        %add3A_1334 = vector.broadcast %add3A_1333 : i32 to vector<16xi32>
        %add3A_1335 = arith.addi %select_n3A_1313, %add3A_1334 : vector<16xi32>
        %gather3A_1336 = tpu.vector_load_idx %arg8[%add3A_1335] : memref<98304xf32, #tpu.memory_space<vmem>>[vector<16xi32>], vector<16xf32>,
        %add3A_1337 = arith.constant 24576 : i32
        %add3A_1338 = vector.broadcast %add3A_1337 : i32 to vector<16xi32>
        %add3A_1339 = arith.addi %select_n3A_1313, %add3A_1338 : vector<16xi32>
        %gather3A_1340 = tpu.vector_load_idx %arg8[%add3A_1339] : memref<98304xf32, #tpu.memory_space<vmem>>[vector<16xi32>], vector<16xf32>,
        %add3A_1341 = arith.constant 32768 : i32
        %add3A_1342 = vector.broadcast %add3A_1341 : i32 to vector<16xi32>
        %add3A_1343 = arith.addi %select_n3A_1313, %add3A_1342 : vector<16xi32>
        %gather3A_1344 = tpu.vector_load_idx %arg8[%add3A_1343] : memref<98304xf32, #tpu.memory_space<vmem>>[vector<16xi32>], vector<16xf32>,
        %add3A_1345 = arith.constant 40960 : i32
        %add3A_1346 = vector.broadcast %add3A_1345 : i32 to vector<16xi32>
        %add3A_1347 = arith.addi %select_n3A_1313, %add3A_1346 : vector<16xi32>
        %gather3A_1348 = tpu.vector_load_idx %arg8[%add3A_1347] : memref<98304xf32, #tpu.memory_space<vmem>>[vector<16xi32>], vector<16xf32>,
        %mul3A_1349 = arith.mulf %gather3A_1340, %gather3A_1332 : vector<16xf32>
        %sub3A_1350 = arith.subf %min3A_973, %gather3A_1328 : vector<16xf32>
        %mul3A_1351 = arith.mulf %sub3A_1350, %gather3A_1332 : vector<16xf32>
        %max3A_1352 = arith.constant 0.000000e+00 : f32
        %max3A_1353 = vector.broadcast %max3A_1352 : f32 to vector<16xf32>
        %max3A_1354 = arith.maximumf %mul3A_1351, %max3A_1353 : vector<16xf32>
        %min3A_1355 = arith.constant 1.000000e+00 : f32
        %min3A_1356 = vector.broadcast %min3A_1355 : f32 to vector<16xf32>
        %min3A_1357 = arith.minimumf %max3A_1354, %min3A_1356 : vector<16xf32>
        %sub3A_1358 = arith.constant 1.000000e+00 : f32
        %sub3A_1359 = vector.broadcast %sub3A_1358 : f32 to vector<16xf32>
        %sub3A_1360 = arith.subf %sub3A_1359, %min3A_1357 : vector<16xf32>
        %mul3A_1361 = arith.mulf %gather3A_1340, %min3A_1357 : vector<16xf32>
        %mul3A_1362 = arith.mulf %mul3A_1349, %min3A_1357 : vector<16xf32>
        %mul3A_1363 = arith.mulf %gather3A_1344, %sub3A_1360 : vector<16xf32>
        %add3A_1364 = arith.addf %mul3A_1362, %mul3A_1363 : vector<16xf32>
        %mul3A_1365 = arith.mulf %mul3A_1361, %add3A_1364 : vector<16xf32>
        %mul3A_1366 = arith.mulf %min3A_1357, %sub3A_1360 : vector<16xf32>
        %mul3A_1367 = arith.mulf %gather3A_1348, %mul3A_1366 : vector<16xf32>
        %add3A_1368 = arith.addf %mul3A_1349, %mul3A_1367 : vector<16xf32>
        %div3A_1369 = arith.divf %mul3A_1365, %add3A_1368 : vector<16xf32>
        %add3A_1370 = arith.addf %gather3A_1336, %div3A_1369 : vector<16xf32>
        %abs3A_1371 = math.absf %select_n3A_631 : vector<16xf32>
        %lt3A_1372 = arith.constant 1.000000e+01 : f32
        %lt3A_1373 = vector.broadcast %lt3A_1372 : f32 to vector<16xf32>
        %lt3A_1374 = arith.cmpf olt, %abs3A_1371, %lt3A_1373 : vector<16xf32>
        %select_n3A_1375 = arith.select %lt3A_1374, %add3A_1370, %select_n3A_631 : vector<16xi1>, vector<16xf32>
        %gather3A_1376 = tpu.vector_load_idx %arg8[%select_n3A_1315] : memref<98304xf32, #tpu.memory_space<vmem>>[vector<16xi32>], vector<16xf32>,
        %add3A_1377 = arith.constant 8192 : i32
        %add3A_1378 = vector.broadcast %add3A_1377 : i32 to vector<16xi32>
        %add3A_1379 = arith.addi %select_n3A_1315, %add3A_1378 : vector<16xi32>
        %gather3A_1380 = tpu.vector_load_idx %arg8[%add3A_1379] : memref<98304xf32, #tpu.memory_space<vmem>>[vector<16xi32>], vector<16xf32>,
        %add3A_1381 = arith.constant 16384 : i32
        %add3A_1382 = vector.broadcast %add3A_1381 : i32 to vector<16xi32>
        %add3A_1383 = arith.addi %select_n3A_1315, %add3A_1382 : vector<16xi32>
        %gather3A_1384 = tpu.vector_load_idx %arg8[%add3A_1383] : memref<98304xf32, #tpu.memory_space<vmem>>[vector<16xi32>], vector<16xf32>,
        %add3A_1385 = arith.constant 24576 : i32
        %add3A_1386 = vector.broadcast %add3A_1385 : i32 to vector<16xi32>
        %add3A_1387 = arith.addi %select_n3A_1315, %add3A_1386 : vector<16xi32>
        %gather3A_1388 = tpu.vector_load_idx %arg8[%add3A_1387] : memref<98304xf32, #tpu.memory_space<vmem>>[vector<16xi32>], vector<16xf32>,
        %add3A_1389 = arith.constant 32768 : i32
        %add3A_1390 = vector.broadcast %add3A_1389 : i32 to vector<16xi32>
        %add3A_1391 = arith.addi %select_n3A_1315, %add3A_1390 : vector<16xi32>
        %gather3A_1392 = tpu.vector_load_idx %arg8[%add3A_1391] : memref<98304xf32, #tpu.memory_space<vmem>>[vector<16xi32>], vector<16xf32>,
        %add3A_1393 = arith.constant 40960 : i32
        %add3A_1394 = vector.broadcast %add3A_1393 : i32 to vector<16xi32>
        %add3A_1395 = arith.addi %select_n3A_1315, %add3A_1394 : vector<16xi32>
        %gather3A_1396 = tpu.vector_load_idx %arg8[%add3A_1395] : memref<98304xf32, #tpu.memory_space<vmem>>[vector<16xi32>], vector<16xf32>,
        %mul3A_1397 = arith.mulf %gather3A_1388, %gather3A_1380 : vector<16xf32>
        %sub3A_1398 = arith.subf %min3A_979, %gather3A_1376 : vector<16xf32>
        %mul3A_1399 = arith.mulf %sub3A_1398, %gather3A_1380 : vector<16xf32>
        %max3A_1400 = arith.constant 0.000000e+00 : f32
        %max3A_1401 = vector.broadcast %max3A_1400 : f32 to vector<16xf32>
        %max3A_1402 = arith.maximumf %mul3A_1399, %max3A_1401 : vector<16xf32>
        %min3A_1403 = arith.constant 1.000000e+00 : f32
        %min3A_1404 = vector.broadcast %min3A_1403 : f32 to vector<16xf32>
        %min3A_1405 = arith.minimumf %max3A_1402, %min3A_1404 : vector<16xf32>
        %sub3A_1406 = arith.constant 1.000000e+00 : f32
        %sub3A_1407 = vector.broadcast %sub3A_1406 : f32 to vector<16xf32>
        %sub3A_1408 = arith.subf %sub3A_1407, %min3A_1405 : vector<16xf32>
        %mul3A_1409 = arith.mulf %gather3A_1388, %min3A_1405 : vector<16xf32>
        %mul3A_1410 = arith.mulf %mul3A_1397, %min3A_1405 : vector<16xf32>
        %mul3A_1411 = arith.mulf %gather3A_1392, %sub3A_1408 : vector<16xf32>
        %add3A_1412 = arith.addf %mul3A_1410, %mul3A_1411 : vector<16xf32>
        %mul3A_1413 = arith.mulf %mul3A_1409, %add3A_1412 : vector<16xf32>
        %mul3A_1414 = arith.mulf %min3A_1405, %sub3A_1408 : vector<16xf32>
        %mul3A_1415 = arith.mulf %gather3A_1396, %mul3A_1414 : vector<16xf32>
        %add3A_1416 = arith.addf %mul3A_1397, %mul3A_1415 : vector<16xf32>
        %div3A_1417 = arith.divf %mul3A_1413, %add3A_1416 : vector<16xf32>
        %add3A_1418 = arith.addf %gather3A_1384, %div3A_1417 : vector<16xf32>
        %abs3A_1419 = math.absf %select_n3A_679 : vector<16xf32>
        %lt3A_1420 = arith.constant 1.000000e+01 : f32
        %lt3A_1421 = vector.broadcast %lt3A_1420 : f32 to vector<16xf32>
        %lt3A_1422 = arith.cmpf olt, %abs3A_1419, %lt3A_1421 : vector<16xf32>
        %select_n3A_1423 = arith.select %lt3A_1422, %add3A_1418, %select_n3A_679 : vector<16xi1>, vector<16xf32>
        %gather3A_1424 = tpu.vector_load_idx %arg8[%select_n3A_1317] : memref<98304xf32, #tpu.memory_space<vmem>>[vector<16xi32>], vector<16xf32>,
        %add3A_1425 = arith.constant 8192 : i32
        %add3A_1426 = vector.broadcast %add3A_1425 : i32 to vector<16xi32>
        %add3A_1427 = arith.addi %select_n3A_1317, %add3A_1426 : vector<16xi32>
        %gather3A_1428 = tpu.vector_load_idx %arg8[%add3A_1427] : memref<98304xf32, #tpu.memory_space<vmem>>[vector<16xi32>], vector<16xf32>,
        %add3A_1429 = arith.constant 16384 : i32
        %add3A_1430 = vector.broadcast %add3A_1429 : i32 to vector<16xi32>
        %add3A_1431 = arith.addi %select_n3A_1317, %add3A_1430 : vector<16xi32>
        %gather3A_1432 = tpu.vector_load_idx %arg8[%add3A_1431] : memref<98304xf32, #tpu.memory_space<vmem>>[vector<16xi32>], vector<16xf32>,
        %add3A_1433 = arith.constant 24576 : i32
        %add3A_1434 = vector.broadcast %add3A_1433 : i32 to vector<16xi32>
        %add3A_1435 = arith.addi %select_n3A_1317, %add3A_1434 : vector<16xi32>
        %gather3A_1436 = tpu.vector_load_idx %arg8[%add3A_1435] : memref<98304xf32, #tpu.memory_space<vmem>>[vector<16xi32>], vector<16xf32>,
        %add3A_1437 = arith.constant 32768 : i32
        %add3A_1438 = vector.broadcast %add3A_1437 : i32 to vector<16xi32>
        %add3A_1439 = arith.addi %select_n3A_1317, %add3A_1438 : vector<16xi32>
        %gather3A_1440 = tpu.vector_load_idx %arg8[%add3A_1439] : memref<98304xf32, #tpu.memory_space<vmem>>[vector<16xi32>], vector<16xf32>,
        %add3A_1441 = arith.constant 40960 : i32
        %add3A_1442 = vector.broadcast %add3A_1441 : i32 to vector<16xi32>
        %add3A_1443 = arith.addi %select_n3A_1317, %add3A_1442 : vector<16xi32>
        %gather3A_1444 = tpu.vector_load_idx %arg8[%add3A_1443] : memref<98304xf32, #tpu.memory_space<vmem>>[vector<16xi32>], vector<16xf32>,
        %mul3A_1445 = arith.mulf %gather3A_1436, %gather3A_1428 : vector<16xf32>
        %sub3A_1446 = arith.subf %min3A_985, %gather3A_1424 : vector<16xf32>
        %mul3A_1447 = arith.mulf %sub3A_1446, %gather3A_1428 : vector<16xf32>
        %max3A_1448 = arith.constant 0.000000e+00 : f32
        %max3A_1449 = vector.broadcast %max3A_1448 : f32 to vector<16xf32>
        %max3A_1450 = arith.maximumf %mul3A_1447, %max3A_1449 : vector<16xf32>
        %min3A_1451 = arith.constant 1.000000e+00 : f32
        %min3A_1452 = vector.broadcast %min3A_1451 : f32 to vector<16xf32>
        %min3A_1453 = arith.minimumf %max3A_1450, %min3A_1452 : vector<16xf32>
        %sub3A_1454 = arith.constant 1.000000e+00 : f32
        %sub3A_1455 = vector.broadcast %sub3A_1454 : f32 to vector<16xf32>
        %sub3A_1456 = arith.subf %sub3A_1455, %min3A_1453 : vector<16xf32>
        %mul3A_1457 = arith.mulf %gather3A_1436, %min3A_1453 : vector<16xf32>
        %mul3A_1458 = arith.mulf %mul3A_1445, %min3A_1453 : vector<16xf32>
        %mul3A_1459 = arith.mulf %gather3A_1440, %sub3A_1456 : vector<16xf32>
        %add3A_1460 = arith.addf %mul3A_1458, %mul3A_1459 : vector<16xf32>
        %mul3A_1461 = arith.mulf %mul3A_1457, %add3A_1460 : vector<16xf32>
        %mul3A_1462 = arith.mulf %min3A_1453, %sub3A_1456 : vector<16xf32>
        %mul3A_1463 = arith.mulf %gather3A_1444, %mul3A_1462 : vector<16xf32>
        %add3A_1464 = arith.addf %mul3A_1445, %mul3A_1463 : vector<16xf32>
        %div3A_1465 = arith.divf %mul3A_1461, %add3A_1464 : vector<16xf32>
        %add3A_1466 = arith.addf %gather3A_1432, %div3A_1465 : vector<16xf32>
        %abs3A_1467 = math.absf %select_n3A_727 : vector<16xf32>
        %lt3A_1468 = arith.constant 1.000000e+01 : f32
        %lt3A_1469 = vector.broadcast %lt3A_1468 : f32 to vector<16xf32>
        %lt3A_1470 = arith.cmpf olt, %abs3A_1467, %lt3A_1469 : vector<16xf32>
        %select_n3A_1471 = arith.select %lt3A_1470, %add3A_1466, %select_n3A_727 : vector<16xi1>, vector<16xf32>
        %gather3A_1472 = tpu.vector_load_idx %arg8[%select_n3A_1319] : memref<98304xf32, #tpu.memory_space<vmem>>[vector<16xi32>], vector<16xf32>,
        %add3A_1473 = arith.constant 8192 : i32
        %add3A_1474 = vector.broadcast %add3A_1473 : i32 to vector<16xi32>
        %add3A_1475 = arith.addi %select_n3A_1319, %add3A_1474 : vector<16xi32>
        %gather3A_1476 = tpu.vector_load_idx %arg8[%add3A_1475] : memref<98304xf32, #tpu.memory_space<vmem>>[vector<16xi32>], vector<16xf32>,
        %add3A_1477 = arith.constant 16384 : i32
        %add3A_1478 = vector.broadcast %add3A_1477 : i32 to vector<16xi32>
        %add3A_1479 = arith.addi %select_n3A_1319, %add3A_1478 : vector<16xi32>
        %gather3A_1480 = tpu.vector_load_idx %arg8[%add3A_1479] : memref<98304xf32, #tpu.memory_space<vmem>>[vector<16xi32>], vector<16xf32>,
        %add3A_1481 = arith.constant 24576 : i32
        %add3A_1482 = vector.broadcast %add3A_1481 : i32 to vector<16xi32>
        %add3A_1483 = arith.addi %select_n3A_1319, %add3A_1482 : vector<16xi32>
        %gather3A_1484 = tpu.vector_load_idx %arg8[%add3A_1483] : memref<98304xf32, #tpu.memory_space<vmem>>[vector<16xi32>], vector<16xf32>,
        %add3A_1485 = arith.constant 32768 : i32
        %add3A_1486 = vector.broadcast %add3A_1485 : i32 to vector<16xi32>
        %add3A_1487 = arith.addi %select_n3A_1319, %add3A_1486 : vector<16xi32>
        %gather3A_1488 = tpu.vector_load_idx %arg8[%add3A_1487] : memref<98304xf32, #tpu.memory_space<vmem>>[vector<16xi32>], vector<16xf32>,
        %add3A_1489 = arith.constant 40960 : i32
        %add3A_1490 = vector.broadcast %add3A_1489 : i32 to vector<16xi32>
        %add3A_1491 = arith.addi %select_n3A_1319, %add3A_1490 : vector<16xi32>
        %gather3A_1492 = tpu.vector_load_idx %arg8[%add3A_1491] : memref<98304xf32, #tpu.memory_space<vmem>>[vector<16xi32>], vector<16xf32>,
        %mul3A_1493 = arith.mulf %gather3A_1484, %gather3A_1476 : vector<16xf32>
        %sub3A_1494 = arith.subf %min3A_991, %gather3A_1472 : vector<16xf32>
        %mul3A_1495 = arith.mulf %sub3A_1494, %gather3A_1476 : vector<16xf32>
        %max3A_1496 = arith.constant 0.000000e+00 : f32
        %max3A_1497 = vector.broadcast %max3A_1496 : f32 to vector<16xf32>
        %max3A_1498 = arith.maximumf %mul3A_1495, %max3A_1497 : vector<16xf32>
        %min3A_1499 = arith.constant 1.000000e+00 : f32
        %min3A_1500 = vector.broadcast %min3A_1499 : f32 to vector<16xf32>
        %min3A_1501 = arith.minimumf %max3A_1498, %min3A_1500 : vector<16xf32>
        %sub3A_1502 = arith.constant 1.000000e+00 : f32
        %sub3A_1503 = vector.broadcast %sub3A_1502 : f32 to vector<16xf32>
        %sub3A_1504 = arith.subf %sub3A_1503, %min3A_1501 : vector<16xf32>
        %mul3A_1505 = arith.mulf %gather3A_1484, %min3A_1501 : vector<16xf32>
        %mul3A_1506 = arith.mulf %mul3A_1493, %min3A_1501 : vector<16xf32>
        %mul3A_1507 = arith.mulf %gather3A_1488, %sub3A_1504 : vector<16xf32>
        %add3A_1508 = arith.addf %mul3A_1506, %mul3A_1507 : vector<16xf32>
        %mul3A_1509 = arith.mulf %mul3A_1505, %add3A_1508 : vector<16xf32>
        %mul3A_1510 = arith.mulf %min3A_1501, %sub3A_1504 : vector<16xf32>
        %mul3A_1511 = arith.mulf %gather3A_1492, %mul3A_1510 : vector<16xf32>
        %add3A_1512 = arith.addf %mul3A_1493, %mul3A_1511 : vector<16xf32>
        %div3A_1513 = arith.divf %mul3A_1509, %add3A_1512 : vector<16xf32>
        %add3A_1514 = arith.addf %gather3A_1480, %div3A_1513 : vector<16xf32>
        %abs3A_1515 = math.absf %select_n3A_775 : vector<16xf32>
        %lt3A_1516 = arith.constant 1.000000e+01 : f32
        %lt3A_1517 = vector.broadcast %lt3A_1516 : f32 to vector<16xf32>
        %lt3A_1518 = arith.cmpf olt, %abs3A_1515, %lt3A_1517 : vector<16xf32>
        %select_n3A_1519 = arith.select %lt3A_1518, %add3A_1514, %select_n3A_775 : vector<16xi1>, vector<16xf32>
        %gather3A_1520 = tpu.vector_load_idx %arg8[%select_n3A_1321] : memref<98304xf32, #tpu.memory_space<vmem>>[vector<16xi32>], vector<16xf32>,
        %add3A_1521 = arith.constant 8192 : i32
        %add3A_1522 = vector.broadcast %add3A_1521 : i32 to vector<16xi32>
        %add3A_1523 = arith.addi %select_n3A_1321, %add3A_1522 : vector<16xi32>
        %gather3A_1524 = tpu.vector_load_idx %arg8[%add3A_1523] : memref<98304xf32, #tpu.memory_space<vmem>>[vector<16xi32>], vector<16xf32>,
        %add3A_1525 = arith.constant 16384 : i32
        %add3A_1526 = vector.broadcast %add3A_1525 : i32 to vector<16xi32>
        %add3A_1527 = arith.addi %select_n3A_1321, %add3A_1526 : vector<16xi32>
        %gather3A_1528 = tpu.vector_load_idx %arg8[%add3A_1527] : memref<98304xf32, #tpu.memory_space<vmem>>[vector<16xi32>], vector<16xf32>,
        %add3A_1529 = arith.constant 24576 : i32
        %add3A_1530 = vector.broadcast %add3A_1529 : i32 to vector<16xi32>
        %add3A_1531 = arith.addi %select_n3A_1321, %add3A_1530 : vector<16xi32>
        %gather3A_1532 = tpu.vector_load_idx %arg8[%add3A_1531] : memref<98304xf32, #tpu.memory_space<vmem>>[vector<16xi32>], vector<16xf32>,
        %add3A_1533 = arith.constant 32768 : i32
        %add3A_1534 = vector.broadcast %add3A_1533 : i32 to vector<16xi32>
        %add3A_1535 = arith.addi %select_n3A_1321, %add3A_1534 : vector<16xi32>
        %gather3A_1536 = tpu.vector_load_idx %arg8[%add3A_1535] : memref<98304xf32, #tpu.memory_space<vmem>>[vector<16xi32>], vector<16xf32>,
        %add3A_1537 = arith.constant 40960 : i32
        %add3A_1538 = vector.broadcast %add3A_1537 : i32 to vector<16xi32>
        %add3A_1539 = arith.addi %select_n3A_1321, %add3A_1538 : vector<16xi32>
        %gather3A_1540 = tpu.vector_load_idx %arg8[%add3A_1539] : memref<98304xf32, #tpu.memory_space<vmem>>[vector<16xi32>], vector<16xf32>,
        %mul3A_1541 = arith.mulf %gather3A_1532, %gather3A_1524 : vector<16xf32>
        %sub3A_1542 = arith.subf %min3A_997, %gather3A_1520 : vector<16xf32>
        %mul3A_1543 = arith.mulf %sub3A_1542, %gather3A_1524 : vector<16xf32>
        %max3A_1544 = arith.constant 0.000000e+00 : f32
        %max3A_1545 = vector.broadcast %max3A_1544 : f32 to vector<16xf32>
        %max3A_1546 = arith.maximumf %mul3A_1543, %max3A_1545 : vector<16xf32>
        %min3A_1547 = arith.constant 1.000000e+00 : f32
        %min3A_1548 = vector.broadcast %min3A_1547 : f32 to vector<16xf32>
        %min3A_1549 = arith.minimumf %max3A_1546, %min3A_1548 : vector<16xf32>
        %sub3A_1550 = arith.constant 1.000000e+00 : f32
        %sub3A_1551 = vector.broadcast %sub3A_1550 : f32 to vector<16xf32>
        %sub3A_1552 = arith.subf %sub3A_1551, %min3A_1549 : vector<16xf32>
        %mul3A_1553 = arith.mulf %gather3A_1532, %min3A_1549 : vector<16xf32>
        %mul3A_1554 = arith.mulf %mul3A_1541, %min3A_1549 : vector<16xf32>
        %mul3A_1555 = arith.mulf %gather3A_1536, %sub3A_1552 : vector<16xf32>
        %add3A_1556 = arith.addf %mul3A_1554, %mul3A_1555 : vector<16xf32>
        %mul3A_1557 = arith.mulf %mul3A_1553, %add3A_1556 : vector<16xf32>
        %mul3A_1558 = arith.mulf %min3A_1549, %sub3A_1552 : vector<16xf32>
        %mul3A_1559 = arith.mulf %gather3A_1540, %mul3A_1558 : vector<16xf32>
        %add3A_1560 = arith.addf %mul3A_1541, %mul3A_1559 : vector<16xf32>
        %div3A_1561 = arith.divf %mul3A_1557, %add3A_1560 : vector<16xf32>
        %add3A_1562 = arith.addf %gather3A_1528, %div3A_1561 : vector<16xf32>
        %abs3A_1563 = math.absf %select_n3A_823 : vector<16xf32>
        %lt3A_1564 = arith.constant 1.000000e+01 : f32
        %lt3A_1565 = vector.broadcast %lt3A_1564 : f32 to vector<16xf32>
        %lt3A_1566 = arith.cmpf olt, %abs3A_1563, %lt3A_1565 : vector<16xf32>
        %select_n3A_1567 = arith.select %lt3A_1566, %add3A_1562, %select_n3A_823 : vector<16xi1>, vector<16xf32>
        %gather3A_1568 = tpu.vector_load_idx %arg8[%select_n3A_1323] : memref<98304xf32, #tpu.memory_space<vmem>>[vector<16xi32>], vector<16xf32>,
        %add3A_1569 = arith.constant 8192 : i32
        %add3A_1570 = vector.broadcast %add3A_1569 : i32 to vector<16xi32>
        %add3A_1571 = arith.addi %select_n3A_1323, %add3A_1570 : vector<16xi32>
        %gather3A_1572 = tpu.vector_load_idx %arg8[%add3A_1571] : memref<98304xf32, #tpu.memory_space<vmem>>[vector<16xi32>], vector<16xf32>,
        %add3A_1573 = arith.constant 16384 : i32
        %add3A_1574 = vector.broadcast %add3A_1573 : i32 to vector<16xi32>
        %add3A_1575 = arith.addi %select_n3A_1323, %add3A_1574 : vector<16xi32>
        %gather3A_1576 = tpu.vector_load_idx %arg8[%add3A_1575] : memref<98304xf32, #tpu.memory_space<vmem>>[vector<16xi32>], vector<16xf32>,
        %add3A_1577 = arith.constant 24576 : i32
        %add3A_1578 = vector.broadcast %add3A_1577 : i32 to vector<16xi32>
        %add3A_1579 = arith.addi %select_n3A_1323, %add3A_1578 : vector<16xi32>
        %gather3A_1580 = tpu.vector_load_idx %arg8[%add3A_1579] : memref<98304xf32, #tpu.memory_space<vmem>>[vector<16xi32>], vector<16xf32>,
        %add3A_1581 = arith.constant 32768 : i32
        %add3A_1582 = vector.broadcast %add3A_1581 : i32 to vector<16xi32>
        %add3A_1583 = arith.addi %select_n3A_1323, %add3A_1582 : vector<16xi32>
        %gather3A_1584 = tpu.vector_load_idx %arg8[%add3A_1583] : memref<98304xf32, #tpu.memory_space<vmem>>[vector<16xi32>], vector<16xf32>,
        %add3A_1585 = arith.constant 40960 : i32
        %add3A_1586 = vector.broadcast %add3A_1585 : i32 to vector<16xi32>
        %add3A_1587 = arith.addi %select_n3A_1323, %add3A_1586 : vector<16xi32>
        %gather3A_1588 = tpu.vector_load_idx %arg8[%add3A_1587] : memref<98304xf32, #tpu.memory_space<vmem>>[vector<16xi32>], vector<16xf32>,
        %mul3A_1589 = arith.mulf %gather3A_1580, %gather3A_1572 : vector<16xf32>
        %sub3A_1590 = arith.subf %min3A_1003, %gather3A_1568 : vector<16xf32>
        %mul3A_1591 = arith.mulf %sub3A_1590, %gather3A_1572 : vector<16xf32>
        %max3A_1592 = arith.constant 0.000000e+00 : f32
        %max3A_1593 = vector.broadcast %max3A_1592 : f32 to vector<16xf32>
        %max3A_1594 = arith.maximumf %mul3A_1591, %max3A_1593 : vector<16xf32>
        %min3A_1595 = arith.constant 1.000000e+00 : f32
        %min3A_1596 = vector.broadcast %min3A_1595 : f32 to vector<16xf32>
        %min3A_1597 = arith.minimumf %max3A_1594, %min3A_1596 : vector<16xf32>
        %sub3A_1598 = arith.constant 1.000000e+00 : f32
        %sub3A_1599 = vector.broadcast %sub3A_1598 : f32 to vector<16xf32>
        %sub3A_1600 = arith.subf %sub3A_1599, %min3A_1597 : vector<16xf32>
        %mul3A_1601 = arith.mulf %gather3A_1580, %min3A_1597 : vector<16xf32>
        %mul3A_1602 = arith.mulf %mul3A_1589, %min3A_1597 : vector<16xf32>
        %mul3A_1603 = arith.mulf %gather3A_1584, %sub3A_1600 : vector<16xf32>
        %add3A_1604 = arith.addf %mul3A_1602, %mul3A_1603 : vector<16xf32>
        %mul3A_1605 = arith.mulf %mul3A_1601, %add3A_1604 : vector<16xf32>
        %mul3A_1606 = arith.mulf %min3A_1597, %sub3A_1600 : vector<16xf32>
        %mul3A_1607 = arith.mulf %gather3A_1588, %mul3A_1606 : vector<16xf32>
        %add3A_1608 = arith.addf %mul3A_1589, %mul3A_1607 : vector<16xf32>
        %div3A_1609 = arith.divf %mul3A_1605, %add3A_1608 : vector<16xf32>
        %add3A_1610 = arith.addf %gather3A_1576, %div3A_1609 : vector<16xf32>
        %abs3A_1611 = math.absf %select_n3A_871 : vector<16xf32>
        %lt3A_1612 = arith.constant 1.000000e+01 : f32
        %lt3A_1613 = vector.broadcast %lt3A_1612 : f32 to vector<16xf32>
        %lt3A_1614 = arith.cmpf olt, %abs3A_1611, %lt3A_1613 : vector<16xf32>
        %select_n3A_1615 = arith.select %lt3A_1614, %add3A_1610, %select_n3A_871 : vector<16xi1>, vector<16xf32>
        %gather3A_1616 = tpu.vector_load_idx %arg8[%select_n3A_1325] : memref<98304xf32, #tpu.memory_space<vmem>>[vector<16xi32>], vector<16xf32>,
        %add3A_1617 = arith.constant 8192 : i32
        %add3A_1618 = vector.broadcast %add3A_1617 : i32 to vector<16xi32>
        %add3A_1619 = arith.addi %select_n3A_1325, %add3A_1618 : vector<16xi32>
        %gather3A_1620 = tpu.vector_load_idx %arg8[%add3A_1619] : memref<98304xf32, #tpu.memory_space<vmem>>[vector<16xi32>], vector<16xf32>,
        %add3A_1621 = arith.constant 16384 : i32
        %add3A_1622 = vector.broadcast %add3A_1621 : i32 to vector<16xi32>
        %add3A_1623 = arith.addi %select_n3A_1325, %add3A_1622 : vector<16xi32>
        %gather3A_1624 = tpu.vector_load_idx %arg8[%add3A_1623] : memref<98304xf32, #tpu.memory_space<vmem>>[vector<16xi32>], vector<16xf32>,
        %add3A_1625 = arith.constant 24576 : i32
        %add3A_1626 = vector.broadcast %add3A_1625 : i32 to vector<16xi32>
        %add3A_1627 = arith.addi %select_n3A_1325, %add3A_1626 : vector<16xi32>
        %gather3A_1628 = tpu.vector_load_idx %arg8[%add3A_1627] : memref<98304xf32, #tpu.memory_space<vmem>>[vector<16xi32>], vector<16xf32>,
        %add3A_1629 = arith.constant 32768 : i32
        %add3A_1630 = vector.broadcast %add3A_1629 : i32 to vector<16xi32>
        %add3A_1631 = arith.addi %select_n3A_1325, %add3A_1630 : vector<16xi32>
        %gather3A_1632 = tpu.vector_load_idx %arg8[%add3A_1631] : memref<98304xf32, #tpu.memory_space<vmem>>[vector<16xi32>], vector<16xf32>,
        %add3A_1633 = arith.constant 40960 : i32
        %add3A_1634 = vector.broadcast %add3A_1633 : i32 to vector<16xi32>
        %add3A_1635 = arith.addi %select_n3A_1325, %add3A_1634 : vector<16xi32>
        %gather3A_1636 = tpu.vector_load_idx %arg8[%add3A_1635] : memref<98304xf32, #tpu.memory_space<vmem>>[vector<16xi32>], vector<16xf32>,
        %mul3A_1637 = arith.mulf %gather3A_1628, %gather3A_1620 : vector<16xf32>
        %sub3A_1638 = arith.subf %min3A_1009, %gather3A_1616 : vector<16xf32>
        %mul3A_1639 = arith.mulf %sub3A_1638, %gather3A_1620 : vector<16xf32>
        %max3A_1640 = arith.constant 0.000000e+00 : f32
        %max3A_1641 = vector.broadcast %max3A_1640 : f32 to vector<16xf32>
        %max3A_1642 = arith.maximumf %mul3A_1639, %max3A_1641 : vector<16xf32>
        %min3A_1643 = arith.constant 1.000000e+00 : f32
        %min3A_1644 = vector.broadcast %min3A_1643 : f32 to vector<16xf32>
        %min3A_1645 = arith.minimumf %max3A_1642, %min3A_1644 : vector<16xf32>
        %sub3A_1646 = arith.constant 1.000000e+00 : f32
        %sub3A_1647 = vector.broadcast %sub3A_1646 : f32 to vector<16xf32>
        %sub3A_1648 = arith.subf %sub3A_1647, %min3A_1645 : vector<16xf32>
        %mul3A_1649 = arith.mulf %gather3A_1628, %min3A_1645 : vector<16xf32>
        %mul3A_1650 = arith.mulf %mul3A_1637, %min3A_1645 : vector<16xf32>
        %mul3A_1651 = arith.mulf %gather3A_1632, %sub3A_1648 : vector<16xf32>
        %add3A_1652 = arith.addf %mul3A_1650, %mul3A_1651 : vector<16xf32>
        %mul3A_1653 = arith.mulf %mul3A_1649, %add3A_1652 : vector<16xf32>
        %mul3A_1654 = arith.mulf %min3A_1645, %sub3A_1648 : vector<16xf32>
        %mul3A_1655 = arith.mulf %gather3A_1636, %mul3A_1654 : vector<16xf32>
        %add3A_1656 = arith.addf %mul3A_1637, %mul3A_1655 : vector<16xf32>
        %div3A_1657 = arith.divf %mul3A_1653, %add3A_1656 : vector<16xf32>
        %add3A_1658 = arith.addf %gather3A_1624, %div3A_1657 : vector<16xf32>
        %abs3A_1659 = math.absf %select_n3A_919 : vector<16xf32>
        %lt3A_1660 = arith.constant 1.000000e+01 : f32
        %lt3A_1661 = vector.broadcast %lt3A_1660 : f32 to vector<16xf32>
        %lt3A_1662 = arith.cmpf olt, %abs3A_1659, %lt3A_1661 : vector<16xf32>
        %select_n3A_1663 = arith.select %lt3A_1662, %add3A_1658, %select_n3A_919 : vector<16xi1>, vector<16xf32>
        %gather3A_1664 = tpu.vector_load_idx %arg8[%select_n3A_1327] : memref<98304xf32, #tpu.memory_space<vmem>>[vector<16xi32>], vector<16xf32>,
        %add3A_1665 = arith.constant 8192 : i32
        %add3A_1666 = vector.broadcast %add3A_1665 : i32 to vector<16xi32>
        %add3A_1667 = arith.addi %select_n3A_1327, %add3A_1666 : vector<16xi32>
        %gather3A_1668 = tpu.vector_load_idx %arg8[%add3A_1667] : memref<98304xf32, #tpu.memory_space<vmem>>[vector<16xi32>], vector<16xf32>,
        %add3A_1669 = arith.constant 16384 : i32
        %add3A_1670 = vector.broadcast %add3A_1669 : i32 to vector<16xi32>
        %add3A_1671 = arith.addi %select_n3A_1327, %add3A_1670 : vector<16xi32>
        %gather3A_1672 = tpu.vector_load_idx %arg8[%add3A_1671] : memref<98304xf32, #tpu.memory_space<vmem>>[vector<16xi32>], vector<16xf32>,
        %add3A_1673 = arith.constant 24576 : i32
        %add3A_1674 = vector.broadcast %add3A_1673 : i32 to vector<16xi32>
        %add3A_1675 = arith.addi %select_n3A_1327, %add3A_1674 : vector<16xi32>
        %gather3A_1676 = tpu.vector_load_idx %arg8[%add3A_1675] : memref<98304xf32, #tpu.memory_space<vmem>>[vector<16xi32>], vector<16xf32>,
        %add3A_1677 = arith.constant 32768 : i32
        %add3A_1678 = vector.broadcast %add3A_1677 : i32 to vector<16xi32>
        %add3A_1679 = arith.addi %select_n3A_1327, %add3A_1678 : vector<16xi32>
        %gather3A_1680 = tpu.vector_load_idx %arg8[%add3A_1679] : memref<98304xf32, #tpu.memory_space<vmem>>[vector<16xi32>], vector<16xf32>,
        %add3A_1681 = arith.constant 40960 : i32
        %add3A_1682 = vector.broadcast %add3A_1681 : i32 to vector<16xi32>
        %add3A_1683 = arith.addi %select_n3A_1327, %add3A_1682 : vector<16xi32>
        %gather3A_1684 = tpu.vector_load_idx %arg8[%add3A_1683] : memref<98304xf32, #tpu.memory_space<vmem>>[vector<16xi32>], vector<16xf32>,
        %mul3A_1685 = arith.mulf %gather3A_1676, %gather3A_1668 : vector<16xf32>
        %sub3A_1686 = arith.subf %min3A_1015, %gather3A_1664 : vector<16xf32>
        %mul3A_1687 = arith.mulf %sub3A_1686, %gather3A_1668 : vector<16xf32>
        %max3A_1688 = arith.constant 0.000000e+00 : f32
        %max3A_1689 = vector.broadcast %max3A_1688 : f32 to vector<16xf32>
        %max3A_1690 = arith.maximumf %mul3A_1687, %max3A_1689 : vector<16xf32>
        %min3A_1691 = arith.constant 1.000000e+00 : f32
        %min3A_1692 = vector.broadcast %min3A_1691 : f32 to vector<16xf32>
        %min3A_1693 = arith.minimumf %max3A_1690, %min3A_1692 : vector<16xf32>
        %sub3A_1694 = arith.constant 1.000000e+00 : f32
        %sub3A_1695 = vector.broadcast %sub3A_1694 : f32 to vector<16xf32>
        %sub3A_1696 = arith.subf %sub3A_1695, %min3A_1693 : vector<16xf32>
        %mul3A_1697 = arith.mulf %gather3A_1676, %min3A_1693 : vector<16xf32>
        %mul3A_1698 = arith.mulf %mul3A_1685, %min3A_1693 : vector<16xf32>
        %mul3A_1699 = arith.mulf %gather3A_1680, %sub3A_1696 : vector<16xf32>
        %add3A_1700 = arith.addf %mul3A_1698, %mul3A_1699 : vector<16xf32>
        %mul3A_1701 = arith.mulf %mul3A_1697, %add3A_1700 : vector<16xf32>
        %mul3A_1702 = arith.mulf %min3A_1693, %sub3A_1696 : vector<16xf32>
        %mul3A_1703 = arith.mulf %gather3A_1684, %mul3A_1702 : vector<16xf32>
        %add3A_1704 = arith.addf %mul3A_1685, %mul3A_1703 : vector<16xf32>
        %div3A_1705 = arith.divf %mul3A_1701, %add3A_1704 : vector<16xf32>
        %add3A_1706 = arith.addf %gather3A_1672, %div3A_1705 : vector<16xf32>
        %abs3A_1707 = math.absf %select_n3A_967 : vector<16xf32>
        %lt3A_1708 = arith.constant 1.000000e+01 : f32
        %lt3A_1709 = vector.broadcast %lt3A_1708 : f32 to vector<16xf32>
        %lt3A_1710 = arith.cmpf olt, %abs3A_1707, %lt3A_1709 : vector<16xf32>
        %select_n3A_1711 = arith.select %lt3A_1710, %add3A_1706, %select_n3A_967 : vector<16xi1>, vector<16xf32>
        %broadcast_in_dim3A = vector.broadcast %scan3A_190 : i32 to vector<16xi32>
        %gather3A_1712 = arith.constant 1 : i32
        %gather3A_1713 = arith.constant 0 : i32
        %gather3A_1714 = tpu.memref_slice %arg10[%gather3A_1712, %gather3A_1713] : memref<2x64xf32, #tpu.memory_space<vmem>> -> memref<1x64xf32, #tpu.memory_space<vmem>>
        %gather3A_1715 = tpu.memref_squeeze %gather3A_1714 : memref<1x64xf32, #tpu.memory_space<vmem>> -> memref<64xf32, #tpu.memory_space<vmem>>
        %gather3A_1716 = tpu.vector_load_idx %gather3A_1715[%broadcast_in_dim3A] : memref<64xf32, #tpu.memory_space<vmem>>[vector<16xi32>], vector<16xf32>,
        %mul3A_1717 = arith.mulf %select_n3A_1375, %get3A_13 : vector<16xf32>
        %add3A_1718 = arith.addf %mul3A_1717, %get3A_45 : vector<16xf32>
        %mul3A_1719 = arith.mulf %gather3A_1716, %add3A_1718 : vector<16xf32>
        %swap3A = arith.constant 1 : i32
        %swap3A_1720 = arith.index_cast %swap3A : i32 to index
        %swap3A_1721 = arith.index_cast %scan3A_190 : i32 to index
        %swap3A_1722 = arith.constant 0 : index
        %swap3A_1723 = tpu.vector_load %arg9[%swap3A_1720, %swap3A_1721, %swap3A_1722] {strides = array<i32>} : memref<2x64x128xf32, #tpu.memory_space<vmem>>, vector<16xf32>,
        tpu.vector_store %arg9[%swap3A_1720, %swap3A_1721, %swap3A_1722], %mul3A_1719 {strides = array<i32>} : memref<2x64x128xf32, #tpu.memory_space<vmem>>, vector<16xf32>,
        %mul3A_1724 = arith.mulf %select_n3A_1423, %get3A_17 : vector<16xf32>
        %add3A_1725 = arith.addf %mul3A_1724, %get3A_49 : vector<16xf32>
        %mul3A_1726 = arith.mulf %gather3A_1716, %add3A_1725 : vector<16xf32>
        %swap3A_1727 = arith.constant 1 : i32
        %swap3A_1728 = arith.index_cast %swap3A_1727 : i32 to index
        %swap3A_1729 = arith.index_cast %scan3A_190 : i32 to index
        %swap3A_1730 = arith.constant 16 : index
        %swap3A_1731 = tpu.vector_load %arg9[%swap3A_1728, %swap3A_1729, %swap3A_1730] {strides = array<i32>} : memref<2x64x128xf32, #tpu.memory_space<vmem>>, vector<16xf32>,
        tpu.vector_store %arg9[%swap3A_1728, %swap3A_1729, %swap3A_1730], %mul3A_1726 {strides = array<i32>} : memref<2x64x128xf32, #tpu.memory_space<vmem>>, vector<16xf32>,
        %mul3A_1732 = arith.mulf %select_n3A_1471, %get3A_21 : vector<16xf32>
        %add3A_1733 = arith.addf %mul3A_1732, %get3A_53 : vector<16xf32>
        %mul3A_1734 = arith.mulf %gather3A_1716, %add3A_1733 : vector<16xf32>
        %swap3A_1735 = arith.constant 1 : i32
        %swap3A_1736 = arith.index_cast %swap3A_1735 : i32 to index
        %swap3A_1737 = arith.index_cast %scan3A_190 : i32 to index
        %swap3A_1738 = arith.constant 32 : index
        %swap3A_1739 = tpu.vector_load %arg9[%swap3A_1736, %swap3A_1737, %swap3A_1738] {strides = array<i32>} : memref<2x64x128xf32, #tpu.memory_space<vmem>>, vector<16xf32>,
        tpu.vector_store %arg9[%swap3A_1736, %swap3A_1737, %swap3A_1738], %mul3A_1734 {strides = array<i32>} : memref<2x64x128xf32, #tpu.memory_space<vmem>>, vector<16xf32>,
        %mul3A_1740 = arith.mulf %select_n3A_1519, %get3A_25 : vector<16xf32>
        %add3A_1741 = arith.addf %mul3A_1740, %get3A_57 : vector<16xf32>
        %mul3A_1742 = arith.mulf %gather3A_1716, %add3A_1741 : vector<16xf32>
        %swap3A_1743 = arith.constant 1 : i32
        %swap3A_1744 = arith.index_cast %swap3A_1743 : i32 to index
        %swap3A_1745 = arith.index_cast %scan3A_190 : i32 to index
        %swap3A_1746 = arith.constant 48 : index
        %swap3A_1747 = tpu.vector_load %arg9[%swap3A_1744, %swap3A_1745, %swap3A_1746] {strides = array<i32>} : memref<2x64x128xf32, #tpu.memory_space<vmem>>, vector<16xf32>,
        tpu.vector_store %arg9[%swap3A_1744, %swap3A_1745, %swap3A_1746], %mul3A_1742 {strides = array<i32>} : memref<2x64x128xf32, #tpu.memory_space<vmem>>, vector<16xf32>,
        %mul3A_1748 = arith.mulf %select_n3A_1567, %get3A_29 : vector<16xf32>
        %add3A_1749 = arith.addf %mul3A_1748, %get3A_61 : vector<16xf32>
        %mul3A_1750 = arith.mulf %gather3A_1716, %add3A_1749 : vector<16xf32>
        %swap3A_1751 = arith.constant 1 : i32
        %swap3A_1752 = arith.index_cast %swap3A_1751 : i32 to index
        %swap3A_1753 = arith.index_cast %scan3A_190 : i32 to index
        %swap3A_1754 = arith.constant 64 : index
        %swap3A_1755 = tpu.vector_load %arg9[%swap3A_1752, %swap3A_1753, %swap3A_1754] {strides = array<i32>} : memref<2x64x128xf32, #tpu.memory_space<vmem>>, vector<16xf32>,
        tpu.vector_store %arg9[%swap3A_1752, %swap3A_1753, %swap3A_1754], %mul3A_1750 {strides = array<i32>} : memref<2x64x128xf32, #tpu.memory_space<vmem>>, vector<16xf32>,
        %mul3A_1756 = arith.mulf %select_n3A_1615, %get3A_33 : vector<16xf32>
        %add3A_1757 = arith.addf %mul3A_1756, %get3A_65 : vector<16xf32>
        %mul3A_1758 = arith.mulf %gather3A_1716, %add3A_1757 : vector<16xf32>
        %swap3A_1759 = arith.constant 1 : i32
        %swap3A_1760 = arith.index_cast %swap3A_1759 : i32 to index
        %swap3A_1761 = arith.index_cast %scan3A_190 : i32 to index
        %swap3A_1762 = arith.constant 80 : index
        %swap3A_1763 = tpu.vector_load %arg9[%swap3A_1760, %swap3A_1761, %swap3A_1762] {strides = array<i32>} : memref<2x64x128xf32, #tpu.memory_space<vmem>>, vector<16xf32>,
        tpu.vector_store %arg9[%swap3A_1760, %swap3A_1761, %swap3A_1762], %mul3A_1758 {strides = array<i32>} : memref<2x64x128xf32, #tpu.memory_space<vmem>>, vector<16xf32>,
        %mul3A_1764 = arith.mulf %select_n3A_1663, %get3A_37 : vector<16xf32>
        %add3A_1765 = arith.addf %mul3A_1764, %get3A_69 : vector<16xf32>
        %mul3A_1766 = arith.mulf %gather3A_1716, %add3A_1765 : vector<16xf32>
        %swap3A_1767 = arith.constant 1 : i32
        %swap3A_1768 = arith.index_cast %swap3A_1767 : i32 to index
        %swap3A_1769 = arith.index_cast %scan3A_190 : i32 to index
        %swap3A_1770 = arith.constant 96 : index
        %swap3A_1771 = tpu.vector_load %arg9[%swap3A_1768, %swap3A_1769, %swap3A_1770] {strides = array<i32>} : memref<2x64x128xf32, #tpu.memory_space<vmem>>, vector<16xf32>,
        tpu.vector_store %arg9[%swap3A_1768, %swap3A_1769, %swap3A_1770], %mul3A_1766 {strides = array<i32>} : memref<2x64x128xf32, #tpu.memory_space<vmem>>, vector<16xf32>,
        %mul3A_1772 = arith.mulf %select_n3A_1711, %get3A_41 : vector<16xf32>
        %add3A_1773 = arith.addf %mul3A_1772, %get3A_73 : vector<16xf32>
        %mul3A_1774 = arith.mulf %gather3A_1716, %add3A_1773 : vector<16xf32>
        %swap3A_1775 = arith.constant 1 : i32
        %swap3A_1776 = arith.index_cast %swap3A_1775 : i32 to index
        %swap3A_1777 = arith.index_cast %scan3A_190 : i32 to index
        %swap3A_1778 = arith.constant 112 : index
        %swap3A_1779 = tpu.vector_load %arg9[%swap3A_1776, %swap3A_1777, %swap3A_1778] {strides = array<i32>} : memref<2x64x128xf32, #tpu.memory_space<vmem>>, vector<16xf32>,
        tpu.vector_store %arg9[%swap3A_1776, %swap3A_1777, %swap3A_1778], %mul3A_1774 {strides = array<i32>} : memref<2x64x128xf32, #tpu.memory_space<vmem>>, vector<16xf32>,
      }
      %scan3A_188 = arith.constant 64 : i32
      %run_scoped3A_189 = arith.constant 1 : i32
      "tpu.region"() ({
        %run_scoped3A_190 = tpu.sem_alloc : memref<!tpu.dma_semaphore, #tpu.memory_space<semaphore_mem>>
        %dma_start3A_191 = arith.constant 0 : i32
        %dma_start3A_192 = arith.constant 0 : i32
        %dma_start3A_193 = tpu.memref_slice %arg9[%run_scoped3A_189, %dma_start3A_191, %dma_start3A_192] : memref<2x64x128xf32, #tpu.memory_space<vmem>> -> memref<1x64x128xf32, #tpu.memory_space<vmem>>
        %dma_start3A_194 = tpu.memref_squeeze %dma_start3A_193 : memref<1x64x128xf32, #tpu.memory_space<vmem>> -> memref<64x128xf32, #tpu.memory_space<vmem>>
        %dma_start3A_195 = tpu.memref_slice %arg7[%multiple_of3A_151, %multiple_of3A] : memref<16384x512xf32, #tpu.memory_space<hbm>> -> memref<64x128xf32, #tpu.memory_space<hbm>>
        %dma_start3A_196 = tpu.memref_slice %arg7[%multiple_of3A_151, %multiple_of3A] : memref<16384x512xf32, #tpu.memory_space<hbm>> -> memref<64x128xf32, #tpu.memory_space<hbm>>
        %dma_start3A_197 = arith.constant 0 : i32
        %dma_start3A_198 = arith.constant 0 : i32
        %dma_start3A_199 = tpu.memref_slice %arg9[%run_scoped3A_189, %dma_start3A_197, %dma_start3A_198] : memref<2x64x128xf32, #tpu.memory_space<vmem>> -> memref<1x64x128xf32, #tpu.memory_space<vmem>>
        %dma_start3A_200 = tpu.memref_squeeze %dma_start3A_199 : memref<1x64x128xf32, #tpu.memory_space<vmem>> -> memref<64x128xf32, #tpu.memory_space<vmem>>
        tpu.enqueue_dma source(%dma_start3A_200 : memref<64x128xf32, #tpu.memory_space<vmem>>) target(%dma_start3A_196 : memref<64x128xf32, #tpu.memory_space<hbm>>) target_semaphore(%run_scoped3A_190 : memref<!tpu.dma_semaphore, #tpu.memory_space<semaphore_mem>>)
        %dma_wait3A_201 = arith.constant 0 : i32
        %dma_wait3A_202 = arith.constant 0 : i32
        %dma_wait3A_203 = tpu.memref_slice %arg9[%run_scoped3A_189, %dma_wait3A_201, %dma_wait3A_202] : memref<2x64x128xf32, #tpu.memory_space<vmem>> -> memref<1x64x128xf32, #tpu.memory_space<vmem>>
        %dma_wait3A_204 = tpu.memref_squeeze %dma_wait3A_203 : memref<1x64x128xf32, #tpu.memory_space<vmem>> -> memref<64x128xf32, #tpu.memory_space<vmem>>
        %dma_wait3A_205 = tpu.memref_slice %arg7[%multiple_of3A_151, %multiple_of3A] : memref<16384x512xf32, #tpu.memory_space<hbm>> -> memref<64x128xf32, #tpu.memory_space<hbm>>
        %dma_wait3A_206 = tpu.memref_slice %arg7[%multiple_of3A_151, %multiple_of3A] : memref<16384x512xf32, #tpu.memory_space<hbm>> -> memref<64x128xf32, #tpu.memory_space<hbm>>
        %dma_wait3A_207 = arith.constant 0 : i32
        %dma_wait3A_208 = arith.constant 0 : i32
        %dma_wait3A_209 = tpu.memref_slice %arg9[%run_scoped3A_189, %dma_wait3A_207, %dma_wait3A_208] : memref<2x64x128xf32, #tpu.memory_space<vmem>> -> memref<1x64x128xf32, #tpu.memory_space<vmem>>
        %dma_wait3A_210 = tpu.memref_squeeze %dma_wait3A_209 : memref<1x64x128xf32, #tpu.memory_space<vmem>> -> memref<64x128xf32, #tpu.memory_space<vmem>>
        tpu.wait_dma2 semaphore(%run_scoped3A_190 : memref<!tpu.dma_semaphore, #tpu.memory_space<semaphore_mem>>) src(%dma_wait3A_210 : memref<64x128xf32, #tpu.memory_space<vmem>>) dst(%dma_wait3A_206 : memref<64x128xf32, #tpu.memory_space<hbm>>)
        tpu.yield
      }) : () -> ()
    }
    %scan3A_100 = arith.constant 16 : i32
    return
  }
}

module attributes {stable_mosaic.version = 14 : i64} {
  func.func @_logit_kernel(%arg0: i32, %arg1: memref<512x512xf32, #tpu.memory_space<vmem>>, %arg2: memref<512x512xf32, #tpu.memory_space<vmem>>) attributes {dimension_semantics = [#tpu.dimension_semantics<arbitrary>], iteration_bounds = array<i64: 32>, scalar_prefetch = 0 : i64, scratch_operands = 0 : i64, tpu.core_type = #tpu.core_type<tc>, window_params = [{transform_indices = @transform_0, window_bounds = array<i64: 512, 512>}, {transform_indices = @transform_1, window_bounds = array<i64: 512, 512>}]} {
    %get3A = arith.constant 0 : index
    %get3A_0 = arith.constant 0 : index
    %get3A_1 = vector.load %arg1[%get3A, %get3A_0] : memref<512x512xf32, #tpu.memory_space<vmem>>, vector<512x512xf32>
    %jit3A = arith.constant 9.99999997E-7 : f32
    %jit3A_2 = arith.constant 0.999998986 : f32
    %max3A = vector.broadcast %jit3A : f32 to vector<512x512xf32>
    %max3A_3 = arith.maximumf %max3A, %get3A_1 : vector<512x512xf32>
    %min3A = vector.broadcast %jit3A_2 : f32 to vector<512x512xf32>
    %min3A_4 = arith.minimumf %min3A, %max3A_3 : vector<512x512xf32>
    %sub3A = arith.constant 1.000000e+00 : f32
    %sub3A_5 = vector.broadcast %sub3A : f32 to vector<512x512xf32>
    %sub3A_6 = arith.subf %sub3A_5, %min3A_4 : vector<512x512xf32>
    %div3A = arith.divf %min3A_4, %sub3A_6 : vector<512x512xf32>
    %log3A = math.log %div3A : vector<512x512xf32>
    %swap3A = arith.constant 0 : index
    %swap3A_7 = arith.constant 0 : index
    %swap3A_8 = vector.load %arg2[%swap3A, %swap3A_7] : memref<512x512xf32, #tpu.memory_space<vmem>>, vector<512x512xf32>
    tpu.vector_store %arg2[%swap3A, %swap3A_7], %log3A {strides = array<i32>} : memref<512x512xf32, #tpu.memory_space<vmem>>, vector<512x512xf32>,
    return
  }
  func.func @transform_0(%arg0: i32) -> (i32, i32) {
    %c0_i32 = arith.constant 0 : i32
    %c0_i32_0 = arith.constant 0 : i32
    return %arg0, %c0_i32 : i32, i32
  }
  func.func @transform_1(%arg0: i32) -> (i32, i32) {
    %c0_i32 = arith.constant 0 : i32
    %c0_i32_0 = arith.constant 0 : i32
    return %arg0, %c0_i32 : i32, i32
  }
}

module attributes {stable_mosaic.version = 14 : i64} {
  func.func @_prep_kernel(%arg0: memref<2x64x512xf32, #tpu.memory_space<vmem>>, %arg1: memref<2x64x512xf32, #tpu.memory_space<vmem>>, %arg2: memref<2x65x512xf32, #tpu.memory_space<vmem>>, %arg3: memref<1x512xf32, #tpu.memory_space<vmem>>, %arg4: memref<4x2x6x64x128xf32, #tpu.memory_space<vmem>>, %arg5: memref<1x512xf32, #tpu.memory_space<vmem>>) attributes {dimension_semantics = [], scalar_prefetch = 0 : i64, scratch_operands = 0 : i64, tpu.core_type = #tpu.core_type<tc>} {
    %iota3A = tpu.iota {dimensions = array<i32: 0>} : vector<64x64xi32>
    %iota3A_0 = tpu.iota {dimensions = array<i32: 1>} : vector<64x64xi32>
    %le3A = arith.cmpi sle, %iota3A_0, %iota3A : vector<64x64xi32>
    %convert_element_type3A = arith.extui %le3A : vector<64x64xi1> to vector<64x64xi32>
    %convert_element_type3A_1 = arith.sitofp %convert_element_type3A : vector<64x64xi32> to vector<64x64xf32>
    %broadcast_in_dim3A = arith.constant -1.000000e+01 : f32
    %broadcast_in_dim3A_2 = vector.broadcast %broadcast_in_dim3A : f32 to vector<1x512xf32>
    %get3A = arith.constant 0 : index
    %get3A_3 = arith.constant 0 : index
    %get3A_4 = arith.constant 0 : index
    %get3A_5 = vector.load %arg0[%get3A, %get3A_3, %get3A_4] : memref<2x64x512xf32, #tpu.memory_space<vmem>>, vector<1x64x512xf32>
    %get3A_6 = vector.shape_cast %get3A_5 : vector<1x64x512xf32> to vector<64x512xf32>
    %reduce_max3A = arith.constant dense<0xFF800000> : vector<512xf32>
    %reduce_max3A_7 = vector.multi_reduction <maximumf>, %get3A_6, %reduce_max3A [0] : vector<64x512xf32> to vector<512xf32>
    %broadcast_in_dim3A_8 = vector.shape_cast %reduce_max3A_7 : vector<512xf32> to vector<1x512xf32>
    %sub3A = vector.broadcast %broadcast_in_dim3A_8 : vector<1x512xf32> to vector<64x512xf32>
    %sub3A_9 = arith.subf %get3A_6, %sub3A : vector<64x512xf32>
    %exp3A = math.exp %sub3A_9 : vector<64x512xf32>
    %reduce_sum3A = arith.constant dense<0.000000e+00> : vector<512xf32>
    %reduce_sum3A_10 = vector.multi_reduction <add>, %exp3A, %reduce_sum3A [0] : vector<64x512xf32> to vector<512xf32>
    %broadcast_in_dim3A_11 = vector.shape_cast %reduce_sum3A_10 : vector<512xf32> to vector<1x512xf32>
    %div3A = vector.broadcast %broadcast_in_dim3A_11 : vector<1x512xf32> to vector<64x512xf32>
    %div3A_12 = arith.divf %exp3A, %div3A : vector<64x512xf32>
    %mul3A = arith.constant 2.000000e+01 : f32
    %mul3A_13 = vector.broadcast %mul3A : f32 to vector<64x512xf32>
    %mul3A_14 = arith.mulf %div3A_12, %mul3A_13 : vector<64x512xf32>
    %dot_general3A = arith.constant dense<0.000000e+00> : vector<64x512xf32>
    %dot_general3A_15 = tpu.matmul %convert_element_type3A_1, %mul3A_14, %dot_general3A {dimension_numbers = #tpu.dot_dimension_numbers<[1], [0], [0], [1], [0, 0, 1, 1], [], []>, transpose_lhs_hint = false} : vector<64x64xf32>, vector<64x512xf32>, vector<64x512xf32> -> vector<64x512xf32>
    %get3A_16 = arith.constant 0 : index
    %get3A_17 = arith.constant 0 : index
    %get3A_18 = arith.constant 0 : index
    %get3A_19 = vector.load %arg1[%get3A_16, %get3A_17, %get3A_18] : memref<2x64x512xf32, #tpu.memory_space<vmem>>, vector<1x64x512xf32>
    %get3A_20 = vector.shape_cast %get3A_19 : vector<1x64x512xf32> to vector<64x512xf32>
    %reduce_max3A_21 = arith.constant dense<0xFF800000> : vector<512xf32>
    %reduce_max3A_22 = vector.multi_reduction <maximumf>, %get3A_20, %reduce_max3A_21 [0] : vector<64x512xf32> to vector<512xf32>
    %broadcast_in_dim3A_23 = vector.shape_cast %reduce_max3A_22 : vector<512xf32> to vector<1x512xf32>
    %sub3A_24 = vector.broadcast %broadcast_in_dim3A_23 : vector<1x512xf32> to vector<64x512xf32>
    %sub3A_25 = arith.subf %get3A_20, %sub3A_24 : vector<64x512xf32>
    %exp3A_26 = math.exp %sub3A_25 : vector<64x512xf32>
    %reduce_sum3A_27 = arith.constant dense<0.000000e+00> : vector<512xf32>
    %reduce_sum3A_28 = vector.multi_reduction <add>, %exp3A_26, %reduce_sum3A_27 [0] : vector<64x512xf32> to vector<512xf32>
    %broadcast_in_dim3A_29 = vector.shape_cast %reduce_sum3A_28 : vector<512xf32> to vector<1x512xf32>
    %div3A_30 = vector.broadcast %broadcast_in_dim3A_29 : vector<1x512xf32> to vector<64x512xf32>
    %div3A_31 = arith.divf %exp3A_26, %div3A_30 : vector<64x512xf32>
    %mul3A_32 = arith.constant 2.000000e+01 : f32
    %mul3A_33 = vector.broadcast %mul3A_32 : f32 to vector<64x512xf32>
    %mul3A_34 = arith.mulf %div3A_31, %mul3A_33 : vector<64x512xf32>
    %dot_general3A_35 = arith.constant dense<0.000000e+00> : vector<64x512xf32>
    %dot_general3A_36 = tpu.matmul %convert_element_type3A_1, %mul3A_34, %dot_general3A_35 {dimension_numbers = #tpu.dot_dimension_numbers<[1], [0], [0], [1], [0, 0, 1, 1], [], []>, transpose_lhs_hint = false} : vector<64x64xf32>, vector<64x512xf32>, vector<64x512xf32> -> vector<64x512xf32>
    %get3A_37 = arith.constant 0 : index
    %get3A_38 = arith.constant 0 : index
    %get3A_39 = arith.constant 0 : index
    %get3A_40 = vector.load %arg2[%get3A_37, %get3A_38, %get3A_39] : memref<2x65x512xf32, #tpu.memory_space<vmem>>, vector<1x65x512xf32>
    %get3A_41 = vector.shape_cast %get3A_40 : vector<1x65x512xf32> to vector<65x512xf32>
    %max3A = arith.constant 0.000000e+00 : f32
    %max3A_42 = vector.broadcast %max3A : f32 to vector<65x512xf32>
    %max3A_43 = arith.maximumf %get3A_41, %max3A_42 : vector<65x512xf32>
    %abs3A = math.absf %get3A_41 : vector<65x512xf32>
    %neg3A = arith.constant 0.000000e+00 : f32
    %neg3A_44 = vector.broadcast %neg3A : f32 to vector<65x512xf32>
    %neg3A_45 = arith.subf %neg3A_44, %abs3A : vector<65x512xf32>
    %exp3A_46 = math.exp %neg3A_45 : vector<65x512xf32>
    %add3A = arith.constant 1.000000e+00 : f32
    %add3A_47 = vector.broadcast %add3A : f32 to vector<65x512xf32>
    %add3A_48 = arith.addf %add3A_47, %exp3A_46 : vector<65x512xf32>
    %log3A = math.log %add3A_48 : vector<65x512xf32>
    %add3A_49 = arith.addf %max3A_43, %log3A : vector<65x512xf32>
    %add3A_50 = arith.constant 9.99999974E-5 : f32
    %add3A_51 = vector.broadcast %add3A_50 : f32 to vector<65x512xf32>
    %add3A_52 = arith.addf %add3A_49, %add3A_51 : vector<65x512xf32>
    %slice3A = vector.extract_strided_slice %dot_general3A_15 {offsets = [0, 0], sizes = [63, 512], strides = [1, 1]} : vector<64x512xf32> to vector<63x512xf32>
    %sub3A_53 = arith.constant 1.000000e+01 : f32
    %sub3A_54 = vector.broadcast %sub3A_53 : f32 to vector<63x512xf32>
    %sub3A_55 = arith.subf %slice3A, %sub3A_54 : vector<63x512xf32>
    %concatenate3A = tpu.concatenate %broadcast_in_dim3A_2, %sub3A_55 in 0 : vector<1x512xf32>, vector<63x512xf32> -> vector<64x512xf32>
    %div3A_56 = arith.constant 1.000000e+00 : f32
    %div3A_57 = vector.broadcast %div3A_56 : f32 to vector<64x512xf32>
    %div3A_58 = arith.divf %div3A_57, %mul3A_14 : vector<64x512xf32>
    %slice3A_59 = vector.extract_strided_slice %dot_general3A_36 {offsets = [0, 0], sizes = [63, 512], strides = [1, 1]} : vector<64x512xf32> to vector<63x512xf32>
    %sub3A_60 = arith.constant 1.000000e+01 : f32
    %sub3A_61 = vector.broadcast %sub3A_60 : f32 to vector<63x512xf32>
    %sub3A_62 = arith.subf %slice3A_59, %sub3A_61 : vector<63x512xf32>
    %concatenate3A_63 = tpu.concatenate %broadcast_in_dim3A_2, %sub3A_62 in 0 : vector<1x512xf32>, vector<63x512xf32> -> vector<64x512xf32>
    %slice3A_64 = vector.extract_strided_slice %add3A_52 {offsets = [0, 0], sizes = [64, 512], strides = [1, 1]} : vector<65x512xf32> to vector<64x512xf32>
    %slice3A_65 = vector.extract_strided_slice %add3A_52 {offsets = [0, 0], sizes = [64, 512], strides = [1, 1]} : vector<65x512xf32> to vector<64x512xf32>
    %slice3A_66 = vector.extract_strided_slice %add3A_52 {offsets = [1, 0], sizes = [64, 512], strides = [1, 1]} : vector<65x512xf32> to vector<64x512xf32>
    %add3A_67 = arith.addf %slice3A_65, %slice3A_66 : vector<64x512xf32>
    %div3A_68 = arith.divf %mul3A_34, %mul3A_14 : vector<64x512xf32>
    %mul3A_69 = arith.constant 2.000000e+00 : f32
    %mul3A_70 = vector.broadcast %mul3A_69 : f32 to vector<64x512xf32>
    %mul3A_71 = arith.mulf %mul3A_70, %div3A_68 : vector<64x512xf32>
    %sub3A_72 = arith.subf %add3A_67, %mul3A_71 : vector<64x512xf32>
    %slice3A_73 = vector.extract_strided_slice %concatenate3A {offsets = [0, 0], sizes = [64, 128], strides = [1, 1]} : vector<64x512xf32> to vector<64x128xf32>
    %swap3A = arith.constant 0 : index
    %swap3A_74 = arith.constant 0 : index
    %swap3A_75 = arith.constant 0 : index
    %swap3A_76 = arith.constant 0 : index
    %swap3A_77 = arith.constant 0 : index
    %swap3A_78 = vector.load %arg4[%swap3A, %swap3A_74, %swap3A_75, %swap3A_76, %swap3A_77] : memref<4x2x6x64x128xf32, #tpu.memory_space<vmem>>, vector<1x1x1x64x128xf32>
    %swap3A_79 = vector.shape_cast %swap3A_78 : vector<1x1x1x64x128xf32> to vector<64x128xf32>
    %swap3A_80 = vector.shape_cast %slice3A_73 : vector<64x128xf32> to vector<1x1x1x64x128xf32>
    tpu.vector_store %arg4[%swap3A, %swap3A_74, %swap3A_75, %swap3A_76, %swap3A_77], %swap3A_80 {strides = array<i32>} : memref<4x2x6x64x128xf32, #tpu.memory_space<vmem>>, vector<1x1x1x64x128xf32>,
    %slice3A_81 = vector.extract_strided_slice %concatenate3A {offsets = [0, 128], sizes = [64, 128], strides = [1, 1]} : vector<64x512xf32> to vector<64x128xf32>
    %swap3A_82 = arith.constant 1 : index
    %swap3A_83 = arith.constant 0 : index
    %swap3A_84 = arith.constant 0 : index
    %swap3A_85 = arith.constant 0 : index
    %swap3A_86 = arith.constant 0 : index
    %swap3A_87 = vector.load %arg4[%swap3A_82, %swap3A_83, %swap3A_84, %swap3A_85, %swap3A_86] : memref<4x2x6x64x128xf32, #tpu.memory_space<vmem>>, vector<1x1x1x64x128xf32>
    %swap3A_88 = vector.shape_cast %swap3A_87 : vector<1x1x1x64x128xf32> to vector<64x128xf32>
    %swap3A_89 = vector.shape_cast %slice3A_81 : vector<64x128xf32> to vector<1x1x1x64x128xf32>
    tpu.vector_store %arg4[%swap3A_82, %swap3A_83, %swap3A_84, %swap3A_85, %swap3A_86], %swap3A_89 {strides = array<i32>} : memref<4x2x6x64x128xf32, #tpu.memory_space<vmem>>, vector<1x1x1x64x128xf32>,
    %slice3A_90 = vector.extract_strided_slice %concatenate3A {offsets = [0, 256], sizes = [64, 128], strides = [1, 1]} : vector<64x512xf32> to vector<64x128xf32>
    %swap3A_91 = arith.constant 2 : index
    %swap3A_92 = arith.constant 0 : index
    %swap3A_93 = arith.constant 0 : index
    %swap3A_94 = arith.constant 0 : index
    %swap3A_95 = arith.constant 0 : index
    %swap3A_96 = vector.load %arg4[%swap3A_91, %swap3A_92, %swap3A_93, %swap3A_94, %swap3A_95] : memref<4x2x6x64x128xf32, #tpu.memory_space<vmem>>, vector<1x1x1x64x128xf32>
    %swap3A_97 = vector.shape_cast %swap3A_96 : vector<1x1x1x64x128xf32> to vector<64x128xf32>
    %swap3A_98 = vector.shape_cast %slice3A_90 : vector<64x128xf32> to vector<1x1x1x64x128xf32>
    tpu.vector_store %arg4[%swap3A_91, %swap3A_92, %swap3A_93, %swap3A_94, %swap3A_95], %swap3A_98 {strides = array<i32>} : memref<4x2x6x64x128xf32, #tpu.memory_space<vmem>>, vector<1x1x1x64x128xf32>,
    %slice3A_99 = vector.extract_strided_slice %concatenate3A {offsets = [0, 384], sizes = [64, 128], strides = [1, 1]} : vector<64x512xf32> to vector<64x128xf32>
    %swap3A_100 = arith.constant 3 : index
    %swap3A_101 = arith.constant 0 : index
    %swap3A_102 = arith.constant 0 : index
    %swap3A_103 = arith.constant 0 : index
    %swap3A_104 = arith.constant 0 : index
    %swap3A_105 = vector.load %arg4[%swap3A_100, %swap3A_101, %swap3A_102, %swap3A_103, %swap3A_104] : memref<4x2x6x64x128xf32, #tpu.memory_space<vmem>>, vector<1x1x1x64x128xf32>
    %swap3A_106 = vector.shape_cast %swap3A_105 : vector<1x1x1x64x128xf32> to vector<64x128xf32>
    %swap3A_107 = vector.shape_cast %slice3A_99 : vector<64x128xf32> to vector<1x1x1x64x128xf32>
    tpu.vector_store %arg4[%swap3A_100, %swap3A_101, %swap3A_102, %swap3A_103, %swap3A_104], %swap3A_107 {strides = array<i32>} : memref<4x2x6x64x128xf32, #tpu.memory_space<vmem>>, vector<1x1x1x64x128xf32>,
    %slice3A_108 = vector.extract_strided_slice %div3A_58 {offsets = [0, 0], sizes = [64, 128], strides = [1, 1]} : vector<64x512xf32> to vector<64x128xf32>
    %swap3A_109 = arith.constant 0 : index
    %swap3A_110 = arith.constant 0 : index
    %swap3A_111 = arith.constant 1 : index
    %swap3A_112 = arith.constant 0 : index
    %swap3A_113 = arith.constant 0 : index
    %swap3A_114 = vector.load %arg4[%swap3A_109, %swap3A_110, %swap3A_111, %swap3A_112, %swap3A_113] : memref<4x2x6x64x128xf32, #tpu.memory_space<vmem>>, vector<1x1x1x64x128xf32>
    %swap3A_115 = vector.shape_cast %swap3A_114 : vector<1x1x1x64x128xf32> to vector<64x128xf32>
    %swap3A_116 = vector.shape_cast %slice3A_108 : vector<64x128xf32> to vector<1x1x1x64x128xf32>
    tpu.vector_store %arg4[%swap3A_109, %swap3A_110, %swap3A_111, %swap3A_112, %swap3A_113], %swap3A_116 {strides = array<i32>} : memref<4x2x6x64x128xf32, #tpu.memory_space<vmem>>, vector<1x1x1x64x128xf32>,
    %slice3A_117 = vector.extract_strided_slice %div3A_58 {offsets = [0, 128], sizes = [64, 128], strides = [1, 1]} : vector<64x512xf32> to vector<64x128xf32>
    %swap3A_118 = arith.constant 1 : index
    %swap3A_119 = arith.constant 0 : index
    %swap3A_120 = arith.constant 1 : index
    %swap3A_121 = arith.constant 0 : index
    %swap3A_122 = arith.constant 0 : index
    %swap3A_123 = vector.load %arg4[%swap3A_118, %swap3A_119, %swap3A_120, %swap3A_121, %swap3A_122] : memref<4x2x6x64x128xf32, #tpu.memory_space<vmem>>, vector<1x1x1x64x128xf32>
    %swap3A_124 = vector.shape_cast %swap3A_123 : vector<1x1x1x64x128xf32> to vector<64x128xf32>
    %swap3A_125 = vector.shape_cast %slice3A_117 : vector<64x128xf32> to vector<1x1x1x64x128xf32>
    tpu.vector_store %arg4[%swap3A_118, %swap3A_119, %swap3A_120, %swap3A_121, %swap3A_122], %swap3A_125 {strides = array<i32>} : memref<4x2x6x64x128xf32, #tpu.memory_space<vmem>>, vector<1x1x1x64x128xf32>,
    %slice3A_126 = vector.extract_strided_slice %div3A_58 {offsets = [0, 256], sizes = [64, 128], strides = [1, 1]} : vector<64x512xf32> to vector<64x128xf32>
    %swap3A_127 = arith.constant 2 : index
    %swap3A_128 = arith.constant 0 : index
    %swap3A_129 = arith.constant 1 : index
    %swap3A_130 = arith.constant 0 : index
    %swap3A_131 = arith.constant 0 : index
    %swap3A_132 = vector.load %arg4[%swap3A_127, %swap3A_128, %swap3A_129, %swap3A_130, %swap3A_131] : memref<4x2x6x64x128xf32, #tpu.memory_space<vmem>>, vector<1x1x1x64x128xf32>
    %swap3A_133 = vector.shape_cast %swap3A_132 : vector<1x1x1x64x128xf32> to vector<64x128xf32>
    %swap3A_134 = vector.shape_cast %slice3A_126 : vector<64x128xf32> to vector<1x1x1x64x128xf32>
    tpu.vector_store %arg4[%swap3A_127, %swap3A_128, %swap3A_129, %swap3A_130, %swap3A_131], %swap3A_134 {strides = array<i32>} : memref<4x2x6x64x128xf32, #tpu.memory_space<vmem>>, vector<1x1x1x64x128xf32>,
    %slice3A_135 = vector.extract_strided_slice %div3A_58 {offsets = [0, 384], sizes = [64, 128], strides = [1, 1]} : vector<64x512xf32> to vector<64x128xf32>
    %swap3A_136 = arith.constant 3 : index
    %swap3A_137 = arith.constant 0 : index
    %swap3A_138 = arith.constant 1 : index
    %swap3A_139 = arith.constant 0 : index
    %swap3A_140 = arith.constant 0 : index
    %swap3A_141 = vector.load %arg4[%swap3A_136, %swap3A_137, %swap3A_138, %swap3A_139, %swap3A_140] : memref<4x2x6x64x128xf32, #tpu.memory_space<vmem>>, vector<1x1x1x64x128xf32>
    %swap3A_142 = vector.shape_cast %swap3A_141 : vector<1x1x1x64x128xf32> to vector<64x128xf32>
    %swap3A_143 = vector.shape_cast %slice3A_135 : vector<64x128xf32> to vector<1x1x1x64x128xf32>
    tpu.vector_store %arg4[%swap3A_136, %swap3A_137, %swap3A_138, %swap3A_139, %swap3A_140], %swap3A_143 {strides = array<i32>} : memref<4x2x6x64x128xf32, #tpu.memory_space<vmem>>, vector<1x1x1x64x128xf32>,
    %slice3A_144 = vector.extract_strided_slice %concatenate3A_63 {offsets = [0, 0], sizes = [64, 128], strides = [1, 1]} : vector<64x512xf32> to vector<64x128xf32>
    %swap3A_145 = arith.constant 0 : index
    %swap3A_146 = arith.constant 0 : index
    %swap3A_147 = arith.constant 2 : index
    %swap3A_148 = arith.constant 0 : index
    %swap3A_149 = arith.constant 0 : index
    %swap3A_150 = vector.load %arg4[%swap3A_145, %swap3A_146, %swap3A_147, %swap3A_148, %swap3A_149] : memref<4x2x6x64x128xf32, #tpu.memory_space<vmem>>, vector<1x1x1x64x128xf32>
    %swap3A_151 = vector.shape_cast %swap3A_150 : vector<1x1x1x64x128xf32> to vector<64x128xf32>
    %swap3A_152 = vector.shape_cast %slice3A_144 : vector<64x128xf32> to vector<1x1x1x64x128xf32>
    tpu.vector_store %arg4[%swap3A_145, %swap3A_146, %swap3A_147, %swap3A_148, %swap3A_149], %swap3A_152 {strides = array<i32>} : memref<4x2x6x64x128xf32, #tpu.memory_space<vmem>>, vector<1x1x1x64x128xf32>,
    %slice3A_153 = vector.extract_strided_slice %concatenate3A_63 {offsets = [0, 128], sizes = [64, 128], strides = [1, 1]} : vector<64x512xf32> to vector<64x128xf32>
    %swap3A_154 = arith.constant 1 : index
    %swap3A_155 = arith.constant 0 : index
    %swap3A_156 = arith.constant 2 : index
    %swap3A_157 = arith.constant 0 : index
    %swap3A_158 = arith.constant 0 : index
    %swap3A_159 = vector.load %arg4[%swap3A_154, %swap3A_155, %swap3A_156, %swap3A_157, %swap3A_158] : memref<4x2x6x64x128xf32, #tpu.memory_space<vmem>>, vector<1x1x1x64x128xf32>
    %swap3A_160 = vector.shape_cast %swap3A_159 : vector<1x1x1x64x128xf32> to vector<64x128xf32>
    %swap3A_161 = vector.shape_cast %slice3A_153 : vector<64x128xf32> to vector<1x1x1x64x128xf32>
    tpu.vector_store %arg4[%swap3A_154, %swap3A_155, %swap3A_156, %swap3A_157, %swap3A_158], %swap3A_161 {strides = array<i32>} : memref<4x2x6x64x128xf32, #tpu.memory_space<vmem>>, vector<1x1x1x64x128xf32>,
    %slice3A_162 = vector.extract_strided_slice %concatenate3A_63 {offsets = [0, 256], sizes = [64, 128], strides = [1, 1]} : vector<64x512xf32> to vector<64x128xf32>
    %swap3A_163 = arith.constant 2 : index
    %swap3A_164 = arith.constant 0 : index
    %swap3A_165 = arith.constant 2 : index
    %swap3A_166 = arith.constant 0 : index
    %swap3A_167 = arith.constant 0 : index
    %swap3A_168 = vector.load %arg4[%swap3A_163, %swap3A_164, %swap3A_165, %swap3A_166, %swap3A_167] : memref<4x2x6x64x128xf32, #tpu.memory_space<vmem>>, vector<1x1x1x64x128xf32>
    %swap3A_169 = vector.shape_cast %swap3A_168 : vector<1x1x1x64x128xf32> to vector<64x128xf32>
    %swap3A_170 = vector.shape_cast %slice3A_162 : vector<64x128xf32> to vector<1x1x1x64x128xf32>
    tpu.vector_store %arg4[%swap3A_163, %swap3A_164, %swap3A_165, %swap3A_166, %swap3A_167], %swap3A_170 {strides = array<i32>} : memref<4x2x6x64x128xf32, #tpu.memory_space<vmem>>, vector<1x1x1x64x128xf32>,
    %slice3A_171 = vector.extract_strided_slice %concatenate3A_63 {offsets = [0, 384], sizes = [64, 128], strides = [1, 1]} : vector<64x512xf32> to vector<64x128xf32>
    %swap3A_172 = arith.constant 3 : index
    %swap3A_173 = arith.constant 0 : index
    %swap3A_174 = arith.constant 2 : index
    %swap3A_175 = arith.constant 0 : index
    %swap3A_176 = arith.constant 0 : index
    %swap3A_177 = vector.load %arg4[%swap3A_172, %swap3A_173, %swap3A_174, %swap3A_175, %swap3A_176] : memref<4x2x6x64x128xf32, #tpu.memory_space<vmem>>, vector<1x1x1x64x128xf32>
    %swap3A_178 = vector.shape_cast %swap3A_177 : vector<1x1x1x64x128xf32> to vector<64x128xf32>
    %swap3A_179 = vector.shape_cast %slice3A_171 : vector<64x128xf32> to vector<1x1x1x64x128xf32>
    tpu.vector_store %arg4[%swap3A_172, %swap3A_173, %swap3A_174, %swap3A_175, %swap3A_176], %swap3A_179 {strides = array<i32>} : memref<4x2x6x64x128xf32, #tpu.memory_space<vmem>>, vector<1x1x1x64x128xf32>,
    %slice3A_180 = vector.extract_strided_slice %mul3A_34 {offsets = [0, 0], sizes = [64, 128], strides = [1, 1]} : vector<64x512xf32> to vector<64x128xf32>
    %swap3A_181 = arith.constant 0 : index
    %swap3A_182 = arith.constant 0 : index
    %swap3A_183 = arith.constant 3 : index
    %swap3A_184 = arith.constant 0 : index
    %swap3A_185 = arith.constant 0 : index
    %swap3A_186 = vector.load %arg4[%swap3A_181, %swap3A_182, %swap3A_183, %swap3A_184, %swap3A_185] : memref<4x2x6x64x128xf32, #tpu.memory_space<vmem>>, vector<1x1x1x64x128xf32>
    %swap3A_187 = vector.shape_cast %swap3A_186 : vector<1x1x1x64x128xf32> to vector<64x128xf32>
    %swap3A_188 = vector.shape_cast %slice3A_180 : vector<64x128xf32> to vector<1x1x1x64x128xf32>
    tpu.vector_store %arg4[%swap3A_181, %swap3A_182, %swap3A_183, %swap3A_184, %swap3A_185], %swap3A_188 {strides = array<i32>} : memref<4x2x6x64x128xf32, #tpu.memory_space<vmem>>, vector<1x1x1x64x128xf32>,
    %slice3A_189 = vector.extract_strided_slice %mul3A_34 {offsets = [0, 128], sizes = [64, 128], strides = [1, 1]} : vector<64x512xf32> to vector<64x128xf32>
    %swap3A_190 = arith.constant 1 : index
    %swap3A_191 = arith.constant 0 : index
    %swap3A_192 = arith.constant 3 : index
    %swap3A_193 = arith.constant 0 : index
    %swap3A_194 = arith.constant 0 : index
    %swap3A_195 = vector.load %arg4[%swap3A_190, %swap3A_191, %swap3A_192, %swap3A_193, %swap3A_194] : memref<4x2x6x64x128xf32, #tpu.memory_space<vmem>>, vector<1x1x1x64x128xf32>
    %swap3A_196 = vector.shape_cast %swap3A_195 : vector<1x1x1x64x128xf32> to vector<64x128xf32>
    %swap3A_197 = vector.shape_cast %slice3A_189 : vector<64x128xf32> to vector<1x1x1x64x128xf32>
    tpu.vector_store %arg4[%swap3A_190, %swap3A_191, %swap3A_192, %swap3A_193, %swap3A_194], %swap3A_197 {strides = array<i32>} : memref<4x2x6x64x128xf32, #tpu.memory_space<vmem>>, vector<1x1x1x64x128xf32>,
    %slice3A_198 = vector.extract_strided_slice %mul3A_34 {offsets = [0, 256], sizes = [64, 128], strides = [1, 1]} : vector<64x512xf32> to vector<64x128xf32>
    %swap3A_199 = arith.constant 2 : index
    %swap3A_200 = arith.constant 0 : index
    %swap3A_201 = arith.constant 3 : index
    %swap3A_202 = arith.constant 0 : index
    %swap3A_203 = arith.constant 0 : index
    %swap3A_204 = vector.load %arg4[%swap3A_199, %swap3A_200, %swap3A_201, %swap3A_202, %swap3A_203] : memref<4x2x6x64x128xf32, #tpu.memory_space<vmem>>, vector<1x1x1x64x128xf32>
    %swap3A_205 = vector.shape_cast %swap3A_204 : vector<1x1x1x64x128xf32> to vector<64x128xf32>
    %swap3A_206 = vector.shape_cast %slice3A_198 : vector<64x128xf32> to vector<1x1x1x64x128xf32>
    tpu.vector_store %arg4[%swap3A_199, %swap3A_200, %swap3A_201, %swap3A_202, %swap3A_203], %swap3A_206 {strides = array<i32>} : memref<4x2x6x64x128xf32, #tpu.memory_space<vmem>>, vector<1x1x1x64x128xf32>,
    %slice3A_207 = vector.extract_strided_slice %mul3A_34 {offsets = [0, 384], sizes = [64, 128], strides = [1, 1]} : vector<64x512xf32> to vector<64x128xf32>
    %swap3A_208 = arith.constant 3 : index
    %swap3A_209 = arith.constant 0 : index
    %swap3A_210 = arith.constant 3 : index
    %swap3A_211 = arith.constant 0 : index
    %swap3A_212 = arith.constant 0 : index
    %swap3A_213 = vector.load %arg4[%swap3A_208, %swap3A_209, %swap3A_210, %swap3A_211, %swap3A_212] : memref<4x2x6x64x128xf32, #tpu.memory_space<vmem>>, vector<1x1x1x64x128xf32>
    %swap3A_214 = vector.shape_cast %swap3A_213 : vector<1x1x1x64x128xf32> to vector<64x128xf32>
    %swap3A_215 = vector.shape_cast %slice3A_207 : vector<64x128xf32> to vector<1x1x1x64x128xf32>
    tpu.vector_store %arg4[%swap3A_208, %swap3A_209, %swap3A_210, %swap3A_211, %swap3A_212], %swap3A_215 {strides = array<i32>} : memref<4x2x6x64x128xf32, #tpu.memory_space<vmem>>, vector<1x1x1x64x128xf32>,
    %slice3A_216 = vector.extract_strided_slice %slice3A_64 {offsets = [0, 0], sizes = [64, 128], strides = [1, 1]} : vector<64x512xf32> to vector<64x128xf32>
    %swap3A_217 = arith.constant 0 : index
    %swap3A_218 = arith.constant 0 : index
    %swap3A_219 = arith.constant 4 : index
    %swap3A_220 = arith.constant 0 : index
    %swap3A_221 = arith.constant 0 : index
    %swap3A_222 = vector.load %arg4[%swap3A_217, %swap3A_218, %swap3A_219, %swap3A_220, %swap3A_221] : memref<4x2x6x64x128xf32, #tpu.memory_space<vmem>>, vector<1x1x1x64x128xf32>
    %swap3A_223 = vector.shape_cast %swap3A_222 : vector<1x1x1x64x128xf32> to vector<64x128xf32>
    %swap3A_224 = vector.shape_cast %slice3A_216 : vector<64x128xf32> to vector<1x1x1x64x128xf32>
    tpu.vector_store %arg4[%swap3A_217, %swap3A_218, %swap3A_219, %swap3A_220, %swap3A_221], %swap3A_224 {strides = array<i32>} : memref<4x2x6x64x128xf32, #tpu.memory_space<vmem>>, vector<1x1x1x64x128xf32>,
    %slice3A_225 = vector.extract_strided_slice %slice3A_64 {offsets = [0, 128], sizes = [64, 128], strides = [1, 1]} : vector<64x512xf32> to vector<64x128xf32>
    %swap3A_226 = arith.constant 1 : index
    %swap3A_227 = arith.constant 0 : index
    %swap3A_228 = arith.constant 4 : index
    %swap3A_229 = arith.constant 0 : index
    %swap3A_230 = arith.constant 0 : index
    %swap3A_231 = vector.load %arg4[%swap3A_226, %swap3A_227, %swap3A_228, %swap3A_229, %swap3A_230] : memref<4x2x6x64x128xf32, #tpu.memory_space<vmem>>, vector<1x1x1x64x128xf32>
    %swap3A_232 = vector.shape_cast %swap3A_231 : vector<1x1x1x64x128xf32> to vector<64x128xf32>
    %swap3A_233 = vector.shape_cast %slice3A_225 : vector<64x128xf32> to vector<1x1x1x64x128xf32>
    tpu.vector_store %arg4[%swap3A_226, %swap3A_227, %swap3A_228, %swap3A_229, %swap3A_230], %swap3A_233 {strides = array<i32>} : memref<4x2x6x64x128xf32, #tpu.memory_space<vmem>>, vector<1x1x1x64x128xf32>,
    %slice3A_234 = vector.extract_strided_slice %slice3A_64 {offsets = [0, 256], sizes = [64, 128], strides = [1, 1]} : vector<64x512xf32> to vector<64x128xf32>
    %swap3A_235 = arith.constant 2 : index
    %swap3A_236 = arith.constant 0 : index
    %swap3A_237 = arith.constant 4 : index
    %swap3A_238 = arith.constant 0 : index
    %swap3A_239 = arith.constant 0 : index
    %swap3A_240 = vector.load %arg4[%swap3A_235, %swap3A_236, %swap3A_237, %swap3A_238, %swap3A_239] : memref<4x2x6x64x128xf32, #tpu.memory_space<vmem>>, vector<1x1x1x64x128xf32>
    %swap3A_241 = vector.shape_cast %swap3A_240 : vector<1x1x1x64x128xf32> to vector<64x128xf32>
    %swap3A_242 = vector.shape_cast %slice3A_234 : vector<64x128xf32> to vector<1x1x1x64x128xf32>
    tpu.vector_store %arg4[%swap3A_235, %swap3A_236, %swap3A_237, %swap3A_238, %swap3A_239], %swap3A_242 {strides = array<i32>} : memref<4x2x6x64x128xf32, #tpu.memory_space<vmem>>, vector<1x1x1x64x128xf32>,
    %slice3A_243 = vector.extract_strided_slice %slice3A_64 {offsets = [0, 384], sizes = [64, 128], strides = [1, 1]} : vector<64x512xf32> to vector<64x128xf32>
    %swap3A_244 = arith.constant 3 : index
    %swap3A_245 = arith.constant 0 : index
    %swap3A_246 = arith.constant 4 : index
    %swap3A_247 = arith.constant 0 : index
    %swap3A_248 = arith.constant 0 : index
    %swap3A_249 = vector.load %arg4[%swap3A_244, %swap3A_245, %swap3A_246, %swap3A_247, %swap3A_248] : memref<4x2x6x64x128xf32, #tpu.memory_space<vmem>>, vector<1x1x1x64x128xf32>
    %swap3A_250 = vector.shape_cast %swap3A_249 : vector<1x1x1x64x128xf32> to vector<64x128xf32>
    %swap3A_251 = vector.shape_cast %slice3A_243 : vector<64x128xf32> to vector<1x1x1x64x128xf32>
    tpu.vector_store %arg4[%swap3A_244, %swap3A_245, %swap3A_246, %swap3A_247, %swap3A_248], %swap3A_251 {strides = array<i32>} : memref<4x2x6x64x128xf32, #tpu.memory_space<vmem>>, vector<1x1x1x64x128xf32>,
    %slice3A_252 = vector.extract_strided_slice %sub3A_72 {offsets = [0, 0], sizes = [64, 128], strides = [1, 1]} : vector<64x512xf32> to vector<64x128xf32>
    %swap3A_253 = arith.constant 0 : index
    %swap3A_254 = arith.constant 0 : index
    %swap3A_255 = arith.constant 5 : index
    %swap3A_256 = arith.constant 0 : index
    %swap3A_257 = arith.constant 0 : index
    %swap3A_258 = vector.load %arg4[%swap3A_253, %swap3A_254, %swap3A_255, %swap3A_256, %swap3A_257] : memref<4x2x6x64x128xf32, #tpu.memory_space<vmem>>, vector<1x1x1x64x128xf32>
    %swap3A_259 = vector.shape_cast %swap3A_258 : vector<1x1x1x64x128xf32> to vector<64x128xf32>
    %swap3A_260 = vector.shape_cast %slice3A_252 : vector<64x128xf32> to vector<1x1x1x64x128xf32>
    tpu.vector_store %arg4[%swap3A_253, %swap3A_254, %swap3A_255, %swap3A_256, %swap3A_257], %swap3A_260 {strides = array<i32>} : memref<4x2x6x64x128xf32, #tpu.memory_space<vmem>>, vector<1x1x1x64x128xf32>,
    %slice3A_261 = vector.extract_strided_slice %sub3A_72 {offsets = [0, 128], sizes = [64, 128], strides = [1, 1]} : vector<64x512xf32> to vector<64x128xf32>
    %swap3A_262 = arith.constant 1 : index
    %swap3A_263 = arith.constant 0 : index
    %swap3A_264 = arith.constant 5 : index
    %swap3A_265 = arith.constant 0 : index
    %swap3A_266 = arith.constant 0 : index
    %swap3A_267 = vector.load %arg4[%swap3A_262, %swap3A_263, %swap3A_264, %swap3A_265, %swap3A_266] : memref<4x2x6x64x128xf32, #tpu.memory_space<vmem>>, vector<1x1x1x64x128xf32>
    %swap3A_268 = vector.shape_cast %swap3A_267 : vector<1x1x1x64x128xf32> to vector<64x128xf32>
    %swap3A_269 = vector.shape_cast %slice3A_261 : vector<64x128xf32> to vector<1x1x1x64x128xf32>
    tpu.vector_store %arg4[%swap3A_262, %swap3A_263, %swap3A_264, %swap3A_265, %swap3A_266], %swap3A_269 {strides = array<i32>} : memref<4x2x6x64x128xf32, #tpu.memory_space<vmem>>, vector<1x1x1x64x128xf32>,
    %slice3A_270 = vector.extract_strided_slice %sub3A_72 {offsets = [0, 256], sizes = [64, 128], strides = [1, 1]} : vector<64x512xf32> to vector<64x128xf32>
    %swap3A_271 = arith.constant 2 : index
    %swap3A_272 = arith.constant 0 : index
    %swap3A_273 = arith.constant 5 : index
    %swap3A_274 = arith.constant 0 : index
    %swap3A_275 = arith.constant 0 : index
    %swap3A_276 = vector.load %arg4[%swap3A_271, %swap3A_272, %swap3A_273, %swap3A_274, %swap3A_275] : memref<4x2x6x64x128xf32, #tpu.memory_space<vmem>>, vector<1x1x1x64x128xf32>
    %swap3A_277 = vector.shape_cast %swap3A_276 : vector<1x1x1x64x128xf32> to vector<64x128xf32>
    %swap3A_278 = vector.shape_cast %slice3A_270 : vector<64x128xf32> to vector<1x1x1x64x128xf32>
    tpu.vector_store %arg4[%swap3A_271, %swap3A_272, %swap3A_273, %swap3A_274, %swap3A_275], %swap3A_278 {strides = array<i32>} : memref<4x2x6x64x128xf32, #tpu.memory_space<vmem>>, vector<1x1x1x64x128xf32>,
    %slice3A_279 = vector.extract_strided_slice %sub3A_72 {offsets = [0, 384], sizes = [64, 128], strides = [1, 1]} : vector<64x512xf32> to vector<64x128xf32>
    %swap3A_280 = arith.constant 3 : index
    %swap3A_281 = arith.constant 0 : index
    %swap3A_282 = arith.constant 5 : index
    %swap3A_283 = arith.constant 0 : index
    %swap3A_284 = arith.constant 0 : index
    %swap3A_285 = vector.load %arg4[%swap3A_280, %swap3A_281, %swap3A_282, %swap3A_283, %swap3A_284] : memref<4x2x6x64x128xf32, #tpu.memory_space<vmem>>, vector<1x1x1x64x128xf32>
    %swap3A_286 = vector.shape_cast %swap3A_285 : vector<1x1x1x64x128xf32> to vector<64x128xf32>
    %swap3A_287 = vector.shape_cast %slice3A_279 : vector<64x128xf32> to vector<1x1x1x64x128xf32>
    tpu.vector_store %arg4[%swap3A_280, %swap3A_281, %swap3A_282, %swap3A_283, %swap3A_284], %swap3A_287 {strides = array<i32>} : memref<4x2x6x64x128xf32, #tpu.memory_space<vmem>>, vector<1x1x1x64x128xf32>,
    %get3A_288 = arith.constant 1 : index
    %get3A_289 = arith.constant 0 : index
    %get3A_290 = arith.constant 0 : index
    %get3A_291 = vector.load %arg0[%get3A_288, %get3A_289, %get3A_290] : memref<2x64x512xf32, #tpu.memory_space<vmem>>, vector<1x64x512xf32>
    %get3A_292 = vector.shape_cast %get3A_291 : vector<1x64x512xf32> to vector<64x512xf32>
    %reduce_max3A_293 = arith.constant dense<0xFF800000> : vector<512xf32>
    %reduce_max3A_294 = vector.multi_reduction <maximumf>, %get3A_292, %reduce_max3A_293 [0] : vector<64x512xf32> to vector<512xf32>
    %broadcast_in_dim3A_295 = vector.shape_cast %reduce_max3A_294 : vector<512xf32> to vector<1x512xf32>
    %sub3A_296 = vector.broadcast %broadcast_in_dim3A_295 : vector<1x512xf32> to vector<64x512xf32>
    %sub3A_297 = arith.subf %get3A_292, %sub3A_296 : vector<64x512xf32>
    %exp3A_298 = math.exp %sub3A_297 : vector<64x512xf32>
    %reduce_sum3A_299 = arith.constant dense<0.000000e+00> : vector<512xf32>
    %reduce_sum3A_300 = vector.multi_reduction <add>, %exp3A_298, %reduce_sum3A_299 [0] : vector<64x512xf32> to vector<512xf32>
    %broadcast_in_dim3A_301 = vector.shape_cast %reduce_sum3A_300 : vector<512xf32> to vector<1x512xf32>
    %div3A_302 = vector.broadcast %broadcast_in_dim3A_301 : vector<1x512xf32> to vector<64x512xf32>
    %div3A_303 = arith.divf %exp3A_298, %div3A_302 : vector<64x512xf32>
    %mul3A_304 = arith.constant 2.000000e+01 : f32
    %mul3A_305 = vector.broadcast %mul3A_304 : f32 to vector<64x512xf32>
    %mul3A_306 = arith.mulf %div3A_303, %mul3A_305 : vector<64x512xf32>
    %dot_general3A_307 = arith.constant dense<0.000000e+00> : vector<64x512xf32>
    %dot_general3A_308 = tpu.matmul %convert_element_type3A_1, %mul3A_306, %dot_general3A_307 {dimension_numbers = #tpu.dot_dimension_numbers<[1], [0], [0], [1], [0, 0, 1, 1], [], []>, transpose_lhs_hint = false} : vector<64x64xf32>, vector<64x512xf32>, vector<64x512xf32> -> vector<64x512xf32>
    %get3A_309 = arith.constant 1 : index
    %get3A_310 = arith.constant 0 : index
    %get3A_311 = arith.constant 0 : index
    %get3A_312 = vector.load %arg1[%get3A_309, %get3A_310, %get3A_311] : memref<2x64x512xf32, #tpu.memory_space<vmem>>, vector<1x64x512xf32>
    %get3A_313 = vector.shape_cast %get3A_312 : vector<1x64x512xf32> to vector<64x512xf32>
    %reduce_max3A_314 = arith.constant dense<0xFF800000> : vector<512xf32>
    %reduce_max3A_315 = vector.multi_reduction <maximumf>, %get3A_313, %reduce_max3A_314 [0] : vector<64x512xf32> to vector<512xf32>
    %broadcast_in_dim3A_316 = vector.shape_cast %reduce_max3A_315 : vector<512xf32> to vector<1x512xf32>
    %sub3A_317 = vector.broadcast %broadcast_in_dim3A_316 : vector<1x512xf32> to vector<64x512xf32>
    %sub3A_318 = arith.subf %get3A_313, %sub3A_317 : vector<64x512xf32>
    %exp3A_319 = math.exp %sub3A_318 : vector<64x512xf32>
    %reduce_sum3A_320 = arith.constant dense<0.000000e+00> : vector<512xf32>
    %reduce_sum3A_321 = vector.multi_reduction <add>, %exp3A_319, %reduce_sum3A_320 [0] : vector<64x512xf32> to vector<512xf32>
    %broadcast_in_dim3A_322 = vector.shape_cast %reduce_sum3A_321 : vector<512xf32> to vector<1x512xf32>
    %div3A_323 = vector.broadcast %broadcast_in_dim3A_322 : vector<1x512xf32> to vector<64x512xf32>
    %div3A_324 = arith.divf %exp3A_319, %div3A_323 : vector<64x512xf32>
    %mul3A_325 = arith.constant 2.000000e+01 : f32
    %mul3A_326 = vector.broadcast %mul3A_325 : f32 to vector<64x512xf32>
    %mul3A_327 = arith.mulf %div3A_324, %mul3A_326 : vector<64x512xf32>
    %dot_general3A_328 = arith.constant dense<0.000000e+00> : vector<64x512xf32>
    %dot_general3A_329 = tpu.matmul %convert_element_type3A_1, %mul3A_327, %dot_general3A_328 {dimension_numbers = #tpu.dot_dimension_numbers<[1], [0], [0], [1], [0, 0, 1, 1], [], []>, transpose_lhs_hint = false} : vector<64x64xf32>, vector<64x512xf32>, vector<64x512xf32> -> vector<64x512xf32>
    %get3A_330 = arith.constant 1 : index
    %get3A_331 = arith.constant 0 : index
    %get3A_332 = arith.constant 0 : index
    %get3A_333 = vector.load %arg2[%get3A_330, %get3A_331, %get3A_332] : memref<2x65x512xf32, #tpu.memory_space<vmem>>, vector<1x65x512xf32>
    %get3A_334 = vector.shape_cast %get3A_333 : vector<1x65x512xf32> to vector<65x512xf32>
    %max3A_335 = arith.constant 0.000000e+00 : f32
    %max3A_336 = vector.broadcast %max3A_335 : f32 to vector<65x512xf32>
    %max3A_337 = arith.maximumf %get3A_334, %max3A_336 : vector<65x512xf32>
    %abs3A_338 = math.absf %get3A_334 : vector<65x512xf32>
    %neg3A_339 = arith.constant 0.000000e+00 : f32
    %neg3A_340 = vector.broadcast %neg3A_339 : f32 to vector<65x512xf32>
    %neg3A_341 = arith.subf %neg3A_340, %abs3A_338 : vector<65x512xf32>
    %exp3A_342 = math.exp %neg3A_341 : vector<65x512xf32>
    %add3A_343 = arith.constant 1.000000e+00 : f32
    %add3A_344 = vector.broadcast %add3A_343 : f32 to vector<65x512xf32>
    %add3A_345 = arith.addf %add3A_344, %exp3A_342 : vector<65x512xf32>
    %log3A_346 = math.log %add3A_345 : vector<65x512xf32>
    %add3A_347 = arith.addf %max3A_337, %log3A_346 : vector<65x512xf32>
    %add3A_348 = arith.constant 9.99999974E-5 : f32
    %add3A_349 = vector.broadcast %add3A_348 : f32 to vector<65x512xf32>
    %add3A_350 = arith.addf %add3A_347, %add3A_349 : vector<65x512xf32>
    %slice3A_351 = vector.extract_strided_slice %dot_general3A_308 {offsets = [0, 0], sizes = [63, 512], strides = [1, 1]} : vector<64x512xf32> to vector<63x512xf32>
    %sub3A_352 = arith.constant 1.000000e+01 : f32
    %sub3A_353 = vector.broadcast %sub3A_352 : f32 to vector<63x512xf32>
    %sub3A_354 = arith.subf %slice3A_351, %sub3A_353 : vector<63x512xf32>
    %concatenate3A_355 = tpu.concatenate %broadcast_in_dim3A_2, %sub3A_354 in 0 : vector<1x512xf32>, vector<63x512xf32> -> vector<64x512xf32>
    %div3A_356 = arith.constant 1.000000e+00 : f32
    %div3A_357 = vector.broadcast %div3A_356 : f32 to vector<64x512xf32>
    %div3A_358 = arith.divf %div3A_357, %mul3A_306 : vector<64x512xf32>
    %slice3A_359 = vector.extract_strided_slice %dot_general3A_329 {offsets = [0, 0], sizes = [63, 512], strides = [1, 1]} : vector<64x512xf32> to vector<63x512xf32>
    %sub3A_360 = arith.constant 1.000000e+01 : f32
    %sub3A_361 = vector.broadcast %sub3A_360 : f32 to vector<63x512xf32>
    %sub3A_362 = arith.subf %slice3A_359, %sub3A_361 : vector<63x512xf32>
    %concatenate3A_363 = tpu.concatenate %broadcast_in_dim3A_2, %sub3A_362 in 0 : vector<1x512xf32>, vector<63x512xf32> -> vector<64x512xf32>
    %slice3A_364 = vector.extract_strided_slice %add3A_350 {offsets = [0, 0], sizes = [64, 512], strides = [1, 1]} : vector<65x512xf32> to vector<64x512xf32>
    %slice3A_365 = vector.extract_strided_slice %add3A_350 {offsets = [0, 0], sizes = [64, 512], strides = [1, 1]} : vector<65x512xf32> to vector<64x512xf32>
    %slice3A_366 = vector.extract_strided_slice %add3A_350 {offsets = [1, 0], sizes = [64, 512], strides = [1, 1]} : vector<65x512xf32> to vector<64x512xf32>
    %add3A_367 = arith.addf %slice3A_365, %slice3A_366 : vector<64x512xf32>
    %div3A_368 = arith.divf %mul3A_327, %mul3A_306 : vector<64x512xf32>
    %mul3A_369 = arith.constant 2.000000e+00 : f32
    %mul3A_370 = vector.broadcast %mul3A_369 : f32 to vector<64x512xf32>
    %mul3A_371 = arith.mulf %mul3A_370, %div3A_368 : vector<64x512xf32>
    %sub3A_372 = arith.subf %add3A_367, %mul3A_371 : vector<64x512xf32>
    %slice3A_373 = vector.extract_strided_slice %concatenate3A_355 {offsets = [0, 0], sizes = [64, 128], strides = [1, 1]} : vector<64x512xf32> to vector<64x128xf32>
    %swap3A_374 = arith.constant 0 : index
    %swap3A_375 = arith.constant 1 : index
    %swap3A_376 = arith.constant 0 : index
    %swap3A_377 = arith.constant 0 : index
    %swap3A_378 = arith.constant 0 : index
    %swap3A_379 = vector.load %arg4[%swap3A_374, %swap3A_375, %swap3A_376, %swap3A_377, %swap3A_378] : memref<4x2x6x64x128xf32, #tpu.memory_space<vmem>>, vector<1x1x1x64x128xf32>
    %swap3A_380 = vector.shape_cast %swap3A_379 : vector<1x1x1x64x128xf32> to vector<64x128xf32>
    %swap3A_381 = vector.shape_cast %slice3A_373 : vector<64x128xf32> to vector<1x1x1x64x128xf32>
    tpu.vector_store %arg4[%swap3A_374, %swap3A_375, %swap3A_376, %swap3A_377, %swap3A_378], %swap3A_381 {strides = array<i32>} : memref<4x2x6x64x128xf32, #tpu.memory_space<vmem>>, vector<1x1x1x64x128xf32>,
    %slice3A_382 = vector.extract_strided_slice %concatenate3A_355 {offsets = [0, 128], sizes = [64, 128], strides = [1, 1]} : vector<64x512xf32> to vector<64x128xf32>
    %swap3A_383 = arith.constant 1 : index
    %swap3A_384 = arith.constant 1 : index
    %swap3A_385 = arith.constant 0 : index
    %swap3A_386 = arith.constant 0 : index
    %swap3A_387 = arith.constant 0 : index
    %swap3A_388 = vector.load %arg4[%swap3A_383, %swap3A_384, %swap3A_385, %swap3A_386, %swap3A_387] : memref<4x2x6x64x128xf32, #tpu.memory_space<vmem>>, vector<1x1x1x64x128xf32>
    %swap3A_389 = vector.shape_cast %swap3A_388 : vector<1x1x1x64x128xf32> to vector<64x128xf32>
    %swap3A_390 = vector.shape_cast %slice3A_382 : vector<64x128xf32> to vector<1x1x1x64x128xf32>
    tpu.vector_store %arg4[%swap3A_383, %swap3A_384, %swap3A_385, %swap3A_386, %swap3A_387], %swap3A_390 {strides = array<i32>} : memref<4x2x6x64x128xf32, #tpu.memory_space<vmem>>, vector<1x1x1x64x128xf32>,
    %slice3A_391 = vector.extract_strided_slice %concatenate3A_355 {offsets = [0, 256], sizes = [64, 128], strides = [1, 1]} : vector<64x512xf32> to vector<64x128xf32>
    %swap3A_392 = arith.constant 2 : index
    %swap3A_393 = arith.constant 1 : index
    %swap3A_394 = arith.constant 0 : index
    %swap3A_395 = arith.constant 0 : index
    %swap3A_396 = arith.constant 0 : index
    %swap3A_397 = vector.load %arg4[%swap3A_392, %swap3A_393, %swap3A_394, %swap3A_395, %swap3A_396] : memref<4x2x6x64x128xf32, #tpu.memory_space<vmem>>, vector<1x1x1x64x128xf32>
    %swap3A_398 = vector.shape_cast %swap3A_397 : vector<1x1x1x64x128xf32> to vector<64x128xf32>
    %swap3A_399 = vector.shape_cast %slice3A_391 : vector<64x128xf32> to vector<1x1x1x64x128xf32>
    tpu.vector_store %arg4[%swap3A_392, %swap3A_393, %swap3A_394, %swap3A_395, %swap3A_396], %swap3A_399 {strides = array<i32>} : memref<4x2x6x64x128xf32, #tpu.memory_space<vmem>>, vector<1x1x1x64x128xf32>,
    %slice3A_400 = vector.extract_strided_slice %concatenate3A_355 {offsets = [0, 384], sizes = [64, 128], strides = [1, 1]} : vector<64x512xf32> to vector<64x128xf32>
    %swap3A_401 = arith.constant 3 : index
    %swap3A_402 = arith.constant 1 : index
    %swap3A_403 = arith.constant 0 : index
    %swap3A_404 = arith.constant 0 : index
    %swap3A_405 = arith.constant 0 : index
    %swap3A_406 = vector.load %arg4[%swap3A_401, %swap3A_402, %swap3A_403, %swap3A_404, %swap3A_405] : memref<4x2x6x64x128xf32, #tpu.memory_space<vmem>>, vector<1x1x1x64x128xf32>
    %swap3A_407 = vector.shape_cast %swap3A_406 : vector<1x1x1x64x128xf32> to vector<64x128xf32>
    %swap3A_408 = vector.shape_cast %slice3A_400 : vector<64x128xf32> to vector<1x1x1x64x128xf32>
    tpu.vector_store %arg4[%swap3A_401, %swap3A_402, %swap3A_403, %swap3A_404, %swap3A_405], %swap3A_408 {strides = array<i32>} : memref<4x2x6x64x128xf32, #tpu.memory_space<vmem>>, vector<1x1x1x64x128xf32>,
    %slice3A_409 = vector.extract_strided_slice %div3A_358 {offsets = [0, 0], sizes = [64, 128], strides = [1, 1]} : vector<64x512xf32> to vector<64x128xf32>
    %swap3A_410 = arith.constant 0 : index
    %swap3A_411 = arith.constant 1 : index
    %swap3A_412 = arith.constant 1 : index
    %swap3A_413 = arith.constant 0 : index
    %swap3A_414 = arith.constant 0 : index
    %swap3A_415 = vector.load %arg4[%swap3A_410, %swap3A_411, %swap3A_412, %swap3A_413, %swap3A_414] : memref<4x2x6x64x128xf32, #tpu.memory_space<vmem>>, vector<1x1x1x64x128xf32>
    %swap3A_416 = vector.shape_cast %swap3A_415 : vector<1x1x1x64x128xf32> to vector<64x128xf32>
    %swap3A_417 = vector.shape_cast %slice3A_409 : vector<64x128xf32> to vector<1x1x1x64x128xf32>
    tpu.vector_store %arg4[%swap3A_410, %swap3A_411, %swap3A_412, %swap3A_413, %swap3A_414], %swap3A_417 {strides = array<i32>} : memref<4x2x6x64x128xf32, #tpu.memory_space<vmem>>, vector<1x1x1x64x128xf32>,
    %slice3A_418 = vector.extract_strided_slice %div3A_358 {offsets = [0, 128], sizes = [64, 128], strides = [1, 1]} : vector<64x512xf32> to vector<64x128xf32>
    %swap3A_419 = arith.constant 1 : index
    %swap3A_420 = arith.constant 1 : index
    %swap3A_421 = arith.constant 1 : index
    %swap3A_422 = arith.constant 0 : index
    %swap3A_423 = arith.constant 0 : index
    %swap3A_424 = vector.load %arg4[%swap3A_419, %swap3A_420, %swap3A_421, %swap3A_422, %swap3A_423] : memref<4x2x6x64x128xf32, #tpu.memory_space<vmem>>, vector<1x1x1x64x128xf32>
    %swap3A_425 = vector.shape_cast %swap3A_424 : vector<1x1x1x64x128xf32> to vector<64x128xf32>
    %swap3A_426 = vector.shape_cast %slice3A_418 : vector<64x128xf32> to vector<1x1x1x64x128xf32>
    tpu.vector_store %arg4[%swap3A_419, %swap3A_420, %swap3A_421, %swap3A_422, %swap3A_423], %swap3A_426 {strides = array<i32>} : memref<4x2x6x64x128xf32, #tpu.memory_space<vmem>>, vector<1x1x1x64x128xf32>,
    %slice3A_427 = vector.extract_strided_slice %div3A_358 {offsets = [0, 256], sizes = [64, 128], strides = [1, 1]} : vector<64x512xf32> to vector<64x128xf32>
    %swap3A_428 = arith.constant 2 : index
    %swap3A_429 = arith.constant 1 : index
    %swap3A_430 = arith.constant 1 : index
    %swap3A_431 = arith.constant 0 : index
    %swap3A_432 = arith.constant 0 : index
    %swap3A_433 = vector.load %arg4[%swap3A_428, %swap3A_429, %swap3A_430, %swap3A_431, %swap3A_432] : memref<4x2x6x64x128xf32, #tpu.memory_space<vmem>>, vector<1x1x1x64x128xf32>
    %swap3A_434 = vector.shape_cast %swap3A_433 : vector<1x1x1x64x128xf32> to vector<64x128xf32>
    %swap3A_435 = vector.shape_cast %slice3A_427 : vector<64x128xf32> to vector<1x1x1x64x128xf32>
    tpu.vector_store %arg4[%swap3A_428, %swap3A_429, %swap3A_430, %swap3A_431, %swap3A_432], %swap3A_435 {strides = array<i32>} : memref<4x2x6x64x128xf32, #tpu.memory_space<vmem>>, vector<1x1x1x64x128xf32>,
    %slice3A_436 = vector.extract_strided_slice %div3A_358 {offsets = [0, 384], sizes = [64, 128], strides = [1, 1]} : vector<64x512xf32> to vector<64x128xf32>
    %swap3A_437 = arith.constant 3 : index
    %swap3A_438 = arith.constant 1 : index
    %swap3A_439 = arith.constant 1 : index
    %swap3A_440 = arith.constant 0 : index
    %swap3A_441 = arith.constant 0 : index
    %swap3A_442 = vector.load %arg4[%swap3A_437, %swap3A_438, %swap3A_439, %swap3A_440, %swap3A_441] : memref<4x2x6x64x128xf32, #tpu.memory_space<vmem>>, vector<1x1x1x64x128xf32>
    %swap3A_443 = vector.shape_cast %swap3A_442 : vector<1x1x1x64x128xf32> to vector<64x128xf32>
    %swap3A_444 = vector.shape_cast %slice3A_436 : vector<64x128xf32> to vector<1x1x1x64x128xf32>
    tpu.vector_store %arg4[%swap3A_437, %swap3A_438, %swap3A_439, %swap3A_440, %swap3A_441], %swap3A_444 {strides = array<i32>} : memref<4x2x6x64x128xf32, #tpu.memory_space<vmem>>, vector<1x1x1x64x128xf32>,
    %slice3A_445 = vector.extract_strided_slice %concatenate3A_363 {offsets = [0, 0], sizes = [64, 128], strides = [1, 1]} : vector<64x512xf32> to vector<64x128xf32>
    %swap3A_446 = arith.constant 0 : index
    %swap3A_447 = arith.constant 1 : index
    %swap3A_448 = arith.constant 2 : index
    %swap3A_449 = arith.constant 0 : index
    %swap3A_450 = arith.constant 0 : index
    %swap3A_451 = vector.load %arg4[%swap3A_446, %swap3A_447, %swap3A_448, %swap3A_449, %swap3A_450] : memref<4x2x6x64x128xf32, #tpu.memory_space<vmem>>, vector<1x1x1x64x128xf32>
    %swap3A_452 = vector.shape_cast %swap3A_451 : vector<1x1x1x64x128xf32> to vector<64x128xf32>
    %swap3A_453 = vector.shape_cast %slice3A_445 : vector<64x128xf32> to vector<1x1x1x64x128xf32>
    tpu.vector_store %arg4[%swap3A_446, %swap3A_447, %swap3A_448, %swap3A_449, %swap3A_450], %swap3A_453 {strides = array<i32>} : memref<4x2x6x64x128xf32, #tpu.memory_space<vmem>>, vector<1x1x1x64x128xf32>,
    %slice3A_454 = vector.extract_strided_slice %concatenate3A_363 {offsets = [0, 128], sizes = [64, 128], strides = [1, 1]} : vector<64x512xf32> to vector<64x128xf32>
    %swap3A_455 = arith.constant 1 : index
    %swap3A_456 = arith.constant 1 : index
    %swap3A_457 = arith.constant 2 : index
    %swap3A_458 = arith.constant 0 : index
    %swap3A_459 = arith.constant 0 : index
    %swap3A_460 = vector.load %arg4[%swap3A_455, %swap3A_456, %swap3A_457, %swap3A_458, %swap3A_459] : memref<4x2x6x64x128xf32, #tpu.memory_space<vmem>>, vector<1x1x1x64x128xf32>
    %swap3A_461 = vector.shape_cast %swap3A_460 : vector<1x1x1x64x128xf32> to vector<64x128xf32>
    %swap3A_462 = vector.shape_cast %slice3A_454 : vector<64x128xf32> to vector<1x1x1x64x128xf32>
    tpu.vector_store %arg4[%swap3A_455, %swap3A_456, %swap3A_457, %swap3A_458, %swap3A_459], %swap3A_462 {strides = array<i32>} : memref<4x2x6x64x128xf32, #tpu.memory_space<vmem>>, vector<1x1x1x64x128xf32>,
    %slice3A_463 = vector.extract_strided_slice %concatenate3A_363 {offsets = [0, 256], sizes = [64, 128], strides = [1, 1]} : vector<64x512xf32> to vector<64x128xf32>
    %swap3A_464 = arith.constant 2 : index
    %swap3A_465 = arith.constant 1 : index
    %swap3A_466 = arith.constant 2 : index
    %swap3A_467 = arith.constant 0 : index
    %swap3A_468 = arith.constant 0 : index
    %swap3A_469 = vector.load %arg4[%swap3A_464, %swap3A_465, %swap3A_466, %swap3A_467, %swap3A_468] : memref<4x2x6x64x128xf32, #tpu.memory_space<vmem>>, vector<1x1x1x64x128xf32>
    %swap3A_470 = vector.shape_cast %swap3A_469 : vector<1x1x1x64x128xf32> to vector<64x128xf32>
    %swap3A_471 = vector.shape_cast %slice3A_463 : vector<64x128xf32> to vector<1x1x1x64x128xf32>
    tpu.vector_store %arg4[%swap3A_464, %swap3A_465, %swap3A_466, %swap3A_467, %swap3A_468], %swap3A_471 {strides = array<i32>} : memref<4x2x6x64x128xf32, #tpu.memory_space<vmem>>, vector<1x1x1x64x128xf32>,
    %slice3A_472 = vector.extract_strided_slice %concatenate3A_363 {offsets = [0, 384], sizes = [64, 128], strides = [1, 1]} : vector<64x512xf32> to vector<64x128xf32>
    %swap3A_473 = arith.constant 3 : index
    %swap3A_474 = arith.constant 1 : index
    %swap3A_475 = arith.constant 2 : index
    %swap3A_476 = arith.constant 0 : index
    %swap3A_477 = arith.constant 0 : index
    %swap3A_478 = vector.load %arg4[%swap3A_473, %swap3A_474, %swap3A_475, %swap3A_476, %swap3A_477] : memref<4x2x6x64x128xf32, #tpu.memory_space<vmem>>, vector<1x1x1x64x128xf32>
    %swap3A_479 = vector.shape_cast %swap3A_478 : vector<1x1x1x64x128xf32> to vector<64x128xf32>
    %swap3A_480 = vector.shape_cast %slice3A_472 : vector<64x128xf32> to vector<1x1x1x64x128xf32>
    tpu.vector_store %arg4[%swap3A_473, %swap3A_474, %swap3A_475, %swap3A_476, %swap3A_477], %swap3A_480 {strides = array<i32>} : memref<4x2x6x64x128xf32, #tpu.memory_space<vmem>>, vector<1x1x1x64x128xf32>,
    %slice3A_481 = vector.extract_strided_slice %mul3A_327 {offsets = [0, 0], sizes = [64, 128], strides = [1, 1]} : vector<64x512xf32> to vector<64x128xf32>
    %swap3A_482 = arith.constant 0 : index
    %swap3A_483 = arith.constant 1 : index
    %swap3A_484 = arith.constant 3 : index
    %swap3A_485 = arith.constant 0 : index
    %swap3A_486 = arith.constant 0 : index
    %swap3A_487 = vector.load %arg4[%swap3A_482, %swap3A_483, %swap3A_484, %swap3A_485, %swap3A_486] : memref<4x2x6x64x128xf32, #tpu.memory_space<vmem>>, vector<1x1x1x64x128xf32>
    %swap3A_488 = vector.shape_cast %swap3A_487 : vector<1x1x1x64x128xf32> to vector<64x128xf32>
    %swap3A_489 = vector.shape_cast %slice3A_481 : vector<64x128xf32> to vector<1x1x1x64x128xf32>
    tpu.vector_store %arg4[%swap3A_482, %swap3A_483, %swap3A_484, %swap3A_485, %swap3A_486], %swap3A_489 {strides = array<i32>} : memref<4x2x6x64x128xf32, #tpu.memory_space<vmem>>, vector<1x1x1x64x128xf32>,
    %slice3A_490 = vector.extract_strided_slice %mul3A_327 {offsets = [0, 128], sizes = [64, 128], strides = [1, 1]} : vector<64x512xf32> to vector<64x128xf32>
    %swap3A_491 = arith.constant 1 : index
    %swap3A_492 = arith.constant 1 : index
    %swap3A_493 = arith.constant 3 : index
    %swap3A_494 = arith.constant 0 : index
    %swap3A_495 = arith.constant 0 : index
    %swap3A_496 = vector.load %arg4[%swap3A_491, %swap3A_492, %swap3A_493, %swap3A_494, %swap3A_495] : memref<4x2x6x64x128xf32, #tpu.memory_space<vmem>>, vector<1x1x1x64x128xf32>
    %swap3A_497 = vector.shape_cast %swap3A_496 : vector<1x1x1x64x128xf32> to vector<64x128xf32>
    %swap3A_498 = vector.shape_cast %slice3A_490 : vector<64x128xf32> to vector<1x1x1x64x128xf32>
    tpu.vector_store %arg4[%swap3A_491, %swap3A_492, %swap3A_493, %swap3A_494, %swap3A_495], %swap3A_498 {strides = array<i32>} : memref<4x2x6x64x128xf32, #tpu.memory_space<vmem>>, vector<1x1x1x64x128xf32>,
    %slice3A_499 = vector.extract_strided_slice %mul3A_327 {offsets = [0, 256], sizes = [64, 128], strides = [1, 1]} : vector<64x512xf32> to vector<64x128xf32>
    %swap3A_500 = arith.constant 2 : index
    %swap3A_501 = arith.constant 1 : index
    %swap3A_502 = arith.constant 3 : index
    %swap3A_503 = arith.constant 0 : index
    %swap3A_504 = arith.constant 0 : index
    %swap3A_505 = vector.load %arg4[%swap3A_500, %swap3A_501, %swap3A_502, %swap3A_503, %swap3A_504] : memref<4x2x6x64x128xf32, #tpu.memory_space<vmem>>, vector<1x1x1x64x128xf32>
    %swap3A_506 = vector.shape_cast %swap3A_505 : vector<1x1x1x64x128xf32> to vector<64x128xf32>
    %swap3A_507 = vector.shape_cast %slice3A_499 : vector<64x128xf32> to vector<1x1x1x64x128xf32>
    tpu.vector_store %arg4[%swap3A_500, %swap3A_501, %swap3A_502, %swap3A_503, %swap3A_504], %swap3A_507 {strides = array<i32>} : memref<4x2x6x64x128xf32, #tpu.memory_space<vmem>>, vector<1x1x1x64x128xf32>,
    %slice3A_508 = vector.extract_strided_slice %mul3A_327 {offsets = [0, 384], sizes = [64, 128], strides = [1, 1]} : vector<64x512xf32> to vector<64x128xf32>
    %swap3A_509 = arith.constant 3 : index
    %swap3A_510 = arith.constant 1 : index
    %swap3A_511 = arith.constant 3 : index
    %swap3A_512 = arith.constant 0 : index
    %swap3A_513 = arith.constant 0 : index
    %swap3A_514 = vector.load %arg4[%swap3A_509, %swap3A_510, %swap3A_511, %swap3A_512, %swap3A_513] : memref<4x2x6x64x128xf32, #tpu.memory_space<vmem>>, vector<1x1x1x64x128xf32>
    %swap3A_515 = vector.shape_cast %swap3A_514 : vector<1x1x1x64x128xf32> to vector<64x128xf32>
    %swap3A_516 = vector.shape_cast %slice3A_508 : vector<64x128xf32> to vector<1x1x1x64x128xf32>
    tpu.vector_store %arg4[%swap3A_509, %swap3A_510, %swap3A_511, %swap3A_512, %swap3A_513], %swap3A_516 {strides = array<i32>} : memref<4x2x6x64x128xf32, #tpu.memory_space<vmem>>, vector<1x1x1x64x128xf32>,
    %slice3A_517 = vector.extract_strided_slice %slice3A_364 {offsets = [0, 0], sizes = [64, 128], strides = [1, 1]} : vector<64x512xf32> to vector<64x128xf32>
    %swap3A_518 = arith.constant 0 : index
    %swap3A_519 = arith.constant 1 : index
    %swap3A_520 = arith.constant 4 : index
    %swap3A_521 = arith.constant 0 : index
    %swap3A_522 = arith.constant 0 : index
    %swap3A_523 = vector.load %arg4[%swap3A_518, %swap3A_519, %swap3A_520, %swap3A_521, %swap3A_522] : memref<4x2x6x64x128xf32, #tpu.memory_space<vmem>>, vector<1x1x1x64x128xf32>
    %swap3A_524 = vector.shape_cast %swap3A_523 : vector<1x1x1x64x128xf32> to vector<64x128xf32>
    %swap3A_525 = vector.shape_cast %slice3A_517 : vector<64x128xf32> to vector<1x1x1x64x128xf32>
    tpu.vector_store %arg4[%swap3A_518, %swap3A_519, %swap3A_520, %swap3A_521, %swap3A_522], %swap3A_525 {strides = array<i32>} : memref<4x2x6x64x128xf32, #tpu.memory_space<vmem>>, vector<1x1x1x64x128xf32>,
    %slice3A_526 = vector.extract_strided_slice %slice3A_364 {offsets = [0, 128], sizes = [64, 128], strides = [1, 1]} : vector<64x512xf32> to vector<64x128xf32>
    %swap3A_527 = arith.constant 1 : index
    %swap3A_528 = arith.constant 1 : index
    %swap3A_529 = arith.constant 4 : index
    %swap3A_530 = arith.constant 0 : index
    %swap3A_531 = arith.constant 0 : index
    %swap3A_532 = vector.load %arg4[%swap3A_527, %swap3A_528, %swap3A_529, %swap3A_530, %swap3A_531] : memref<4x2x6x64x128xf32, #tpu.memory_space<vmem>>, vector<1x1x1x64x128xf32>
    %swap3A_533 = vector.shape_cast %swap3A_532 : vector<1x1x1x64x128xf32> to vector<64x128xf32>
    %swap3A_534 = vector.shape_cast %slice3A_526 : vector<64x128xf32> to vector<1x1x1x64x128xf32>
    tpu.vector_store %arg4[%swap3A_527, %swap3A_528, %swap3A_529, %swap3A_530, %swap3A_531], %swap3A_534 {strides = array<i32>} : memref<4x2x6x64x128xf32, #tpu.memory_space<vmem>>, vector<1x1x1x64x128xf32>,
    %slice3A_535 = vector.extract_strided_slice %slice3A_364 {offsets = [0, 256], sizes = [64, 128], strides = [1, 1]} : vector<64x512xf32> to vector<64x128xf32>
    %swap3A_536 = arith.constant 2 : index
    %swap3A_537 = arith.constant 1 : index
    %swap3A_538 = arith.constant 4 : index
    %swap3A_539 = arith.constant 0 : index
    %swap3A_540 = arith.constant 0 : index
    %swap3A_541 = vector.load %arg4[%swap3A_536, %swap3A_537, %swap3A_538, %swap3A_539, %swap3A_540] : memref<4x2x6x64x128xf32, #tpu.memory_space<vmem>>, vector<1x1x1x64x128xf32>
    %swap3A_542 = vector.shape_cast %swap3A_541 : vector<1x1x1x64x128xf32> to vector<64x128xf32>
    %swap3A_543 = vector.shape_cast %slice3A_535 : vector<64x128xf32> to vector<1x1x1x64x128xf32>
    tpu.vector_store %arg4[%swap3A_536, %swap3A_537, %swap3A_538, %swap3A_539, %swap3A_540], %swap3A_543 {strides = array<i32>} : memref<4x2x6x64x128xf32, #tpu.memory_space<vmem>>, vector<1x1x1x64x128xf32>,
    %slice3A_544 = vector.extract_strided_slice %slice3A_364 {offsets = [0, 384], sizes = [64, 128], strides = [1, 1]} : vector<64x512xf32> to vector<64x128xf32>
    %swap3A_545 = arith.constant 3 : index
    %swap3A_546 = arith.constant 1 : index
    %swap3A_547 = arith.constant 4 : index
    %swap3A_548 = arith.constant 0 : index
    %swap3A_549 = arith.constant 0 : index
    %swap3A_550 = vector.load %arg4[%swap3A_545, %swap3A_546, %swap3A_547, %swap3A_548, %swap3A_549] : memref<4x2x6x64x128xf32, #tpu.memory_space<vmem>>, vector<1x1x1x64x128xf32>
    %swap3A_551 = vector.shape_cast %swap3A_550 : vector<1x1x1x64x128xf32> to vector<64x128xf32>
    %swap3A_552 = vector.shape_cast %slice3A_544 : vector<64x128xf32> to vector<1x1x1x64x128xf32>
    tpu.vector_store %arg4[%swap3A_545, %swap3A_546, %swap3A_547, %swap3A_548, %swap3A_549], %swap3A_552 {strides = array<i32>} : memref<4x2x6x64x128xf32, #tpu.memory_space<vmem>>, vector<1x1x1x64x128xf32>,
    %slice3A_553 = vector.extract_strided_slice %sub3A_372 {offsets = [0, 0], sizes = [64, 128], strides = [1, 1]} : vector<64x512xf32> to vector<64x128xf32>
    %swap3A_554 = arith.constant 0 : index
    %swap3A_555 = arith.constant 1 : index
    %swap3A_556 = arith.constant 5 : index
    %swap3A_557 = arith.constant 0 : index
    %swap3A_558 = arith.constant 0 : index
    %swap3A_559 = vector.load %arg4[%swap3A_554, %swap3A_555, %swap3A_556, %swap3A_557, %swap3A_558] : memref<4x2x6x64x128xf32, #tpu.memory_space<vmem>>, vector<1x1x1x64x128xf32>
    %swap3A_560 = vector.shape_cast %swap3A_559 : vector<1x1x1x64x128xf32> to vector<64x128xf32>
    %swap3A_561 = vector.shape_cast %slice3A_553 : vector<64x128xf32> to vector<1x1x1x64x128xf32>
    tpu.vector_store %arg4[%swap3A_554, %swap3A_555, %swap3A_556, %swap3A_557, %swap3A_558], %swap3A_561 {strides = array<i32>} : memref<4x2x6x64x128xf32, #tpu.memory_space<vmem>>, vector<1x1x1x64x128xf32>,
    %slice3A_562 = vector.extract_strided_slice %sub3A_372 {offsets = [0, 128], sizes = [64, 128], strides = [1, 1]} : vector<64x512xf32> to vector<64x128xf32>
    %swap3A_563 = arith.constant 1 : index
    %swap3A_564 = arith.constant 1 : index
    %swap3A_565 = arith.constant 5 : index
    %swap3A_566 = arith.constant 0 : index
    %swap3A_567 = arith.constant 0 : index
    %swap3A_568 = vector.load %arg4[%swap3A_563, %swap3A_564, %swap3A_565, %swap3A_566, %swap3A_567] : memref<4x2x6x64x128xf32, #tpu.memory_space<vmem>>, vector<1x1x1x64x128xf32>
    %swap3A_569 = vector.shape_cast %swap3A_568 : vector<1x1x1x64x128xf32> to vector<64x128xf32>
    %swap3A_570 = vector.shape_cast %slice3A_562 : vector<64x128xf32> to vector<1x1x1x64x128xf32>
    tpu.vector_store %arg4[%swap3A_563, %swap3A_564, %swap3A_565, %swap3A_566, %swap3A_567], %swap3A_570 {strides = array<i32>} : memref<4x2x6x64x128xf32, #tpu.memory_space<vmem>>, vector<1x1x1x64x128xf32>,
    %slice3A_571 = vector.extract_strided_slice %sub3A_372 {offsets = [0, 256], sizes = [64, 128], strides = [1, 1]} : vector<64x512xf32> to vector<64x128xf32>
    %swap3A_572 = arith.constant 2 : index
    %swap3A_573 = arith.constant 1 : index
    %swap3A_574 = arith.constant 5 : index
    %swap3A_575 = arith.constant 0 : index
    %swap3A_576 = arith.constant 0 : index
    %swap3A_577 = vector.load %arg4[%swap3A_572, %swap3A_573, %swap3A_574, %swap3A_575, %swap3A_576] : memref<4x2x6x64x128xf32, #tpu.memory_space<vmem>>, vector<1x1x1x64x128xf32>
    %swap3A_578 = vector.shape_cast %swap3A_577 : vector<1x1x1x64x128xf32> to vector<64x128xf32>
    %swap3A_579 = vector.shape_cast %slice3A_571 : vector<64x128xf32> to vector<1x1x1x64x128xf32>
    tpu.vector_store %arg4[%swap3A_572, %swap3A_573, %swap3A_574, %swap3A_575, %swap3A_576], %swap3A_579 {strides = array<i32>} : memref<4x2x6x64x128xf32, #tpu.memory_space<vmem>>, vector<1x1x1x64x128xf32>,
    %slice3A_580 = vector.extract_strided_slice %sub3A_372 {offsets = [0, 384], sizes = [64, 128], strides = [1, 1]} : vector<64x512xf32> to vector<64x128xf32>
    %swap3A_581 = arith.constant 3 : index
    %swap3A_582 = arith.constant 1 : index
    %swap3A_583 = arith.constant 5 : index
    %swap3A_584 = arith.constant 0 : index
    %swap3A_585 = arith.constant 0 : index
    %swap3A_586 = vector.load %arg4[%swap3A_581, %swap3A_582, %swap3A_583, %swap3A_584, %swap3A_585] : memref<4x2x6x64x128xf32, #tpu.memory_space<vmem>>, vector<1x1x1x64x128xf32>
    %swap3A_587 = vector.shape_cast %swap3A_586 : vector<1x1x1x64x128xf32> to vector<64x128xf32>
    %swap3A_588 = vector.shape_cast %slice3A_580 : vector<64x128xf32> to vector<1x1x1x64x128xf32>
    tpu.vector_store %arg4[%swap3A_581, %swap3A_582, %swap3A_583, %swap3A_584, %swap3A_585], %swap3A_588 {strides = array<i32>} : memref<4x2x6x64x128xf32, #tpu.memory_space<vmem>>, vector<1x1x1x64x128xf32>,
    %get3A_589 = arith.constant 0 : index
    %get3A_590 = arith.constant 0 : index
    %get3A_591 = vector.load %arg3[%get3A_589, %get3A_590] : memref<1x512xf32, #tpu.memory_space<vmem>>, vector<1x512xf32>
    %max3A_592 = arith.constant 0.000000e+00 : f32
    %max3A_593 = vector.broadcast %max3A_592 : f32 to vector<1x512xf32>
    %max3A_594 = arith.maximumf %get3A_591, %max3A_593 : vector<1x512xf32>
    %abs3A_595 = math.absf %get3A_591 : vector<1x512xf32>
    %neg3A_596 = arith.constant 0.000000e+00 : f32
    %neg3A_597 = vector.broadcast %neg3A_596 : f32 to vector<1x512xf32>
    %neg3A_598 = arith.subf %neg3A_597, %abs3A_595 : vector<1x512xf32>
    %exp3A_599 = math.exp %neg3A_598 : vector<1x512xf32>
    %add3A_600 = arith.constant 1.000000e+00 : f32
    %add3A_601 = vector.broadcast %add3A_600 : f32 to vector<1x512xf32>
    %add3A_602 = arith.addf %add3A_601, %exp3A_599 : vector<1x512xf32>
    %log3A_603 = math.log %add3A_602 : vector<1x512xf32>
    %add3A_604 = arith.addf %max3A_594, %log3A_603 : vector<1x512xf32>
    %add3A_605 = arith.constant 9.99999974E-5 : f32
    %add3A_606 = vector.broadcast %add3A_605 : f32 to vector<1x512xf32>
    %add3A_607 = arith.addf %add3A_604, %add3A_606 : vector<1x512xf32>
    %swap3A_608 = arith.constant 0 : index
    %swap3A_609 = arith.constant 0 : index
    %swap3A_610 = vector.load %arg5[%swap3A_608, %swap3A_609] : memref<1x512xf32, #tpu.memory_space<vmem>>, vector<1x512xf32>
    tpu.vector_store %arg5[%swap3A_608, %swap3A_609], %add3A_607 {strides = array<i32>} : memref<1x512xf32, #tpu.memory_space<vmem>>, vector<1x512xf32>,
    return
  }
}

</mosaic_0001>

<sc_bundles>
// kernel: kernel.5.cloned.1.call-start
scs
__scs_entry_jumppad:
0x0: {  	(pc) =	sbr.rel $0x88, $3  }
0x1: {  	(tag) =	ssettag $0x0;
	lr =	simm.s32 $0x1  }
0x2: {  	[smem:$0x3F9A] =	sst lr;
	_ =	strace $0xD0000000  }
0x3: {  	_ = 	snop  }
0x4: {  	_ = 	snop  }
0x5: {  	_ = 	snop  }
0x6: {  	_ = 	snop  }
0x7: {  	_ = 	snop  }
__scs_overlays_trampoline_lowered:
0x8: {  	[smem:$0x3FA9] =	sst s0  }
0x9: {  	[smem:$0x3FAA] =	sst s1  }
0xa: {  	[smem:$0x3FAB] =	sst s2  }
0xb: {  	[smem:$0x3FAC] =	sst s3  }
0xc: {  	[smem:$0x3FAD] =	sst s4  }
0xd: {  	[smem:$0x3FAE] =	sst s5  }
0xe: {  	[smem:$0x3FAF] =	sst s6  }
0xf: {  	[smem:$0x3FB0] =	sst s7  }
0x10: {  	[smem:$0x3FB1] =	sst s8  }
0x11: {  	[smem:$0x3FB2] =	sst s9;
	s0 =	simm.s32 @!p0 $0x0  }
0x12: {  	s1 =	sld [smem:$0x3F98];
	s0 =	simm.s32 @p0 $0x1  }
0x13: {  	[smem:$0x3FB3] =	sst s0;
	s0 =	simm.s32 @!p1 $0x0  }
0x14: {  	s2 =	sld [smem:$0x3F97];
	s0 =	simm.s32 @p1 $0x1  }
0x15: {  	[smem:$0x3FB4] =	sst s0;
	s0 =	simm.s32 @!p2 $0x0  }
0x16: {  	s3 =	sld [smem:$0x3FDB];
	s0 =	simm.s32 @p2 $0x1  }
0x17: {  	s4 =	simm.s32 $0x1BF5;
	[smem:$0x3FB6] =	sst s0  }
0x18: {  	s0 =	sld [smem:$0x3F99];
	_ =	swait.ge [sflag:s4], $0x0  }
0x19: {  	s7 =	sld [smem:$0x3F9A]  }
0x1a: {  	s8 =	sadd.s32 $0xFFFFE003, lr  }
0x1b: {  	s9 =	sadd.s32 $0xFFFFFEF7, lr;
	s5 =	simm.s32 $0xFFFFFFFF;
	p2 =	slt.u32 s8, $0xFFFFF086  }
0x1c: {  	p1 =	slt.u32 s9, $0xF7A;
	s5 =	simm.s32 @!p2 $0x0  }
0x1d: {  	s5 =	simm.s32 @p1 $0x1;
	p0 =	seq.s32 s7, s2  }
0x1e: {  	s7 =	smul.u32 @!p0 $0xF7A, s2;
	p2 =	seq.s32 @!p0 s5, $0x0  }
0x1f: {  	s9 =	smul.u32 $0xF7A, s1;
	s8 =	simm.s32 @!p0 $0x1BF5;
	p2 =	por !p2, p0  }
0x20: {  	[sflag:s8] =	ssyncset.s32 @!p0 $0xFFFFF086;
	s6 =	sadd.s32 @!p0 s3, s7;
	s7 =	simm.s32 @!p0 $0x108  }
0x21: {  	s3 =	sadd.s32 s3, s9;
	s6 =	sadd.s32 @!p0 $0x88, s6;
	s7 =	simm.s32 @p2 $0x1082  }
0x22: {  	[simem:s7], [sflag:s8] =	dma.local @!p0 [hbm:s6], $0xF7A  }
0x23: {  	s9 =	sor.u32 $0xD0000000, s2;
	s6 =	simm.s32 $0x108;
	_ =	swait.ge @!p0 [sflag:s8], $0x0  }
0x24: {  	s3 =	sadd.s32 $0x88, s3;
	s6 =	simm.s32 @!p1 $0x1082;
	[sflag:s4] =	ssyncset.s32 $0xFFFFF086  }
0x25: {  	[simem:s6], [sflag:s4] =	dma.local [hbm:s3], $0xF7A  }
0x26: {  	[smem:$0x3F9A] =	sst s1;
	(tag) =	ssettag s2;
	_ =	strace s9  }
0x27: {  	s1 =	sld [smem:$0x3FAA]  }
0x28: {  	s2 =	sld [smem:$0x3FAB]  }
0x29: {  	s4 =	sld [smem:$0x3FAD]  }
0x2a: {  	p0 =	seq.s32 s5, $0x0;
	s5 =	sld [smem:$0x3FAE]  }
0x2b: {  	s6 =	sld [smem:$0x3FAF]  }
0x2c: {  	s7 =	sld [smem:$0x3FB0]  }
0x2d: {  	s3 =	simm.s32 $0x108;
	s8 =	sld [smem:$0x3FB1]  }
0x2e: {  	s3 =	simm.s32 @!p0 $0x1082;
	s9 =	sld [smem:$0x3FB2]  }
0x2f: {  	lr =	sadd.s32 s0, s3;
	s0 =	sld [smem:$0x3FA9]  }
0x30: {  	s3 =	sld [smem:$0x3FAC]  }
0x31: {  	[smem:$0x3FB5] =	sst s10  }
0x32: {  	s10 =	sld [smem:$0x3FB3];
	_ =	sdelay $0x3  }
0x33: {  	p0 =	seq.s32 s10, $0x1;
	s10 =	sld [smem:$0x3FB5];
	_ =	sdelay $0x3  }
0x34: {  	[smem:$0x3FB5] =	sst s10  }
0x35: {  	s10 =	sld [smem:$0x3FB4];
	_ =	sdelay $0x3  }
0x36: {  	p1 =	seq.s32 s10, $0x1;
	s10 =	sld [smem:$0x3FB5];
	_ =	sdelay $0x3  }
0x37: {  	[smem:$0x3FB5] =	sst s10  }
0x38: {  	s10 =	sld [smem:$0x3FB6]  }
0x39: {  	_ = 	snop;
	(pc) =	sbr.ind lr, $3  }
0x3a: {  	_ = 	snop  }
0x3b: {  	_ = 	snop  }
0x3c: {  	p2 =	seq.s32 s10, $0x1;
	s10 =	sld [smem:$0x3FB5]  }
0x3d: {  	_ =	shalt  }
0x3e: {  	_ =	shalt  }
0x3f: {  	_ =	shalt  }
0x40: {  	_ =	shalt  }
0x41: {  	_ =	shalt  }
0x42: {  	_ =	shalt  }
0x43: {  	_ =	shalt  }
0x44: {  	_ =	shalt  }
0x45: {  	_ =	shalt  }
0x46: {  	_ =	shalt  }
0x47: {  	_ =	shalt  }
0x48: {  	_ =	shalt  }
0x49: {  	_ =	shalt  }
0x4a: {  	_ =	shalt  }
0x4b: {  	_ =	shalt  }
0x4c: {  	_ =	shalt  }
0x4d: {  	_ =	shalt  }
0x4e: {  	_ =	shalt  }
0x4f: {  	_ =	shalt  }
0x50: {  	_ =	shalt  }
0x51: {  	_ =	shalt  }
0x52: {  	_ =	shalt  }
0x53: {  	_ =	shalt  }
0x54: {  	_ =	shalt  }
0x55: {  	_ =	shalt  }
0x56: {  	_ =	shalt  }
0x57: {  	_ =	shalt  }
0x58: {  	_ =	shalt  }
0x59: {  	_ =	shalt  }
0x5a: {  	_ =	shalt  }
0x5b: {  	_ =	shalt  }
0x5c: {  	_ =	shalt  }
0x5d: {  	_ =	shalt  }
0x5e: {  	_ =	shalt  }
0x5f: {  	_ =	shalt  }
0x60: {  	_ =	shalt  }
0x61: {  	_ =	shalt  }
0x62: {  	_ =	shalt  }
0x63: {  	_ =	shalt  }
0x64: {  	_ =	shalt  }
0x65: {  	_ =	shalt  }
0x66: {  	_ =	shalt  }
0x67: {  	_ =	shalt  }
0x68: {  	_ =	shalt  }
0x69: {  	_ =	shalt  }
0x6a: {  	_ =	shalt  }
0x6b: {  	_ =	shalt  }
0x6c: {  	_ =	shalt  }
0x6d: {  	_ =	shalt  }
0x6e: {  	_ =	shalt  }
0x6f: {  	_ =	shalt  }
0x70: {  	_ =	shalt  }
0x71: {  	_ =	shalt  }
0x72: {  	_ =	shalt  }
0x73: {  	_ =	shalt  }
0x74: {  	_ =	shalt  }
0x75: {  	_ =	shalt  }
0x76: {  	_ =	shalt  }
0x77: {  	_ =	shalt  }
0x78: {  	_ =	shalt  }
0x79: {  	_ =	shalt  }
0x7a: {  	_ =	shalt  }
0x7b: {  	_ =	shalt  }
0x7c: {  	_ =	shalt  }
0x7d: {  	_ =	shalt  }
0x7e: {  	_ =	shalt  }
0x7f: {  	_ =	shalt  }
0x80: {  	_ =	shalt  }
0x81: {  	_ =	shalt  }
0x82: {  	_ =	shalt  }
0x83: {  	_ =	shalt  }
0x84: {  	_ =	shalt  }
0x85: {  	_ =	shalt  }
0x86: {  	_ =	shalt  }
0x87: {  	_ =	shalt  }
.Lfunc_end0:
.L_simem_size_0:
called_computation_lowered:
.L_overlay_start_0:
0x88: {  	s2 =	sld [smem:$0x3FD9]  }
0x89: {  	s3 =	sld [smem:$0x3FFE];
	_ =	sdelay $0x1  }
0x8a: {  	s1 =	srdreg.scid  }
0x8b: {  	s0 =	sand.u32 $0x1, s1  }
0x8c: {  	s17 =	sshll.u32 s0, $0xA;
	s2 =	sadd.s32 s3, s2  }
0x8d: {  	s2 =	sadd.s32 s2, s17  }
0x8e: {  	[smem:$0x3FC1] =	sst s2  }
0x8f: {  	_ = 	snop  }
0x90: {  	s2 =	sld [smem:$0x3FC8]  }
0x91: {  	s18 =	sld [smem:$0x3FC6]  }
0x92: {  	s4 =	sld [smem:$0x3FD0];
	(tm) =	ssettm $0x1  }
0x93: {  	s5 =	sld [smem:$0x3FFB];
	_ =	sdelay $0x3  }
0x94: {  	_ =	strace s5  }
0x95: {  	s5 =	sld [smem:$0x3FFC];
	_ =	sdelay $0x3  }
0x96: {  	_ =	strace s5  }
0x97: {  	s5 =	sld [smem:$0x3FFD];
	_ =	sdelay $0x3  }
0x98: {  	_ =	strace s5  }
0x99: {  	_ =	strace $0x8FFFFFFF  }
0x9a: {  	s19 =	sld [smem:$0x3FDB];
	_ =	sdelay $0x1  }
0x9b: {  	s6 =	simm.s32 $_scs_section_size  }
0x9c: {  	s7 =	simm.s32 $_size__tile_overlayer_lowered;
	s8 =	simm.s32 $_tile_overlayer_lowered  }
0x9d: {  	s22 =	simm.s32 $0x1BFF;
	s21 =	sshll.u32 s8, $0x1;
	s5 =	sadd.s32 s6, s19  }
0x9e: {  	s9 =	simm.s32 $0x0;
	s20 =	sshll.u32 s7, $0x1;
	s7 =	sadd.s32 s21, s5  }
0x9f: {  	[timem:s9], [sflag:s22] =	dma.local [hbm:s7], s20  }
0xa0: {  	_ =	swait.ge [sflag:s22], s20  }
0xa1: {  	s6 =	ssub.s32 $0x0, s20;
	[sflag:s22] =	ssyncset.done $0x0  }
0xa2: {  	[sflag:s22] =	ssyncadd.s32 s6;
	_ =	sdelay $0x1  }
0xa3: {  	s23 =	simm.s32 $0x1B8B  }
0xa4: {  	_ =	swait.ge [sflag:s23], $0x1  }
0xa5: {  	[sflag:s23] =	ssyncset.done $0x0  }
0xa6: {  	s25 =	simm.s32 $0x1B8E;
	s24 =	sld [smem:$0x3FFE];
	[sflag:s23] =	ssyncadd.s32 $0xFFFFFFFF  }
0xa7: {  	s26 =	simm.s32 $execute0_lowered;
	[smem:$0x3FD2] =	sst s25  }
0xa8: {  	s7 =	sshll.u32 s26, $0x1;
	_ =	strace $0x80000046;
	[dreg:$0x1] =	wrdreg $0xFFFFFFFF  }
0xa9: {  	s28 =	simm.s32 $_size_execute0_lowered;
	s5 =	sadd.s32 s5, s7;
	[dreg:$0x0] =	wrdreg $0x0  }
0xaa: {  	s7 =	sshll.u32 s28, $0x1;
	[dreg:$0x2] =	wrdreg s5  }
0xab: {  	[dreg:$0x3] =	wrdreg s7  }
0xac: {  	[dreg:$0x4] =	wrdreg $0xC0  }
0xad: {  	_ =	task [dreg:s9], $0x5FFFF  }
0xae: {  	[dreg:$0x1] =	wrdreg $0xFFFFFFFF  }
0xaf: {  	[dreg:$0x0] =	wrdreg $0x60  }
0xb0: {  	[dreg:$0x2] =	wrdreg s24  }
0xb1: {  	[dreg:$0x3] =	wrdreg s2  }
0xb2: {  	[dreg:$0x4] =	wrdreg s18  }
0xb3: {  	[dreg:$0x5] =	wrdreg s4  }
0xb4: {  	[dreg:$0x6] =	wrdreg $0x9  }
0xb5: {  	_ =	task.clear_ibuf [dreg:s9], $0x7FFFF;
	_ =	strace $0x90000046  }
0xb6: {  	s29 =	simm.s32 $0x9;
	_ =	strace $0x80000048  }
0xb7: {  	_ =	swait.ge [sflag:s29], $0x1  }
0xb8: {  	[sflag:s29] =	ssyncadd.s32 $0xFFFFFFFF  }
0xb9: {  	_ =	strace $0x90000048  }
0xba: {  	_ =	sfence  }
0xbb: {  	s30 =	sld [smem:$0x0];
	_ =	sdelay $0x2  }
0xbc: {  	s31 =	sshll.u32 s1, $0xD;
	s1 =	sshrl.u32 s1, $0x2  }
0xbd: {  	s3 =	sand.u32 $0x4000, s31;
	s1 =	sadd.s32 s1, s30  }
0xbe: {  	s0 =	sor.u32 s3, s0;
	s1 =	sshll.u32 s1, $0x11  }
0xbf: {  	s0 =	sor.u32 s1, s0  }
0xc0: {  	s0 =	sadd.s32 $0x8F2B, s0  }
0xc1: {  	[sflag:s0] =	ssyncadd.remote.s32 $0x1  }
0xc2: {  	_ =	sfence.sel $0xFFFF  }
0xc3: {  	[dreg:$0x0] =	wrdreg $0xFFFFFFFF;
	(pc) =	sbr.abs _section_cstart, $3  }
0xc4: {  	[dreg:$0x1] =	wrdreg $0xFFFFFFFF  }
0xc5: {  	_ =	task.clear_ibuf [dreg:s9], $0x2FFFF;
	_ =	strace $0x9FFFFFFF  }
0xc6: {  	(tm) =	ssettm $0x7FFFFFFF  }
0xc7: {  	_ =	shalt  }
tec
execute0_lowered:
.L_overlay_start_1:
0x0: {  	(tag) =	ssettag $0x1  }
0x1: {  	s2 =	rddreg [dreg:$0x0]  }
0x2: {  	s1 =	rddreg [dreg:$0x1];
	s4 =	srdreg.scid  }
0x3: {  	s10 =	rddreg [dreg:$0x2];
	v4 =	vlaneseq.u32;
	s6 =	sand.u32 $0x1, s4;
	s4 =	simm.s32 $0x0  }
0x4: {  	v0 =	vor.u32 $0xD040, v4;
	[smem:$0x7FF] =	sst s4  }
0x5: {  	s3 =	rddreg [dreg:$0x3];
	v20 =	vor.u32 $0xD000, v4;
	_ =	strace $0x80000047;
	[tilespmem:$0x1FF00] =	vst v0  }
0x6: {  	v1 =	vor.u32 $0xD010, v4;
	[tilespmem:$0x1FFC0] =	vst v20  }
0x7: {  	v2 =	vor.u32 $0xD020, v4;
	[tilespmem:$0x1FFD0] =	vst v1  }
0x8: {  	v3 =	vor.u32 $0xD030, v4;
	[tilespmem:$0x1FFE0] =	vst v2  }
0x9: {  	s0 =	stileid.u32;
	s16 =	simm.s32 $0x3;
	s19 =	simm.s32 $0x400;
	v0 =	vor.u32 $0xD050, v4;
	[tilespmem:$0x1FFF0] =	vst v3  }
0xa: {  	s20 =	simm.s32 $0x1000;
	s21 =	simm.s32 $0x18000;
	s22 =	simm.s32 $0x1C000;
	[tilespmem:$0x1FF10] =	vst v0;
	v0 =	vor.u32 $0xD060, v4  }
0xb: {  	s23 =	simm.s32 $0x1A000;
	s24 =	simm.s32 $0x1C080;
	s25 =	simm.s32 $0x1;
	[tilespmem:$0x1FF20] =	vst v0;
	v0 =	vor.u32 $0xD070, v4  }
0xc: {  	s26 =	simm.s32 $0x2;
	s28 =	simm.s32 $0x0;
	s5 =	sshll.u32 s0, $0x1;
	[tilespmem:$0x1FF30] =	vst v0;
	v0 =	vor.u32 $0xC000, v4  }
0xd: {  	s13 =	sshrl.u32 s0, $0x1;
	s5 =	sand.u32 $0x2, s5;
	s9 =	ssub.s32 $0x2, s6;
	[tilespmem:$0x1FF40] =	vst v0;
	v0 =	vor.u32 $0xC010, v4  }
0xe: {  	v5 =	vor.u32 $0x1000, v4;
	v6 =	vor.u32 $0x1010, v4;
	s14 =	sshll.u32 s13, $0x14;
	s31 =	sshll.u32 s13, $0x8;
	s7 =	sor.u32 s6, s5;
	[tilespmem:$0x1FF50] =	vst v0;
	v0 =	vor.u32 $0xC020, v4  }
0xf: {  	v7 =	vor.u32 $0x1020, v4;
	v8 =	vor.u32 $0x1030, v4;
	s5 =	sadd.s32 $0x1000, s2;
	s12 =	sshrl.u32 s9, $0x1;
	s8 =	smul.u32 $0x3000, s7;
	[tilespmem:$0x1FF60] =	vst v0;
	v0 =	vor.u32 $0xC030, v4  }
0x10: {  	v16 =	vor.u32 $0x1040, v4;
	v17 =	vor.u32 $0x1050, v4;
	s11 =	sshll.u32 s7, $0x4;
	s6 =	sshll.u32 s7, $0xA;
	s15 =	ssub.s32 s9, s12;
	[tilespmem:$0x1FF70] =	vst v0;
	v0 =	vor.u32 $0xC040, v4  }
0x11: {  	v18 =	vor.u32 $0x1060, v4;
	v19 =	vor.u32 $0x1070, v4;
	s10 =	sadd.s32 s10, s11;
	s15 =	smax.u32 s15, $0x1;
	s8 =	sadd.s32 s8, s2;
	[tilespmem:$0x1FF80] =	vst v0;
	v0 =	vor.u32 $0xC050, v4  }
0x12: {  	v9 =	vor.u32 $0x10, v4;
	v10 =	vor.u32 $0x20, v4;
	s2 =	sadd.s32 s11, s2;
	s7 =	sadd.s32 $0x101000, s8;
	s8 =	sor.u32 s14, s6;
	[tilespmem:$0x1FF90] =	vst v0;
	v0 =	vor.u32 $0xC060, v4  }
0x13: {  	v11 =	vor.u32 $0x30, v4;
	v12 =	vor.u32 $0x40, v4;
	s11 =	sshll.u32 s13, $0xB;
	s13 =	sadd.s32 s1, s31;
	s30 =	sshrl.u32 s8, $0x3;
	[tilespmem:$0x1FFA0] =	vst v0;
	v0 =	vor.u32 $0xC070, v4  }
0x14: {  	v13 =	vor.u32 $0x50, v4;
	v14 =	vor.u32 $0x60, v4;
	v15 =	vor.u32 $0x70, v4;
	s9 =	sadd.s32 $0x10D000, s2;
	s14 =	sor.u32 $0x80, s11;
	s12 =	sadd.s32 s5, s30;
	[tilespmem:$0x1FFB0] =	vst v0  }
.LBB2_1:
0x15: {  	[tilespmem:s4], [sflag:$0x3] =	stream.linear.gather [hbm4b:s7+s4], $0x18000, $0x38;
	[tilespmem:$0x1C200] =	vst v63  }
0x16: {  	_ =	swait.ge [sflag:s16], $0x18000  }
0x17: {  	[sflag:s16] =	ssyncset.done $0x0  }
0x18: {  	s0 =	simm.s32 $0x1C100;
	[sflag:s16] =	ssyncadd.s32 $0xFFFE8000  }
0x19: {  	[tilespmem:s0], [sflag:$0x3] =	stream.linear.gather [hbm4b:s9+s4], $0x80, $0x38;
	[tilespmem:$0x1C200] =	vst v63  }
0x1a: {  	_ =	swait.ge [sflag:s16], $0x80  }
0x1b: {  	[sflag:s16] =	ssyncset.done $0x0  }
0x1c: {  	s31 =	simm.s32 $0x1C180;
	[sflag:s16] =	ssyncadd.s32 $0xFFFFFF80  }
0x1d: {  	[tilespmem:s31], [sflag:$0x3] =	stream.linear.gather [hbm4b:s10+s4], $0x80, $0x38;
	[tilespmem:$0x1C200] =	vst v63  }
0x1e: {  	_ =	swait.ge [sflag:s16], $0x80  }
0x1f: {  	[sflag:s16] =	ssyncset.done $0x0  }
0x20: {  	[sflag:s16] =	ssyncadd.s32 $0xFFFFFF80  }
0x21: {  	v30 =	vld [tilespmem:$0x1C100]  }
0x22: {  	v31 =	vld [tilespmem:$0x1C110]  }
0x23: {  	v32 =	vld [tilespmem:$0x1C120]  }
0x24: {  	v29 =	vld [tilespmem:$0x1C130]  }
0x25: {  	v33 =	vld [tilespmem:$0x1C140]  }
0x26: {  	v34 =	vld [tilespmem:$0x1C150]  }
0x27: {  	v35 =	vld [tilespmem:$0x1C160]  }
0x28: {  	v27 =	vld [tilespmem:$0x1C170]  }
0x29: {  	v36 =	vld [tilespmem:$0x1C180]  }
0x2a: {  	v37 =	vld [tilespmem:$0x1C190]  }
0x2b: {  	v38 =	vld [tilespmem:$0x1C1A0]  }
0x2c: {  	v39 =	vld [tilespmem:$0x1C1B0]  }
0x2d: {  	v40 =	vld [tilespmem:$0x1C1C0]  }
0x2e: {  	v28 =	vld [tilespmem:$0x1C1D0]  }
0x2f: {  	v41 =	vld [tilespmem:$0x1C1E0]  }
0x30: {  	v24 =	vld [tilespmem:$0x1C1F0];
	[tilespmem:s21], [sflag:$0x1] =	stream.strided.gather [hbm4b:s12+s19], $0x2000, s20, s19, $0x38  }
0x31: {  	_ = 	snop  }
0x32: {  	[tilespmem:s22], [sflag:$0x1] =	stream.linear.gather [hbm4b:s13+s4], $0x40, $0x38;
	[tilespmem:$0x1C200] =	vst v63  }
0x33: {  	[tilespmem:$0x1FE30] =	vst v29  }
0x34: {  	[tilespmem:$0x1FE40] =	vst v30  }
0x35: {  	[tilespmem:$0x1FE50] =	vst v31  }
0x36: {  	[tilespmem:$0x1FE60] =	vst v32  }
0x37: {  	[tilespmem:$0x1FE70] =	vst v27  }
0x38: {  	[tilespmem:$0x1FE80] =	vst v33  }
0x39: {  	[tilespmem:$0x1FE90] =	vst v34  }
0x3a: {  	[tilespmem:$0x1FEA0] =	vst v35  }
0x3b: {  	[tilespmem:$0x1FEB0] =	vst v36  }
0x3c: {  	[tilespmem:$0x1FEC0] =	vst v37  }
0x3d: {  	[tilespmem:$0x1FED0] =	vst v28  }
0x3e: {  	[tilespmem:$0x1FEE0] =	vst v38  }
0x3f: {  	s29 =	simm.s32 $0x0;
	[tilespmem:$0x1FEF0] =	vst v39  }
.LBB2_2:
0x40: {  	s30 =	sshllo.u32 s29, $0x1  }
0x41: {  	s2 =	sshll.u32 s30, $0x6  }
0x42: {  	s2 =	sadd.s32 s11, s2  }
0x43: {  	s31 =	sshll.u32 s2, $0x9  }
0x44: {  	s31 =	sor.u32 s6, s31  }
0x45: {  	s31 =	sshrl.u32 s31, $0x3  }
0x46: {  	s2 =	sshrl.u32 s2, $0x3;
	s31 =	sadd.s32 s5, s31  }
0x47: {  	[tilespmem:s23], [sflag:$0x2] =	stream.strided.gather [hbm4b:s31+s19], $0x2000, s20, s19, $0x38;
	[tilespmem:$0x1C200] =	vst v63  }
0x48: {  	s2 =	sadd.s32 s1, s2;
	s31 =	simm.s32 $0x0  }
0x49: {  	[tilespmem:s24], [sflag:$0x2] =	stream.linear.gather [hbm4b:s2+s31], $0x40, $0x38;
	[tilespmem:$0x1C200] =	vst v63  }
0x4a: {  	_ =	swait.ge [sflag:s25], $0x2000  }
0x4b: {  	[sflag:s25] =	ssyncset.done $0x0  }
0x4c: {  	[sflag:s25] =	ssyncadd.s32 $0xFFFFE000  }
0x4d: {  	_ =	swait.ge [sflag:s25], $0x40  }
0x4e: {  	[sflag:s25] =	ssyncset.done $0x0  }
0x4f: {  	v20 =	vmov v3;
	s2 =	simm.s32 $0x18040;
	[sflag:s25] =	ssyncadd.s32 $0xFFFFFFC0  }
.LBB2_3:
0x50: {  	v50 =	vld [tilespmem:s2+$0xFFFFFFC0];
	_ =	sdelay $0x1  }
0x51: {  	v23 =	vmov v24;
	v24 =	vld.idx.msk [tilespmem:v5+s4+$0x0], $0xffff;
	_ =	sdelay $0x2  }
0x52: {  	v48 =	vmax.f32 v50, $-1.000000000e+01  }
0x53: {  	v56 =	vld [tilespmem:s2+$0xFFFFFFD0];
	v63 =	vmin.f32 v48, $1.000000000e+01  }
0x54: {  	vm0 =	vge.f32 v63, v24  }
0x55: {  	v49 =	vld.idx.msk [tilespmem:v6+s4+$0x0], $0xffff;
	v24 =	vsel vm0, v5, v4  }
0x56: {  	v48 =	vld [tilespmem:s2+$0xFFFFFFE0];
	v53 =	vor.u32 $0x800, v24;
	_ =	sdelay $0x1  }
0x57: {  	v52 =	vld.idx.msk [tilespmem:v7+s4+$0x0], $0xffff;
	v51 =	vmax.f32 v56, $-1.000000000e+01  }
0x58: {  	v62 =	vmin.f32 v51, $1.000000000e+01  }
0x59: {  	vm15 =	vge.f32 v62, v49  }
0x5a: {  	v57 =	vsel vm15, v6, v9;
	v45 =	vmax.f32 v48, $-1.000000000e+01;
	v54 =	vld.idx.msk [tilespmem:v53+s4+$0x0], $0xffff  }
0x5b: {  	v59 =	vor.u32 $0x800, v57;
	v61 =	vmin.f32 v45, $1.000000000e+01  }
0x5c: {  	v49 =	vld [tilespmem:s2+$0xFFFFFFF0];
	vm4 =	vge.f32 v61, v52  }
0x5d: {  	v58 =	vld.idx.msk [tilespmem:v8+s4+$0x0], $0xffff;
	v25 =	vsel vm4, v7, v10  }
0x5e: {  	v27 =	vld.idx.msk [tilespmem:v16+s4+$0x0], $0xffff;
	v26 =	vor.u32 $0x800, v25  }
0x5f: {  	v51 =	vld [tilespmem:s2+$0x0];
	vm5 =	vge.f32 v63, v54  }
0x60: {  	v29 =	vld.idx.msk [tilespmem:v59+s4+$0x0], $0xffff;
	v24 =	vsel vm5, v53, v24  }
0x61: {  	v46 =	vmax.f32 v49, $-1.000000000e+01;
	v52 =	vld [tilespmem:s2+$0x10];
	v28 =	vor.u32 $0x400, v24  }
0x62: {  	v60 =	vmin.f32 v46, $1.000000000e+01;
	v47 =	vand.u32 $0x1C00, v28  }
0x63: {  	vm6 =	vge.f32 v60, v58;
	v33 =	vld.idx.msk [tilespmem:v26+s4+$0x0], $0xffff;
	v31 =	vor.u32 v4, v47  }
0x64: {  	v30 =	vld.idx.msk [tilespmem:v17+s4+$0x0], $0xffff;
	v0 =	vmax.f32 v51, $-1.000000000e+01;
	v32 =	vsel vm6, v8, v11  }
0x65: {  	v55 =	vld [tilespmem:s2+$0x20];
	v34 =	vor.u32 $0x800, v32;
	vm1 =	vge.f32 v62, v29;
	v53 =	vmin.f32 v0, $1.000000000e+01  }
0x66: {  	v35 =	vld.idx.msk [tilespmem:v18+s4+$0x0], $0xffff;
	v1 =	vmax.f32 v52, $-1.000000000e+01;
	v29 =	vsel vm1, v59, v57;
	vm7 =	vge.f32 v53, v27  }
0x67: {  	v54 =	vld [tilespmem:s2+$0x30];
	v58 =	vmin.f32 v1, $1.000000000e+01;
	v37 =	vor.u32 $0x400, v29;
	v27 =	vsel vm7, v16, v12  }
0x68: {  	v44 =	vand.u32 $0x1C00, v37;
	v36 =	vor.u32 $0x800, v27;
	vm9 =	vge.f32 v61, v33;
	v2 =	vld.idx.msk [tilespmem:v31+s4+$0x0], $0xffff  }
0x69: {  	vm8 =	vge.f32 v58, v30;
	v25 =	vsel vm9, v26, v25;
	v26 =	vor.u32 v9, v44  }
0x6a: {  	v38 =	vld.idx.msk [tilespmem:v19+s4+$0x0], $0xffff;
	v45 =	vmax.f32 v55, $-1.000000000e+01;
	v31 =	vsel vm8, v17, v13  }
0x6b: {  	v21 =	vmovc v41;
	v59 =	vmin.f32 v45, $1.000000000e+01;
	v46 =	vld.idx.msk [tilespmem:v34+s4+$0x0], $0xffff;
	v41 =	vor.u32 $0x400, v25;
	v39 =	vor.u32 $0x800, v31  }
0x6c: {  	vm10 =	vge.f32 v59, v35;
	v57 =	vand.u32 $0x1C00, v41  }
0x6d: {  	v47 =	vmax.f32 v54, $-1.000000000e+01;
	v42 =	vld.idx.msk [tilespmem:v36+s4+$0x0], $0xffff;
	v35 =	vor.u32 v10, v57;
	vm11 =	vge.f32 v63, v2  }
0x6e: {  	v30 =	vsel vm10, v18, v14;
	v57 =	vmin.f32 v47, $1.000000000e+01;
	v26 =	vld.idx.msk [tilespmem:v26+s4+$0x0], $0xffff;
	v24 =	vsel vm11, v28, v24  }
0x6f: {  	vm12 =	vge.f32 v57, v38;
	v28 =	vor.u32 $0x800, v30;
	v43 =	vor.u32 $0x200, v24  }
0x70: {  	v22 =	vmovc v40;
	vm13 =	vge.f32 v60, v46;
	v40 =	vsel vm12, v19, v15;
	v0 =	vld.idx.msk [tilespmem:v39+s4+$0x0], $0xffff;
	v1 =	vand.u32 $0xFFFFFF8F, v43  }
0x71: {  	v32 =	vsel vm13, v34, v32;
	v34 =	vor.u32 $0x800, v40  }
0x72: {  	v44 =	vor.u32 $0x400, v32;
	v35 =	vld.idx.msk [tilespmem:v35+s4+$0x0], $0xffff  }
0x73: {  	vm14 =	vge.f32 v53, v42;
	v2 =	vand.u32 $0x1C00, v44;
	vm4 =	vge.f32 v62, v26  }
0x74: {  	v27 =	vsel vm14, v36, v27;
	v36 =	vor.u32 v11, v2;
	v29 =	vsel vm4, v37, v29;
	v45 =	vld.idx.msk [tilespmem:v28+s4+$0x0], $0xffff  }
0x75: {  	v33 =	vor.u32 $0x400, v27;
	v42 =	vor.u32 $0x200, v29;
	vm15 =	vge.f32 v58, v0;
	v26 =	vld.idx.msk [tilespmem:v1+s4+$0x0], $0xffff  }
0x76: {  	v0 =	vand.u32 $0x1C00, v33;
	v2 =	vand.u32 $0xFFFFFF9F, v42;
	v31 =	vsel vm15, v39, v31;
	v1 =	vld.idx.msk [tilespmem:v34+s4+$0x0], $0xffff  }
0x77: {  	vm5 =	vge.f32 v61, v35;
	v38 =	vor.u32 v12, v0;
	v39 =	vor.u32 $0x400, v31  }
0x78: {  	v25 =	vsel vm5, v41, v25;
	v46 =	vand.u32 $0x1C00, v39  }
0x79: {  	v41 =	vor.u32 $0x200, v25;
	v46 =	vor.u32 v13, v46;
	vm6 =	vge.f32 v59, v45  }
0x7a: {  	v36 =	vld.idx.msk [tilespmem:v36+s4+$0x0], $0xffff;
	v0 =	vand.u32 $0xFFFFFFAF, v41;
	vm7 =	vge.f32 v63, v26;
	v26 =	vsel vm6, v28, v30  }
0x7b: {  	v35 =	vld.idx.msk [tilespmem:v2+s4+$0x0], $0xffff;
	vm8 =	vge.f32 v57, v1;
	v24 =	vsel vm7, v43, v24;
	v30 =	vor.u32 $0x400, v26  }
0x7c: {  	v37 =	vld.idx.msk [tilespmem:v38+s4+$0x0], $0xffff;
	v34 =	vsel vm8, v34, v40;
	v38 =	vadd.s32 $0x100, v24;
	v1 =	vand.u32 $0x1C00, v30  }
0x7d: {  	v43 =	vor.u32 $0x400, v34;
	v40 =	vor.u32 v14, v1  }
0x7e: {  	v2 =	vld.idx.msk [tilespmem:v46+s4+$0x0], $0xffff;
	v47 =	vand.u32 $0x1C00, v43  }
0x7f: {  	vm9 =	vge.f32 v60, v36;
	v36 =	vor.u32 v15, v47  }
0x80: {  	v32 =	vsel vm9, v44, v32;
	v28 =	vld.idx.msk [tilespmem:v0+s4+$0x0], $0xffff  }
0x81: {  	v44 =	vor.u32 $0x200, v32;
	vm11 =	vge.f32 v62, v35;
	vm10 =	vge.f32 v53, v37;
	v47 =	vld.idx.msk [tilespmem:v38+s4+$0x0], $0xffff  }
0x82: {  	v0 =	vand.u32 $0xFFFFFFBF, v44;
	v29 =	vsel vm11, v42, v29;
	v27 =	vsel vm10, v33, v27;
	v1 =	vld.idx.msk [tilespmem:v40+s4+$0x0], $0xffff  }
0x83: {  	v37 =	vadd.s32 $0x100, v29;
	v33 =	vor.u32 $0x200, v27;
	vm12 =	vge.f32 v58, v2  }
0x84: {  	v2 =	vand.u32 $0xFFFFFFCF, v33;
	v31 =	vsel vm12, v39, v31;
	v36 =	vld.idx.msk [tilespmem:v36+s4+$0x0], $0xffff  }
0x85: {  	v39 =	vor.u32 $0x200, v31  }
0x86: {  	v46 =	vand.u32 $0xFFFFFFDF, v39;
	vm14 =	vge.f32 v63, v47  }
0x87: {  	vm13 =	vge.f32 v61, v28;
	v45 =	vld.idx.msk [tilespmem:v0+s4+$0x0], $0xffff;
	v24 =	vsel vm14, v38, v24;
	vm15 =	vge.f32 v59, v1  }
0x88: {  	v25 =	vsel vm13, v41, v25;
	v35 =	vadd.s32 $0x80, v24;
	v26 =	vsel vm15, v30, v26;
	v30 =	vld.idx.msk [tilespmem:v37+s4+$0x0], $0xffff  }
0x89: {  	v41 =	vadd.s32 $0x100, v25;
	v38 =	vld.idx.msk [tilespmem:v2+s4+$0x0], $0xffff;
	vm4 =	vge.f32 v57, v36;
	v36 =	vor.u32 $0x200, v26  }
0x8a: {  	v34 =	vsel vm4, v43, v34;
	v1 =	vand.u32 $0xFFFFFFEF, v36  }
0x8b: {  	v0 =	vld.idx.msk [tilespmem:v46+s4+$0x0], $0xffff;
	v28 =	vor.u32 $0x200, v34  }
0x8c: {  	vm5 =	vge.f32 v60, v45  }
0x8d: {  	v32 =	vsel vm5, v44, v32;
	v2 =	vld.idx.msk [tilespmem:v35+s4+$0x0], $0xffff;
	vm6 =	vge.f32 v62, v30  }
0x8e: {  	v44 =	vadd.s32 $0x100, v32;
	v43 =	vld.idx.msk [tilespmem:v41+s4+$0x0], $0xffff;
	vm7 =	vge.f32 v53, v38;
	v29 =	vsel vm6, v37, v29  }
0x8f: {  	v27 =	vsel vm7, v33, v27;
	v47 =	vld.idx.msk [tilespmem:v1+s4+$0x0], $0xffff;
	v33 =	vadd.s32 $0x80, v29  }
0x90: {  	vm8 =	vge.f32 v58, v0;
	v38 =	vadd.s32 $0x100, v27;
	v0 =	vld.idx.msk [tilespmem:v28+s4+$0x0], $0xffff  }
0x91: {  	v31 =	vsel vm8, v39, v31  }
0x92: {  	v39 =	vadd.s32 $0x100, v31;
	vm10 =	vge.f32 v63, v2  }
0x93: {  	vm9 =	vge.f32 v61, v43;
	v1 =	vld.idx.msk [tilespmem:v44+s4+$0x0], $0xffff;
	v35 =	vsel vm10, v35, v24  }
0x94: {  	v25 =	vsel vm9, v41, v25;
	v30 =	vld.idx.msk [tilespmem:v33+s4+$0x0], $0xffff  }
0x95: {  	v24 =	vadd.s32 $0x80, v25;
	vm11 =	vge.f32 v59, v47;
	vm12 =	vge.f32 v57, v0;
	v0 =	vld.idx.msk [tilespmem:v38+s4+$0x0], $0xffff  }
0x96: {  	v2 =	vadd.s32 $0x2000, v35;
	v26 =	vsel vm11, v36, v26  }
0x97: {  	v28 =	vsel vm12, v28, v34;
	v37 =	vld.idx.msk [tilespmem:v39+s4+$0x0], $0xffff;
	v34 =	vadd.s32 $0x100, v26  }
0x98: {  	vm13 =	vge.f32 v60, v1;
	v41 =	vadd.s32 $0x6000, v35;
	v1 =	vld.idx.msk [tilespmem:v35+s4+$0x0], $0xffff  }
0x99: {  	v32 =	vsel vm13, v44, v32;
	v40 =	vadd.s32 $0x100, v28  }
0x9a: {  	v43 =	vadd.s32 $0x80, v32;
	v44 =	vld.idx.msk [tilespmem:v24+s4+$0x0], $0xffff;
	vm14 =	vge.f32 v62, v30;
	vm15 =	vge.f32 v53, v0  }
0x9b: {  	v30 =	vld.idx.msk [tilespmem:v2+s4+$0x0], $0xffff;
	v29 =	vsel vm14, v33, v29;
	v27 =	vsel vm15, v38, v27  }
0x9c: {  	v33 =	vld.idx.msk [tilespmem:v34+s4+$0x0], $0xffff;
	v46 =	vadd.s32 $0x80, v27  }
0x9d: {  	vm4 =	vge.f32 v58, v37;
	v37 =	vld.idx.msk [tilespmem:v41+s4+$0x0], $0xffff;
	v0 =	vsub.f32 v63, v1;
	v1 =	vadd.s32 $0x2000, v29  }
0x9e: {  	v2 =	vadd.s32 $0xA000, v35;
	v45 =	vld.idx.msk [tilespmem:v40+s4+$0x0], $0xffff  }
0x9f: {  	v47 =	vld.idx.msk [tilespmem:v43+s4+$0x0], $0xffff;
	vm5 =	vge.f32 v61, v44  }
0xa0: {  	v31 =	vsel vm4, v39, v31;
	v25 =	vsel vm5, v24, v25;
	v38 =	vmul.f32 v30, v0;
	v24 =	vld.idx.msk [tilespmem:v29+s4+$0x0], $0xffff  }
0xa1: {  	v39 =	vadd.s32 $0x80, v31;
	vm6 =	vge.f32 v59, v33;
	v33 =	vld.idx.msk [tilespmem:v46+s4+$0x0], $0xffff  }
0xa2: {  	v44 =	vadd.s32 $0x8000, v35;
	v42 =	vadd.s32 $0x2000, v25;
	v38 =	vmax.f32 v38, $0.0e+00;
	v41 =	vld.idx.msk [tilespmem:v1+s4+$0x0], $0xffff  }
0xa3: {  	v63 =	vadd.s32 $0xA000, v29;
	v36 =	vld.idx.msk [tilespmem:v2+s4+$0x0], $0xffff;
	v30 =	vmul.f32 v37, v30;
	v38 =	vmin.f32 v38, $1.000000000e+00  }
0xa4: {  	vm7 =	vge.f32 v57, v45;
	vm8 =	vge.f32 v60, v47;
	v0 =	vsub.f32 $1.000000000e+00, v38  }
0xa5: {  	v26 =	vsel vm6, v34, v26;
	v34 =	vadd.s32 $0x6000, v29;
	v24 =	vsub.f32 v62, v24;
	v62 =	vld.idx.msk [tilespmem:v25+s4+$0x0], $0xffff  }
0xa6: {  	v28 =	vsel vm7, v40, v28;
	v40 =	vadd.s32 $0x80, v26;
	v1 =	vld.idx.msk [tilespmem:v39+s4+$0x0], $0xffff;
	v45 =	vmul.f32 v0, v38  }
0xa7: {  	v47 =	vadd.s32 $0x80, v28;
	v42 =	vld.idx.msk [tilespmem:v42+s4+$0x0], $0xffff;
	vm9 =	vge.f32 v53, v33;
	v2 =	vmul.f32 v41, v24  }
0xa8: {  	v36 =	vmul.f32 v45, v36;
	v24 =	vsel vm8, v43, v32;
	v32 =	vld.idx.msk [tilespmem:v44+s4+$0x0], $0xffff;
	v43 =	vadd.s32 $0x6000, v25  }
0xa9: {  	v44 =	vld.idx.msk [tilespmem:v63+s4+$0x0], $0xffff;
	v45 =	vadd.s32 $0xA000, v25;
	v63 =	vsel vm9, v46, v27;
	v2 =	vmax.f32 v2, $0.0e+00  }
0xaa: {  	v34 =	vld.idx.msk [tilespmem:v34+s4+$0x0], $0xffff;
	v33 =	vadd.f32 v36, v30;
	v61 =	vsub.f32 v61, v62;
	v36 =	vmin.f32 v2, $1.000000000e+00  }
0xab: {  	vm10 =	vge.f32 v58, v1;
	v1 =	vadd.s32 $0x8000, v29;
	v2 =	vld.idx.msk [tilespmem:v40+s4+$0x0], $0xffff;
	v27 =	vsub.f32 $1.000000000e+00, v36  }
0xac: {  	v35 =	vadd.s32 $0x4000, v35;
	v46 =	vld.idx.msk [tilespmem:v47+s4+$0x0], $0xffff;
	(erf) = vrcp.f32 v33;
	v33 =	vmul.f32 v42, v61  }
0xad: {  	v3 =	vadd.s32 $0x2000, v24;
	v0 =	vmul.f32 v0, v32;
	v32 =	vld.idx.msk [tilespmem:v43+s4+$0x0], $0xffff;
	v61 =	vmul.f32 v27, v36  }
0xae: {  	v37 =	vmul.f32 v38, v37;
	v62 =	vsel vm10, v39, v31;
	v31 =	vld.idx.msk [tilespmem:v24+s4+$0x0], $0xffff;
	v33 =	vmax.f32 v33, $0.0e+00  }
0xaf: {  	v30 =	vmul.f32 v38, v30;
	v33 =	vmin.f32 v33, $1.000000000e+00;
	v43 =	vmul.f32 v61, v44;
	v44 =	vld.idx.msk [tilespmem:v45+s4+$0x0], $0xffff  }
0xb0: {  	v41 =	vmul.f32 v34, v41;
	v1 =	vld.idx.msk [tilespmem:v1+s4+$0x0], $0xffff;
	vm11 =	vge.f32 v59, v2;
	v2 =	vsub.f32 $1.000000000e+00, v33  }
0xb1: {  	v29 =	vadd.s32 $0x4000, v29;
	v0 =	vadd.f32 v0, v30;
	v61 =	vsel vm11, v40, v26  }
0xb2: {  	v3 =	vld.idx.msk [tilespmem:v3+s4+$0x0], $0xffff;
	v26 =	vadd.s32 $0x8000, v25;
	v45 =	vadd.f32 v43, v41;
	v43 =	vmul.f32 v2, v33  }
0xb3: {  	v30 =	vadd.s32 $0x6000, v24;
	v0 =	vmul.f32 v0, v37;
	v39 =	vmul.f32 v32, v42  }
0xb4: {  	vm12 =	vge.f32 v57, v46;
	(erf) = vrcp.f32 v45;
	v38 =	vmul.f32 v43, v44  }
0xb5: {  	v31 =	vsub.f32 v60, v31;
	v1 =	vmul.f32 v27, v1;
	v44 =	vadd.s32 $0xA000, v24  }
0xb6: {  	v35 =	vld.idx.msk [tilespmem:v35+s4+$0x0], $0xffff;
	v60 =	vsel vm12, v47, v28;
	v47 =	vmul.f32 v36, v34;
	v45 =	vpop (erf);
	v38 =	vadd.f32 v38, v39  }
0xb7: {  	v46 =	vadd.s32 $0x2000, v63;
	v27 =	vmul.f32 v3, v31;
	v26 =	vld.idx.msk [tilespmem:v26+s4+$0x0], $0xffff;
	v0 =	vmul.f32 v45, v0  }
0xb8: {  	v25 =	vadd.s32 $0x4000, v25;
	v28 =	vld.idx.msk [tilespmem:v30+s4+$0x0], $0xffff;
	v45 =	vmul.f32 v36, v41;
	(erf) = vrcp.f32 v38  }
0xb9: {  	v42 =	vand.u32 $0x7FFFFFFF, v50;
	v32 =	vmul.f32 v33, v32;
	v43 =	vld.idx.msk [tilespmem:v63+s4+$0x0], $0xffff;
	v27 =	vmax.f32 v27, $0.0e+00  }
0xba: {  	vm13 =	vlt.f32 v42, $1.000000000e+01;
	v27 =	vmin.f32 v27, $1.000000000e+00;
	v1 =	vadd.f32 v1, v45;
	v41 =	vld.idx.msk [tilespmem:v44+s4+$0x0], $0xffff  }
0xbb: {  	v29 =	vld.idx.msk [tilespmem:v29+s4+$0x0], $0xffff;
	v30 =	vsub.f32 $1.000000000e+00, v27;
	v0 =	vadd.f32 v0, v35;
	v45 =	vmul.f32 v33, v39  }
0xbc: {  	v1 =	vmul.f32 v1, v47;
	v2 =	vmul.f32 v2, v26;
	v26 =	vadd.s32 $0x8000, v24  }
0xbd: {  	v31 =	vld.idx.msk [tilespmem:v46+s4+$0x0], $0xffff;
	v3 =	vmul.f32 v28, v3;
	v46 =	vmul.f32 v30, v27;
	v47 =	vadd.s32 $0x6000, v63;
	v44 =	vpop (erf)  }
0xbe: {  	v42 =	vsub.f32 v53, v43;
	v2 =	vadd.f32 v2, v45;
	v1 =	vmul.f32 v44, v1  }
0xbf: {  	v25 =	vld.idx.msk [tilespmem:v25+s4+$0x0], $0xffff;
	v43 =	vand.u32 $0x7FFFFFFF, v56;
	v40 =	vmul.f32 v46, v41;
	v41 =	vadd.s32 $0xA000, v63  }
0xc0: {  	v2 =	vmul.f32 v2, v32;
	v1 =	vadd.f32 v1, v29;
	v29 =	vadd.s32 $0x2000, v62  }
0xc1: {  	v53 =	vsel vm13, v0, v50;
	vm14 =	vlt.f32 v43, $1.000000000e+01;
	v26 =	vld.idx.msk [tilespmem:v26+s4+$0x0], $0xffff;
	v44 =	vpop (erf)  }
0xc2: {  	v35 =	vmul.f32 v31, v42;
	v33 =	vadd.f32 v40, v3;
	v45 =	vmul.f32 v44, v2;
	v2 =	vld.idx.msk [tilespmem:v47+s4+$0x0], $0xffff  }
0xc3: {  	v43 =	vadd.s32 $0x6000, v62;
	v50 =	vsel vm14, v1, v56;
	v56 =	vadd.s32 $0x2000, v61;
	v47 =	vld.idx.msk [tilespmem:v62+s4+$0x0], $0xffff  }
0xc4: {  	v46 =	vmax.f32 v35, $0.0e+00;
	(erf) = vrcp.f32 v33;
	v0 =	vadd.f32 v45, v25;
	v25 =	vld.idx.msk [tilespmem:v41+s4+$0x0], $0xffff  }
0xc5: {  	v3 =	vmul.f32 v27, v3;
	v1 =	vmin.f32 v46, $1.000000000e+00;
	v46 =	vadd.s32 $0x2000, v60;
	v29 =	vld.idx.msk [tilespmem:v29+s4+$0x0], $0xffff  }
0xc6: {  	v42 =	vsub.f32 $1.000000000e+00, v1;
	v41 =	vadd.s32 $0x8000, v63;
	v26 =	vmul.f32 v30, v26;
	v45 =	vld.idx.msk [tilespmem:v61+s4+$0x0], $0xffff  }
0xc7: {  	v35 =	vadd.s32 $0x4000, v63;
	v40 =	vand.u32 $0x7FFFFFFF, v48;
	v27 =	vmul.f32 v27, v28  }
0xc8: {  	vm15 =	vlt.f32 v40, $1.000000000e+01;
	v44 =	vmul.f32 v42, v1;
	v3 =	vadd.f32 v26, v3;
	v28 =	vld.idx.msk [tilespmem:v56+s4+$0x0], $0xffff  }
0xc9: {  	v26 =	vadd.s32 $0xA000, v62;
	v48 =	vsel vm15, v0, v48;
	v32 =	vsub.f32 v58, v47  }
0xca: {  	v0 =	vadd.s32 $0x4000, v24;
	v33 =	vld.idx.msk [tilespmem:v46+s4+$0x0], $0xffff;
	v31 =	vmul.f32 v2, v31;
	v47 =	vadd.s32 $0x6000, v61  }
0xcb: {  	v25 =	vmul.f32 v44, v25;
	v24 =	vld.idx.msk [tilespmem:v41+s4+$0x0], $0xffff;
	v32 =	vmul.f32 v29, v32;
	v34 =	vsub.f32 v59, v45  }
0xcc: {  	v58 =	vadd.s32 $0xA000, v61;
	v3 =	vmul.f32 v3, v27;
	v44 =	vld.idx.msk [tilespmem:v60+s4+$0x0], $0xffff;
	v45 =	vadd.s32 $0x8000, v62  }
0xcd: {  	v27 =	vld.idx.msk [tilespmem:v43+s4+$0x0], $0xffff;
	v25 =	vadd.f32 v25, v31;
	v56 =	vpop (erf);
	v32 =	vmax.f32 v32, $0.0e+00;
	v34 =	vmul.f32 v28, v34  }
0xce: {  	v26 =	vld.idx.msk [tilespmem:v26+s4+$0x0], $0xffff;
	v31 =	vmul.f32 v1, v31;
	v3 =	vmul.f32 v56, v3;
	v32 =	vmin.f32 v32, $1.000000000e+00  }
0xcf: {  	v30 =	vld.idx.msk [tilespmem:v47+s4+$0x0], $0xffff;
	v47 =	vadd.s32 $0x6000, v60;
	(erf) = vrcp.f32 v25;
	v25 =	vsub.f32 $1.000000000e+00, v32  }
0xd0: {  	v56 =	vadd.s32 $0xA000, v60;
	v34 =	vmax.f32 v34, $0.0e+00;
	v24 =	vmul.f32 v42, v24  }
0xd1: {  	v37 =	vld.idx.msk [tilespmem:v58+s4+$0x0], $0xffff;
	v34 =	vmin.f32 v34, $1.000000000e+00;
	v38 =	vsub.f32 v57, v44;
	v46 =	vmul.f32 v25, v32  }
0xd2: {  	v0 =	vld.idx.msk [tilespmem:v0+s4+$0x0], $0xffff;
	v1 =	vmul.f32 v1, v2;
	v58 =	vmul.f32 v27, v29;
	v29 =	vsub.f32 $1.000000000e+00, v34  }
0xd3: {  	v36 =	vld.idx.msk [tilespmem:v45+s4+$0x0], $0xffff;
	v24 =	vadd.f32 v24, v31;
	v59 =	vmul.f32 v33, v38;
	v26 =	vmul.f32 v46, v26  }
0xd4: {  	v63 =	vand.u32 $0x7FFFFFFF, v49;
	v45 =	vadd.s32 $0x8000, v61;
	v42 =	vld [tilespmem:$0x1FFC0];
	v46 =	vmul.f32 v29, v34  }
0xd5: {  	v1 =	vmul.f32 v24, v1;
	v31 =	vmax.f32 v59, $0.0e+00;
	v24 =	vadd.f32 v26, v58;
	v26 =	vld.idx.msk [tilespmem:v47+s4+$0x0], $0xffff  }
0xd6: {  	v28 =	vmul.f32 v30, v28;
	v37 =	vmul.f32 v46, v37;
	v47 =	vld.idx.msk [tilespmem:v56+s4+$0x0], $0xffff;
	v31 =	vmin.f32 v31, $1.000000000e+00  }
0xd7: {  	v2 =	vmul.f32 v32, v58;
	v58 =	vadd.s32 $0x8000, v60;
	v38 =	vsub.f32 $1.000000000e+00, v31  }
0xd8: {  	v0 =	vadd.f32 v3, v0;
	v3 =	vld.idx.msk [tilespmem:v35+s4+$0x0], $0xffff;
	(erf) = vrcp.f32 v24;
	v24 =	vadd.f32 v37, v28  }
0xd9: {  	vm4 =	vlt.f32 v63, $1.000000000e+01;
	v57 =	vld.idx.msk [tilespmem:v45+s4+$0x0], $0xffff;
	v59 =	vmul.f32 v38, v31  }
0xda: {  	v63 =	vadd.s32 $0x4000, v62;
	v25 =	vmul.f32 v25, v36;
	v56 =	vpop (erf);
	(erf) = vrcp.f32 v24  }
0xdb: {  	v49 =	vsel vm4, v0, v49;
	v0 =	vmul.f32 v26, v33;
	v24 =	vmul.f32 v59, v47;
	v59 =	vld [tilespmem:$0x1FFD0]  }
0xdc: {  	v27 =	vmul.f32 v32, v27;
	v44 =	vadd.s32 $0x4000, v61;
	v1 =	vmul.f32 v56, v1;
	v46 =	vld.idx.msk [tilespmem:v58+s4+$0x0], $0xffff  }
0xdd: {  	v2 =	vadd.f32 v25, v2;
	v25 =	vmul.f32 v34, v28;
	v43 =	vld.idx.msk [tilespmem:v42+s4+$0x0], $0xffff;
	v24 =	vadd.f32 v24, v0  }
0xde: {  	v45 =	vmul.f32 v29, v57;
	v58 =	vld [tilespmem:$0x1FF40];
	v1 =	vadd.f32 v1, v3;
	v3 =	vand.u32 $0x7FFFFFFF, v51  }
0xdf: {  	v40 =	vld [tilespmem:$0x1FF00];
	v2 =	vmul.f32 v2, v27;
	v47 =	vmax.f32 v53, $-1.000000000e+01;
	(erf) = vrcp.f32 v24  }
0xe0: {  	v56 =	vld.idx.msk [tilespmem:v63+s4+$0x0], $0xffff;
	v57 =	vadd.s32 $0x4000, v60;
	v25 =	vadd.f32 v45, v25;
	v24 =	vmul.f32 v34, v30  }
0xe1: {  	v27 =	vld.idx.msk [tilespmem:v44+s4+$0x0], $0xffff;
	v61 =	vmin.f32 v47, $1.000000000e+01;
	vm6 =	vlt.f32 v3, $1.000000000e+01;
	v29 =	vmul.f32 v38, v46;
	v3 =	vpop (erf)  }
0xe2: {  	vm5 =	vge.f32 v61, v43;
	v38 =	vld [tilespmem:$0x1FFE0];
	v2 =	vmul.f32 v3, v2;
	v3 =	vmul.f32 v25, v24  }
0xe3: {  	v0 =	vmul.f32 v31, v0;
	v30 =	vsel vm5, v42, v58;
	v24 =	vld.idx.msk [tilespmem:v59+s4+$0x0], $0xffff;
	v36 =	vpop (erf)  }
0xe4: {  	v51 =	vsel vm6, v1, v51;
	v42 =	vld [tilespmem:$0x1FF50];
	v25 =	vor.u32 $0x800, v30;
	v1 =	vmul.f32 v36, v3  }
0xe5: {  	v47 =	vld [tilespmem:$0x1FF20];
	v0 =	vadd.f32 v29, v0;
	v3 =	vmul.f32 v31, v26  }
0xe6: {  	v26 =	vmax.f32 v50, $-1.000000000e+01;
	v1 =	vadd.f32 v1, v27;
	v27 =	vld.idx.msk [tilespmem:v57+s4+$0x0], $0xffff  }
0xe7: {  	v43 =	vld.idx.msk [tilespmem:v20+s4+$0x0], $0xffff;
	v63 =	vmin.f32 v26, $1.000000000e+01;
	v0 =	vmul.f32 v0, v3  }
0xe8: {  	v36 =	vld [tilespmem:$0x1FF10];
	vm8 =	vge.f32 v63, v24;
	v24 =	vpop (erf)  }
0xe9: {  	v3 =	vld.idx.msk [tilespmem:v25+s4+$0x0], $0xffff;
	v28 =	vsel vm8, v59, v42;
	v0 =	vmul.f32 v24, v0  }
0xea: {  	v44 =	vmax.f32 v49, $-1.000000000e+01;
	v26 =	vand.u32 $0x7FFFFFFF, v55;
	v41 =	vld.idx.msk [tilespmem:v38+s4+$0x0], $0xffff;
	v24 =	vor.u32 $0x800, v28  }
0xeb: {  	vm2 =	vlt.f32 v26, $1.000000000e+01;
	v26 =	vmax.f32 v48, $-1.000000000e+01;
	v0 =	vadd.f32 v0, v27;
	v27 =	vld [tilespmem:$0x1FF60]  }
0xec: {  	v60 =	vmin.f32 v44, $1.000000000e+01;
	v62 =	vmin.f32 v26, $1.000000000e+01;
	v26 =	vld.idx.msk [tilespmem:v40+s4+$0x0], $0xffff  }
0xed: {  	v37 =	vand.u32 $0x7FFFFFFF, v52;
	vm12 =	vge.f32 v60, v43;
	v43 =	vld [tilespmem:$0x1FF80];
	v2 =	vadd.f32 v2, v56  }
0xee: {  	v39 =	vand.u32 $0x7FFFFFFF, v54;
	vm7 =	vlt.f32 v37, $1.000000000e+01;
	v45 =	vmax.f32 v51, $-1.000000000e+01;
	v42 =	vld [tilespmem:$0x1FF70]  }
0xef: {  	v52 =	vsel vm7, v2, v52;
	v55 =	vsel vm2, v1, v55;
	vm9 =	vge.f32 v62, v41;
	v46 =	vld.idx.msk [tilespmem:v24+s4+$0x0], $0xffff  }
0xf0: {  	v59 =	vmin.f32 v45, $1.000000000e+01;
	vm11 =	vge.f32 v61, v3;
	v27 =	vsel vm9, v38, v27  }
0xf1: {  	v3 =	vld.idx.msk [tilespmem:v36+s4+$0x0], $0xffff;
	vm13 =	vge.f32 v59, v26;
	v26 =	vmax.f32 v52, $-1.000000000e+01;
	v2 =	vor.u32 $0x800, v27  }
0xf2: {  	v32 =	vsel vm13, v40, v43;
	v58 =	vmin.f32 v26, $1.000000000e+01;
	v26 =	vmax.f32 v55, $-1.000000000e+01;
	v40 =	vld [tilespmem:$0x1FF30]  }
0xf3: {  	vm10 =	vlt.f32 v39, $1.000000000e+01;
	v31 =	vsel vm12, v20, v42;
	v56 =	vmin.f32 v26, $1.000000000e+01;
	v26 =	vld [tilespmem:$0x1FF90]  }
0xf4: {  	v25 =	vsel vm11, v25, v30;
	v33 =	vor.u32 $0x800, v31;
	v38 =	vld.idx.msk [tilespmem:v47+s4+$0x0], $0xffff;
	vm15 =	vge.f32 v63, v46  }
0xf5: {  	v54 =	vsel vm10, v0, v54;
	v30 =	vor.u32 $0x400, v25;
	v0 =	vsel vm15, v24, v28;
	v24 =	vld [tilespmem:$0x1FFA0]  }
0xf6: {  	v41 =	vand.u32 $0xDC00, v30;
	v44 =	vld.idx.msk [tilespmem:v2+s4+$0x0], $0xffff  }
0xf7: {  	v1 =	vor.u32 v4, v41  }
0xf8: {  	v35 =	vor.u32 $0x800, v32;
	vm14 =	vge.f32 v58, v3  }
0xf9: {  	v26 =	vsel vm14, v36, v26;
	v37 =	vld.idx.msk [tilespmem:v33+s4+$0x0], $0xffff  }
0xfa: {  	v3 =	vld.idx.msk [tilespmem:v40+s4+$0x0], $0xffff;
	vm4 =	vge.f32 v56, v38;
	v28 =	vor.u32 $0x800, v26  }
0xfb: {  	v29 =	vor.u32 $0x400, v0;
	v24 =	vsel vm4, v47, v24;
	vm5 =	vge.f32 v62, v44;
	v44 =	vld [tilespmem:$0x1FFB0]  }
0xfc: {  	v1 =	vld.idx.msk [tilespmem:v1+s4+$0x0], $0xffff;
	v45 =	vand.u32 $0xDC00, v29;
	v36 =	vor.u32 $0x800, v24  }
0xfd: {  	v46 =	vmax.f32 v54, $-1.000000000e+01;
	v47 =	vld.idx.msk [tilespmem:v35+s4+$0x0], $0xffff;
	v2 =	vsel vm5, v2, v27;
	v27 =	vor.u32 v9, v45  }
0xfe: {  	v57 =	vmin.f32 v46, $1.000000000e+01;
	v34 =	vor.u32 $0x400, v2  }
0xff: {  	vm6 =	vge.f32 v57, v3;
	v3 =	vand.u32 $0xDC00, v34  }
0x100: {  	v3 =	vor.u32 v10, v3;
	v38 =	vsel vm6, v40, v44;
	v40 =	vld.idx.msk [tilespmem:v28+s4+$0x0], $0xffff  }
0x101: {  	vm8 =	vge.f32 v60, v37;
	vm7 =	vge.f32 v61, v1;
	v41 =	vld.idx.msk [tilespmem:v36+s4+$0x0], $0xffff  }
0x102: {  	v25 =	vsel vm7, v30, v25;
	v30 =	vsel vm8, v33, v31;
	vm9 =	vge.f32 v59, v47;
	v27 =	vld.idx.msk [tilespmem:v27+s4+$0x0], $0xffff  }
0x103: {  	v31 =	vor.u32 $0x200, v25;
	v32 =	vsel vm9, v35, v32;
	v1 =	vor.u32 $0x800, v38  }
0x104: {  	v33 =	vor.u32 $0x400, v30;
	v35 =	vand.u32 $0xFFFFFF8F, v31;
	v37 =	vor.u32 $0x400, v32  }
0x105: {  	v45 =	vand.u32 $0xDC00, v33;
	v46 =	vand.u32 $0xDC00, v37;
	v3 =	vld.idx.msk [tilespmem:v3+s4+$0x0], $0xffff  }
0x106: {  	v39 =	vor.u32 v11, v45;
	v42 =	vor.u32 v12, v46  }
0x107: {  	vm10 =	vge.f32 v58, v40;
	vm11 =	vge.f32 v56, v41;
	vm12 =	vge.f32 v63, v27  }
0x108: {  	v47 =	vld.idx.msk [tilespmem:v1+s4+$0x0], $0xffff;
	v26 =	vsel vm10, v28, v26;
	v24 =	vsel vm11, v36, v24;
	v0 =	vsel vm12, v29, v0  }
0x109: {  	v27 =	vld.idx.msk [tilespmem:v35+s4+$0x0], $0xffff;
	v28 =	vor.u32 $0x400, v26;
	v29 =	vor.u32 $0x400, v24;
	v35 =	vor.u32 $0x200, v0  }
0x10a: {  	v44 =	vand.u32 $0xDC00, v28;
	vm13 =	vge.f32 v62, v3;
	v3 =	vand.u32 $0xFFFFFF9F, v35  }
0x10b: {  	v36 =	vld.idx.msk [tilespmem:v39+s4+$0x0], $0xffff;
	v45 =	vand.u32 $0xDC00, v29;
	v39 =	vor.u32 v13, v44;
	v2 =	vsel vm13, v34, v2  }
0x10c: {  	v40 =	vld.idx.msk [tilespmem:v42+s4+$0x0], $0xffff;
	v46 =	vor.u32 v14, v45;
	v41 =	vor.u32 $0x200, v2  }
0x10d: {  	vm14 =	vge.f32 v57, v47;
	v47 =	vand.u32 $0xFFFFFFAF, v41  }
0x10e: {  	vm15 =	vge.f32 v61, v27;
	v1 =	vsel vm14, v1, v38  }
0x10f: {  	v25 =	vsel vm15, v31, v25;
	v27 =	vor.u32 $0x400, v1;
	v3 =	vld.idx.msk [tilespmem:v3+s4+$0x0], $0xffff  }
0x110: {  	vm4 =	vge.f32 v60, v36;
	v31 =	vadd.s32 $0x100, v25;
	v36 =	vld.idx.msk [tilespmem:v39+s4+$0x0], $0xffff;
	v45 =	vand.u32 $0xDC00, v27  }
0x111: {  	v30 =	vsel vm4, v33, v30;
	vm5 =	vge.f32 v59, v40;
	v33 =	vld.idx.msk [tilespmem:v46+s4+$0x0], $0xffff;
	v46 =	vor.u32 v15, v45  }
0x112: {  	v32 =	vsel vm5, v37, v32;
	v37 =	vor.u32 $0x200, v30;
	v39 =	vld.idx.msk [tilespmem:v47+s4+$0x0], $0xffff  }
0x113: {  	v38 =	vor.u32 $0x200, v32;
	v47 =	vand.u32 $0xFFFFFFBF, v37  }
0x114: {  	v45 =	vand.u32 $0xFFFFFFCF, v38  }
0x115: {  	vm6 =	vge.f32 v63, v3;
	v3 =	vld.idx.msk [tilespmem:v31+s4+$0x0], $0xffff;
	vm7 =	vge.f32 v58, v36  }
0x116: {  	vm8 =	vge.f32 v56, v33;
	v0 =	vsel vm6, v35, v0;
	v34 =	vld.idx.msk [tilespmem:v46+s4+$0x0], $0xffff;
	v26 =	vsel vm7, v28, v26  }
0x117: {  	v28 =	vadd.s32 $0x100, v0;
	v33 =	vor.u32 $0x200, v26;
	vm9 =	vge.f32 v62, v39  }
0x118: {  	v24 =	vsel vm8, v29, v24;
	v46 =	vld.idx.msk [tilespmem:v47+s4+$0x0], $0xffff;
	v44 =	vand.u32 $0xFFFFFFDF, v33;
	v2 =	vsel vm9, v41, v2  }
0x119: {  	v47 =	vld.idx.msk [tilespmem:v45+s4+$0x0], $0xffff;
	v39 =	vor.u32 $0x200, v24;
	v40 =	vadd.s32 $0x100, v2  }
0x11a: {  	vm10 =	vge.f32 v61, v3;
	v3 =	vand.u32 $0xFFFFFFEF, v39  }
0x11b: {  	v25 =	vsel vm10, v31, v25;
	vm11 =	vge.f32 v57, v34  }
0x11c: {  	v45 =	vld.idx.msk [tilespmem:v28+s4+$0x0], $0xffff;
	v34 =	vadd.s32 $0x80, v25;
	v1 =	vsel vm11, v27, v1  }
0x11d: {  	vm12 =	vge.f32 v60, v46;
	v27 =	vor.u32 $0x200, v1;
	v46 =	vld.idx.msk [tilespmem:v44+s4+$0x0], $0xffff  }
0x11e: {  	vm13 =	vge.f32 v59, v47;
	v30 =	vsel vm12, v37, v30;
	v47 =	vld.idx.msk [tilespmem:v40+s4+$0x0], $0xffff  }
0x11f: {  	v29 =	vsel vm13, v38, v32;
	v32 =	vadd.s32 $0x100, v30;
	v3 =	vld.idx.msk [tilespmem:v3+s4+$0x0], $0xffff  }
0x120: {  	v41 =	vadd.s32 $0x100, v29  }
0x121: {  	vm14 =	vge.f32 v63, v45;
	v42 =	vld.idx.msk [tilespmem:v34+s4+$0x0], $0xffff  }
0x122: {  	v0 =	vsel vm14, v28, v0;
	v43 =	vld.idx.msk [tilespmem:v27+s4+$0x0], $0xffff;
	vm15 =	vge.f32 v58, v46  }
0x123: {  	v35 =	vadd.s32 $0x80, v0;
	v26 =	vsel vm15, v33, v26;
	vm4 =	vge.f32 v62, v47  }
0x124: {  	v44 =	vld.idx.msk [tilespmem:v32+s4+$0x0], $0xffff;
	v36 =	vadd.s32 $0x100, v26;
	vm5 =	vge.f32 v56, v3;
	v2 =	vsel vm4, v40, v2  }
0x125: {  	v45 =	vld.idx.msk [tilespmem:v41+s4+$0x0], $0xffff;
	v24 =	vsel vm5, v39, v24;
	v3 =	vadd.s32 $0x80, v2  }
0x126: {  	vm6 =	vge.f32 v61, v42;
	v28 =	vadd.s32 $0x100, v24  }
0x127: {  	v25 =	vsel vm6, v34, v25;
	vm7 =	vge.f32 v57, v43  }
0x128: {  	v46 =	vld.idx.msk [tilespmem:v35+s4+$0x0], $0xffff;
	v1 =	vsel vm7, v27, v1;
	v27 =	vadd.s32 $0x2000, v25  }
0x129: {  	vm8 =	vge.f32 v60, v44;
	v33 =	vadd.s32 $0x100, v1;
	v34 =	vld.idx.msk [tilespmem:v36+s4+$0x0], $0xffff  }
0x12a: {  	vm9 =	vge.f32 v59, v45;
	v44 =	vadd.s32 $0x6000, v25;
	v30 =	vsel vm8, v32, v30;
	v47 =	vld.idx.msk [tilespmem:v3+s4+$0x0], $0xffff  }
0x12b: {  	v29 =	vsel vm9, v41, v29;
	v32 =	vadd.s32 $0x80, v30;
	v40 =	vld.idx.msk [tilespmem:v28+s4+$0x0], $0xffff  }
0x12c: {  	v38 =	vadd.s32 $0x80, v29;
	v39 =	vld.idx.msk [tilespmem:v25+s4+$0x0], $0xffff  }
0x12d: {  	vm10 =	vge.f32 v63, v46;
	v27 =	vld.idx.msk [tilespmem:v27+s4+$0x0], $0xffff;
	v46 =	vadd.s32 $0xA000, v25  }
0x12e: {  	v0 =	vsel vm10, v35, v0;
	v45 =	vld.idx.msk [tilespmem:v33+s4+$0x0], $0xffff  }
0x12f: {  	vm11 =	vge.f32 v58, v34;
	v31 =	vld.idx.msk [tilespmem:v44+s4+$0x0], $0xffff;
	vm12 =	vge.f32 v62, v47;
	v47 =	vadd.s32 $0x2000, v0  }
0x130: {  	v26 =	vsel vm11, v36, v26;
	v34 =	vld.idx.msk [tilespmem:v32+s4+$0x0], $0xffff;
	v2 =	vsel vm12, v3, v2  }
0x131: {  	v36 =	vld.idx.msk [tilespmem:v38+s4+$0x0], $0xffff;
	v3 =	vsub.f32 v61, v39;
	v39 =	vadd.s32 $0x80, v26  }
0x132: {  	vm13 =	vge.f32 v56, v40;
	v61 =	vadd.s32 $0x8000, v25;
	v41 =	vld.idx.msk [tilespmem:v46+s4+$0x0], $0xffff  }
0x133: {  	v28 =	vsel vm13, v28, v24;
	v42 =	vadd.s32 $0x2000, v2;
	v3 =	vmul.f32 v27, v3;
	v40 =	vld.idx.msk [tilespmem:v0+s4+$0x0], $0xffff  }
0x134: {  	v25 =	vadd.s32 $0x4000, v25;
	v43 =	vadd.s32 $0x80, v28;
	v46 =	vadd.s32 $0xA000, v0;
	v37 =	vld.idx.msk [tilespmem:v47+s4+$0x0], $0xffff  }
0x135: {  	vm14 =	vge.f32 v57, v45;
	v27 =	vmul.f32 v31, v27;
	v3 =	vmax.f32 v3, $0.0e+00;
	v44 =	vld.idx.msk [tilespmem:v2+s4+$0x0], $0xffff  }
0x136: {  	v1 =	vsel vm14, v33, v1;
	v33 =	vadd.s32 $0x6000, v0;
	v3 =	vmin.f32 v3, $1.000000000e+00;
	v45 =	vld.idx.msk [tilespmem:v39+s4+$0x0], $0xffff  }
0x137: {  	vm15 =	vge.f32 v60, v34;
	v47 =	vadd.s32 $0x80, v1;
	v35 =	vld.idx.msk [tilespmem:v61+s4+$0x0], $0xffff;
	v34 =	vsub.f32 $1.000000000e+00, v3  }
0x138: {  	vm4 =	vge.f32 v59, v36;
	v24 =	vsel vm15, v32, v30;
	v32 =	vld.idx.msk [tilespmem:v42+s4+$0x0], $0xffff;
	v63 =	vsub.f32 v63, v40  }
0x139: {  	v42 =	vadd.s32 $0x6000, v2;
	v31 =	vmul.f32 v3, v31;
	v40 =	vld.idx.msk [tilespmem:v43+s4+$0x0], $0xffff;
	v36 =	vmul.f32 v34, v3  }
0x13a: {  	v3 =	vmul.f32 v3, v27;
	v30 =	vmul.f32 v37, v63;
	v63 =	vadd.s32 $0x2000, v24  }
0x13b: {  	v33 =	vld.idx.msk [tilespmem:v33+s4+$0x0], $0xffff;
	v36 =	vmul.f32 v36, v41;
	v41 =	vadd.s32 $0xA000, v2;
	v44 =	vsub.f32 v62, v44  }
0x13c: {  	v62 =	vsel vm4, v38, v29;
	vm5 =	vge.f32 v58, v45;
	v29 =	vld.idx.msk [tilespmem:v46+s4+$0x0], $0xffff;
	v30 =	vmax.f32 v30, $0.0e+00  }
0x13d: {  	v34 =	vmul.f32 v34, v35;
	v35 =	vld.idx.msk [tilespmem:v47+s4+$0x0], $0xffff;
	v61 =	vsel vm5, v39, v26;
	v30 =	vmin.f32 v30, $1.000000000e+00  }
0x13e: {  	v38 =	vmul.f32 v32, v44;
	v44 =	vld.idx.msk [tilespmem:v24+s4+$0x0], $0xffff;
	vm6 =	vge.f32 v56, v40;
	v40 =	vadd.s32 $0x8000, v0  }
0x13f: {  	v39 =	vld.idx.msk [tilespmem:v42+s4+$0x0], $0xffff;
	v36 =	vadd.f32 v36, v27;
	v27 =	vadd.s32 $0x8000, v2;
	v26 =	vsub.f32 $1.000000000e+00, v30  }
0x140: {  	v42 =	vadd.s32 $0xA000, v24;
	v3 =	vadd.f32 v34, v3;
	v46 =	vmax.f32 v38, $0.0e+00;
	v38 =	vld.idx.msk [tilespmem:v63+s4+$0x0], $0xffff  }
0x141: {  	(erf) = vrcp.f32 v36;
	v63 =	vmul.f32 v26, v30;
	v41 =	vld.idx.msk [tilespmem:v41+s4+$0x0], $0xffff;
	v36 =	vmin.f32 v46, $1.000000000e+00  }
0x142: {  	v0 =	vadd.s32 $0x4000, v0;
	v46 =	vadd.s32 $0x6000, v24;
	v45 =	vsub.f32 $1.000000000e+00, v36  }
0x143: {  	v37 =	vmul.f32 v33, v37;
	v29 =	vmul.f32 v63, v29;
	v44 =	vsub.f32 v60, v44;
	v40 =	vld.idx.msk [tilespmem:v40+s4+$0x0], $0xffff  }
0x144: {  	v2 =	vadd.s32 $0x4000, v2;
	v3 =	vmul.f32 v3, v31;
	v27 =	vld.idx.msk [tilespmem:v27+s4+$0x0], $0xffff;
	v60 =	vmul.f32 v45, v36  }
0x145: {  	v32 =	vmul.f32 v39, v32;
	v29 =	vadd.f32 v29, v37;
	v44 =	vmul.f32 v38, v44  }
0x146: {  	vm7 =	vge.f32 v57, v35;
	v37 =	vmul.f32 v30, v37;
	v41 =	vmul.f32 v60, v41  }
0x147: {  	v60 =	vsel vm6, v43, v28;
	(erf) = vrcp.f32 v29;
	v29 =	vld.idx.msk [tilespmem:v46+s4+$0x0], $0xffff;
	v46 =	vmax.f32 v44, $0.0e+00  }
0x148: {  	v44 =	vadd.f32 v41, v32;
	v34 =	vmin.f32 v46, $1.000000000e+00;
	v26 =	vmul.f32 v26, v40  }
0x149: {  	v41 =	vld.idx.msk [tilespmem:v42+s4+$0x0], $0xffff;
	v40 =	vadd.s32 $0x8000, v24;
	v32 =	vmul.f32 v36, v32;
	v27 =	vmul.f32 v45, v27  }
0x14a: {  	v25 =	vld.idx.msk [tilespmem:v25+s4+$0x0], $0xffff;
	v45 =	vand.u32 $0x7FFFFFFF, v50;
	v31 =	vsub.f32 $1.000000000e+00, v34;
	(erf) = vrcp.f32 v44  }
0x14b: {  	v42 =	vmul.f32 v36, v39;
	vm9 =	vlt.f32 v45, $1.000000000e+01;
	v45 =	vadd.s32 $0x6000, v60;
	v46 =	vpop (erf)  }
0x14c: {  	v26 =	vadd.f32 v26, v37;
	v63 =	vmul.f32 v31, v34;
	v3 =	vmul.f32 v46, v3  }
0x14d: {  	v0 =	vld.idx.msk [tilespmem:v0+s4+$0x0], $0xffff;
	v46 =	vmul.f32 v30, v33;
	v30 =	vmul.f32 v29, v38;
	v38 =	vadd.s32 $0x2000, v62  }
0x14e: {  	v27 =	vadd.f32 v27, v32;
	v44 =	vand.u32 $0x7FFFFFFF, v53;
	v37 =	vmul.f32 v63, v41;
	v43 =	vld.idx.msk [tilespmem:v40+s4+$0x0], $0xffff  }
0x14f: {  	v36 =	vld.idx.msk [tilespmem:v61+s4+$0x0], $0xffff;
	vm8 =	vlt.f32 v44, $1.000000000e+01;
	v41 =	vmul.f32 v26, v46;
	v3 =	vadd.f32 v3, v25  }
0x150: {  	v2 =	vld.idx.msk [tilespmem:v2+s4+$0x0], $0xffff;
	v44 =	vadd.s32 $0xA000, v61;
	v26 =	vadd.f32 v37, v30;
	v37 =	vadd.s32 $0x2000, v60;
	v25 =	vpop (erf)  }
0x151: {  	v39 =	vmul.f32 v34, v29;
	v63 =	vsel vm7, v47, v1;
	v1 =	vmul.f32 v25, v41;
	v25 =	vld.idx.msk [tilespmem:v62+s4+$0x0], $0xffff  }
0x152: {  	(erf) = vrcp.f32 v26;
	v26 =	vmul.f32 v27, v42;
	v27 =	vadd.s32 $0x2000, v61;
	v28 =	vld.idx.msk [tilespmem:v38+s4+$0x0], $0xffff  }
0x153: {  	v53 =	vsel vm8, v3, v53;
	v41 =	vld.idx.msk [tilespmem:v60+s4+$0x0], $0xffff;
	v42 =	vadd.s32 $0x2000, v63;
	v47 =	vmul.f32 v31, v43;
	v3 =	vpop (erf)  }
0x154: {  	v31 =	vsub.f32 v58, v36;
	v36 =	vld.idx.msk [tilespmem:v45+s4+$0x0], $0xffff;
	v46 =	vmul.f32 v3, v26;
	v26 =	vmul.f32 v34, v30  }
0x155: {  	v40 =	vand.u32 $0x7FFFFFFF, v48;
	v0 =	vadd.f32 v1, v0;
	v3 =	vadd.s32 $0x6000, v62;
	v32 =	vld.idx.msk [tilespmem:v37+s4+$0x0], $0xffff  }
0x156: {  	v34 =	vld.idx.msk [tilespmem:v44+s4+$0x0], $0xffff;
	v38 =	vsub.f32 v59, v25;
	v25 =	vadd.f32 v47, v26;
	v26 =	vadd.s32 $0xA000, v62  }
0x157: {  	v24 =	vadd.s32 $0x4000, v24;
	vm10 =	vlt.f32 v40, $1.000000000e+01;
	v40 =	vadd.s32 $0x6000, v63;
	v27 =	vld.idx.msk [tilespmem:v27+s4+$0x0], $0xffff  }
0x158: {  	v58 =	vadd.s32 $0x8000, v61;
	v50 =	vsel vm9, v0, v50;
	v59 =	vld.idx.msk [tilespmem:v63+s4+$0x0], $0xffff;
	v1 =	vmul.f32 v28, v38  }
0x159: {  	v0 =	vadd.f32 v46, v2;
	v33 =	vld.idx.msk [tilespmem:v42+s4+$0x0], $0xffff;
	v2 =	vmul.f32 v25, v39;
	v25 =	vadd.s32 $0x6000, v61  }
0x15a: {  	v37 =	vadd.s32 $0x8000, v62;
	v30 =	vsub.f32 v56, v41;
	v3 =	vld.idx.msk [tilespmem:v3+s4+$0x0], $0xffff;
	v1 =	vmax.f32 v1, $0.0e+00  }
0x15b: {  	v44 =	vadd.s32 $0x4000, v62;
	v46 =	vadd.s32 $0xA000, v60;
	v1 =	vmin.f32 v1, $1.000000000e+00;
	v26 =	vld.idx.msk [tilespmem:v26+s4+$0x0], $0xffff  }
0x15c: {  	v30 =	vmul.f32 v32, v30;
	v31 =	vmul.f32 v27, v31;
	v35 =	vsub.f32 $1.000000000e+00, v1  }
0x15d: {  	v56 =	vadd.s32 $0xA000, v63;
	v32 =	vmul.f32 v36, v32;
	v29 =	vsub.f32 v57, v59  }
0x15e: {  	v30 =	vmax.f32 v30, $0.0e+00;
	v25 =	vld.idx.msk [tilespmem:v25+s4+$0x0], $0xffff;
	v31 =	vmax.f32 v31, $0.0e+00;
	v47 =	vmul.f32 v35, v1  }
0x15f: {  	v40 =	vld.idx.msk [tilespmem:v40+s4+$0x0], $0xffff;
	v30 =	vmin.f32 v30, $1.000000000e+00;
	v29 =	vmul.f32 v33, v29;
	v31 =	vmin.f32 v31, $1.000000000e+00  }
0x160: {  	v43 =	vpop (erf);
	v38 =	vld.idx.msk [tilespmem:v46+s4+$0x0], $0xffff;
	v28 =	vmul.f32 v3, v28;
	v41 =	vsub.f32 $1.000000000e+00, v31;
	v26 =	vmul.f32 v47, v26  }
0x161: {  	v2 =	vmul.f32 v43, v2;
	v43 =	vadd.s32 $0x8000, v60;
	v45 =	vsub.f32 $1.000000000e+00, v30  }
0x162: {  	v37 =	vld.idx.msk [tilespmem:v37+s4+$0x0], $0xffff;
	v29 =	vmax.f32 v29, $0.0e+00;
	v59 =	vmul.f32 v41, v31;
	v26 =	vadd.f32 v26, v28  }
0x163: {  	v42 =	vld.idx.msk [tilespmem:v56+s4+$0x0], $0xffff;
	v62 =	vmul.f32 v45, v30;
	v29 =	vmin.f32 v29, $1.000000000e+00;
	v27 =	vmul.f32 v25, v27  }
0x164: {  	v39 =	vsub.f32 $1.000000000e+00, v29;
	v34 =	vmul.f32 v59, v34;
	(erf) = vrcp.f32 v26  }
0x165: {  	v24 =	vld.idx.msk [tilespmem:v24+s4+$0x0], $0xffff;
	v56 =	vadd.s32 $0x8000, v63;
	v33 =	vmul.f32 v40, v33;
	v38 =	vmul.f32 v62, v38  }
0x166: {  	v3 =	vmul.f32 v1, v3;
	v57 =	vmul.f32 v39, v29;
	v26 =	vld.idx.msk [tilespmem:v58+s4+$0x0], $0xffff;
	v34 =	vadd.f32 v34, v27  }
0x167: {  	v35 =	vmul.f32 v35, v37;
	v1 =	vmul.f32 v1, v28;
	v58 =	vadd.f32 v38, v32  }
0x168: {  	v62 =	vld.idx.msk [tilespmem:v43+s4+$0x0], $0xffff;
	v59 =	vmul.f32 v57, v42;
	(erf) = vrcp.f32 v34  }
0x169: {  	v1 =	vadd.f32 v35, v1;
	v27 =	vmul.f32 v31, v27;
	(erf) = vrcp.f32 v58  }
0x16a: {  	v44 =	vld.idx.msk [tilespmem:v44+s4+$0x0], $0xffff;
	v2 =	vadd.f32 v2, v24;
	v37 =	vadd.f32 v59, v33  }
0x16b: {  	v24 =	vld.idx.msk [tilespmem:v56+s4+$0x0], $0xffff;
	v1 =	vmul.f32 v1, v3;
	v3 =	vadd.s32 $0x4000, v60;
	v26 =	vmul.f32 v41, v26  }
0x16c: {  	v46 =	vadd.s32 $0x4000, v61;
	v25 =	vmul.f32 v31, v25;
	(erf) = vrcp.f32 v37  }
0x16d: {  	v32 =	vmul.f32 v30, v32;
	v47 =	vmul.f32 v45, v62;
	v26 =	vadd.f32 v26, v27;
	v27 =	vpop (erf)  }
0x16e: {  	v56 =	vld [tilespmem:$0x1FEB0];
	v61 =	vmul.f32 v29, v33;
	v1 =	vmul.f32 v27, v1;
	v27 =	vadd.s32 $0x4000, v63  }
0x16f: {  	v35 =	vld [tilespmem:$0x1FEA0];
	v28 =	vadd.f32 v47, v32;
	v25 =	vmul.f32 v26, v25;
	v26 =	vmul.f32 v30, v36  }
0x170: {  	v24 =	vmul.f32 v39, v24;
	v45 =	vand.u32 $0x7FFFFFFF, v51;
	v3 =	vld.idx.msk [tilespmem:v3+s4+$0x0], $0xffff;
	v1 =	vadd.f32 v1, v44  }
0x171: {  	v38 =	vld [tilespmem:$0x1FEE0];
	vm12 =	vlt.f32 v45, $1.000000000e+01;
	v63 =	vmov s31;
	v26 =	vmul.f32 v28, v26;
	v60 =	vpop (erf)  }
0x172: {  	v29 =	vmul.f32 v29, v40;
	v24 =	vadd.f32 v24, v61;
	v44 =	vpop (erf);
	v1 =	vsel vm12, v1, v51;
	v51 =	vld [tilespmem:$0x1FE40]  }
0x173: {  	v0 =	vsel vm10, v0, v48;
	v48 =	vand.u32 $0x7FFFFFFF, v49;
	v26 =	vmul.f32 v44, v26;
	v27 =	vld.idx.msk [tilespmem:v27+s4+$0x0], $0xffff  }
0x174: {  	vm11 =	vlt.f32 v48, $1.000000000e+01;
	v57 =	vld.idx.msk [tilespmem:v46+s4+$0x0], $0xffff;
	v24 =	vmul.f32 v24, v29  }
0x175: {  	v2 =	vsel vm11, v2, v49;
	v46 =	vld [tilespmem:$0x1FE60];
	v49 =	vpop (erf);
	v3 =	vadd.f32 v26, v3;
	v26 =	vand.u32 $0x7FFFFFFF, v55  }
0x176: {  	v24 =	vmul.f32 v49, v24;
	vm14 =	vlt.f32 v26, $1.000000000e+01;
	v26 =	vld.idx.msk [tilespmem:v63+s22+$0x0], $0xffff  }
0x177: {  	v62 =	vld [tilespmem:$0x1FE80];
	v53 =	vmul.f32 v53, v51  }
0x178: {  	v47 =	vld [tilespmem:$0x1FE50];
	v25 =	vmul.f32 v60, v25;
	v24 =	vadd.f32 v24, v27;
	v27 =	vand.u32 $0x7FFFFFFF, v54  }
0x179: {  	v58 =	vld [tilespmem:$0x1FE90];
	vm15 =	vlt.f32 v27, $1.000000000e+01;
	v27 =	vadd.f32 v53, v56  }
0x17a: {  	v25 =	vadd.f32 v25, v57;
	v57 =	vld [tilespmem:$0x1FE30]  }
0x17b: {  	v48 =	vand.u32 $0x7FFFFFFF, v52;
	v37 =	vld [tilespmem:$0x1FEC0];
	v27 =	vmul.f32 v26, v27  }
0x17c: {  	vm13 =	vlt.f32 v48, $1.000000000e+01;
	v59 =	vld [tilespmem:$0x1FEF0];
	v0 =	vmul.f32 v0, v46;
	v1 =	vmul.f32 v1, v62  }
0x17d: {  	v25 =	vsel vm13, v25, v52;
	v3 =	vsel vm14, v3, v55;
	v55 =	vmul.f32 v50, v47;
	[tilespmem:s2+$0xFFFFFFC0] =	vst v27;
	v27 =	vld [tilespmem:$0x1FE70]  }
0x17e: {  	v0 =	vadd.f32 v0, v38;
	v25 =	vmul.f32 v25, v58;
	v58 =	vld [tilespmem:$0x1FED0];
	v3 =	vmul.f32 v3, v35  }
0x17f: {  	v1 =	vadd.f32 v1, v22;
	v2 =	vmul.f32 v2, v57  }
0x180: {  	v56 =	vadd.f32 v55, v37;
	v60 =	vadd.f32 v3, v21;
	v0 =	vmul.f32 v26, v0  }
0x181: {  	v24 =	vsel vm15, v24, v54;
	v2 =	vadd.f32 v2, v59;
	v59 =	vmul.f32 v26, v1  }
0x182: {  	v28 =	vmul.f32 v26, v56;
	[tilespmem:s2+$0xFFFFFFE0] =	vst v0;
	v24 =	vmul.f32 v24, v27  }
0x183: {  	p0 =	sne.s32 s31, $0x3F;
	v25 =	vadd.f32 v25, v58;
	v62 =	vmul.f32 v60, v26;
	[tilespmem:s2+$0x0] =	vst v59  }
.Ltmp0:
0x184: {  	v2 =	vmul.f32 v26, v2;
	[tilespmem:s2+$0xFFFFFFD0] =	vst v28;
	v3 =	vadd.f32 v24, v23;
	(pc) =	sbr.rel @p0 .LBB2_3-.Ltmp0, $4  }
0x185: {  	v61 =	vmul.f32 v26, v25;
	[tilespmem:s2+$0x20] =	vst v62  }
0x186: {  	[tilespmem:s2+$0xFFFFFFF0] =	vst v2;
	v63 =	vmul.f32 v3, v26  }
0x187: {  	[tilespmem:s2+$0x10] =	vst v61  }
0x188: {  	v40 =	vmov v22;
	v41 =	vmov v21;
	s31 =	sadd.s32 $0x1, s31;
	v24 =	vmov v23;
	[tilespmem:s2+$0x30] =	vst v63;
	s2 =	sadd.s32 $0x80, s2  }
0x189: {  	s2 =	sshll.u32 s29, $0x10  }
0x18a: {  	s2 =	sadd.s32 s8, s2  }
0x18b: {  	s2 =	sshrl.u32 s2, $0x3  }
0x18c: {  	p0 =	seq.s32 s29, $0xF;
	s2 =	sadd.s32 s3, s2  }
0x18d: {  	[hbm4b:s2+s19] =	stream.strided.scatter [tilespmem:s21], [sflag:$0x3], $0x2000, s20, s19, $0x38;
	[tilespmem:$0x1C200] =	vst v63  }
0x18e: {  	s2 =	sshll.u32 @!p0 s29, $0x7  }
0x18f: {  	s2 =	sadd.s32 @!p0 s2, s14  }
0x190: {  	s31 =	sshll.u32 @!p0 s2, $0x9  }
0x191: {  	s0 =	simm.s32 @!p0 $0x400;
	_ =	swait.ge [sflag:s16], $0x2000;
	s31 =	sor.u32 @!p0 s6, s31  }
0x192: {  	s17 =	simm.s32 @!p0 $0x1000;
	[sflag:s16] =	ssyncset.done $0x0;
	s31 =	sshrl.u32 @!p0 s31, $0x3  }
0x193: {  	s18 =	simm.s32 @!p0 $0x18000;
	[sflag:s16] =	ssyncadd.s32 $0xFFFFE000;
	s31 =	sadd.s32 @!p0 s5, s31  }
0x194: {  	[tilespmem:s18], [sflag:$0x1] =	stream.strided.gather @!p0 [hbm4b:s31+s0], $0x2000, s17, s0, $0x38;
	[tilespmem:$0x1C200] =	vst v63  }
0x195: {  	s0 =	sshrl.u32 @!p0 s2, $0x3  }
0x196: {  	s2 =	simm.s32 @!p0 $0x0;
	s17 =	simm.s32 @!p0 $0x1C000;
	s0 =	sadd.s32 @!p0 s1, s0  }
0x197: {  	[tilespmem:s17], [sflag:$0x1] =	stream.linear.gather @!p0 [hbm4b:s0+s2], $0x40, $0x38;
	[tilespmem:$0x1C200] =	vst v63  }
0x198: {  	_ =	swait.ge [sflag:s26], $0x2000  }
0x199: {  	[sflag:s26] =	ssyncset.done $0x0  }
0x19a: {  	[sflag:s26] =	ssyncadd.s32 $0xFFFFE000  }
0x19b: {  	_ =	swait.ge [sflag:s26], $0x40  }
0x19c: {  	[sflag:s26] =	ssyncset.done $0x0  }
0x19d: {  	s31 =	simm.s32 $0x0;
	s2 =	simm.s32 $0x1A070;
	[sflag:s26] =	ssyncadd.s32 $0xFFFFFFC0  }
.LBB2_5:
0x19e: {  	v50 =	vld [tilespmem:s2+$0xFFFFFF90];
	_ =	sdelay $0x1  }
0x19f: {  	v0 =	vld.idx.msk [tilespmem:v5+s4+$0x0], $0xffff;
	_ =	sdelay $0x2  }
0x1a0: {  	v1 =	vmax.f32 v50, $-1.000000000e+01  }
0x1a1: {  	v63 =	vmin.f32 v1, $1.000000000e+01  }
0x1a2: {  	vm0 =	vge.f32 v63, v0  }
0x1a3: {  	v56 =	vld [tilespmem:s2+$0xFFFFFFA0];
	v0 =	vsel vm0, v5, v4  }
0x1a4: {  	v45 =	vor.u32 $0x800, v0  }
0x1a5: {  	v2 =	vld.idx.msk [tilespmem:v6+s4+$0x0], $0xffff  }
0x1a6: {  	v48 =	vld [tilespmem:s2+$0xFFFFFFB0];
	_ =	sdelay $0x1  }
0x1a7: {  	v24 =	vld.idx.msk [tilespmem:v7+s4+$0x0], $0xffff;
	v3 =	vmax.f32 v56, $-1.000000000e+01  }
0x1a8: {  	v62 =	vmin.f32 v3, $1.000000000e+01;
	v3 =	vld.idx.msk [tilespmem:v45+s4+$0x0], $0xffff  }
0x1a9: {  	vm15 =	vge.f32 v62, v2  }
0x1aa: {  	v46 =	vmax.f32 v48, $-1.000000000e+01;
	v25 =	vsel vm15, v6, v9  }
0x1ab: {  	v49 =	vld [tilespmem:s2+$0xFFFFFFC0];
	v61 =	vmin.f32 v46, $1.000000000e+01;
	v47 =	vor.u32 $0x800, v25  }
0x1ac: {  	v51 =	vld [tilespmem:s2+$0xFFFFFFD0];
	vm4 =	vge.f32 v61, v24  }
0x1ad: {  	v35 =	vld.idx.msk [tilespmem:v8+s4+$0x0], $0xffff;
	v26 =	vsel vm4, v7, v10;
	vm5 =	vge.f32 v63, v3  }
0x1ae: {  	v52 =	vld [tilespmem:s2+$0xFFFFFFE0];
	v3 =	vor.u32 $0x800, v26;
	v0 =	vsel vm5, v45, v0  }
0x1af: {  	v36 =	vld.idx.msk [tilespmem:v16+s4+$0x0], $0xffff;
	v27 =	vor.u32 $0x400, v0  }
0x1b0: {  	v29 =	vld.idx.msk [tilespmem:v47+s4+$0x0], $0xffff;
	v30 =	vand.u32 $0x1C00, v27  }
0x1b1: {  	v37 =	vld.idx.msk [tilespmem:v17+s4+$0x0], $0xffff;
	v28 =	vmax.f32 v49, $-1.000000000e+01;
	v30 =	vor.u32 v4, v30  }
0x1b2: {  	v55 =	vld [tilespmem:s2+$0xFFFFFFF0];
	v38 =	vmax.f32 v51, $-1.000000000e+01;
	v60 =	vmin.f32 v28, $1.000000000e+01  }
0x1b3: {  	v39 =	vmax.f32 v52, $-1.000000000e+01;
	v53 =	vmin.f32 v38, $1.000000000e+01;
	vm6 =	vge.f32 v60, v35;
	v32 =	vld.idx.msk [tilespmem:v3+s4+$0x0], $0xffff  }
0x1b4: {  	v54 =	vld [tilespmem:s2+$0x0];
	v58 =	vmin.f32 v39, $1.000000000e+01;
	vm7 =	vge.f32 v53, v36;
	v31 =	vsel vm6, v8, v11  }
0x1b5: {  	v40 =	vld.idx.msk [tilespmem:v18+s4+$0x0], $0xffff;
	v1 =	vsel vm7, v16, v12;
	v33 =	vor.u32 $0x800, v31;
	vm1 =	vge.f32 v62, v29  }
0x1b6: {  	vm8 =	vge.f32 v58, v37;
	v29 =	vor.u32 $0x800, v1;
	v2 =	vsel vm1, v47, v25;
	v41 =	vld.idx.msk [tilespmem:v30+s4+$0x0], $0xffff  }
0x1b7: {  	v28 =	vsel vm8, v17, v13;
	v30 =	vor.u32 $0x400, v2  }
0x1b8: {  	v35 =	vor.u32 $0x800, v28;
	vm9 =	vge.f32 v61, v32;
	v42 =	vand.u32 $0x1C00, v30  }
0x1b9: {  	v34 =	vld.idx.msk [tilespmem:v19+s4+$0x0], $0xffff;
	v36 =	vmax.f32 v55, $-1.000000000e+01;
	v3 =	vsel vm9, v3, v26;
	v43 =	vor.u32 v9, v42  }
0x1ba: {  	v44 =	vmax.f32 v54, $-1.000000000e+01;
	v59 =	vmin.f32 v36, $1.000000000e+01;
	v37 =	vld.idx.msk [tilespmem:v33+s4+$0x0], $0xffff;
	v36 =	vor.u32 $0x400, v3  }
0x1bb: {  	vm10 =	vge.f32 v59, v40;
	v38 =	vld.idx.msk [tilespmem:v29+s4+$0x0], $0xffff;
	v45 =	vand.u32 $0x1C00, v36;
	vm11 =	vge.f32 v63, v41  }
0x1bc: {  	v25 =	vsel vm10, v18, v14;
	v24 =	vor.u32 v10, v45;
	v0 =	vsel vm11, v27, v0  }
0x1bd: {  	v57 =	vmin.f32 v44, $1.000000000e+01;
	v46 =	vld.idx.msk [tilespmem:v35+s4+$0x0], $0xffff;
	v27 =	vor.u32 $0x800, v25;
	v39 =	vor.u32 $0x200, v0  }
0x1be: {  	vm12 =	vge.f32 v57, v34;
	v26 =	vld.idx.msk [tilespmem:v43+s4+$0x0], $0xffff;
	v47 =	vand.u32 $0xFFFFFF8F, v39  }
0x1bf: {  	vm13 =	vge.f32 v60, v37;
	v37 =	vsel vm12, v19, v15  }
0x1c0: {  	v31 =	vsel vm13, v33, v31;
	v33 =	vor.u32 $0x800, v37;
	vm14 =	vge.f32 v53, v38  }
0x1c1: {  	v40 =	vor.u32 $0x400, v31;
	v1 =	vsel vm14, v29, v1;
	v24 =	vld.idx.msk [tilespmem:v24+s4+$0x0], $0xffff  }
0x1c2: {  	vm15 =	vge.f32 v58, v46;
	v44 =	vand.u32 $0x1C00, v40;
	v32 =	vor.u32 $0x400, v1;
	v41 =	vld.idx.msk [tilespmem:v27+s4+$0x0], $0xffff  }
0x1c3: {  	v29 =	vor.u32 v11, v44;
	v45 =	vand.u32 $0x1C00, v32;
	vm4 =	vge.f32 v62, v26;
	v26 =	vld.idx.msk [tilespmem:v47+s4+$0x0], $0xffff  }
0x1c4: {  	v28 =	vsel vm15, v35, v28;
	v34 =	vor.u32 v12, v45;
	v2 =	vsel vm4, v30, v2  }
0x1c5: {  	v35 =	vor.u32 $0x400, v28;
	v46 =	vld.idx.msk [tilespmem:v33+s4+$0x0], $0xffff;
	v38 =	vor.u32 $0x200, v2  }
0x1c6: {  	v42 =	vand.u32 $0x1C00, v35;
	vm5 =	vge.f32 v61, v24;
	v47 =	vand.u32 $0xFFFFFF9F, v38  }
0x1c7: {  	v42 =	vor.u32 v13, v42;
	v3 =	vsel vm5, v36, v3  }
0x1c8: {  	v29 =	vld.idx.msk [tilespmem:v29+s4+$0x0], $0xffff;
	vm6 =	vge.f32 v59, v41;
	v36 =	vor.u32 $0x200, v3;
	vm7 =	vge.f32 v63, v26  }
0x1c9: {  	v30 =	vld.idx.msk [tilespmem:v34+s4+$0x0], $0xffff;
	v25 =	vsel vm6, v27, v25;
	v45 =	vand.u32 $0xFFFFFFAF, v36;
	v0 =	vsel vm7, v39, v0  }
0x1ca: {  	vm8 =	vge.f32 v57, v46;
	v27 =	vor.u32 $0x400, v25;
	v34 =	vadd.s32 $0x100, v0  }
0x1cb: {  	v33 =	vsel vm8, v33, v37;
	v46 =	vand.u32 $0x1C00, v27;
	v24 =	vld.idx.msk [tilespmem:v47+s4+$0x0], $0xffff  }
0x1cc: {  	v39 =	vor.u32 $0x400, v33;
	v47 =	vld.idx.msk [tilespmem:v42+s4+$0x0], $0xffff;
	v37 =	vor.u32 v14, v46  }
0x1cd: {  	vm9 =	vge.f32 v60, v29;
	v44 =	vand.u32 $0x1C00, v39  }
0x1ce: {  	v31 =	vsel vm9, v40, v31;
	vm10 =	vge.f32 v53, v30;
	v29 =	vor.u32 v15, v44;
	v26 =	vld.idx.msk [tilespmem:v45+s4+$0x0], $0xffff  }
0x1cf: {  	v40 =	vor.u32 $0x200, v31;
	v1 =	vsel vm10, v32, v1;
	v43 =	vld.idx.msk [tilespmem:v34+s4+$0x0], $0xffff  }
0x1d0: {  	v30 =	vor.u32 $0x200, v1;
	v45 =	vand.u32 $0xFFFFFFBF, v40;
	vm11 =	vge.f32 v62, v24  }
0x1d1: {  	v46 =	vld.idx.msk [tilespmem:v37+s4+$0x0], $0xffff;
	vm12 =	vge.f32 v58, v47;
	v47 =	vand.u32 $0xFFFFFFCF, v30;
	v2 =	vsel vm11, v38, v2  }
0x1d2: {  	v28 =	vsel vm12, v35, v28;
	v32 =	vadd.s32 $0x100, v2  }
0x1d3: {  	v29 =	vld.idx.msk [tilespmem:v29+s4+$0x0], $0xffff;
	v35 =	vor.u32 $0x200, v28;
	vm13 =	vge.f32 v61, v26  }
0x1d4: {  	v42 =	vand.u32 $0xFFFFFFDF, v35;
	v3 =	vsel vm13, v36, v3;
	vm14 =	vge.f32 v63, v43  }
0x1d5: {  	v41 =	vld.idx.msk [tilespmem:v45+s4+$0x0], $0xffff;
	v36 =	vadd.s32 $0x100, v3;
	v0 =	vsel vm14, v34, v0  }
0x1d6: {  	vm15 =	vge.f32 v59, v46;
	v34 =	vld.idx.msk [tilespmem:v47+s4+$0x0], $0xffff;
	v24 =	vadd.s32 $0x80, v0  }
0x1d7: {  	v25 =	vsel vm15, v27, v25;
	v27 =	vld.idx.msk [tilespmem:v32+s4+$0x0], $0xffff  }
0x1d8: {  	vm4 =	vge.f32 v57, v29;
	v29 =	vor.u32 $0x200, v25  }
0x1d9: {  	v33 =	vsel vm4, v39, v33;
	v44 =	vld.idx.msk [tilespmem:v42+s4+$0x0], $0xffff;
	v45 =	vand.u32 $0xFFFFFFEF, v29  }
0x1da: {  	vm5 =	vge.f32 v60, v41;
	v26 =	vor.u32 $0x200, v33;
	v46 =	vld.idx.msk [tilespmem:v36+s4+$0x0], $0xffff  }
0x1db: {  	v31 =	vsel vm5, v40, v31;
	vm7 =	vge.f32 v53, v34;
	v47 =	vld.idx.msk [tilespmem:v24+s4+$0x0], $0xffff  }
0x1dc: {  	v40 =	vadd.s32 $0x100, v31;
	vm6 =	vge.f32 v62, v27;
	v1 =	vsel vm7, v30, v1  }
0x1dd: {  	v2 =	vsel vm6, v32, v2;
	v34 =	vadd.s32 $0x100, v1  }
0x1de: {  	v42 =	vld.idx.msk [tilespmem:v45+s4+$0x0], $0xffff;
	vm8 =	vge.f32 v58, v44;
	v30 =	vadd.s32 $0x80, v2  }
0x1df: {  	v43 =	vld.idx.msk [tilespmem:v26+s4+$0x0], $0xffff;
	v28 =	vsel vm8, v35, v28  }
0x1e0: {  	v35 =	vadd.s32 $0x100, v28;
	vm9 =	vge.f32 v61, v46;
	vm10 =	vge.f32 v63, v47  }
0x1e1: {  	v44 =	vld.idx.msk [tilespmem:v40+s4+$0x0], $0xffff;
	v3 =	vsel vm9, v36, v3;
	v0 =	vsel vm10, v24, v0  }
0x1e2: {  	v24 =	vadd.s32 $0x80, v3;
	v47 =	vld.idx.msk [tilespmem:v34+s4+$0x0], $0xffff  }
0x1e3: {  	vm11 =	vge.f32 v59, v42;
	v45 =	vld.idx.msk [tilespmem:v30+s4+$0x0], $0xffff  }
0x1e4: {  	vm12 =	vge.f32 v57, v43;
	v46 =	vadd.s32 $0x2000, v0;
	v25 =	vsel vm11, v29, v25  }
0x1e5: {  	v26 =	vsel vm12, v26, v33;
	v32 =	vadd.s32 $0x100, v25;
	v33 =	vld.idx.msk [tilespmem:v35+s4+$0x0], $0xffff  }
0x1e6: {  	vm13 =	vge.f32 v60, v44;
	v37 =	vadd.s32 $0x100, v26;
	v44 =	vld.idx.msk [tilespmem:v0+s4+$0x0], $0xffff  }
0x1e7: {  	v36 =	vadd.s32 $0x6000, v0;
	v31 =	vsel vm13, v40, v31;
	v40 =	vld.idx.msk [tilespmem:v24+s4+$0x0], $0xffff  }
0x1e8: {  	v39 =	vadd.s32 $0x80, v31;
	vm15 =	vge.f32 v53, v47;
	vm14 =	vge.f32 v62, v45  }
0x1e9: {  	v27 =	vld.idx.msk [tilespmem:v46+s4+$0x0], $0xffff;
	v1 =	vsel vm15, v34, v1;
	v2 =	vsel vm14, v30, v2  }
0x1ea: {  	v30 =	vld.idx.msk [tilespmem:v32+s4+$0x0], $0xffff;
	v42 =	vadd.s32 $0x80, v1  }
0x1eb: {  	v45 =	vadd.s32 $0xA000, v0;
	v41 =	vld.idx.msk [tilespmem:v37+s4+$0x0], $0xffff;
	v47 =	vadd.s32 $0x2000, v2  }
0x1ec: {  	vm4 =	vge.f32 v58, v33;
	v33 =	vld.idx.msk [tilespmem:v36+s4+$0x0], $0xffff;
	v46 =	vsub.f32 v63, v44;
	vm5 =	vge.f32 v61, v40  }
0x1ed: {  	v28 =	vsel vm4, v35, v28;
	v43 =	vld.idx.msk [tilespmem:v39+s4+$0x0], $0xffff;
	v3 =	vsel vm5, v24, v3  }
0x1ee: {  	v35 =	vadd.s32 $0x80, v28;
	v34 =	vmul.f32 v27, v46;
	v24 =	vld.idx.msk [tilespmem:v2+s4+$0x0], $0xffff  }
0x1ef: {  	v38 =	vadd.s32 $0x2000, v3;
	vm6 =	vge.f32 v59, v30;
	v30 =	vld.idx.msk [tilespmem:v42+s4+$0x0], $0xffff  }
0x1f0: {  	v40 =	vadd.s32 $0x8000, v0;
	v36 =	vld.idx.msk [tilespmem:v47+s4+$0x0], $0xffff;
	v34 =	vmax.f32 v34, $0.0e+00  }
0x1f1: {  	v29 =	vld.idx.msk [tilespmem:v45+s4+$0x0], $0xffff;
	v45 =	vadd.s32 $0xA000, v2;
	vm7 =	vge.f32 v57, v41;
	v34 =	vmin.f32 v34, $1.000000000e+00  }
0x1f2: {  	v25 =	vsel vm6, v32, v25;
	v32 =	vadd.s32 $0x6000, v2;
	v44 =	vsub.f32 $1.000000000e+00, v34;
	v46 =	vld.idx.msk [tilespmem:v3+s4+$0x0], $0xffff  }
0x1f3: {  	v26 =	vsel vm7, v37, v26;
	v37 =	vadd.s32 $0x80, v25;
	v47 =	vld.idx.msk [tilespmem:v35+s4+$0x0], $0xffff;
	v24 =	vsub.f32 v62, v24  }
0x1f4: {  	v27 =	vmul.f32 v33, v27;
	v41 =	vadd.s32 $0xA000, v3;
	v38 =	vld.idx.msk [tilespmem:v38+s4+$0x0], $0xffff;
	v63 =	vmul.f32 v44, v34  }
0x1f5: {  	vm8 =	vge.f32 v60, v43;
	vm9 =	vge.f32 v53, v30;
	v30 =	vld.idx.msk [tilespmem:v40+s4+$0x0], $0xffff;
	v62 =	vmul.f32 v36, v24  }
0x1f6: {  	v43 =	vadd.s32 $0x80, v26;
	v40 =	vld.idx.msk [tilespmem:v45+s4+$0x0], $0xffff;
	v24 =	vsel vm8, v39, v31;
	v29 =	vmul.f32 v63, v29  }
0x1f7: {  	v31 =	vld.idx.msk [tilespmem:v32+s4+$0x0], $0xffff;
	v39 =	vadd.s32 $0x6000, v3;
	v63 =	vmax.f32 v62, $0.0e+00;
	v45 =	vsub.f32 v61, v46  }
0x1f8: {  	vm10 =	vge.f32 v58, v47;
	v46 =	vld.idx.msk [tilespmem:v37+s4+$0x0], $0xffff;
	v29 =	vadd.f32 v29, v27;
	v32 =	vmin.f32 v63, $1.000000000e+00  }
0x1f9: {  	v63 =	vsel vm9, v42, v1;
	v1 =	vsub.f32 $1.000000000e+00, v32;
	v61 =	vmul.f32 v38, v45  }
0x1fa: {  	v4 =	vadd.s32 $0x2000, v24;
	v27 =	vmul.f32 v34, v27;
	(erf) = vrcp.f32 v29  }
0x1fb: {  	v29 =	vadd.s32 $0x8000, v2;
	v62 =	vmul.f32 v1, v32;
	v42 =	vmax.f32 v61, $0.0e+00  }
0x1fc: {  	v41 =	vld.idx.msk [tilespmem:v41+s4+$0x0], $0xffff;
	v30 =	vmul.f32 v44, v30;
	v36 =	vmul.f32 v31, v36;
	v42 =	vmin.f32 v42, $1.000000000e+00  }
0x1fd: {  	v39 =	vld.idx.msk [tilespmem:v39+s4+$0x0], $0xffff;
	vm11 =	vge.f32 v59, v46;
	v40 =	vmul.f32 v62, v40;
	v62 =	vsel vm10, v35, v28  }
0x1fe: {  	v45 =	vld.idx.msk [tilespmem:v43+s4+$0x0], $0xffff;
	v28 =	vsub.f32 $1.000000000e+00, v42;
	v61 =	vsel vm11, v37, v25;
	v25 =	vadd.s32 $0x8000, v3  }
0x1ff: {  	v33 =	vmul.f32 v34, v33;
	v27 =	vadd.f32 v30, v27;
	v35 =	vld.idx.msk [tilespmem:v24+s4+$0x0], $0xffff  }
0x200: {  	v29 =	vld.idx.msk [tilespmem:v29+s4+$0x0], $0xffff;
	v47 =	vadd.f32 v40, v36;
	v40 =	vmul.f32 v28, v42  }
0x201: {  	v0 =	vadd.s32 $0x4000, v0;
	v44 =	vadd.s32 $0x6000, v24;
	v4 =	vld.idx.msk [tilespmem:v4+s4+$0x0], $0xffff;
	v27 =	vmul.f32 v27, v33  }
0x202: {  	v2 =	vadd.s32 $0x4000, v2;
	v37 =	vmul.f32 v39, v38;
	v34 =	vmul.f32 v40, v41  }
0x203: {  	v3 =	vadd.s32 $0x4000, v3;
	(erf) = vrcp.f32 v47;
	v47 =	vadd.s32 $0xA000, v24;
	v25 =	vld.idx.msk [tilespmem:v25+s4+$0x0], $0xffff  }
0x204: {  	v36 =	vmul.f32 v32, v36;
	v60 =	vsub.f32 v60, v35;
	v46 =	vpop (erf);
	v34 =	vadd.f32 v34, v37  }
0x205: {  	v41 =	vadd.s32 $0x2000, v63;
	v27 =	vmul.f32 v46, v27;
	v1 =	vmul.f32 v1, v29  }
0x206: {  	v0 =	vld.idx.msk [tilespmem:v0+s4+$0x0], $0xffff;
	vm12 =	vge.f32 v57, v45;
	v40 =	vmul.f32 v4, v60;
	(erf) = vrcp.f32 v34  }
0x207: {  	v45 =	vld.idx.msk [tilespmem:v63+s4+$0x0], $0xffff;
	v60 =	vsel vm12, v43, v26;
	v43 =	vmul.f32 v32, v31;
	v1 =	vadd.f32 v1, v36  }
0x208: {  	v30 =	vld.idx.msk [tilespmem:v47+s4+$0x0], $0xffff;
	v29 =	vmax.f32 v40, $0.0e+00;
	v47 =	vmul.f32 v42, v37;
	v25 =	vmul.f32 v28, v25  }
0x209: {  	v26 =	vld.idx.msk [tilespmem:v44+s4+$0x0], $0xffff;
	v44 =	vand.u32 $0x7FFFFFFF, v50;
	v29 =	vmin.f32 v29, $1.000000000e+00;
	v28 =	vadd.s32 $0x8000, v24  }
0x20a: {  	v33 =	vld.idx.msk [tilespmem:v41+s4+$0x0], $0xffff;
	v1 =	vmul.f32 v1, v43;
	v43 =	vmul.f32 v42, v39;
	v25 =	vadd.f32 v25, v47  }
0x20b: {  	v2 =	vld.idx.msk [tilespmem:v2+s4+$0x0], $0xffff;
	v0 =	vadd.f32 v27, v0;
	v41 =	vadd.s32 $0x6000, v63;
	v27 =	vsub.f32 $1.000000000e+00, v29  }
0x20c: {  	v32 =	vsub.f32 v53, v45;
	v45 =	vmul.f32 v25, v43;
	v25 =	vadd.s32 $0x2000, v62  }
0x20d: {  	v3 =	vld.idx.msk [tilespmem:v3+s4+$0x0], $0xffff;
	vm13 =	vlt.f32 v44, $1.000000000e+01;
	v44 =	vadd.s32 $0xA000, v63;
	v46 =	vpop (erf);
	v40 =	vmul.f32 v27, v29  }
0x20e: {  	v42 =	vld.idx.msk [tilespmem:v62+s4+$0x0], $0xffff;
	v4 =	vmul.f32 v26, v4;
	v1 =	vmul.f32 v46, v1  }
0x20f: {  	v53 =	vsel vm13, v0, v50;
	v32 =	vmul.f32 v33, v32;
	v30 =	vmul.f32 v40, v30;
	v28 =	vld.idx.msk [tilespmem:v28+s4+$0x0], $0xffff;
	v47 =	vpop (erf)  }
0x210: {  	v46 =	vand.u32 $0x7FFFFFFF, v56;
	v1 =	vadd.f32 v1, v2;
	v2 =	vld.idx.msk [tilespmem:v41+s4+$0x0], $0xffff;
	v40 =	vmul.f32 v47, v45  }
0x211: {  	vm14 =	vlt.f32 v46, $1.000000000e+01;
	v41 =	vmax.f32 v32, $0.0e+00;
	v30 =	vadd.f32 v30, v4;
	v25 =	vld.idx.msk [tilespmem:v25+s4+$0x0], $0xffff  }
0x212: {  	v50 =	vsel vm14, v1, v56;
	v1 =	vmin.f32 v41, $1.000000000e+00;
	v0 =	vadd.f32 v40, v3;
	v3 =	vld.idx.msk [tilespmem:v44+s4+$0x0], $0xffff  }
0x213: {  	v43 =	vadd.s32 $0x2000, v61;
	v46 =	vadd.s32 $0x6000, v62;
	v35 =	vsub.f32 $1.000000000e+00, v1  }
0x214: {  	v4 =	vmul.f32 v29, v4;
	(erf) = vrcp.f32 v30;
	v30 =	vsub.f32 v58, v42  }
0x215: {  	v27 =	vmul.f32 v27, v28;
	v40 =	vadd.s32 $0xA000, v62;
	v47 =	vmul.f32 v35, v1  }
0x216: {  	v26 =	vmul.f32 v29, v26;
	v45 =	vadd.s32 $0x8000, v63;
	v33 =	vmul.f32 v2, v33  }
0x217: {  	v56 =	vld.idx.msk [tilespmem:v61+s4+$0x0], $0xffff;
	v4 =	vadd.f32 v27, v4;
	v30 =	vmul.f32 v25, v30;
	v3 =	vmul.f32 v47, v3  }
0x218: {  	v41 =	vadd.s32 $0x2000, v60;
	v29 =	vld.idx.msk [tilespmem:v43+s4+$0x0], $0xffff  }
0x219: {  	v4 =	vmul.f32 v4, v26;
	v26 =	vld.idx.msk [tilespmem:v46+s4+$0x0], $0xffff;
	v30 =	vmax.f32 v30, $0.0e+00;
	v3 =	vadd.f32 v3, v33  }
0x21a: {  	v43 =	vadd.s32 $0x6000, v61;
	v27 =	vld.idx.msk [tilespmem:v40+s4+$0x0], $0xffff;
	v30 =	vmin.f32 v30, $1.000000000e+00  }
0x21b: {  	v44 =	vand.u32 $0x7FFFFFFF, v48;
	v42 =	vld.idx.msk [tilespmem:v45+s4+$0x0], $0xffff;
	(erf) = vrcp.f32 v3;
	v3 =	vsub.f32 $1.000000000e+00, v30  }
0x21c: {  	vm15 =	vlt.f32 v44, $1.000000000e+01;
	v45 =	vadd.s32 $0xA000, v61;
	v32 =	vsub.f32 v59, v56;
	v46 =	vld.idx.msk [tilespmem:v60+s4+$0x0], $0xffff  }
0x21d: {  	v48 =	vsel vm15, v0, v48;
	v0 =	vadd.s32 $0x4000, v24;
	v56 =	vmul.f32 v3, v30  }
0x21e: {  	v34 =	vadd.s32 $0x4000, v63;
	v58 =	vadd.s32 $0x6000, v60;
	v31 =	vld.idx.msk [tilespmem:v41+s4+$0x0], $0xffff;
	v32 =	vmul.f32 v29, v32  }
0x21f: {  	v47 =	vadd.s32 $0x8000, v62;
	v63 =	vmul.f32 v26, v25;
	v27 =	vmul.f32 v56, v27  }
0x220: {  	v59 =	vadd.s32 $0xA000, v60;
	v28 =	vld.idx.msk [tilespmem:v43+s4+$0x0], $0xffff;
	v33 =	vmul.f32 v1, v33;
	v32 =	vmax.f32 v32, $0.0e+00  }
0x221: {  	v44 =	vpop (erf);
	v36 =	vld.idx.msk [tilespmem:v45+s4+$0x0], $0xffff;
	v32 =	vmin.f32 v32, $1.000000000e+00;
	v37 =	vsub.f32 v57, v46;
	v56 =	vadd.f32 v27, v63  }
0x222: {  	v0 =	vld.idx.msk [tilespmem:v0+s4+$0x0], $0xffff;
	v24 =	vmul.f32 v35, v42;
	v4 =	vmul.f32 v44, v4;
	v25 =	vsub.f32 $1.000000000e+00, v32  }
0x223: {  	v46 =	vadd.s32 $0x8000, v61;
	v44 =	vmul.f32 v31, v37;
	(erf) = vrcp.f32 v56;
	v56 =	vld [tilespmem:$0x1FFC0]  }
0x224: {  	v35 =	vld.idx.msk [tilespmem:v47+s4+$0x0], $0xffff;
	v47 =	vmul.f32 v25, v32  }
0x225: {  	v24 =	vadd.f32 v24, v33;
	v33 =	vmax.f32 v44, $0.0e+00;
	v44 =	vadd.s32 $0x8000, v60  }
0x226: {  	v29 =	vmul.f32 v28, v29;
	v57 =	vld.idx.msk [tilespmem:v59+s4+$0x0], $0xffff;
	v36 =	vmul.f32 v47, v36;
	v33 =	vmin.f32 v33, $1.000000000e+00  }
0x227: {  	v1 =	vmul.f32 v1, v2;
	v27 =	vld.idx.msk [tilespmem:v58+s4+$0x0], $0xffff;
	v37 =	vsub.f32 $1.000000000e+00, v33  }
0x228: {  	v45 =	vand.u32 $0x7FFFFFFF, v49;
	v2 =	vmul.f32 v30, v63;
	v59 =	vadd.f32 v36, v29;
	v63 =	vld.idx.msk [tilespmem:v46+s4+$0x0], $0xffff  }
0x229: {  	vm4 =	vlt.f32 v45, $1.000000000e+01;
	v0 =	vadd.f32 v4, v0;
	v4 =	vld.idx.msk [tilespmem:v34+s4+$0x0], $0xffff;
	v45 =	vmul.f32 v37, v33  }
0x22a: {  	v39 =	vmax.f32 v53, $-1.000000000e+01;
	v1 =	vmul.f32 v24, v1;
	v58 =	vpop (erf);
	(erf) = vrcp.f32 v59;
	v36 =	vld.idx.msk [tilespmem:v44+s4+$0x0], $0xffff  }
0x22b: {  	v49 =	vsel vm4, v0, v49;
	v3 =	vmul.f32 v3, v35;
	v47 =	vmul.f32 v45, v57;
	v57 =	vld.idx.msk [tilespmem:v56+s4+$0x0], $0xffff  }
0x22c: {  	v46 =	vadd.s32 $0x4000, v62;
	v59 =	vmul.f32 v32, v29;
	v44 =	vld [tilespmem:$0x1FF40];
	v0 =	vmul.f32 v27, v31  }
0x22d: {  	v2 =	vadd.f32 v3, v2;
	v1 =	vmul.f32 v58, v1;
	v25 =	vmul.f32 v25, v63  }
0x22e: {  	v58 =	vadd.s32 $0x4000, v61;
	v61 =	vmin.f32 v39, $1.000000000e+01;
	v3 =	vadd.f32 v47, v0  }
0x22f: {  	v1 =	vadd.f32 v1, v4;
	v4 =	vand.u32 $0x7FFFFFFF, v51;
	v24 =	vadd.f32 v25, v59  }
0x230: {  	v45 =	vld [tilespmem:$0x1FFD0];
	(erf) = vrcp.f32 v3;
	v3 =	vmul.f32 v32, v28;
	vm5 =	vge.f32 v61, v57  }
0x231: {  	v26 =	vmul.f32 v30, v26;
	v35 =	vld [tilespmem:$0x1FF10];
	v28 =	vsel vm5, v56, v44  }
0x232: {  	v41 =	vld.idx.msk [tilespmem:v46+s4+$0x0], $0xffff;
	vm6 =	vlt.f32 v4, $1.000000000e+01;
	v4 =	vpop (erf);
	v3 =	vmul.f32 v24, v3;
	v46 =	vor.u32 $0x800, v28  }
0x233: {  	v0 =	vmul.f32 v33, v0;
	v29 =	vmul.f32 v37, v36;
	v42 =	vld.idx.msk [tilespmem:v58+s4+$0x0], $0xffff;
	v47 =	vpop (erf)  }
0x234: {  	v51 =	vsel vm6, v1, v51;
	v1 =	vmul.f32 v47, v3;
	v3 =	vmul.f32 v33, v27;
	v33 =	vld [tilespmem:$0x1FFF0]  }
0x235: {  	v43 =	vadd.s32 $0x4000, v60;
	v58 =	vld [tilespmem:$0x1FFE0];
	v0 =	vadd.f32 v29, v0  }
0x236: {  	v2 =	vmul.f32 v2, v26;
	v31 =	vld [tilespmem:$0x1FF00]  }
0x237: {  	v0 =	vmul.f32 v0, v3;
	v3 =	vld.idx.msk [tilespmem:v46+s4+$0x0], $0xffff  }
0x238: {  	v2 =	vmul.f32 v4, v2;
	v4 =	vld.idx.msk [tilespmem:v45+s4+$0x0], $0xffff  }
0x239: {  	v39 =	vld [tilespmem:$0x1FF50]  }
0x23a: {  	v20 =	vlaneseq.u32;
	v36 =	vld.idx.msk [tilespmem:v43+s4+$0x0], $0xffff  }
0x23b: {  	v38 =	vmax.f32 v48, $-1.000000000e+01;
	v37 =	vand.u32 $0x7FFFFFFF, v55;
	v43 =	vld [tilespmem:$0x1FF60];
	v57 =	vmax.f32 v50, $-1.000000000e+01  }
0x23c: {  	vm2 =	vlt.f32 v37, $1.000000000e+01;
	v63 =	vmin.f32 v57, $1.000000000e+01;
	v40 =	vld.idx.msk [tilespmem:v33+s4+$0x0], $0xffff;
	vm11 =	vge.f32 v61, v3  }
0x23d: {  	v1 =	vadd.f32 v1, v42;
	v59 =	vld.idx.msk [tilespmem:v58+s4+$0x0], $0xffff;
	vm8 =	vge.f32 v63, v4;
	v24 =	vsel vm11, v46, v28  }
0x23e: {  	v47 =	vld [tilespmem:$0x1FF20];
	v44 =	vmax.f32 v49, $-1.000000000e+01;
	v4 =	vpop (erf);
	v27 =	vsel vm8, v45, v39;
	v29 =	vor.u32 $0x400, v24  }
0x23f: {  	v42 =	vld.idx.msk [tilespmem:v31+s4+$0x0], $0xffff;
	v0 =	vmul.f32 v4, v0;
	v4 =	vor.u32 $0x800, v27;
	v39 =	vand.u32 $0xDC00, v29  }
0x240: {  	v55 =	vsel vm2, v1, v55;
	v60 =	vmin.f32 v44, $1.000000000e+01;
	v1 =	vor.u32 v20, v39;
	v20 =	vld [tilespmem:$0x1FF80]  }
0x241: {  	v62 =	vmin.f32 v38, $1.000000000e+01;
	v2 =	vadd.f32 v2, v41;
	vm12 =	vge.f32 v60, v40;
	v40 =	vld [tilespmem:$0x1FF70]  }
0x242: {  	v56 =	vand.u32 $0x7FFFFFFF, v52;
	v45 =	vmax.f32 v51, $-1.000000000e+01;
	vm9 =	vge.f32 v62, v59  }
0x243: {  	vm7 =	vlt.f32 v56, $1.000000000e+01;
	v59 =	vmin.f32 v45, $1.000000000e+01;
	v26 =	vsel vm9, v58, v43  }
0x244: {  	v52 =	vsel vm7, v2, v52;
	vm13 =	vge.f32 v59, v42;
	v2 =	vor.u32 $0x800, v26;
	v46 =	vld.idx.msk [tilespmem:v4+s4+$0x0], $0xffff  }
0x245: {  	v31 =	vsel vm13, v31, v20;
	v20 =	vld [tilespmem:$0x1FF30]  }
0x246: {  	v44 =	vld [tilespmem:$0x1FF90];
	v30 =	vsel vm12, v33, v40  }
0x247: {  	v3 =	vld.idx.msk [tilespmem:v35+s4+$0x0], $0xffff;
	v32 =	vor.u32 $0x800, v30  }
0x248: {  	v41 =	vand.u32 $0x7FFFFFFF, v54;
	v0 =	vadd.f32 v0, v36;
	v38 =	vld.idx.msk [tilespmem:v47+s4+$0x0], $0xffff  }
0x249: {  	vm10 =	vlt.f32 v41, $1.000000000e+01;
	v42 =	vld.idx.msk [tilespmem:v2+s4+$0x0], $0xffff;
	vm15 =	vge.f32 v63, v46  }
0x24a: {  	v41 =	vmax.f32 v52, $-1.000000000e+01;
	v54 =	vsel vm10, v0, v54;
	v0 =	vsel vm15, v4, v27;
	v4 =	vld [tilespmem:$0x1FFA0]  }
0x24b: {  	v58 =	vmin.f32 v41, $1.000000000e+01;
	v1 =	vld.idx.msk [tilespmem:v1+s4+$0x0], $0xffff;
	v34 =	vor.u32 $0x800, v31  }
0x24c: {  	v43 =	vmax.f32 v55, $-1.000000000e+01;
	vm14 =	vge.f32 v58, v3;
	v36 =	vld.idx.msk [tilespmem:v32+s4+$0x0], $0xffff  }
0x24d: {  	v56 =	vmin.f32 v43, $1.000000000e+01;
	v25 =	vsel vm14, v35, v44;
	v28 =	vor.u32 $0x400, v0;
	v3 =	vld.idx.msk [tilespmem:v20+s4+$0x0], $0xffff  }
0x24e: {  	vm4 =	vge.f32 v56, v38;
	v27 =	vor.u32 $0x800, v25;
	v45 =	vand.u32 $0xDC00, v28  }
0x24f: {  	v46 =	vmax.f32 v54, $-1.000000000e+01;
	vm5 =	vge.f32 v62, v42;
	v44 =	vor.u32 v9, v45;
	v45 =	vld [tilespmem:$0x1FFB0]  }
0x250: {  	v57 =	vmin.f32 v46, $1.000000000e+01;
	v2 =	vsel vm5, v2, v26;
	v4 =	vsel vm4, v47, v4;
	v47 =	vld.idx.msk [tilespmem:v34+s4+$0x0], $0xffff  }
0x251: {  	v33 =	vor.u32 $0x400, v2;
	v35 =	vor.u32 $0x800, v4;
	vm7 =	vge.f32 v61, v1  }
0x252: {  	vm8 =	vge.f32 v60, v36;
	vm6 =	vge.f32 v57, v3;
	v3 =	vand.u32 $0xDC00, v33  }
0x253: {  	v39 =	vld.idx.msk [tilespmem:v27+s4+$0x0], $0xffff;
	v24 =	vsel vm7, v29, v24;
	v29 =	vsel vm8, v32, v30;
	v3 =	vor.u32 v10, v3  }
0x254: {  	v30 =	vor.u32 $0x200, v24;
	v32 =	vor.u32 $0x400, v29  }
0x255: {  	v26 =	vld.idx.msk [tilespmem:v44+s4+$0x0], $0xffff;
	vm9 =	vge.f32 v59, v47;
	v47 =	vand.u32 $0xFFFFFF8F, v30;
	v37 =	vsel vm6, v20, v45  }
0x256: {  	v46 =	vld.idx.msk [tilespmem:v35+s4+$0x0], $0xffff;
	v43 =	vand.u32 $0xDC00, v32;
	v31 =	vsel vm9, v34, v31;
	v1 =	vor.u32 $0x800, v37  }
0x257: {  	v38 =	vor.u32 v11, v43;
	v36 =	vor.u32 $0x400, v31  }
0x258: {  	vm10 =	vge.f32 v58, v39;
	v44 =	vand.u32 $0xDC00, v36;
	v3 =	vld.idx.msk [tilespmem:v3+s4+$0x0], $0xffff  }
0x259: {  	v25 =	vsel vm10, v27, v25;
	v41 =	vor.u32 v12, v44  }
0x25a: {  	v27 =	vor.u32 $0x400, v25;
	vm12 =	vge.f32 v63, v26;
	v26 =	vld.idx.msk [tilespmem:v47+s4+$0x0], $0xffff  }
0x25b: {  	v0 =	vsel vm12, v28, v0;
	vm11 =	vge.f32 v56, v46;
	v46 =	vand.u32 $0xDC00, v27;
	v45 =	vld.idx.msk [tilespmem:v1+s4+$0x0], $0xffff  }
0x25c: {  	v34 =	vor.u32 $0x200, v0;
	v4 =	vsel vm11, v35, v4;
	v35 =	vld.idx.msk [tilespmem:v38+s4+$0x0], $0xffff;
	v38 =	vor.u32 v13, v46  }
0x25d: {  	v28 =	vor.u32 $0x400, v4;
	vm13 =	vge.f32 v62, v3;
	v3 =	vand.u32 $0xFFFFFF9F, v34  }
0x25e: {  	v47 =	vand.u32 $0xDC00, v28;
	v39 =	vld.idx.msk [tilespmem:v41+s4+$0x0], $0xffff;
	v2 =	vsel vm13, v33, v2  }
0x25f: {  	v44 =	vor.u32 v14, v47;
	v40 =	vor.u32 $0x200, v2  }
0x260: {  	vm15 =	vge.f32 v61, v26;
	vm14 =	vge.f32 v57, v45;
	v45 =	vand.u32 $0xFFFFFFAF, v40  }
0x261: {  	vm4 =	vge.f32 v60, v35;
	v35 =	vld.idx.msk [tilespmem:v38+s4+$0x0], $0xffff;
	v24 =	vsel vm15, v30, v24;
	v1 =	vsel vm14, v1, v37  }
0x262: {  	v30 =	vadd.s32 $0x100, v24;
	v26 =	vor.u32 $0x400, v1;
	v3 =	vld.idx.msk [tilespmem:v3+s4+$0x0], $0xffff  }
0x263: {  	vm5 =	vge.f32 v59, v39;
	v46 =	vand.u32 $0xDC00, v26  }
0x264: {  	v29 =	vsel vm4, v32, v29;
	v32 =	vld.idx.msk [tilespmem:v44+s4+$0x0], $0xffff;
	v31 =	vsel vm5, v36, v31;
	v47 =	vor.u32 v15, v46  }
0x265: {  	v37 =	vor.u32 $0x200, v31;
	v44 =	vld.idx.msk [tilespmem:v45+s4+$0x0], $0xffff  }
0x266: {  	v46 =	vand.u32 $0xFFFFFFCF, v37  }
0x267: {  	vm7 =	vge.f32 v58, v35;
	v36 =	vor.u32 $0x200, v29;
	vm6 =	vge.f32 v63, v3;
	v3 =	vld.idx.msk [tilespmem:v30+s4+$0x0], $0xffff  }
0x268: {  	v25 =	vsel vm7, v27, v25;
	v45 =	vand.u32 $0xFFFFFFBF, v36  }
0x269: {  	vm8 =	vge.f32 v56, v32;
	v32 =	vor.u32 $0x200, v25;
	v33 =	vld.idx.msk [tilespmem:v47+s4+$0x0], $0xffff  }
0x26a: {  	v43 =	vand.u32 $0xFFFFFFDF, v32;
	v0 =	vsel vm6, v34, v0;
	vm9 =	vge.f32 v62, v44  }
0x26b: {  	v4 =	vsel vm8, v28, v4;
	v42 =	vld.idx.msk [tilespmem:v46+s4+$0x0], $0xffff;
	v27 =	vadd.s32 $0x100, v0;
	v2 =	vsel vm9, v40, v2  }
0x26c: {  	v38 =	vor.u32 $0x200, v4;
	v39 =	vadd.s32 $0x100, v2;
	vm10 =	vge.f32 v61, v3  }
0x26d: {  	v47 =	vld.idx.msk [tilespmem:v45+s4+$0x0], $0xffff;
	v3 =	vand.u32 $0xFFFFFFEF, v38;
	v24 =	vsel vm10, v30, v24  }
0x26e: {  	vm11 =	vge.f32 v57, v33;
	v33 =	vadd.s32 $0x80, v24  }
0x26f: {  	v45 =	vld.idx.msk [tilespmem:v43+s4+$0x0], $0xffff;
	v1 =	vsel vm11, v26, v1  }
0x270: {  	vm13 =	vge.f32 v59, v42;
	v44 =	vld.idx.msk [tilespmem:v27+s4+$0x0], $0xffff;
	v26 =	vor.u32 $0x200, v1  }
0x271: {  	v28 =	vsel vm13, v37, v31;
	v46 =	vld.idx.msk [tilespmem:v39+s4+$0x0], $0xffff  }
0x272: {  	vm12 =	vge.f32 v60, v47;
	v47 =	vadd.s32 $0x100, v28;
	v3 =	vld.idx.msk [tilespmem:v3+s4+$0x0], $0xffff  }
0x273: {  	v29 =	vsel vm12, v36, v29;
	v40 =	vld.idx.msk [tilespmem:v33+s4+$0x0], $0xffff  }
0x274: {  	vm15 =	vge.f32 v58, v45;
	v31 =	vadd.s32 $0x100, v29  }
0x275: {  	v25 =	vsel vm15, v32, v25;
	vm14 =	vge.f32 v63, v44;
	v41 =	vld.idx.msk [tilespmem:v26+s4+$0x0], $0xffff  }
0x276: {  	v35 =	vadd.s32 $0x100, v25;
	v0 =	vsel vm14, v27, v0;
	vm4 =	vge.f32 v62, v46  }
0x277: {  	v44 =	vld.idx.msk [tilespmem:v47+s4+$0x0], $0xffff;
	v42 =	vadd.s32 $0x80, v0;
	v2 =	vsel vm4, v39, v2  }
0x278: {  	vm5 =	vge.f32 v56, v3;
	v3 =	vadd.s32 $0x80, v2;
	vm6 =	vge.f32 v61, v40  }
0x279: {  	v43 =	vld.idx.msk [tilespmem:v31+s4+$0x0], $0xffff;
	v4 =	vsel vm5, v38, v4;
	v30 =	vsel vm6, v33, v24  }
0x27a: {  	vm7 =	vge.f32 v57, v41;
	v24 =	vadd.s32 $0x100, v4  }
0x27b: {  	v1 =	vsel vm7, v26, v1;
	v33 =	vld.idx.msk [tilespmem:v35+s4+$0x0], $0xffff;
	v46 =	vadd.s32 $0x2000, v30  }
0x27c: {  	vm9 =	vge.f32 v59, v44;
	v45 =	vld.idx.msk [tilespmem:v42+s4+$0x0], $0xffff;
	v32 =	vadd.s32 $0x100, v1  }
0x27d: {  	v28 =	vsel vm9, v47, v28;
	v44 =	vadd.s32 $0x6000, v30;
	v47 =	vld.idx.msk [tilespmem:v3+s4+$0x0], $0xffff  }
0x27e: {  	v34 =	vadd.s32 $0x8000, v30;
	vm8 =	vge.f32 v60, v43;
	v38 =	vld.idx.msk [tilespmem:v30+s4+$0x0], $0xffff  }
0x27f: {  	v37 =	vadd.s32 $0x80, v28;
	v29 =	vsel vm8, v31, v29;
	v39 =	vld.idx.msk [tilespmem:v24+s4+$0x0], $0xffff  }
0x280: {  	v31 =	vadd.s32 $0x80, v29;
	v26 =	vld.idx.msk [tilespmem:v46+s4+$0x0], $0xffff  }
0x281: {  	vm10 =	vge.f32 v63, v45;
	v45 =	vld.idx.msk [tilespmem:v32+s4+$0x0], $0xffff;
	v46 =	vadd.s32 $0xA000, v30  }
0x282: {  	v27 =	vld.idx.msk [tilespmem:v44+s4+$0x0], $0xffff;
	v0 =	vsel vm10, v42, v0  }
0x283: {  	vm11 =	vge.f32 v58, v33;
	v34 =	vld.idx.msk [tilespmem:v34+s4+$0x0], $0xffff;
	vm12 =	vge.f32 v62, v47;
	v47 =	vadd.s32 $0x2000, v0  }
0x284: {  	v25 =	vsel vm11, v35, v25;
	v35 =	vld.idx.msk [tilespmem:v37+s4+$0x0], $0xffff;
	v2 =	vsel vm12, v3, v2;
	v3 =	vsub.f32 v61, v38  }
0x285: {  	v30 =	vadd.s32 $0x4000, v30;
	v33 =	vld.idx.msk [tilespmem:v31+s4+$0x0], $0xffff;
	v38 =	vadd.s32 $0x80, v25  }
0x286: {  	vm13 =	vge.f32 v56, v39;
	v41 =	vadd.s32 $0x2000, v2;
	v40 =	vld.idx.msk [tilespmem:v46+s4+$0x0], $0xffff;
	v3 =	vmul.f32 v26, v3  }
0x287: {  	v4 =	vsel vm13, v24, v4;
	vm14 =	vge.f32 v57, v45;
	v45 =	vadd.s32 $0xA000, v0;
	v61 =	vld.idx.msk [tilespmem:v0+s4+$0x0], $0xffff  }
0x288: {  	v42 =	vadd.s32 $0x80, v4;
	v1 =	vsel vm14, v32, v1;
	v3 =	vmax.f32 v3, $0.0e+00;
	v36 =	vld.idx.msk [tilespmem:v47+s4+$0x0], $0xffff  }
0x289: {  	v32 =	vadd.s32 $0x6000, v0;
	vm4 =	vge.f32 v59, v35;
	v3 =	vmin.f32 v3, $1.000000000e+00;
	v43 =	vld.idx.msk [tilespmem:v2+s4+$0x0], $0xffff  }
0x28a: {  	v26 =	vmul.f32 v27, v26;
	vm15 =	vge.f32 v60, v33;
	v44 =	vld.idx.msk [tilespmem:v38+s4+$0x0], $0xffff;
	v33 =	vsub.f32 $1.000000000e+00, v3  }
0x28b: {  	v46 =	vadd.s32 $0x80, v1;
	v24 =	vsel vm15, v31, v29;
	v31 =	vld.idx.msk [tilespmem:v41+s4+$0x0], $0xffff;
	v41 =	vadd.s32 $0x6000, v2  }
0x28c: {  	v27 =	vmul.f32 v3, v27;
	v61 =	vsub.f32 v63, v61;
	v63 =	vmul.f32 v33, v3  }
0x28d: {  	v47 =	vadd.s32 $0x2000, v24;
	v39 =	vld.idx.msk [tilespmem:v42+s4+$0x0], $0xffff;
	v3 =	vmul.f32 v3, v26;
	v33 =	vmul.f32 v33, v34  }
0x28e: {  	v32 =	vld.idx.msk [tilespmem:v32+s4+$0x0], $0xffff;
	v29 =	vmul.f32 v36, v61;
	v35 =	vmul.f32 v63, v40;
	v40 =	vadd.s32 $0xA000, v2  }
0x28f: {  	v43 =	vsub.f32 v62, v43;
	v62 =	vsel vm4, v37, v28;
	vm5 =	vge.f32 v58, v44  }
0x290: {  	v28 =	vld.idx.msk [tilespmem:v45+s4+$0x0], $0xffff;
	v3 =	vadd.f32 v33, v3;
	v29 =	vmax.f32 v29, $0.0e+00;
	v61 =	vsel vm5, v38, v25  }
0x291: {  	v38 =	vld.idx.msk [tilespmem:v41+s4+$0x0], $0xffff;
	v41 =	vadd.s32 $0xA000, v24;
	v35 =	vadd.f32 v35, v26;
	v29 =	vmin.f32 v29, $1.000000000e+00  }
0x292: {  	v45 =	vmul.f32 v31, v43;
	v43 =	vld.idx.msk [tilespmem:v24+s4+$0x0], $0xffff;
	vm6 =	vge.f32 v56, v39;
	v39 =	vadd.s32 $0x8000, v0  }
0x293: {  	v34 =	vld.idx.msk [tilespmem:v46+s4+$0x0], $0xffff;
	v36 =	vmul.f32 v32, v36;
	v26 =	vadd.s32 $0x8000, v2;
	v25 =	vsub.f32 $1.000000000e+00, v29  }
0x294: {  	v37 =	vld.idx.msk [tilespmem:v47+s4+$0x0], $0xffff;
	v3 =	vmul.f32 v3, v27;
	v0 =	vadd.s32 $0x4000, v0;
	v45 =	vmax.f32 v45, $0.0e+00  }
0x295: {  	(erf) = vrcp.f32 v35;
	v63 =	vmul.f32 v25, v29;
	v40 =	vld.idx.msk [tilespmem:v40+s4+$0x0], $0xffff;
	v35 =	vmin.f32 v45, $1.000000000e+00  }
0x296: {  	v2 =	vadd.s32 $0x4000, v2;
	v45 =	vadd.s32 $0x6000, v24;
	v44 =	vsub.f32 $1.000000000e+00, v35  }
0x297: {  	v31 =	vmul.f32 v38, v31;
	v28 =	vmul.f32 v63, v28;
	v43 =	vsub.f32 v60, v43  }
0x298: {  	vm7 =	vge.f32 v57, v34;
	v38 =	vmul.f32 v35, v38;
	v39 =	vld.idx.msk [tilespmem:v39+s4+$0x0], $0xffff;
	v63 =	vmul.f32 v44, v35  }
0x299: {  	v60 =	vsel vm6, v42, v4;
	v26 =	vld.idx.msk [tilespmem:v26+s4+$0x0], $0xffff;
	v28 =	vadd.f32 v28, v36;
	v43 =	vmul.f32 v37, v43  }
0x29a: {  	v42 =	vadd.s32 $0x2000, v61;
	v36 =	vmul.f32 v29, v36;
	v40 =	vmul.f32 v63, v40  }
0x29b: {  	v29 =	vmul.f32 v29, v32;
	(erf) = vrcp.f32 v28;
	v47 =	vmax.f32 v43, $0.0e+00  }
0x29c: {  	v28 =	vld.idx.msk [tilespmem:v45+s4+$0x0], $0xffff;
	v43 =	vand.u32 $0x7FFFFFFF, v50;
	v4 =	vadd.f32 v40, v31;
	v33 =	vmin.f32 v47, $1.000000000e+00  }
0x29d: {  	v45 =	vld.idx.msk [tilespmem:v41+s4+$0x0], $0xffff;
	v25 =	vmul.f32 v25, v39;
	v39 =	vadd.s32 $0x8000, v24;
	v31 =	vmul.f32 v35, v31  }
0x29e: {  	v0 =	vld.idx.msk [tilespmem:v0+s4+$0x0], $0xffff;
	v26 =	vmul.f32 v44, v26;
	v40 =	vand.u32 $0x7FFFFFFF, v53;
	v27 =	vsub.f32 $1.000000000e+00, v33  }
0x29f: {  	vm9 =	vlt.f32 v43, $1.000000000e+01;
	v43 =	vadd.s32 $0xA000, v61;
	(erf) = vrcp.f32 v4;
	v4 =	vld.idx.msk [tilespmem:v30+s4+$0x0], $0xffff;
	v47 =	vpop (erf)  }
0x2a0: {  	v2 =	vld.idx.msk [tilespmem:v2+s4+$0x0], $0xffff;
	v63 =	vmul.f32 v27, v33;
	v3 =	vmul.f32 v47, v3;
	v47 =	vadd.s32 $0x2000, v62  }
0x2a1: {  	vm8 =	vlt.f32 v40, $1.000000000e+01;
	v40 =	vld.idx.msk [tilespmem:v60+s4+$0x0], $0xffff;
	v25 =	vadd.f32 v25, v36;
	v26 =	vadd.f32 v26, v31  }
0x2a2: {  	v24 =	vadd.s32 $0x4000, v24;
	v30 =	vmul.f32 v28, v37;
	v45 =	vmul.f32 v63, v45;
	v39 =	vld.idx.msk [tilespmem:v39+s4+$0x0], $0xffff  }
0x2a3: {  	v36 =	vmul.f32 v25, v29;
	v41 =	vmul.f32 v26, v38;
	v63 =	vsel vm7, v46, v1;
	v46 =	vld.idx.msk [tilespmem:v61+s4+$0x0], $0xffff  }
0x2a4: {  	v38 =	vadd.s32 $0xA000, v62;
	v26 =	vld.idx.msk [tilespmem:v42+s4+$0x0], $0xffff;
	v37 =	vadd.f32 v45, v30;
	v3 =	vadd.f32 v3, v4;
	v4 =	vpop (erf)  }
0x2a5: {  	v45 =	vmul.f32 v33, v30;
	v29 =	vld.idx.msk [tilespmem:v47+s4+$0x0], $0xffff;
	v47 =	vadd.s32 $0x2000, v60;
	v1 =	vmul.f32 v4, v36  }
0x2a6: {  	(erf) = vrcp.f32 v37;
	v4 =	vld.idx.msk [tilespmem:v62+s4+$0x0], $0xffff;
	v53 =	vsel vm8, v3, v53;
	v37 =	vmul.f32 v33, v28  }
0x2a7: {  	v28 =	vsub.f32 v56, v40;
	v33 =	vld.idx.msk [tilespmem:v43+s4+$0x0], $0xffff;
	v56 =	vadd.s32 $0xA000, v63;
	v43 =	vadd.s32 $0x4000, v62  }
0x2a8: {  	v27 =	vmul.f32 v27, v39;
	v39 =	vand.u32 $0x7FFFFFFF, v48;
	v30 =	vsub.f32 v58, v46  }
0x2a9: {  	v46 =	vadd.s32 $0xA000, v60;
	v58 =	vadd.s32 $0x8000, v61;
	v0 =	vadd.f32 v1, v0;
	v3 =	vpop (erf)  }
0x2aa: {  	vm10 =	vlt.f32 v39, $1.000000000e+01;
	v44 =	vmul.f32 v3, v41;
	v3 =	vadd.s32 $0x6000, v62  }
0x2ab: {  	v39 =	vadd.s32 $0x6000, v63;
	v41 =	vadd.s32 $0x2000, v63;
	v30 =	vmul.f32 v26, v30;
	v31 =	vld.idx.msk [tilespmem:v47+s4+$0x0], $0xffff  }
0x2ac: {  	v50 =	vsel vm9, v0, v50;
	v0 =	vadd.f32 v44, v2;
	v36 =	vsub.f32 v59, v4;
	v59 =	vld.idx.msk [tilespmem:v63+s4+$0x0], $0xffff  }
0x2ad: {  	v4 =	vadd.f32 v27, v45;
	v44 =	vadd.s32 $0x6000, v60;
	v30 =	vmax.f32 v30, $0.0e+00  }
0x2ae: {  	v25 =	vld.idx.msk [tilespmem:v38+s4+$0x0], $0xffff;
	v45 =	vadd.s32 $0x8000, v62;
	v30 =	vmin.f32 v30, $1.000000000e+00;
	v1 =	vmul.f32 v29, v36  }
0x2af: {  	v2 =	vmul.f32 v4, v37;
	v4 =	vadd.s32 $0x6000, v61;
	v40 =	vsub.f32 $1.000000000e+00, v30;
	v3 =	vld.idx.msk [tilespmem:v3+s4+$0x0], $0xffff  }
0x2b0: {  	v0 =	vsel vm10, v0, v48;
	v32 =	vld.idx.msk [tilespmem:v41+s4+$0x0], $0xffff;
	v1 =	vmax.f32 v1, $0.0e+00;
	v28 =	vmul.f32 v31, v28  }
0x2b1: {  	v37 =	vld.idx.msk [tilespmem:v46+s4+$0x0], $0xffff;
	v1 =	vmin.f32 v1, $1.000000000e+00;
	v27 =	vsub.f32 v57, v59;
	v59 =	vmul.f32 v40, v30  }
0x2b2: {  	v46 =	vand.u32 $0x7FFFFFFF, v49;
	v42 =	vpop (erf);
	v35 =	vld.idx.msk [tilespmem:v44+s4+$0x0], $0xffff;
	v34 =	vsub.f32 $1.000000000e+00, v1;
	v28 =	vmax.f32 v28, $0.0e+00  }
0x2b3: {  	v2 =	vmul.f32 v42, v2;
	v36 =	vld.idx.msk [tilespmem:v45+s4+$0x0], $0xffff;
	v28 =	vmin.f32 v28, $1.000000000e+00;
	v33 =	vmul.f32 v59, v33  }
0x2b4: {  	v4 =	vld.idx.msk [tilespmem:v4+s4+$0x0], $0xffff;
	v29 =	vmul.f32 v3, v29;
	v47 =	vmul.f32 v34, v1;
	v44 =	vsub.f32 $1.000000000e+00, v28  }
0x2b5: {  	v24 =	vld.idx.msk [tilespmem:v24+s4+$0x0], $0xffff;
	v42 =	vadd.s32 $0x8000, v60;
	v27 =	vmul.f32 v32, v27;
	v3 =	vmul.f32 v1, v3  }
0x2b6: {  	v41 =	vld.idx.msk [tilespmem:v56+s4+$0x0], $0xffff;
	v56 =	vadd.s32 $0x8000, v63;
	v25 =	vmul.f32 v47, v25;
	v62 =	vmul.f32 v44, v28  }
0x2b7: {  	v39 =	vld.idx.msk [tilespmem:v39+s4+$0x0], $0xffff;
	v27 =	vmax.f32 v27, $0.0e+00;
	v31 =	vmul.f32 v35, v31;
	v1 =	vmul.f32 v1, v29  }
0x2b8: {  	v34 =	vmul.f32 v34, v36;
	v47 =	vadd.s32 $0x4000, v63;
	v48 =	vmul.f32 v28, v35;
	v35 =	vld [tilespmem:$0x1FEA0]  }
0x2b9: {  	v63 =	vld [tilespmem:$0x1FEF0];
	v27 =	vmin.f32 v27, $1.000000000e+00;
	v25 =	vadd.f32 v25, v29;
	v26 =	vmul.f32 v4, v26  }
0x2ba: {  	vm11 =	vlt.f32 v46, $1.000000000e+01;
	v38 =	vsub.f32 $1.000000000e+00, v27;
	v37 =	vmul.f32 v62, v37;
	v62 =	vld.idx.msk [tilespmem:v42+s4+$0x0], $0xffff  }
0x2bb: {  	v1 =	vadd.f32 v34, v1;
	(erf) = vrcp.f32 v25;
	v25 =	vld.idx.msk [tilespmem:v58+s4+$0x0], $0xffff;
	v33 =	vadd.f32 v33, v26  }
0x2bc: {  	v46 =	vand.u32 $0x7FFFFFFF, v55;
	v42 =	vld.idx.msk [tilespmem:v56+s4+$0x0], $0xffff;
	v57 =	vmul.f32 v38, v27;
	v58 =	vadd.f32 v37, v31  }
0x2bd: {  	v1 =	vmul.f32 v1, v3;
	v3 =	vadd.s32 $0x4000, v60;
	(erf) = vrcp.f32 v33;
	v33 =	vld [tilespmem:$0x1FE80]  }
0x2be: {  	v32 =	vmul.f32 v39, v32;
	v59 =	vmul.f32 v57, v41;
	v41 =	vadd.s32 $0x4000, v61;
	v61 =	vld [tilespmem:$0x1FE60]  }
0x2bf: {  	(erf) = vrcp.f32 v58;
	v45 =	vmul.f32 v44, v62;
	v58 =	vld [tilespmem:$0x1FEE0];
	v62 =	vmov s31  }
0x2c0: {  	v26 =	vmul.f32 v30, v26;
	v44 =	vld [tilespmem:$0x1FE40];
	v36 =	vadd.f32 v59, v32;
	v25 =	vmul.f32 v40, v25  }
0x2c1: {  	vm14 =	vlt.f32 v46, $1.000000000e+01;
	v2 =	vadd.f32 v2, v24;
	v31 =	vmul.f32 v28, v31;
	v40 =	vld.idx.msk [tilespmem:v43+s4+$0x0], $0xffff  }
0x2c2: {  	v4 =	vmul.f32 v30, v4;
	v3 =	vld.idx.msk [tilespmem:v3+s4+$0x0], $0xffff;
	(erf) = vrcp.f32 v36;
	v25 =	vadd.f32 v25, v26  }
0x2c3: {  	v60 =	vmul.f32 v27, v32;
	v24 =	vmul.f32 v38, v42;
	v56 =	vadd.f32 v45, v31;
	v57 =	vld.idx.msk [tilespmem:v41+s4+$0x0], $0xffff  }
0x2c4: {  	v2 =	vsel vm11, v2, v49;
	v0 =	vmul.f32 v0, v61;
	v49 =	vld.idx.msk [tilespmem:v62+s24+$0x0], $0xffff;
	v43 =	vpop (erf);
	v4 =	vmul.f32 v25, v4  }
0x2c5: {  	v42 =	vand.u32 $0x7FFFFFFF, v51;
	v25 =	vmul.f32 v56, v48;
	v48 =	vld [tilespmem:$0x1FE30];
	v1 =	vmul.f32 v43, v1  }
0x2c6: {  	v27 =	vmul.f32 v27, v39;
	vm12 =	vlt.f32 v42, $1.000000000e+01;
	v24 =	vadd.f32 v24, v60;
	v43 =	vld [tilespmem:$0x1FE50]  }
0x2c7: {  	v37 =	vld [tilespmem:$0x1FEC0];
	v45 =	vand.u32 $0x7FFFFFFF, v52;
	v0 =	vadd.f32 v0, v58;
	v59 =	vpop (erf);
	v1 =	vadd.f32 v1, v40  }
0x2c8: {  	v36 =	vld [tilespmem:$0x1FEB0];
	vm13 =	vlt.f32 v45, $1.000000000e+01;
	v24 =	vmul.f32 v24, v27;
	v4 =	vmul.f32 v59, v4;
	v41 =	vpop (erf)  }
0x2c9: {  	v26 =	vld.idx.msk [tilespmem:v47+s4+$0x0], $0xffff;
	v25 =	vmul.f32 v41, v25;
	v0 =	vmul.f32 v49, v0;
	v1 =	vsel vm12, v1, v51  }
0x2ca: {  	v34 =	vld [tilespmem:$0x1FE90];
	v4 =	vadd.f32 v4, v57;
	v51 =	vmul.f32 v53, v44;
	v2 =	vmul.f32 v2, v48  }
0x2cb: {  	v58 =	vld [tilespmem:$0x1FE70];
	v3 =	vadd.f32 v25, v3;
	v47 =	vpop (erf);
	v53 =	vmul.f32 v50, v43;
	v1 =	vmul.f32 v1, v33  }
0x2cc: {  	v57 =	vld [tilespmem:$0x1FED0];
	v24 =	vmul.f32 v47, v24;
	v4 =	vsel vm13, v4, v52;
	v52 =	vand.u32 $0x7FFFFFFF, v54  }
0x2cd: {  	v2 =	vadd.f32 v2, v63;
	v3 =	vsel vm14, v3, v55;
	v55 =	vadd.f32 v51, v36  }
0x2ce: {  	vm15 =	vlt.f32 v52, $1.000000000e+01;
	v56 =	vadd.f32 v53, v37;
	v24 =	vadd.f32 v24, v26  }
0x2cf: {  	v4 =	vmul.f32 v4, v34;
	v1 =	vadd.f32 v1, v22;
	v2 =	vmul.f32 v49, v2  }
0x2d0: {  	[tilespmem:s2+$0xFFFFFFB0] =	vst v0;
	v3 =	vmul.f32 v3, v35;
	v26 =	vmul.f32 v49, v55;
	v24 =	vsel vm15, v24, v54  }
0x2d1: {  	v27 =	vmul.f32 v49, v56;
	v4 =	vadd.f32 v4, v57;
	[tilespmem:s2+$0xFFFFFFC0] =	vst v2;
	v24 =	vmul.f32 v24, v58  }
0x2d2: {  	p0 =	sne.s32 s31, $0x3F;
	v59 =	vmul.f32 v49, v1;
	v60 =	vadd.f32 v3, v21;
	[tilespmem:s2+$0xFFFFFF90] =	vst v26  }
.Ltmp1:
0x2d3: {  	[tilespmem:s2+$0xFFFFFFA0] =	vst v27;
	v61 =	vmul.f32 v49, v4;
	v3 =	vadd.f32 v24, v23;
	(pc) =	sbr.rel @p0 .LBB2_5-.Ltmp1, $4  }
0x2d4: {  	[tilespmem:s2+$0xFFFFFFD0] =	vst v59;
	v62 =	vmul.f32 v60, v49  }
0x2d5: {  	[tilespmem:s2+$0xFFFFFFE0] =	vst v61;
	v63 =	vmul.f32 v3, v49  }
0x2d6: {  	[tilespmem:s2+$0xFFFFFFF0] =	vst v62  }
0x2d7: {  	s31 =	sadd.s32 $0x1, s31;
	v4 =	vlaneseq.u32;
	[tilespmem:s2+$0x0] =	vst v63;
	s2 =	sadd.s32 $0x80, s2  }
0x2d8: {  	s0 =	sshll.u32 s30, $0xF  }
0x2d9: {  	s29 =	sadd.s32 $0x1, s29;
	s0 =	sadd.s32 s8, s0  }
0x2da: {  	p0 =	sne.s32 s29, $0x10;
	s0 =	sshrl.u32 s0, $0x3  }
.Ltmp2:
0x2db: {  	s0 =	sadd.s32 s3, s0;
	(pc) =	sbr.rel @p0 .LBB2_2-.Ltmp2, $4  }
0x2dc: {  	[hbm4b:s0+s19] =	stream.strided.scatter [tilespmem:s23], [sflag:$0x3], $0x2000, s20, s19, $0x38;
	[tilespmem:$0x1C200] =	vst v63  }
0x2dd: {  	_ =	swait.ge [sflag:s16], $0x2000  }
0x2de: {  	[sflag:s16] =	ssyncset.done $0x0  }
0x2df: {  	v41 =	vmov v21;
	v40 =	vmov v22;
	v24 =	vmov v23;
	v3 =	vld [tilespmem:$0x1FFF0];
	[sflag:s16] =	ssyncadd.s32 $0xFFFFE000  }
0x2e0: {  	s28 =	sadd.s32 $0x1, s28  }
0x2e1: {  	p0 =	sne.s32 s28, s15  }
.Ltmp3:
0x2e2: {  	_ = 	snop;
	(pc) =	sbr.rel @p0 .LBB2_1-.Ltmp3, $1  }
0x2e3: {  	_ =	sdelay $0x3  }
0x2e4: {  	_ =	sfence.sel $0x180000  }
0x2e5: {  	[bflag:$0x0] =	sbarrier.arrive $0xFFFF  }
0x2e6: {  	_ =	strace $0x90000047  }
0x2e7: {  	s0 =	stileid.u32;
	[bflag:$0x2] =	sbarrier.arrive $0xFFFF  }
0x2e8: {  	p0 =	sne.s32 s0, $0x0;
	s0 =	rddreg [dreg:$0x4]  }
0x2e9: {  	s0 =	sadd.s32 @!p0 $0x100000, s0  }
0x2ea: {  	[sflag:s0] =	ssyncadd.tile.s32 @!p0 $0x1;
	_ =	shalt  }
.Lfunc_end2:
_tile_overlayer_lowered:
.L_overlay_start_2:
0x2eb: {  	(tag) =	ssettag $0x2  }
0x2ec: {  	s0 =	rddreg [dreg:$0x0];
	s2 =	stileid.u32  }
0x2ed: {  	s1 =	rddreg [dreg:$0x1];
	p0 =	sne.s32 s2, $0x0  }
0x2ee: {  	s3 =	rddreg [dreg:$0x2];
	[bflag:$0x3] =	sbarrier.arrive $0xFFFF;
	s2 =	simm.s32 @!p0 $0x1C03  }
0x2ef: {  	[timem:s3], [sflag:s2] =	dma.local @!p0 [hbm:s0], s1  }
0x2f0: {  	s0 =	simm.s32 @!p0 $0x3  }
0x2f1: {  	_ =	swait.ge @!p0 [sflag:s0], s1  }
0x2f2: {  	s1 =	ssub.s32 @!p0 $0x0, s1;
	[sflag:s0] =	ssyncset.done @!p0 $0x0  }
0x2f3: {  	[sflag:s0] =	ssyncadd.s32 @!p0 s1  }
0x2f4: {  	[bflag:$0x3] =	sbarrier.arrive $0xFFFF  }
0x2f5: {  	_ =	shalt  }

</sc_bundles>
